<compile_context>
chip_gen: v7x
topology: tpu7x:2x2x1
jax: 0.10.2.dev20260603
libtpu: 0.0.44.dev20260713+nightly
codegen_flags: <defaults>
</compile_context>

<pallas_src>
import functools
import math

import jax
import jax.numpy as jnp
from jax import lax
from jax.experimental import pallas as pl
from jax.experimental.pallas import tpu as pltpu
from jax.experimental.pallas import tpu_sc as plsc

NUM_EMB = 1000000
DIM = 64
SCALE = math.sqrt(DIM)

_info = plsc.get_sparse_core_info()
NC, NS, L = _info.num_cores, _info.num_subcores, _info.num_lanes
NW = NC * NS

NBUF = 4
UNROLL = 8


def _make_kernel(B, C):
    b_per_w = B // NW
    n_chunks = b_per_w // C
    assert b_per_w % C == 0 and n_chunks % NBUF == 0 and C % UNROLL == 0
    n_outer = n_chunks // NBUF
    mesh = plsc.VectorSubcoreMesh(core_axis_name="c", subcore_axis_name="s")

    @functools.partial(
        pl.kernel,
        mesh=mesh,
        out_type=jax.ShapeDtypeStruct((B, DIM), jnp.float32),
        scratch_types=[
            pltpu.VMEM((b_per_w,), jnp.int32),
            pltpu.VMEM((NBUF, C, DIM), jnp.float32),
            pltpu.SemaphoreType.DMA((NBUF,)),
            pltpu.SemaphoreType.DMA((NBUF,)),
        ],
        compiler_params=pltpu.CompilerParams(
            use_tc_tiling_on_sc=False, needs_layout_passes=False
        ),
    )
    def k(x_hbm, table_hbm, out_hbm, idx_v, rows_v, gsem, ssem):
        wid = lax.axis_index("s") * NC + lax.axis_index("c")
        base = wid * b_per_w
        pltpu.sync_copy(x_hbm.at[pl.ds(base, b_per_w)], idx_v)

        def start_gather(g, b):
            pltpu.make_async_copy(
                table_hbm.at[idx_v.at[pl.ds(g * C, C)]],
                rows_v.at[b],
                gsem.at[b],
            ).start()

        start_gather(0, 0)
        start_gather(1, 1)

        def outer(o, carry):
            for j in range(NBUF):
                g = o * NBUF + j

                bn = (j + 2) % NBUF

                @pl.when(g >= 2)
                def _():
                    pltpu.make_async_copy(
                        rows_v.at[bn], out_hbm.at[pl.ds(0, C)], ssem.at[bn]
                    ).wait()

                @pl.when(g + 2 < n_chunks)
                def _():
                    start_gather(g + 2, bn)

                pltpu.make_async_copy(
                    table_hbm.at[idx_v.at[pl.ds(0, C)]],
                    rows_v.at[j],
                    gsem.at[j],
                ).wait()

                rows = rows_v.at[j]

                def scale(r0, c2):
                    for u in range(UNROLL):
                        for c4 in range(DIM // L):
                            sl = pl.ds(c4 * L, L)
                            rows[r0 * UNROLL + u, sl] = (
                                rows[r0 * UNROLL + u, sl] * SCALE
                            )
                    return c2

                lax.fori_loop(0, C // UNROLL, scale, 0, unroll=False)
                pltpu.make_async_copy(
                    rows_v.at[j],
                    out_hbm.at[pl.ds(base + g * C, C)],
                    ssem.at[j],
                ).start()
            return carry

        lax.fori_loop(0, n_outer, outer, 0)

        for j in (NBUF - 2, NBUF - 1):
            pltpu.make_async_copy(
                rows_v.at[j], out_hbm.at[pl.ds(0, C)], ssem.at[j]
            ).wait()

    return k


@jax.jit
def kernel(x, table):
    B = x.shape[0] * x.shape[1]
    flat = jnp.asarray(x, jnp.int32).reshape(B)
    out = _make_kernel(B, 400)(flat, table)
    return out.reshape(x.shape[0], x.shape[1], DIM)

# --- scband reference (transcript-rebuilt; emitter-appended) ---
"""Pipeline reference for scband-embedding-9268539425505 (READ-ONLY COPY).

The authoritative reference and input builder live on the scoring server;
editing this copy changes nothing except your own understanding.
"""

import jax, jax.numpy as jnp
import numpy as np
import math

NUM_EMBEDDINGS = 1000000
EMBEDDING_DIM = 64

def setup_inputs(seed: int = 0) -> dict:
    key = jax.random.key(seed)
    k1, k2 = jax.random.split(key)
    x = jax.random.randint(k1, (4096, 200), 0, NUM_EMBEDDINGS, dtype=jnp.int64 if jax.config.jax_enable_x64 else jnp.int32)
    table = jax.random.normal(k2, (NUM_EMBEDDINGS, EMBEDDING_DIM), dtype=jnp.float32)
    # padding_idx=0: row 0 is zeros, as in nn.Embedding(padding_idx=0)
    table = table.at[0].set(0.0)
    return {"x": x, "table": table}

def reference(x, table):
    sqrt_embedding_dim = math.sqrt(EMBEDDING_DIM)
    # enforce padding_idx=0 row is zero (faithful to nn.Embedding padding_idx semantics)
    tbl = table.at[0].set(0.0)
    out = jnp.take(tbl, x, axis=0) * sqrt_embedding_dim
    return out

if __name__ == "__main__":
    import jax
    _d = setup_inputs()
    print(jax.jit(kernel)(*tuple(_d.values())))

</pallas_src>

<mosaic_0001>
#map = affine_map<(d0, d1) -> (0)>
#map1 = affine_map<(d0, d1) -> (0, 0)>
module attributes {stable_mosaic.version = 14 : i64} {
  func.func @k(%arg0: i32, %arg1: i32, %arg2: memref<819200xi32, #tpu.memory_space<hbm>>, %arg3: memref<1000000x64xf32, #tpu.memory_space<hbm>>, %arg4: memref<819200x64xf32, #tpu.memory_space<hbm>>, %arg5: memref<25600xi32, #tpu.memory_space<vmem>>, %arg6: memref<4x400x64xf32, #tpu.memory_space<vmem>>, %arg7: memref<4x!tpu.dma_semaphore, #tpu.memory_space<semaphore_mem>>, %arg8: memref<4x!tpu.dma_semaphore, #tpu.memory_space<semaphore_mem>>) attributes {dimension_semantics = [#tpu.dimension_semantics<core_parallel>, #tpu.dimension_semantics<subcore_parallel>], iteration_bounds = array<i64: 2, 16>, scalar_prefetch = 0 : i64, scratch_operands = 4 : i64, tpu.core_type = #tpu.core_type<sc_vector_subcore>, window_params = [{transform_indices = #map}, {transform_indices = #map1}, {transform_indices = #map1}]} {
    %mul3A = arith.constant 2 : i32
    %mul3A_0 = arith.muli %arg1, %mul3A : i32
    %add3A = arith.addi %mul3A_0, %arg0 : i32
    %mul3A_1 = arith.constant 25600 : i32
    %mul3A_2 = arith.muli %add3A, %mul3A_1 : i32
    "tpu.region"() ({
      %run_scoped3A = tpu.sem_alloc : memref<!tpu.dma_semaphore, #tpu.memory_space<semaphore_mem>>
      %dma_start3A_68 = tpu.memref_slice %arg2[%mul3A_2] : memref<819200xi32, #tpu.memory_space<hbm>> -> memref<25600xi32, #tpu.memory_space<hbm>>
      %dma_start3A_69 = tpu.memref_slice %arg2[%mul3A_2] : memref<819200xi32, #tpu.memory_space<hbm>> -> memref<25600xi32, #tpu.memory_space<hbm>>
      tpu.enqueue_dma source(%dma_start3A_69 : memref<25600xi32, #tpu.memory_space<hbm>>) target(%arg5 : memref<25600xi32, #tpu.memory_space<vmem>>) target_semaphore(%run_scoped3A : memref<!tpu.dma_semaphore, #tpu.memory_space<semaphore_mem>>)
      %dma_wait3A_70 = tpu.memref_slice %arg2[%mul3A_2] : memref<819200xi32, #tpu.memory_space<hbm>> -> memref<25600xi32, #tpu.memory_space<hbm>>
      %dma_wait3A_71 = tpu.memref_slice %arg2[%mul3A_2] : memref<819200xi32, #tpu.memory_space<hbm>> -> memref<25600xi32, #tpu.memory_space<hbm>>
      tpu.wait_dma2 semaphore(%run_scoped3A : memref<!tpu.dma_semaphore, #tpu.memory_space<semaphore_mem>>) src(%dma_wait3A_71 : memref<25600xi32, #tpu.memory_space<hbm>>) dst(%arg5 : memref<25600xi32, #tpu.memory_space<vmem>>)
      tpu.yield
    }) : () -> ()
    %dma_start3A = arith.constant 0 : i32
    %dma_start3A_3 = arith.constant 0 : i32
    %dma_start3A_4 = arith.constant 0 : i32
    %dma_start3A_5 = arith.constant 0 : i32
    %dma_start3A_6 = tpu.memref_slice %arg6[%dma_start3A, %dma_start3A_4, %dma_start3A_5] : memref<4x400x64xf32, #tpu.memory_space<vmem>> -> memref<1x400x64xf32, #tpu.memory_space<vmem>>
    %dma_start3A_7 = tpu.memref_squeeze %dma_start3A_6 : memref<1x400x64xf32, #tpu.memory_space<vmem>> -> memref<400x64xf32, #tpu.memory_space<vmem>>
    %dma_start3A_8 = arith.constant 0 : i32
    %dma_start3A_9 = tpu.memref_slice %arg5[%dma_start3A_8] : memref<25600xi32, #tpu.memory_space<vmem>> -> memref<400xi32, #tpu.memory_space<vmem>>
    %dma_start3A_10 = arith.constant 0 : i32
    %dma_start3A_11 = arith.constant 0 : i32
    %dma_start3A_12 = tpu.memref_slice %arg3[%dma_start3A_10, %dma_start3A_11] : memref<1000000x64xf32, #tpu.memory_space<hbm>> -> memref<1000000x64xf32, #tpu.memory_space<hbm>>
    %dma_start3A_13 = tpu.memref_slice %arg7[%dma_start3A_3] : memref<4x!tpu.dma_semaphore, #tpu.memory_space<semaphore_mem>> -> memref<1x!tpu.dma_semaphore, #tpu.memory_space<semaphore_mem>>
    %dma_start3A_14 = tpu.memref_squeeze %dma_start3A_13 : memref<1x!tpu.dma_semaphore, #tpu.memory_space<semaphore_mem>> -> memref<!tpu.dma_semaphore, #tpu.memory_space<semaphore_mem>>
    tpu.enqueue_indirect_dma source(%dma_start3A_12 : memref<1000000x64xf32, #tpu.memory_space<hbm>>) target(%dma_start3A_7 : memref<400x64xf32, #tpu.memory_space<vmem>>) offsets(%dma_start3A_9 : memref<400xi32, #tpu.memory_space<vmem>>) semaphore(%dma_start3A_14 : memref<!tpu.dma_semaphore, #tpu.memory_space<semaphore_mem>>)
    %dma_start3A_15 = arith.constant 1 : i32
    %dma_start3A_16 = arith.constant 1 : i32
    %dma_start3A_17 = arith.constant 0 : i32
    %dma_start3A_18 = arith.constant 0 : i32
    %dma_start3A_19 = tpu.memref_slice %arg6[%dma_start3A_15, %dma_start3A_17, %dma_start3A_18] : memref<4x400x64xf32, #tpu.memory_space<vmem>> -> memref<1x400x64xf32, #tpu.memory_space<vmem>>
    %dma_start3A_20 = tpu.memref_squeeze %dma_start3A_19 : memref<1x400x64xf32, #tpu.memory_space<vmem>> -> memref<400x64xf32, #tpu.memory_space<vmem>>
    %dma_start3A_21 = arith.constant 400 : i32
    %dma_start3A_22 = tpu.memref_slice %arg5[%dma_start3A_21] : memref<25600xi32, #tpu.memory_space<vmem>> -> memref<400xi32, #tpu.memory_space<vmem>>
    %dma_start3A_23 = arith.constant 0 : i32
    %dma_start3A_24 = arith.constant 0 : i32
    %dma_start3A_25 = tpu.memref_slice %arg3[%dma_start3A_23, %dma_start3A_24] : memref<1000000x64xf32, #tpu.memory_space<hbm>> -> memref<1000000x64xf32, #tpu.memory_space<hbm>>
    %dma_start3A_26 = tpu.memref_slice %arg7[%dma_start3A_16] : memref<4x!tpu.dma_semaphore, #tpu.memory_space<semaphore_mem>> -> memref<1x!tpu.dma_semaphore, #tpu.memory_space<semaphore_mem>>
    %dma_start3A_27 = tpu.memref_squeeze %dma_start3A_26 : memref<1x!tpu.dma_semaphore, #tpu.memory_space<semaphore_mem>> -> memref<!tpu.dma_semaphore, #tpu.memory_space<semaphore_mem>>
    tpu.enqueue_indirect_dma source(%dma_start3A_25 : memref<1000000x64xf32, #tpu.memory_space<hbm>>) target(%dma_start3A_20 : memref<400x64xf32, #tpu.memory_space<vmem>>) offsets(%dma_start3A_22 : memref<400xi32, #tpu.memory_space<vmem>>) semaphore(%dma_start3A_27 : memref<!tpu.dma_semaphore, #tpu.memory_space<semaphore_mem>>)
    %scan3A = arith.constant 0 : i32
    %scan3A_28 = arith.constant 0 : i32
    %scan3A_29 = arith.constant 16 : i32
    %scan3A_30 = arith.addi %scan3A_28, %scan3A_29 : i32
    %scan3A_31 = arith.constant 1 : i32
    scf.for %scan3A_68 = %scan3A_28 to %scan3A_30 step %scan3A_31  : i32 {
      %mul3A_69 = arith.constant 4 : i32
      %mul3A_70 = arith.muli %scan3A_68, %mul3A_69 : i32
      %add3A_71 = arith.constant 0 : i32
      %add3A_72 = arith.addi %mul3A_70, %add3A_71 : i32
      %ge3A = arith.constant 2 : i32
      %ge3A_73 = arith.cmpi sge, %add3A_72, %ge3A : i32
      %convert_element_type3A = arith.extui %ge3A_73 : i1 to i32
      %cond3A = arith.constant 0 : i32
      %cond3A_74 = arith.cmpi ne, %convert_element_type3A, %cond3A : i32
      scf.if %cond3A_74 {
        %dma_wait3A_285 = arith.constant 2 : i32
        %dma_wait3A_286 = arith.constant 2 : i32
        %dma_wait3A_287 = arith.constant 0 : i32
        %dma_wait3A_288 = arith.constant 0 : i32
        %dma_wait3A_289 = tpu.memref_slice %arg6[%dma_wait3A_285, %dma_wait3A_287, %dma_wait3A_288] : memref<4x400x64xf32, #tpu.memory_space<vmem>> -> memref<1x400x64xf32, #tpu.memory_space<vmem>>
        %dma_wait3A_290 = tpu.memref_squeeze %dma_wait3A_289 : memref<1x400x64xf32, #tpu.memory_space<vmem>> -> memref<400x64xf32, #tpu.memory_space<vmem>>
        %dma_wait3A_291 = arith.constant 0 : i32
        %dma_wait3A_292 = arith.constant 0 : i32
        %dma_wait3A_293 = tpu.memref_slice %arg4[%dma_wait3A_291, %dma_wait3A_292] : memref<819200x64xf32, #tpu.memory_space<hbm>> -> memref<400x64xf32, #tpu.memory_space<hbm>>
        %dma_wait3A_294 = tpu.memref_slice %arg8[%dma_wait3A_286] : memref<4x!tpu.dma_semaphore, #tpu.memory_space<semaphore_mem>> -> memref<1x!tpu.dma_semaphore, #tpu.memory_space<semaphore_mem>>
        %dma_wait3A_295 = tpu.memref_squeeze %dma_wait3A_294 : memref<1x!tpu.dma_semaphore, #tpu.memory_space<semaphore_mem>> -> memref<!tpu.dma_semaphore, #tpu.memory_space<semaphore_mem>>
        %dma_wait3A_296 = arith.constant 0 : i32
        %dma_wait3A_297 = arith.constant 0 : i32
        %dma_wait3A_298 = tpu.memref_slice %arg4[%dma_wait3A_296, %dma_wait3A_297] : memref<819200x64xf32, #tpu.memory_space<hbm>> -> memref<400x64xf32, #tpu.memory_space<hbm>>
        %dma_wait3A_299 = arith.constant 0 : i32
        %dma_wait3A_300 = arith.constant 0 : i32
        %dma_wait3A_301 = tpu.memref_slice %arg6[%dma_wait3A_285, %dma_wait3A_299, %dma_wait3A_300] : memref<4x400x64xf32, #tpu.memory_space<vmem>> -> memref<1x400x64xf32, #tpu.memory_space<vmem>>
        %dma_wait3A_302 = tpu.memref_squeeze %dma_wait3A_301 : memref<1x400x64xf32, #tpu.memory_space<vmem>> -> memref<400x64xf32, #tpu.memory_space<vmem>>
        tpu.wait_dma2 semaphore(%dma_wait3A_295 : memref<!tpu.dma_semaphore, #tpu.memory_space<semaphore_mem>>) src(%dma_wait3A_302 : memref<400x64xf32, #tpu.memory_space<vmem>>) dst(%dma_wait3A_298 : memref<400x64xf32, #tpu.memory_space<hbm>>)
      } else {
      }
      %add3A_75 = arith.constant 2 : i32
      %add3A_76 = arith.addi %add3A_72, %add3A_75 : i32
      %lt3A = arith.constant 64 : i32
      %lt3A_77 = arith.cmpi slt, %add3A_76, %lt3A : i32
      %convert_element_type3A_78 = arith.extui %lt3A_77 : i1 to i32
      %cond3A_79 = arith.constant 0 : i32
      %cond3A_80 = arith.cmpi ne, %convert_element_type3A_78, %cond3A_79 : i32
      scf.if %cond3A_80 {
        %add3A_285 = arith.constant 2 : i32
        %add3A_286 = arith.addi %add3A_72, %add3A_285 : i32
        %mul3A_287 = arith.constant 400 : i32
        %mul3A_288 = arith.muli %add3A_286, %mul3A_287 : i32
        %dma_start3A_289 = arith.constant 2 : i32
        %dma_start3A_290 = arith.constant 2 : i32
        %dma_start3A_291 = arith.constant 0 : i32
        %dma_start3A_292 = arith.constant 0 : i32
        %dma_start3A_293 = tpu.memref_slice %arg6[%dma_start3A_289, %dma_start3A_291, %dma_start3A_292] : memref<4x400x64xf32, #tpu.memory_space<vmem>> -> memref<1x400x64xf32, #tpu.memory_space<vmem>>
        %dma_start3A_294 = tpu.memref_squeeze %dma_start3A_293 : memref<1x400x64xf32, #tpu.memory_space<vmem>> -> memref<400x64xf32, #tpu.memory_space<vmem>>
        %dma_start3A_295 = tpu.memref_slice %arg5[%mul3A_288] : memref<25600xi32, #tpu.memory_space<vmem>> -> memref<400xi32, #tpu.memory_space<vmem>>
        %dma_start3A_296 = arith.constant 0 : i32
        %dma_start3A_297 = arith.constant 0 : i32
        %dma_start3A_298 = tpu.memref_slice %arg3[%dma_start3A_296, %dma_start3A_297] : memref<1000000x64xf32, #tpu.memory_space<hbm>> -> memref<1000000x64xf32, #tpu.memory_space<hbm>>
        %dma_start3A_299 = tpu.memref_slice %arg7[%dma_start3A_290] : memref<4x!tpu.dma_semaphore, #tpu.memory_space<semaphore_mem>> -> memref<1x!tpu.dma_semaphore, #tpu.memory_space<semaphore_mem>>
        %dma_start3A_300 = tpu.memref_squeeze %dma_start3A_299 : memref<1x!tpu.dma_semaphore, #tpu.memory_space<semaphore_mem>> -> memref<!tpu.dma_semaphore, #tpu.memory_space<semaphore_mem>>
        tpu.enqueue_indirect_dma source(%dma_start3A_298 : memref<1000000x64xf32, #tpu.memory_space<hbm>>) target(%dma_start3A_294 : memref<400x64xf32, #tpu.memory_space<vmem>>) offsets(%dma_start3A_295 : memref<400xi32, #tpu.memory_space<vmem>>) semaphore(%dma_start3A_300 : memref<!tpu.dma_semaphore, #tpu.memory_space<semaphore_mem>>)
      } else {
      }
      %dma_wait3A_81 = arith.constant 0 : i32
      %dma_wait3A_82 = arith.constant 0 : i32
      %dma_wait3A_83 = arith.constant 0 : i32
      %dma_wait3A_84 = arith.constant 0 : i32
      %dma_wait3A_85 = tpu.memref_slice %arg6[%dma_wait3A_81, %dma_wait3A_83, %dma_wait3A_84] : memref<4x400x64xf32, #tpu.memory_space<vmem>> -> memref<1x400x64xf32, #tpu.memory_space<vmem>>
      %dma_wait3A_86 = tpu.memref_squeeze %dma_wait3A_85 : memref<1x400x64xf32, #tpu.memory_space<vmem>> -> memref<400x64xf32, #tpu.memory_space<vmem>>
      %dma_wait3A_87 = arith.constant 0 : i32
      %dma_wait3A_88 = tpu.memref_slice %arg5[%dma_wait3A_87] : memref<25600xi32, #tpu.memory_space<vmem>> -> memref<400xi32, #tpu.memory_space<vmem>>
      %dma_wait3A_89 = arith.constant 0 : i32
      %dma_wait3A_90 = arith.constant 0 : i32
      %dma_wait3A_91 = tpu.memref_slice %arg3[%dma_wait3A_89, %dma_wait3A_90] : memref<1000000x64xf32, #tpu.memory_space<hbm>> -> memref<1000000x64xf32, #tpu.memory_space<hbm>>
      %dma_wait3A_92 = tpu.memref_slice %arg7[%dma_wait3A_82] : memref<4x!tpu.dma_semaphore, #tpu.memory_space<semaphore_mem>> -> memref<1x!tpu.dma_semaphore, #tpu.memory_space<semaphore_mem>>
      %dma_wait3A_93 = tpu.memref_squeeze %dma_wait3A_92 : memref<1x!tpu.dma_semaphore, #tpu.memory_space<semaphore_mem>> -> memref<!tpu.dma_semaphore, #tpu.memory_space<semaphore_mem>>
      tpu.wait_indirect_dma semaphore(%dma_wait3A_93 : memref<!tpu.dma_semaphore, #tpu.memory_space<semaphore_mem>>) src(%dma_wait3A_91 : memref<1000000x64xf32, #tpu.memory_space<hbm>>) dst(%dma_wait3A_86 : memref<400x64xf32, #tpu.memory_space<vmem>>)
      %scan3A_94 = arith.constant 0 : i32
      %scan3A_95 = arith.constant 0 : i32
      %scan3A_96 = arith.constant 0 : i32
      %scan3A_97 = arith.constant 50 : i32
      %scan3A_98 = arith.addi %scan3A_96, %scan3A_97 : i32
      %scan3A_99 = arith.constant 1 : i32
      scf.for %scan3A_285 = %scan3A_96 to %scan3A_98 step %scan3A_99  : i32 {
        %mul3A_286 = arith.constant 8 : i32
        %mul3A_287 = arith.muli %scan3A_285, %mul3A_286 : i32
        %add3A_288 = arith.constant 0 : i32
        %add3A_289 = arith.addi %mul3A_287, %add3A_288 : i32
        %get3A = arith.constant 0 : i32
        %get3A_290 = arith.constant 0 : i32
        %get3A_291 = tpu.memref_slice %arg6[%scan3A_95, %get3A, %get3A_290] : memref<4x400x64xf32, #tpu.memory_space<vmem>> -> memref<1x400x64xf32, #tpu.memory_space<vmem>>
        %get3A_292 = tpu.memref_squeeze %get3A_291 : memref<1x400x64xf32, #tpu.memory_space<vmem>> -> memref<400x64xf32, #tpu.memory_space<vmem>>
        %get3A_293 = arith.index_cast %add3A_289 : i32 to index
        %get3A_294 = arith.constant 0 : index
        %get3A_295 = tpu.vector_load %get3A_292[%get3A_293, %get3A_294] {strides = array<i32>} : memref<400x64xf32, #tpu.memory_space<vmem>>, vector<16xf32>,
        %mul3A_296 = arith.constant 8.000000e+00 : f32
        %mul3A_297 = vector.broadcast %mul3A_296 : f32 to vector<16xf32>
        %mul3A_298 = arith.mulf %get3A_295, %mul3A_297 : vector<16xf32>
        %mul3A_299 = arith.constant 8 : i32
        %mul3A_300 = arith.muli %scan3A_285, %mul3A_299 : i32
        %add3A_301 = arith.constant 0 : i32
        %add3A_302 = arith.addi %mul3A_300, %add3A_301 : i32
        %swap3A = arith.constant 0 : i32
        %swap3A_303 = arith.constant 0 : i32
        %swap3A_304 = tpu.memref_slice %arg6[%scan3A_95, %swap3A, %swap3A_303] : memref<4x400x64xf32, #tpu.memory_space<vmem>> -> memref<1x400x64xf32, #tpu.memory_space<vmem>>
        %swap3A_305 = tpu.memref_squeeze %swap3A_304 : memref<1x400x64xf32, #tpu.memory_space<vmem>> -> memref<400x64xf32, #tpu.memory_space<vmem>>
        %swap3A_306 = arith.index_cast %add3A_302 : i32 to index
        %swap3A_307 = arith.constant 0 : index
        %swap3A_308 = tpu.vector_load %swap3A_305[%swap3A_306, %swap3A_307] {strides = array<i32>} : memref<400x64xf32, #tpu.memory_space<vmem>>, vector<16xf32>,
        tpu.vector_store %swap3A_305[%swap3A_306, %swap3A_307], %mul3A_298 {strides = array<i32>} : memref<400x64xf32, #tpu.memory_space<vmem>>, vector<16xf32>,
        %mul3A_309 = arith.constant 8 : i32
        %mul3A_310 = arith.muli %scan3A_285, %mul3A_309 : i32
        %add3A_311 = arith.constant 0 : i32
        %add3A_312 = arith.addi %mul3A_310, %add3A_311 : i32
        %get3A_313 = arith.constant 0 : i32
        %get3A_314 = arith.constant 0 : i32
        %get3A_315 = tpu.memref_slice %arg6[%scan3A_95, %get3A_313, %get3A_314] : memref<4x400x64xf32, #tpu.memory_space<vmem>> -> memref<1x400x64xf32, #tpu.memory_space<vmem>>
        %get3A_316 = tpu.memref_squeeze %get3A_315 : memref<1x400x64xf32, #tpu.memory_space<vmem>> -> memref<400x64xf32, #tpu.memory_space<vmem>>
        %get3A_317 = arith.index_cast %add3A_312 : i32 to index
        %get3A_318 = arith.constant 16 : index
        %get3A_319 = tpu.vector_load %get3A_316[%get3A_317, %get3A_318] {strides = array<i32>} : memref<400x64xf32, #tpu.memory_space<vmem>>, vector<16xf32>,
        %mul3A_320 = arith.constant 8.000000e+00 : f32
        %mul3A_321 = vector.broadcast %mul3A_320 : f32 to vector<16xf32>
        %mul3A_322 = arith.mulf %get3A_319, %mul3A_321 : vector<16xf32>
        %mul3A_323 = arith.constant 8 : i32
        %mul3A_324 = arith.muli %scan3A_285, %mul3A_323 : i32
        %add3A_325 = arith.constant 0 : i32
        %add3A_326 = arith.addi %mul3A_324, %add3A_325 : i32
        %swap3A_327 = arith.constant 0 : i32
        %swap3A_328 = arith.constant 0 : i32
        %swap3A_329 = tpu.memref_slice %arg6[%scan3A_95, %swap3A_327, %swap3A_328] : memref<4x400x64xf32, #tpu.memory_space<vmem>> -> memref<1x400x64xf32, #tpu.memory_space<vmem>>
        %swap3A_330 = tpu.memref_squeeze %swap3A_329 : memref<1x400x64xf32, #tpu.memory_space<vmem>> -> memref<400x64xf32, #tpu.memory_space<vmem>>
        %swap3A_331 = arith.index_cast %add3A_326 : i32 to index
        %swap3A_332 = arith.constant 16 : index
        %swap3A_333 = tpu.vector_load %swap3A_330[%swap3A_331, %swap3A_332] {strides = array<i32>} : memref<400x64xf32, #tpu.memory_space<vmem>>, vector<16xf32>,
        tpu.vector_store %swap3A_330[%swap3A_331, %swap3A_332], %mul3A_322 {strides = array<i32>} : memref<400x64xf32, #tpu.memory_space<vmem>>, vector<16xf32>,
        %mul3A_334 = arith.constant 8 : i32
        %mul3A_335 = arith.muli %scan3A_285, %mul3A_334 : i32
        %add3A_336 = arith.constant 0 : i32
        %add3A_337 = arith.addi %mul3A_335, %add3A_336 : i32
        %get3A_338 = arith.constant 0 : i32
        %get3A_339 = arith.constant 0 : i32
        %get3A_340 = tpu.memref_slice %arg6[%scan3A_95, %get3A_338, %get3A_339] : memref<4x400x64xf32, #tpu.memory_space<vmem>> -> memref<1x400x64xf32, #tpu.memory_space<vmem>>
        %get3A_341 = tpu.memref_squeeze %get3A_340 : memref<1x400x64xf32, #tpu.memory_space<vmem>> -> memref<400x64xf32, #tpu.memory_space<vmem>>
        %get3A_342 = arith.index_cast %add3A_337 : i32 to index
        %get3A_343 = arith.constant 32 : index
        %get3A_344 = tpu.vector_load %get3A_341[%get3A_342, %get3A_343] {strides = array<i32>} : memref<400x64xf32, #tpu.memory_space<vmem>>, vector<16xf32>,
        %mul3A_345 = arith.constant 8.000000e+00 : f32
        %mul3A_346 = vector.broadcast %mul3A_345 : f32 to vector<16xf32>
        %mul3A_347 = arith.mulf %get3A_344, %mul3A_346 : vector<16xf32>
        %mul3A_348 = arith.constant 8 : i32
        %mul3A_349 = arith.muli %scan3A_285, %mul3A_348 : i32
        %add3A_350 = arith.constant 0 : i32
        %add3A_351 = arith.addi %mul3A_349, %add3A_350 : i32
        %swap3A_352 = arith.constant 0 : i32
        %swap3A_353 = arith.constant 0 : i32
        %swap3A_354 = tpu.memref_slice %arg6[%scan3A_95, %swap3A_352, %swap3A_353] : memref<4x400x64xf32, #tpu.memory_space<vmem>> -> memref<1x400x64xf32, #tpu.memory_space<vmem>>
        %swap3A_355 = tpu.memref_squeeze %swap3A_354 : memref<1x400x64xf32, #tpu.memory_space<vmem>> -> memref<400x64xf32, #tpu.memory_space<vmem>>
        %swap3A_356 = arith.index_cast %add3A_351 : i32 to index
        %swap3A_357 = arith.constant 32 : index
        %swap3A_358 = tpu.vector_load %swap3A_355[%swap3A_356, %swap3A_357] {strides = array<i32>} : memref<400x64xf32, #tpu.memory_space<vmem>>, vector<16xf32>,
        tpu.vector_store %swap3A_355[%swap3A_356, %swap3A_357], %mul3A_347 {strides = array<i32>} : memref<400x64xf32, #tpu.memory_space<vmem>>, vector<16xf32>,
        %mul3A_359 = arith.constant 8 : i32
        %mul3A_360 = arith.muli %scan3A_285, %mul3A_359 : i32
        %add3A_361 = arith.constant 0 : i32
        %add3A_362 = arith.addi %mul3A_360, %add3A_361 : i32
        %get3A_363 = arith.constant 0 : i32
        %get3A_364 = arith.constant 0 : i32
        %get3A_365 = tpu.memref_slice %arg6[%scan3A_95, %get3A_363, %get3A_364] : memref<4x400x64xf32, #tpu.memory_space<vmem>> -> memref<1x400x64xf32, #tpu.memory_space<vmem>>
        %get3A_366 = tpu.memref_squeeze %get3A_365 : memref<1x400x64xf32, #tpu.memory_space<vmem>> -> memref<400x64xf32, #tpu.memory_space<vmem>>
        %get3A_367 = arith.index_cast %add3A_362 : i32 to index
        %get3A_368 = arith.constant 48 : index
        %get3A_369 = tpu.vector_load %get3A_366[%get3A_367, %get3A_368] {strides = array<i32>} : memref<400x64xf32, #tpu.memory_space<vmem>>, vector<16xf32>,
        %mul3A_370 = arith.constant 8.000000e+00 : f32
        %mul3A_371 = vector.broadcast %mul3A_370 : f32 to vector<16xf32>
        %mul3A_372 = arith.mulf %get3A_369, %mul3A_371 : vector<16xf32>
        %mul3A_373 = arith.constant 8 : i32
        %mul3A_374 = arith.muli %scan3A_285, %mul3A_373 : i32
        %add3A_375 = arith.constant 0 : i32
        %add3A_376 = arith.addi %mul3A_374, %add3A_375 : i32
        %swap3A_377 = arith.constant 0 : i32
        %swap3A_378 = arith.constant 0 : i32
        %swap3A_379 = tpu.memref_slice %arg6[%scan3A_95, %swap3A_377, %swap3A_378] : memref<4x400x64xf32, #tpu.memory_space<vmem>> -> memref<1x400x64xf32, #tpu.memory_space<vmem>>
        %swap3A_380 = tpu.memref_squeeze %swap3A_379 : memref<1x400x64xf32, #tpu.memory_space<vmem>> -> memref<400x64xf32, #tpu.memory_space<vmem>>
        %swap3A_381 = arith.index_cast %add3A_376 : i32 to index
        %swap3A_382 = arith.constant 48 : index
        %swap3A_383 = tpu.vector_load %swap3A_380[%swap3A_381, %swap3A_382] {strides = array<i32>} : memref<400x64xf32, #tpu.memory_space<vmem>>, vector<16xf32>,
        tpu.vector_store %swap3A_380[%swap3A_381, %swap3A_382], %mul3A_372 {strides = array<i32>} : memref<400x64xf32, #tpu.memory_space<vmem>>, vector<16xf32>,
        %mul3A_384 = arith.constant 8 : i32
        %mul3A_385 = arith.muli %scan3A_285, %mul3A_384 : i32
        %add3A_386 = arith.constant 1 : i32
        %add3A_387 = arith.addi %mul3A_385, %add3A_386 : i32
        %get3A_388 = arith.constant 0 : i32
        %get3A_389 = arith.constant 0 : i32
        %get3A_390 = tpu.memref_slice %arg6[%scan3A_95, %get3A_388, %get3A_389] : memref<4x400x64xf32, #tpu.memory_space<vmem>> -> memref<1x400x64xf32, #tpu.memory_space<vmem>>
        %get3A_391 = tpu.memref_squeeze %get3A_390 : memref<1x400x64xf32, #tpu.memory_space<vmem>> -> memref<400x64xf32, #tpu.memory_space<vmem>>
        %get3A_392 = arith.index_cast %add3A_387 : i32 to index
        %get3A_393 = arith.constant 0 : index
        %get3A_394 = tpu.vector_load %get3A_391[%get3A_392, %get3A_393] {strides = array<i32>} : memref<400x64xf32, #tpu.memory_space<vmem>>, vector<16xf32>,
        %mul3A_395 = arith.constant 8.000000e+00 : f32
        %mul3A_396 = vector.broadcast %mul3A_395 : f32 to vector<16xf32>
        %mul3A_397 = arith.mulf %get3A_394, %mul3A_396 : vector<16xf32>
        %mul3A_398 = arith.constant 8 : i32
        %mul3A_399 = arith.muli %scan3A_285, %mul3A_398 : i32
        %add3A_400 = arith.constant 1 : i32
        %add3A_401 = arith.addi %mul3A_399, %add3A_400 : i32
        %swap3A_402 = arith.constant 0 : i32
        %swap3A_403 = arith.constant 0 : i32
        %swap3A_404 = tpu.memref_slice %arg6[%scan3A_95, %swap3A_402, %swap3A_403] : memref<4x400x64xf32, #tpu.memory_space<vmem>> -> memref<1x400x64xf32, #tpu.memory_space<vmem>>
        %swap3A_405 = tpu.memref_squeeze %swap3A_404 : memref<1x400x64xf32, #tpu.memory_space<vmem>> -> memref<400x64xf32, #tpu.memory_space<vmem>>
        %swap3A_406 = arith.index_cast %add3A_401 : i32 to index
        %swap3A_407 = arith.constant 0 : index
        %swap3A_408 = tpu.vector_load %swap3A_405[%swap3A_406, %swap3A_407] {strides = array<i32>} : memref<400x64xf32, #tpu.memory_space<vmem>>, vector<16xf32>,
        tpu.vector_store %swap3A_405[%swap3A_406, %swap3A_407], %mul3A_397 {strides = array<i32>} : memref<400x64xf32, #tpu.memory_space<vmem>>, vector<16xf32>,
        %mul3A_409 = arith.constant 8 : i32
        %mul3A_410 = arith.muli %scan3A_285, %mul3A_409 : i32
        %add3A_411 = arith.constant 1 : i32
        %add3A_412 = arith.addi %mul3A_410, %add3A_411 : i32
        %get3A_413 = arith.constant 0 : i32
        %get3A_414 = arith.constant 0 : i32
        %get3A_415 = tpu.memref_slice %arg6[%scan3A_95, %get3A_413, %get3A_414] : memref<4x400x64xf32, #tpu.memory_space<vmem>> -> memref<1x400x64xf32, #tpu.memory_space<vmem>>
        %get3A_416 = tpu.memref_squeeze %get3A_415 : memref<1x400x64xf32, #tpu.memory_space<vmem>> -> memref<400x64xf32, #tpu.memory_space<vmem>>
        %get3A_417 = arith.index_cast %add3A_412 : i32 to index
        %get3A_418 = arith.constant 16 : index
        %get3A_419 = tpu.vector_load %get3A_416[%get3A_417, %get3A_418] {strides = array<i32>} : memref<400x64xf32, #tpu.memory_space<vmem>>, vector<16xf32>,
        %mul3A_420 = arith.constant 8.000000e+00 : f32
        %mul3A_421 = vector.broadcast %mul3A_420 : f32 to vector<16xf32>
        %mul3A_422 = arith.mulf %get3A_419, %mul3A_421 : vector<16xf32>
        %mul3A_423 = arith.constant 8 : i32
        %mul3A_424 = arith.muli %scan3A_285, %mul3A_423 : i32
        %add3A_425 = arith.constant 1 : i32
        %add3A_426 = arith.addi %mul3A_424, %add3A_425 : i32
        %swap3A_427 = arith.constant 0 : i32
        %swap3A_428 = arith.constant 0 : i32
        %swap3A_429 = tpu.memref_slice %arg6[%scan3A_95, %swap3A_427, %swap3A_428] : memref<4x400x64xf32, #tpu.memory_space<vmem>> -> memref<1x400x64xf32, #tpu.memory_space<vmem>>
        %swap3A_430 = tpu.memref_squeeze %swap3A_429 : memref<1x400x64xf32, #tpu.memory_space<vmem>> -> memref<400x64xf32, #tpu.memory_space<vmem>>
        %swap3A_431 = arith.index_cast %add3A_426 : i32 to index
        %swap3A_432 = arith.constant 16 : index
        %swap3A_433 = tpu.vector_load %swap3A_430[%swap3A_431, %swap3A_432] {strides = array<i32>} : memref<400x64xf32, #tpu.memory_space<vmem>>, vector<16xf32>,
        tpu.vector_store %swap3A_430[%swap3A_431, %swap3A_432], %mul3A_422 {strides = array<i32>} : memref<400x64xf32, #tpu.memory_space<vmem>>, vector<16xf32>,
        %mul3A_434 = arith.constant 8 : i32
        %mul3A_435 = arith.muli %scan3A_285, %mul3A_434 : i32
        %add3A_436 = arith.constant 1 : i32
        %add3A_437 = arith.addi %mul3A_435, %add3A_436 : i32
        %get3A_438 = arith.constant 0 : i32
        %get3A_439 = arith.constant 0 : i32
        %get3A_440 = tpu.memref_slice %arg6[%scan3A_95, %get3A_438, %get3A_439] : memref<4x400x64xf32, #tpu.memory_space<vmem>> -> memref<1x400x64xf32, #tpu.memory_space<vmem>>
        %get3A_441 = tpu.memref_squeeze %get3A_440 : memref<1x400x64xf32, #tpu.memory_space<vmem>> -> memref<400x64xf32, #tpu.memory_space<vmem>>
        %get3A_442 = arith.index_cast %add3A_437 : i32 to index
        %get3A_443 = arith.constant 32 : index
        %get3A_444 = tpu.vector_load %get3A_441[%get3A_442, %get3A_443] {strides = array<i32>} : memref<400x64xf32, #tpu.memory_space<vmem>>, vector<16xf32>,
        %mul3A_445 = arith.constant 8.000000e+00 : f32
        %mul3A_446 = vector.broadcast %mul3A_445 : f32 to vector<16xf32>
        %mul3A_447 = arith.mulf %get3A_444, %mul3A_446 : vector<16xf32>
        %mul3A_448 = arith.constant 8 : i32
        %mul3A_449 = arith.muli %scan3A_285, %mul3A_448 : i32
        %add3A_450 = arith.constant 1 : i32
        %add3A_451 = arith.addi %mul3A_449, %add3A_450 : i32
        %swap3A_452 = arith.constant 0 : i32
        %swap3A_453 = arith.constant 0 : i32
        %swap3A_454 = tpu.memref_slice %arg6[%scan3A_95, %swap3A_452, %swap3A_453] : memref<4x400x64xf32, #tpu.memory_space<vmem>> -> memref<1x400x64xf32, #tpu.memory_space<vmem>>
        %swap3A_455 = tpu.memref_squeeze %swap3A_454 : memref<1x400x64xf32, #tpu.memory_space<vmem>> -> memref<400x64xf32, #tpu.memory_space<vmem>>
        %swap3A_456 = arith.index_cast %add3A_451 : i32 to index
        %swap3A_457 = arith.constant 32 : index
        %swap3A_458 = tpu.vector_load %swap3A_455[%swap3A_456, %swap3A_457] {strides = array<i32>} : memref<400x64xf32, #tpu.memory_space<vmem>>, vector<16xf32>,
        tpu.vector_store %swap3A_455[%swap3A_456, %swap3A_457], %mul3A_447 {strides = array<i32>} : memref<400x64xf32, #tpu.memory_space<vmem>>, vector<16xf32>,
        %mul3A_459 = arith.constant 8 : i32
        %mul3A_460 = arith.muli %scan3A_285, %mul3A_459 : i32
        %add3A_461 = arith.constant 1 : i32
        %add3A_462 = arith.addi %mul3A_460, %add3A_461 : i32
        %get3A_463 = arith.constant 0 : i32
        %get3A_464 = arith.constant 0 : i32
        %get3A_465 = tpu.memref_slice %arg6[%scan3A_95, %get3A_463, %get3A_464] : memref<4x400x64xf32, #tpu.memory_space<vmem>> -> memref<1x400x64xf32, #tpu.memory_space<vmem>>
        %get3A_466 = tpu.memref_squeeze %get3A_465 : memref<1x400x64xf32, #tpu.memory_space<vmem>> -> memref<400x64xf32, #tpu.memory_space<vmem>>
        %get3A_467 = arith.index_cast %add3A_462 : i32 to index
        %get3A_468 = arith.constant 48 : index
        %get3A_469 = tpu.vector_load %get3A_466[%get3A_467, %get3A_468] {strides = array<i32>} : memref<400x64xf32, #tpu.memory_space<vmem>>, vector<16xf32>,
        %mul3A_470 = arith.constant 8.000000e+00 : f32
        %mul3A_471 = vector.broadcast %mul3A_470 : f32 to vector<16xf32>
        %mul3A_472 = arith.mulf %get3A_469, %mul3A_471 : vector<16xf32>
        %mul3A_473 = arith.constant 8 : i32
        %mul3A_474 = arith.muli %scan3A_285, %mul3A_473 : i32
        %add3A_475 = arith.constant 1 : i32
        %add3A_476 = arith.addi %mul3A_474, %add3A_475 : i32
        %swap3A_477 = arith.constant 0 : i32
        %swap3A_478 = arith.constant 0 : i32
        %swap3A_479 = tpu.memref_slice %arg6[%scan3A_95, %swap3A_477, %swap3A_478] : memref<4x400x64xf32, #tpu.memory_space<vmem>> -> memref<1x400x64xf32, #tpu.memory_space<vmem>>
        %swap3A_480 = tpu.memref_squeeze %swap3A_479 : memref<1x400x64xf32, #tpu.memory_space<vmem>> -> memref<400x64xf32, #tpu.memory_space<vmem>>
        %swap3A_481 = arith.index_cast %add3A_476 : i32 to index
        %swap3A_482 = arith.constant 48 : index
        %swap3A_483 = tpu.vector_load %swap3A_480[%swap3A_481, %swap3A_482] {strides = array<i32>} : memref<400x64xf32, #tpu.memory_space<vmem>>, vector<16xf32>,
        tpu.vector_store %swap3A_480[%swap3A_481, %swap3A_482], %mul3A_472 {strides = array<i32>} : memref<400x64xf32, #tpu.memory_space<vmem>>, vector<16xf32>,
        %mul3A_484 = arith.constant 8 : i32
        %mul3A_485 = arith.muli %scan3A_285, %mul3A_484 : i32
        %add3A_486 = arith.constant 2 : i32
        %add3A_487 = arith.addi %mul3A_485, %add3A_486 : i32
        %get3A_488 = arith.constant 0 : i32
        %get3A_489 = arith.constant 0 : i32
        %get3A_490 = tpu.memref_slice %arg6[%scan3A_95, %get3A_488, %get3A_489] : memref<4x400x64xf32, #tpu.memory_space<vmem>> -> memref<1x400x64xf32, #tpu.memory_space<vmem>>
        %get3A_491 = tpu.memref_squeeze %get3A_490 : memref<1x400x64xf32, #tpu.memory_space<vmem>> -> memref<400x64xf32, #tpu.memory_space<vmem>>
        %get3A_492 = arith.index_cast %add3A_487 : i32 to index
        %get3A_493 = arith.constant 0 : index
        %get3A_494 = tpu.vector_load %get3A_491[%get3A_492, %get3A_493] {strides = array<i32>} : memref<400x64xf32, #tpu.memory_space<vmem>>, vector<16xf32>,
        %mul3A_495 = arith.constant 8.000000e+00 : f32
        %mul3A_496 = vector.broadcast %mul3A_495 : f32 to vector<16xf32>
        %mul3A_497 = arith.mulf %get3A_494, %mul3A_496 : vector<16xf32>
        %mul3A_498 = arith.constant 8 : i32
        %mul3A_499 = arith.muli %scan3A_285, %mul3A_498 : i32
        %add3A_500 = arith.constant 2 : i32
        %add3A_501 = arith.addi %mul3A_499, %add3A_500 : i32
        %swap3A_502 = arith.constant 0 : i32
        %swap3A_503 = arith.constant 0 : i32
        %swap3A_504 = tpu.memref_slice %arg6[%scan3A_95, %swap3A_502, %swap3A_503] : memref<4x400x64xf32, #tpu.memory_space<vmem>> -> memref<1x400x64xf32, #tpu.memory_space<vmem>>
        %swap3A_505 = tpu.memref_squeeze %swap3A_504 : memref<1x400x64xf32, #tpu.memory_space<vmem>> -> memref<400x64xf32, #tpu.memory_space<vmem>>
        %swap3A_506 = arith.index_cast %add3A_501 : i32 to index
        %swap3A_507 = arith.constant 0 : index
        %swap3A_508 = tpu.vector_load %swap3A_505[%swap3A_506, %swap3A_507] {strides = array<i32>} : memref<400x64xf32, #tpu.memory_space<vmem>>, vector<16xf32>,
        tpu.vector_store %swap3A_505[%swap3A_506, %swap3A_507], %mul3A_497 {strides = array<i32>} : memref<400x64xf32, #tpu.memory_space<vmem>>, vector<16xf32>,
        %mul3A_509 = arith.constant 8 : i32
        %mul3A_510 = arith.muli %scan3A_285, %mul3A_509 : i32
        %add3A_511 = arith.constant 2 : i32
        %add3A_512 = arith.addi %mul3A_510, %add3A_511 : i32
        %get3A_513 = arith.constant 0 : i32
        %get3A_514 = arith.constant 0 : i32
        %get3A_515 = tpu.memref_slice %arg6[%scan3A_95, %get3A_513, %get3A_514] : memref<4x400x64xf32, #tpu.memory_space<vmem>> -> memref<1x400x64xf32, #tpu.memory_space<vmem>>
        %get3A_516 = tpu.memref_squeeze %get3A_515 : memref<1x400x64xf32, #tpu.memory_space<vmem>> -> memref<400x64xf32, #tpu.memory_space<vmem>>
        %get3A_517 = arith.index_cast %add3A_512 : i32 to index
        %get3A_518 = arith.constant 16 : index
        %get3A_519 = tpu.vector_load %get3A_516[%get3A_517, %get3A_518] {strides = array<i32>} : memref<400x64xf32, #tpu.memory_space<vmem>>, vector<16xf32>,
        %mul3A_520 = arith.constant 8.000000e+00 : f32
        %mul3A_521 = vector.broadcast %mul3A_520 : f32 to vector<16xf32>
        %mul3A_522 = arith.mulf %get3A_519, %mul3A_521 : vector<16xf32>
        %mul3A_523 = arith.constant 8 : i32
        %mul3A_524 = arith.muli %scan3A_285, %mul3A_523 : i32
        %add3A_525 = arith.constant 2 : i32
        %add3A_526 = arith.addi %mul3A_524, %add3A_525 : i32
        %swap3A_527 = arith.constant 0 : i32
        %swap3A_528 = arith.constant 0 : i32
        %swap3A_529 = tpu.memref_slice %arg6[%scan3A_95, %swap3A_527, %swap3A_528] : memref<4x400x64xf32, #tpu.memory_space<vmem>> -> memref<1x400x64xf32, #tpu.memory_space<vmem>>
        %swap3A_530 = tpu.memref_squeeze %swap3A_529 : memref<1x400x64xf32, #tpu.memory_space<vmem>> -> memref<400x64xf32, #tpu.memory_space<vmem>>
        %swap3A_531 = arith.index_cast %add3A_526 : i32 to index
        %swap3A_532 = arith.constant 16 : index
        %swap3A_533 = tpu.vector_load %swap3A_530[%swap3A_531, %swap3A_532] {strides = array<i32>} : memref<400x64xf32, #tpu.memory_space<vmem>>, vector<16xf32>,
        tpu.vector_store %swap3A_530[%swap3A_531, %swap3A_532], %mul3A_522 {strides = array<i32>} : memref<400x64xf32, #tpu.memory_space<vmem>>, vector<16xf32>,
        %mul3A_534 = arith.constant 8 : i32
        %mul3A_535 = arith.muli %scan3A_285, %mul3A_534 : i32
        %add3A_536 = arith.constant 2 : i32
        %add3A_537 = arith.addi %mul3A_535, %add3A_536 : i32
        %get3A_538 = arith.constant 0 : i32
        %get3A_539 = arith.constant 0 : i32
        %get3A_540 = tpu.memref_slice %arg6[%scan3A_95, %get3A_538, %get3A_539] : memref<4x400x64xf32, #tpu.memory_space<vmem>> -> memref<1x400x64xf32, #tpu.memory_space<vmem>>
        %get3A_541 = tpu.memref_squeeze %get3A_540 : memref<1x400x64xf32, #tpu.memory_space<vmem>> -> memref<400x64xf32, #tpu.memory_space<vmem>>
        %get3A_542 = arith.index_cast %add3A_537 : i32 to index
        %get3A_543 = arith.constant 32 : index
        %get3A_544 = tpu.vector_load %get3A_541[%get3A_542, %get3A_543] {strides = array<i32>} : memref<400x64xf32, #tpu.memory_space<vmem>>, vector<16xf32>,
        %mul3A_545 = arith.constant 8.000000e+00 : f32
        %mul3A_546 = vector.broadcast %mul3A_545 : f32 to vector<16xf32>
        %mul3A_547 = arith.mulf %get3A_544, %mul3A_546 : vector<16xf32>
        %mul3A_548 = arith.constant 8 : i32
        %mul3A_549 = arith.muli %scan3A_285, %mul3A_548 : i32
        %add3A_550 = arith.constant 2 : i32
        %add3A_551 = arith.addi %mul3A_549, %add3A_550 : i32
        %swap3A_552 = arith.constant 0 : i32
        %swap3A_553 = arith.constant 0 : i32
        %swap3A_554 = tpu.memref_slice %arg6[%scan3A_95, %swap3A_552, %swap3A_553] : memref<4x400x64xf32, #tpu.memory_space<vmem>> -> memref<1x400x64xf32, #tpu.memory_space<vmem>>
        %swap3A_555 = tpu.memref_squeeze %swap3A_554 : memref<1x400x64xf32, #tpu.memory_space<vmem>> -> memref<400x64xf32, #tpu.memory_space<vmem>>
        %swap3A_556 = arith.index_cast %add3A_551 : i32 to index
        %swap3A_557 = arith.constant 32 : index
        %swap3A_558 = tpu.vector_load %swap3A_555[%swap3A_556, %swap3A_557] {strides = array<i32>} : memref<400x64xf32, #tpu.memory_space<vmem>>, vector<16xf32>,
        tpu.vector_store %swap3A_555[%swap3A_556, %swap3A_557], %mul3A_547 {strides = array<i32>} : memref<400x64xf32, #tpu.memory_space<vmem>>, vector<16xf32>,
        %mul3A_559 = arith.constant 8 : i32
        %mul3A_560 = arith.muli %scan3A_285, %mul3A_559 : i32
        %add3A_561 = arith.constant 2 : i32
        %add3A_562 = arith.addi %mul3A_560, %add3A_561 : i32
        %get3A_563 = arith.constant 0 : i32
        %get3A_564 = arith.constant 0 : i32
        %get3A_565 = tpu.memref_slice %arg6[%scan3A_95, %get3A_563, %get3A_564] : memref<4x400x64xf32, #tpu.memory_space<vmem>> -> memref<1x400x64xf32, #tpu.memory_space<vmem>>
        %get3A_566 = tpu.memref_squeeze %get3A_565 : memref<1x400x64xf32, #tpu.memory_space<vmem>> -> memref<400x64xf32, #tpu.memory_space<vmem>>
        %get3A_567 = arith.index_cast %add3A_562 : i32 to index
        %get3A_568 = arith.constant 48 : index
        %get3A_569 = tpu.vector_load %get3A_566[%get3A_567, %get3A_568] {strides = array<i32>} : memref<400x64xf32, #tpu.memory_space<vmem>>, vector<16xf32>,
        %mul3A_570 = arith.constant 8.000000e+00 : f32
        %mul3A_571 = vector.broadcast %mul3A_570 : f32 to vector<16xf32>
        %mul3A_572 = arith.mulf %get3A_569, %mul3A_571 : vector<16xf32>
        %mul3A_573 = arith.constant 8 : i32
        %mul3A_574 = arith.muli %scan3A_285, %mul3A_573 : i32
        %add3A_575 = arith.constant 2 : i32
        %add3A_576 = arith.addi %mul3A_574, %add3A_575 : i32
        %swap3A_577 = arith.constant 0 : i32
        %swap3A_578 = arith.constant 0 : i32
        %swap3A_579 = tpu.memref_slice %arg6[%scan3A_95, %swap3A_577, %swap3A_578] : memref<4x400x64xf32, #tpu.memory_space<vmem>> -> memref<1x400x64xf32, #tpu.memory_space<vmem>>
        %swap3A_580 = tpu.memref_squeeze %swap3A_579 : memref<1x400x64xf32, #tpu.memory_space<vmem>> -> memref<400x64xf32, #tpu.memory_space<vmem>>
        %swap3A_581 = arith.index_cast %add3A_576 : i32 to index
        %swap3A_582 = arith.constant 48 : index
        %swap3A_583 = tpu.vector_load %swap3A_580[%swap3A_581, %swap3A_582] {strides = array<i32>} : memref<400x64xf32, #tpu.memory_space<vmem>>, vector<16xf32>,
        tpu.vector_store %swap3A_580[%swap3A_581, %swap3A_582], %mul3A_572 {strides = array<i32>} : memref<400x64xf32, #tpu.memory_space<vmem>>, vector<16xf32>,
        %mul3A_584 = arith.constant 8 : i32
        %mul3A_585 = arith.muli %scan3A_285, %mul3A_584 : i32
        %add3A_586 = arith.constant 3 : i32
        %add3A_587 = arith.addi %mul3A_585, %add3A_586 : i32
        %get3A_588 = arith.constant 0 : i32
        %get3A_589 = arith.constant 0 : i32
        %get3A_590 = tpu.memref_slice %arg6[%scan3A_95, %get3A_588, %get3A_589] : memref<4x400x64xf32, #tpu.memory_space<vmem>> -> memref<1x400x64xf32, #tpu.memory_space<vmem>>
        %get3A_591 = tpu.memref_squeeze %get3A_590 : memref<1x400x64xf32, #tpu.memory_space<vmem>> -> memref<400x64xf32, #tpu.memory_space<vmem>>
        %get3A_592 = arith.index_cast %add3A_587 : i32 to index
        %get3A_593 = arith.constant 0 : index
        %get3A_594 = tpu.vector_load %get3A_591[%get3A_592, %get3A_593] {strides = array<i32>} : memref<400x64xf32, #tpu.memory_space<vmem>>, vector<16xf32>,
        %mul3A_595 = arith.constant 8.000000e+00 : f32
        %mul3A_596 = vector.broadcast %mul3A_595 : f32 to vector<16xf32>
        %mul3A_597 = arith.mulf %get3A_594, %mul3A_596 : vector<16xf32>
        %mul3A_598 = arith.constant 8 : i32
        %mul3A_599 = arith.muli %scan3A_285, %mul3A_598 : i32
        %add3A_600 = arith.constant 3 : i32
        %add3A_601 = arith.addi %mul3A_599, %add3A_600 : i32
        %swap3A_602 = arith.constant 0 : i32
        %swap3A_603 = arith.constant 0 : i32
        %swap3A_604 = tpu.memref_slice %arg6[%scan3A_95, %swap3A_602, %swap3A_603] : memref<4x400x64xf32, #tpu.memory_space<vmem>> -> memref<1x400x64xf32, #tpu.memory_space<vmem>>
        %swap3A_605 = tpu.memref_squeeze %swap3A_604 : memref<1x400x64xf32, #tpu.memory_space<vmem>> -> memref<400x64xf32, #tpu.memory_space<vmem>>
        %swap3A_606 = arith.index_cast %add3A_601 : i32 to index
        %swap3A_607 = arith.constant 0 : index
        %swap3A_608 = tpu.vector_load %swap3A_605[%swap3A_606, %swap3A_607] {strides = array<i32>} : memref<400x64xf32, #tpu.memory_space<vmem>>, vector<16xf32>,
        tpu.vector_store %swap3A_605[%swap3A_606, %swap3A_607], %mul3A_597 {strides = array<i32>} : memref<400x64xf32, #tpu.memory_space<vmem>>, vector<16xf32>,
        %mul3A_609 = arith.constant 8 : i32
        %mul3A_610 = arith.muli %scan3A_285, %mul3A_609 : i32
        %add3A_611 = arith.constant 3 : i32
        %add3A_612 = arith.addi %mul3A_610, %add3A_611 : i32
        %get3A_613 = arith.constant 0 : i32
        %get3A_614 = arith.constant 0 : i32
        %get3A_615 = tpu.memref_slice %arg6[%scan3A_95, %get3A_613, %get3A_614] : memref<4x400x64xf32, #tpu.memory_space<vmem>> -> memref<1x400x64xf32, #tpu.memory_space<vmem>>
        %get3A_616 = tpu.memref_squeeze %get3A_615 : memref<1x400x64xf32, #tpu.memory_space<vmem>> -> memref<400x64xf32, #tpu.memory_space<vmem>>
        %get3A_617 = arith.index_cast %add3A_612 : i32 to index
        %get3A_618 = arith.constant 16 : index
        %get3A_619 = tpu.vector_load %get3A_616[%get3A_617, %get3A_618] {strides = array<i32>} : memref<400x64xf32, #tpu.memory_space<vmem>>, vector<16xf32>,
        %mul3A_620 = arith.constant 8.000000e+00 : f32
        %mul3A_621 = vector.broadcast %mul3A_620 : f32 to vector<16xf32>
        %mul3A_622 = arith.mulf %get3A_619, %mul3A_621 : vector<16xf32>
        %mul3A_623 = arith.constant 8 : i32
        %mul3A_624 = arith.muli %scan3A_285, %mul3A_623 : i32
        %add3A_625 = arith.constant 3 : i32
        %add3A_626 = arith.addi %mul3A_624, %add3A_625 : i32
        %swap3A_627 = arith.constant 0 : i32
        %swap3A_628 = arith.constant 0 : i32
        %swap3A_629 = tpu.memref_slice %arg6[%scan3A_95, %swap3A_627, %swap3A_628] : memref<4x400x64xf32, #tpu.memory_space<vmem>> -> memref<1x400x64xf32, #tpu.memory_space<vmem>>
        %swap3A_630 = tpu.memref_squeeze %swap3A_629 : memref<1x400x64xf32, #tpu.memory_space<vmem>> -> memref<400x64xf32, #tpu.memory_space<vmem>>
        %swap3A_631 = arith.index_cast %add3A_626 : i32 to index
        %swap3A_632 = arith.constant 16 : index
        %swap3A_633 = tpu.vector_load %swap3A_630[%swap3A_631, %swap3A_632] {strides = array<i32>} : memref<400x64xf32, #tpu.memory_space<vmem>>, vector<16xf32>,
        tpu.vector_store %swap3A_630[%swap3A_631, %swap3A_632], %mul3A_622 {strides = array<i32>} : memref<400x64xf32, #tpu.memory_space<vmem>>, vector<16xf32>,
        %mul3A_634 = arith.constant 8 : i32
        %mul3A_635 = arith.muli %scan3A_285, %mul3A_634 : i32
        %add3A_636 = arith.constant 3 : i32
        %add3A_637 = arith.addi %mul3A_635, %add3A_636 : i32
        %get3A_638 = arith.constant 0 : i32
        %get3A_639 = arith.constant 0 : i32
        %get3A_640 = tpu.memref_slice %arg6[%scan3A_95, %get3A_638, %get3A_639] : memref<4x400x64xf32, #tpu.memory_space<vmem>> -> memref<1x400x64xf32, #tpu.memory_space<vmem>>
        %get3A_641 = tpu.memref_squeeze %get3A_640 : memref<1x400x64xf32, #tpu.memory_space<vmem>> -> memref<400x64xf32, #tpu.memory_space<vmem>>
        %get3A_642 = arith.index_cast %add3A_637 : i32 to index
        %get3A_643 = arith.constant 32 : index
        %get3A_644 = tpu.vector_load %get3A_641[%get3A_642, %get3A_643] {strides = array<i32>} : memref<400x64xf32, #tpu.memory_space<vmem>>, vector<16xf32>,
        %mul3A_645 = arith.constant 8.000000e+00 : f32
        %mul3A_646 = vector.broadcast %mul3A_645 : f32 to vector<16xf32>
        %mul3A_647 = arith.mulf %get3A_644, %mul3A_646 : vector<16xf32>
        %mul3A_648 = arith.constant 8 : i32
        %mul3A_649 = arith.muli %scan3A_285, %mul3A_648 : i32
        %add3A_650 = arith.constant 3 : i32
        %add3A_651 = arith.addi %mul3A_649, %add3A_650 : i32
        %swap3A_652 = arith.constant 0 : i32
        %swap3A_653 = arith.constant 0 : i32
        %swap3A_654 = tpu.memref_slice %arg6[%scan3A_95, %swap3A_652, %swap3A_653] : memref<4x400x64xf32, #tpu.memory_space<vmem>> -> memref<1x400x64xf32, #tpu.memory_space<vmem>>
        %swap3A_655 = tpu.memref_squeeze %swap3A_654 : memref<1x400x64xf32, #tpu.memory_space<vmem>> -> memref<400x64xf32, #tpu.memory_space<vmem>>
        %swap3A_656 = arith.index_cast %add3A_651 : i32 to index
        %swap3A_657 = arith.constant 32 : index
        %swap3A_658 = tpu.vector_load %swap3A_655[%swap3A_656, %swap3A_657] {strides = array<i32>} : memref<400x64xf32, #tpu.memory_space<vmem>>, vector<16xf32>,
        tpu.vector_store %swap3A_655[%swap3A_656, %swap3A_657], %mul3A_647 {strides = array<i32>} : memref<400x64xf32, #tpu.memory_space<vmem>>, vector<16xf32>,
        %mul3A_659 = arith.constant 8 : i32
        %mul3A_660 = arith.muli %scan3A_285, %mul3A_659 : i32
        %add3A_661 = arith.constant 3 : i32
        %add3A_662 = arith.addi %mul3A_660, %add3A_661 : i32
        %get3A_663 = arith.constant 0 : i32
        %get3A_664 = arith.constant 0 : i32
        %get3A_665 = tpu.memref_slice %arg6[%scan3A_95, %get3A_663, %get3A_664] : memref<4x400x64xf32, #tpu.memory_space<vmem>> -> memref<1x400x64xf32, #tpu.memory_space<vmem>>
        %get3A_666 = tpu.memref_squeeze %get3A_665 : memref<1x400x64xf32, #tpu.memory_space<vmem>> -> memref<400x64xf32, #tpu.memory_space<vmem>>
        %get3A_667 = arith.index_cast %add3A_662 : i32 to index
        %get3A_668 = arith.constant 48 : index
        %get3A_669 = tpu.vector_load %get3A_666[%get3A_667, %get3A_668] {strides = array<i32>} : memref<400x64xf32, #tpu.memory_space<vmem>>, vector<16xf32>,
        %mul3A_670 = arith.constant 8.000000e+00 : f32
        %mul3A_671 = vector.broadcast %mul3A_670 : f32 to vector<16xf32>
        %mul3A_672 = arith.mulf %get3A_669, %mul3A_671 : vector<16xf32>
        %mul3A_673 = arith.constant 8 : i32
        %mul3A_674 = arith.muli %scan3A_285, %mul3A_673 : i32
        %add3A_675 = arith.constant 3 : i32
        %add3A_676 = arith.addi %mul3A_674, %add3A_675 : i32
        %swap3A_677 = arith.constant 0 : i32
        %swap3A_678 = arith.constant 0 : i32
        %swap3A_679 = tpu.memref_slice %arg6[%scan3A_95, %swap3A_677, %swap3A_678] : memref<4x400x64xf32, #tpu.memory_space<vmem>> -> memref<1x400x64xf32, #tpu.memory_space<vmem>>
        %swap3A_680 = tpu.memref_squeeze %swap3A_679 : memref<1x400x64xf32, #tpu.memory_space<vmem>> -> memref<400x64xf32, #tpu.memory_space<vmem>>
        %swap3A_681 = arith.index_cast %add3A_676 : i32 to index
        %swap3A_682 = arith.constant 48 : index
        %swap3A_683 = tpu.vector_load %swap3A_680[%swap3A_681, %swap3A_682] {strides = array<i32>} : memref<400x64xf32, #tpu.memory_space<vmem>>, vector<16xf32>,
        tpu.vector_store %swap3A_680[%swap3A_681, %swap3A_682], %mul3A_672 {strides = array<i32>} : memref<400x64xf32, #tpu.memory_space<vmem>>, vector<16xf32>,
        %mul3A_684 = arith.constant 8 : i32
        %mul3A_685 = arith.muli %scan3A_285, %mul3A_684 : i32
        %add3A_686 = arith.constant 4 : i32
        %add3A_687 = arith.addi %mul3A_685, %add3A_686 : i32
        %get3A_688 = arith.constant 0 : i32
        %get3A_689 = arith.constant 0 : i32
        %get3A_690 = tpu.memref_slice %arg6[%scan3A_95, %get3A_688, %get3A_689] : memref<4x400x64xf32, #tpu.memory_space<vmem>> -> memref<1x400x64xf32, #tpu.memory_space<vmem>>
        %get3A_691 = tpu.memref_squeeze %get3A_690 : memref<1x400x64xf32, #tpu.memory_space<vmem>> -> memref<400x64xf32, #tpu.memory_space<vmem>>
        %get3A_692 = arith.index_cast %add3A_687 : i32 to index
        %get3A_693 = arith.constant 0 : index
        %get3A_694 = tpu.vector_load %get3A_691[%get3A_692, %get3A_693] {strides = array<i32>} : memref<400x64xf32, #tpu.memory_space<vmem>>, vector<16xf32>,
        %mul3A_695 = arith.constant 8.000000e+00 : f32
        %mul3A_696 = vector.broadcast %mul3A_695 : f32 to vector<16xf32>
        %mul3A_697 = arith.mulf %get3A_694, %mul3A_696 : vector<16xf32>
        %mul3A_698 = arith.constant 8 : i32
        %mul3A_699 = arith.muli %scan3A_285, %mul3A_698 : i32
        %add3A_700 = arith.constant 4 : i32
        %add3A_701 = arith.addi %mul3A_699, %add3A_700 : i32
        %swap3A_702 = arith.constant 0 : i32
        %swap3A_703 = arith.constant 0 : i32
        %swap3A_704 = tpu.memref_slice %arg6[%scan3A_95, %swap3A_702, %swap3A_703] : memref<4x400x64xf32, #tpu.memory_space<vmem>> -> memref<1x400x64xf32, #tpu.memory_space<vmem>>
        %swap3A_705 = tpu.memref_squeeze %swap3A_704 : memref<1x400x64xf32, #tpu.memory_space<vmem>> -> memref<400x64xf32, #tpu.memory_space<vmem>>
        %swap3A_706 = arith.index_cast %add3A_701 : i32 to index
        %swap3A_707 = arith.constant 0 : index
        %swap3A_708 = tpu.vector_load %swap3A_705[%swap3A_706, %swap3A_707] {strides = array<i32>} : memref<400x64xf32, #tpu.memory_space<vmem>>, vector<16xf32>,
        tpu.vector_store %swap3A_705[%swap3A_706, %swap3A_707], %mul3A_697 {strides = array<i32>} : memref<400x64xf32, #tpu.memory_space<vmem>>, vector<16xf32>,
        %mul3A_709 = arith.constant 8 : i32
        %mul3A_710 = arith.muli %scan3A_285, %mul3A_709 : i32
        %add3A_711 = arith.constant 4 : i32
        %add3A_712 = arith.addi %mul3A_710, %add3A_711 : i32
        %get3A_713 = arith.constant 0 : i32
        %get3A_714 = arith.constant 0 : i32
        %get3A_715 = tpu.memref_slice %arg6[%scan3A_95, %get3A_713, %get3A_714] : memref<4x400x64xf32, #tpu.memory_space<vmem>> -> memref<1x400x64xf32, #tpu.memory_space<vmem>>
        %get3A_716 = tpu.memref_squeeze %get3A_715 : memref<1x400x64xf32, #tpu.memory_space<vmem>> -> memref<400x64xf32, #tpu.memory_space<vmem>>
        %get3A_717 = arith.index_cast %add3A_712 : i32 to index
        %get3A_718 = arith.constant 16 : index
        %get3A_719 = tpu.vector_load %get3A_716[%get3A_717, %get3A_718] {strides = array<i32>} : memref<400x64xf32, #tpu.memory_space<vmem>>, vector<16xf32>,
        %mul3A_720 = arith.constant 8.000000e+00 : f32
        %mul3A_721 = vector.broadcast %mul3A_720 : f32 to vector<16xf32>
        %mul3A_722 = arith.mulf %get3A_719, %mul3A_721 : vector<16xf32>
        %mul3A_723 = arith.constant 8 : i32
        %mul3A_724 = arith.muli %scan3A_285, %mul3A_723 : i32
        %add3A_725 = arith.constant 4 : i32
        %add3A_726 = arith.addi %mul3A_724, %add3A_725 : i32
        %swap3A_727 = arith.constant 0 : i32
        %swap3A_728 = arith.constant 0 : i32
        %swap3A_729 = tpu.memref_slice %arg6[%scan3A_95, %swap3A_727, %swap3A_728] : memref<4x400x64xf32, #tpu.memory_space<vmem>> -> memref<1x400x64xf32, #tpu.memory_space<vmem>>
        %swap3A_730 = tpu.memref_squeeze %swap3A_729 : memref<1x400x64xf32, #tpu.memory_space<vmem>> -> memref<400x64xf32, #tpu.memory_space<vmem>>
        %swap3A_731 = arith.index_cast %add3A_726 : i32 to index
        %swap3A_732 = arith.constant 16 : index
        %swap3A_733 = tpu.vector_load %swap3A_730[%swap3A_731, %swap3A_732] {strides = array<i32>} : memref<400x64xf32, #tpu.memory_space<vmem>>, vector<16xf32>,
        tpu.vector_store %swap3A_730[%swap3A_731, %swap3A_732], %mul3A_722 {strides = array<i32>} : memref<400x64xf32, #tpu.memory_space<vmem>>, vector<16xf32>,
        %mul3A_734 = arith.constant 8 : i32
        %mul3A_735 = arith.muli %scan3A_285, %mul3A_734 : i32
        %add3A_736 = arith.constant 4 : i32
        %add3A_737 = arith.addi %mul3A_735, %add3A_736 : i32
        %get3A_738 = arith.constant 0 : i32
        %get3A_739 = arith.constant 0 : i32
        %get3A_740 = tpu.memref_slice %arg6[%scan3A_95, %get3A_738, %get3A_739] : memref<4x400x64xf32, #tpu.memory_space<vmem>> -> memref<1x400x64xf32, #tpu.memory_space<vmem>>
        %get3A_741 = tpu.memref_squeeze %get3A_740 : memref<1x400x64xf32, #tpu.memory_space<vmem>> -> memref<400x64xf32, #tpu.memory_space<vmem>>
        %get3A_742 = arith.index_cast %add3A_737 : i32 to index
        %get3A_743 = arith.constant 32 : index
        %get3A_744 = tpu.vector_load %get3A_741[%get3A_742, %get3A_743] {strides = array<i32>} : memref<400x64xf32, #tpu.memory_space<vmem>>, vector<16xf32>,
        %mul3A_745 = arith.constant 8.000000e+00 : f32
        %mul3A_746 = vector.broadcast %mul3A_745 : f32 to vector<16xf32>
        %mul3A_747 = arith.mulf %get3A_744, %mul3A_746 : vector<16xf32>
        %mul3A_748 = arith.constant 8 : i32
        %mul3A_749 = arith.muli %scan3A_285, %mul3A_748 : i32
        %add3A_750 = arith.constant 4 : i32
        %add3A_751 = arith.addi %mul3A_749, %add3A_750 : i32
        %swap3A_752 = arith.constant 0 : i32
        %swap3A_753 = arith.constant 0 : i32
        %swap3A_754 = tpu.memref_slice %arg6[%scan3A_95, %swap3A_752, %swap3A_753] : memref<4x400x64xf32, #tpu.memory_space<vmem>> -> memref<1x400x64xf32, #tpu.memory_space<vmem>>
        %swap3A_755 = tpu.memref_squeeze %swap3A_754 : memref<1x400x64xf32, #tpu.memory_space<vmem>> -> memref<400x64xf32, #tpu.memory_space<vmem>>
        %swap3A_756 = arith.index_cast %add3A_751 : i32 to index
        %swap3A_757 = arith.constant 32 : index
        %swap3A_758 = tpu.vector_load %swap3A_755[%swap3A_756, %swap3A_757] {strides = array<i32>} : memref<400x64xf32, #tpu.memory_space<vmem>>, vector<16xf32>,
        tpu.vector_store %swap3A_755[%swap3A_756, %swap3A_757], %mul3A_747 {strides = array<i32>} : memref<400x64xf32, #tpu.memory_space<vmem>>, vector<16xf32>,
        %mul3A_759 = arith.constant 8 : i32
        %mul3A_760 = arith.muli %scan3A_285, %mul3A_759 : i32
        %add3A_761 = arith.constant 4 : i32
        %add3A_762 = arith.addi %mul3A_760, %add3A_761 : i32
        %get3A_763 = arith.constant 0 : i32
        %get3A_764 = arith.constant 0 : i32
        %get3A_765 = tpu.memref_slice %arg6[%scan3A_95, %get3A_763, %get3A_764] : memref<4x400x64xf32, #tpu.memory_space<vmem>> -> memref<1x400x64xf32, #tpu.memory_space<vmem>>
        %get3A_766 = tpu.memref_squeeze %get3A_765 : memref<1x400x64xf32, #tpu.memory_space<vmem>> -> memref<400x64xf32, #tpu.memory_space<vmem>>
        %get3A_767 = arith.index_cast %add3A_762 : i32 to index
        %get3A_768 = arith.constant 48 : index
        %get3A_769 = tpu.vector_load %get3A_766[%get3A_767, %get3A_768] {strides = array<i32>} : memref<400x64xf32, #tpu.memory_space<vmem>>, vector<16xf32>,
        %mul3A_770 = arith.constant 8.000000e+00 : f32
        %mul3A_771 = vector.broadcast %mul3A_770 : f32 to vector<16xf32>
        %mul3A_772 = arith.mulf %get3A_769, %mul3A_771 : vector<16xf32>
        %mul3A_773 = arith.constant 8 : i32
        %mul3A_774 = arith.muli %scan3A_285, %mul3A_773 : i32
        %add3A_775 = arith.constant 4 : i32
        %add3A_776 = arith.addi %mul3A_774, %add3A_775 : i32
        %swap3A_777 = arith.constant 0 : i32
        %swap3A_778 = arith.constant 0 : i32
        %swap3A_779 = tpu.memref_slice %arg6[%scan3A_95, %swap3A_777, %swap3A_778] : memref<4x400x64xf32, #tpu.memory_space<vmem>> -> memref<1x400x64xf32, #tpu.memory_space<vmem>>
        %swap3A_780 = tpu.memref_squeeze %swap3A_779 : memref<1x400x64xf32, #tpu.memory_space<vmem>> -> memref<400x64xf32, #tpu.memory_space<vmem>>
        %swap3A_781 = arith.index_cast %add3A_776 : i32 to index
        %swap3A_782 = arith.constant 48 : index
        %swap3A_783 = tpu.vector_load %swap3A_780[%swap3A_781, %swap3A_782] {strides = array<i32>} : memref<400x64xf32, #tpu.memory_space<vmem>>, vector<16xf32>,
        tpu.vector_store %swap3A_780[%swap3A_781, %swap3A_782], %mul3A_772 {strides = array<i32>} : memref<400x64xf32, #tpu.memory_space<vmem>>, vector<16xf32>,
        %mul3A_784 = arith.constant 8 : i32
        %mul3A_785 = arith.muli %scan3A_285, %mul3A_784 : i32
        %add3A_786 = arith.constant 5 : i32
        %add3A_787 = arith.addi %mul3A_785, %add3A_786 : i32
        %get3A_788 = arith.constant 0 : i32
        %get3A_789 = arith.constant 0 : i32
        %get3A_790 = tpu.memref_slice %arg6[%scan3A_95, %get3A_788, %get3A_789] : memref<4x400x64xf32, #tpu.memory_space<vmem>> -> memref<1x400x64xf32, #tpu.memory_space<vmem>>
        %get3A_791 = tpu.memref_squeeze %get3A_790 : memref<1x400x64xf32, #tpu.memory_space<vmem>> -> memref<400x64xf32, #tpu.memory_space<vmem>>
        %get3A_792 = arith.index_cast %add3A_787 : i32 to index
        %get3A_793 = arith.constant 0 : index
        %get3A_794 = tpu.vector_load %get3A_791[%get3A_792, %get3A_793] {strides = array<i32>} : memref<400x64xf32, #tpu.memory_space<vmem>>, vector<16xf32>,
        %mul3A_795 = arith.constant 8.000000e+00 : f32
        %mul3A_796 = vector.broadcast %mul3A_795 : f32 to vector<16xf32>
        %mul3A_797 = arith.mulf %get3A_794, %mul3A_796 : vector<16xf32>
        %mul3A_798 = arith.constant 8 : i32
        %mul3A_799 = arith.muli %scan3A_285, %mul3A_798 : i32
        %add3A_800 = arith.constant 5 : i32
        %add3A_801 = arith.addi %mul3A_799, %add3A_800 : i32
        %swap3A_802 = arith.constant 0 : i32
        %swap3A_803 = arith.constant 0 : i32
        %swap3A_804 = tpu.memref_slice %arg6[%scan3A_95, %swap3A_802, %swap3A_803] : memref<4x400x64xf32, #tpu.memory_space<vmem>> -> memref<1x400x64xf32, #tpu.memory_space<vmem>>
        %swap3A_805 = tpu.memref_squeeze %swap3A_804 : memref<1x400x64xf32, #tpu.memory_space<vmem>> -> memref<400x64xf32, #tpu.memory_space<vmem>>
        %swap3A_806 = arith.index_cast %add3A_801 : i32 to index
        %swap3A_807 = arith.constant 0 : index
        %swap3A_808 = tpu.vector_load %swap3A_805[%swap3A_806, %swap3A_807] {strides = array<i32>} : memref<400x64xf32, #tpu.memory_space<vmem>>, vector<16xf32>,
        tpu.vector_store %swap3A_805[%swap3A_806, %swap3A_807], %mul3A_797 {strides = array<i32>} : memref<400x64xf32, #tpu.memory_space<vmem>>, vector<16xf32>,
        %mul3A_809 = arith.constant 8 : i32
        %mul3A_810 = arith.muli %scan3A_285, %mul3A_809 : i32
        %add3A_811 = arith.constant 5 : i32
        %add3A_812 = arith.addi %mul3A_810, %add3A_811 : i32
        %get3A_813 = arith.constant 0 : i32
        %get3A_814 = arith.constant 0 : i32
        %get3A_815 = tpu.memref_slice %arg6[%scan3A_95, %get3A_813, %get3A_814] : memref<4x400x64xf32, #tpu.memory_space<vmem>> -> memref<1x400x64xf32, #tpu.memory_space<vmem>>
        %get3A_816 = tpu.memref_squeeze %get3A_815 : memref<1x400x64xf32, #tpu.memory_space<vmem>> -> memref<400x64xf32, #tpu.memory_space<vmem>>
        %get3A_817 = arith.index_cast %add3A_812 : i32 to index
        %get3A_818 = arith.constant 16 : index
        %get3A_819 = tpu.vector_load %get3A_816[%get3A_817, %get3A_818] {strides = array<i32>} : memref<400x64xf32, #tpu.memory_space<vmem>>, vector<16xf32>,
        %mul3A_820 = arith.constant 8.000000e+00 : f32
        %mul3A_821 = vector.broadcast %mul3A_820 : f32 to vector<16xf32>
        %mul3A_822 = arith.mulf %get3A_819, %mul3A_821 : vector<16xf32>
        %mul3A_823 = arith.constant 8 : i32
        %mul3A_824 = arith.muli %scan3A_285, %mul3A_823 : i32
        %add3A_825 = arith.constant 5 : i32
        %add3A_826 = arith.addi %mul3A_824, %add3A_825 : i32
        %swap3A_827 = arith.constant 0 : i32
        %swap3A_828 = arith.constant 0 : i32
        %swap3A_829 = tpu.memref_slice %arg6[%scan3A_95, %swap3A_827, %swap3A_828] : memref<4x400x64xf32, #tpu.memory_space<vmem>> -> memref<1x400x64xf32, #tpu.memory_space<vmem>>
        %swap3A_830 = tpu.memref_squeeze %swap3A_829 : memref<1x400x64xf32, #tpu.memory_space<vmem>> -> memref<400x64xf32, #tpu.memory_space<vmem>>
        %swap3A_831 = arith.index_cast %add3A_826 : i32 to index
        %swap3A_832 = arith.constant 16 : index
        %swap3A_833 = tpu.vector_load %swap3A_830[%swap3A_831, %swap3A_832] {strides = array<i32>} : memref<400x64xf32, #tpu.memory_space<vmem>>, vector<16xf32>,
        tpu.vector_store %swap3A_830[%swap3A_831, %swap3A_832], %mul3A_822 {strides = array<i32>} : memref<400x64xf32, #tpu.memory_space<vmem>>, vector<16xf32>,
        %mul3A_834 = arith.constant 8 : i32
        %mul3A_835 = arith.muli %scan3A_285, %mul3A_834 : i32
        %add3A_836 = arith.constant 5 : i32
        %add3A_837 = arith.addi %mul3A_835, %add3A_836 : i32
        %get3A_838 = arith.constant 0 : i32
        %get3A_839 = arith.constant 0 : i32
        %get3A_840 = tpu.memref_slice %arg6[%scan3A_95, %get3A_838, %get3A_839] : memref<4x400x64xf32, #tpu.memory_space<vmem>> -> memref<1x400x64xf32, #tpu.memory_space<vmem>>
        %get3A_841 = tpu.memref_squeeze %get3A_840 : memref<1x400x64xf32, #tpu.memory_space<vmem>> -> memref<400x64xf32, #tpu.memory_space<vmem>>
        %get3A_842 = arith.index_cast %add3A_837 : i32 to index
        %get3A_843 = arith.constant 32 : index
        %get3A_844 = tpu.vector_load %get3A_841[%get3A_842, %get3A_843] {strides = array<i32>} : memref<400x64xf32, #tpu.memory_space<vmem>>, vector<16xf32>,
        %mul3A_845 = arith.constant 8.000000e+00 : f32
        %mul3A_846 = vector.broadcast %mul3A_845 : f32 to vector<16xf32>
        %mul3A_847 = arith.mulf %get3A_844, %mul3A_846 : vector<16xf32>
        %mul3A_848 = arith.constant 8 : i32
        %mul3A_849 = arith.muli %scan3A_285, %mul3A_848 : i32
        %add3A_850 = arith.constant 5 : i32
        %add3A_851 = arith.addi %mul3A_849, %add3A_850 : i32
        %swap3A_852 = arith.constant 0 : i32
        %swap3A_853 = arith.constant 0 : i32
        %swap3A_854 = tpu.memref_slice %arg6[%scan3A_95, %swap3A_852, %swap3A_853] : memref<4x400x64xf32, #tpu.memory_space<vmem>> -> memref<1x400x64xf32, #tpu.memory_space<vmem>>
        %swap3A_855 = tpu.memref_squeeze %swap3A_854 : memref<1x400x64xf32, #tpu.memory_space<vmem>> -> memref<400x64xf32, #tpu.memory_space<vmem>>
        %swap3A_856 = arith.index_cast %add3A_851 : i32 to index
        %swap3A_857 = arith.constant 32 : index
        %swap3A_858 = tpu.vector_load %swap3A_855[%swap3A_856, %swap3A_857] {strides = array<i32>} : memref<400x64xf32, #tpu.memory_space<vmem>>, vector<16xf32>,
        tpu.vector_store %swap3A_855[%swap3A_856, %swap3A_857], %mul3A_847 {strides = array<i32>} : memref<400x64xf32, #tpu.memory_space<vmem>>, vector<16xf32>,
        %mul3A_859 = arith.constant 8 : i32
        %mul3A_860 = arith.muli %scan3A_285, %mul3A_859 : i32
        %add3A_861 = arith.constant 5 : i32
        %add3A_862 = arith.addi %mul3A_860, %add3A_861 : i32
        %get3A_863 = arith.constant 0 : i32
        %get3A_864 = arith.constant 0 : i32
        %get3A_865 = tpu.memref_slice %arg6[%scan3A_95, %get3A_863, %get3A_864] : memref<4x400x64xf32, #tpu.memory_space<vmem>> -> memref<1x400x64xf32, #tpu.memory_space<vmem>>
        %get3A_866 = tpu.memref_squeeze %get3A_865 : memref<1x400x64xf32, #tpu.memory_space<vmem>> -> memref<400x64xf32, #tpu.memory_space<vmem>>
        %get3A_867 = arith.index_cast %add3A_862 : i32 to index
        %get3A_868 = arith.constant 48 : index
        %get3A_869 = tpu.vector_load %get3A_866[%get3A_867, %get3A_868] {strides = array<i32>} : memref<400x64xf32, #tpu.memory_space<vmem>>, vector<16xf32>,
        %mul3A_870 = arith.constant 8.000000e+00 : f32
        %mul3A_871 = vector.broadcast %mul3A_870 : f32 to vector<16xf32>
        %mul3A_872 = arith.mulf %get3A_869, %mul3A_871 : vector<16xf32>
        %mul3A_873 = arith.constant 8 : i32
        %mul3A_874 = arith.muli %scan3A_285, %mul3A_873 : i32
        %add3A_875 = arith.constant 5 : i32
        %add3A_876 = arith.addi %mul3A_874, %add3A_875 : i32
        %swap3A_877 = arith.constant 0 : i32
        %swap3A_878 = arith.constant 0 : i32
        %swap3A_879 = tpu.memref_slice %arg6[%scan3A_95, %swap3A_877, %swap3A_878] : memref<4x400x64xf32, #tpu.memory_space<vmem>> -> memref<1x400x64xf32, #tpu.memory_space<vmem>>
        %swap3A_880 = tpu.memref_squeeze %swap3A_879 : memref<1x400x64xf32, #tpu.memory_space<vmem>> -> memref<400x64xf32, #tpu.memory_space<vmem>>
        %swap3A_881 = arith.index_cast %add3A_876 : i32 to index
        %swap3A_882 = arith.constant 48 : index
        %swap3A_883 = tpu.vector_load %swap3A_880[%swap3A_881, %swap3A_882] {strides = array<i32>} : memref<400x64xf32, #tpu.memory_space<vmem>>, vector<16xf32>,
        tpu.vector_store %swap3A_880[%swap3A_881, %swap3A_882], %mul3A_872 {strides = array<i32>} : memref<400x64xf32, #tpu.memory_space<vmem>>, vector<16xf32>,
        %mul3A_884 = arith.constant 8 : i32
        %mul3A_885 = arith.muli %scan3A_285, %mul3A_884 : i32
        %add3A_886 = arith.constant 6 : i32
        %add3A_887 = arith.addi %mul3A_885, %add3A_886 : i32
        %get3A_888 = arith.constant 0 : i32
        %get3A_889 = arith.constant 0 : i32
        %get3A_890 = tpu.memref_slice %arg6[%scan3A_95, %get3A_888, %get3A_889] : memref<4x400x64xf32, #tpu.memory_space<vmem>> -> memref<1x400x64xf32, #tpu.memory_space<vmem>>
        %get3A_891 = tpu.memref_squeeze %get3A_890 : memref<1x400x64xf32, #tpu.memory_space<vmem>> -> memref<400x64xf32, #tpu.memory_space<vmem>>
        %get3A_892 = arith.index_cast %add3A_887 : i32 to index
        %get3A_893 = arith.constant 0 : index
        %get3A_894 = tpu.vector_load %get3A_891[%get3A_892, %get3A_893] {strides = array<i32>} : memref<400x64xf32, #tpu.memory_space<vmem>>, vector<16xf32>,
        %mul3A_895 = arith.constant 8.000000e+00 : f32
        %mul3A_896 = vector.broadcast %mul3A_895 : f32 to vector<16xf32>
        %mul3A_897 = arith.mulf %get3A_894, %mul3A_896 : vector<16xf32>
        %mul3A_898 = arith.constant 8 : i32
        %mul3A_899 = arith.muli %scan3A_285, %mul3A_898 : i32
        %add3A_900 = arith.constant 6 : i32
        %add3A_901 = arith.addi %mul3A_899, %add3A_900 : i32
        %swap3A_902 = arith.constant 0 : i32
        %swap3A_903 = arith.constant 0 : i32
        %swap3A_904 = tpu.memref_slice %arg6[%scan3A_95, %swap3A_902, %swap3A_903] : memref<4x400x64xf32, #tpu.memory_space<vmem>> -> memref<1x400x64xf32, #tpu.memory_space<vmem>>
        %swap3A_905 = tpu.memref_squeeze %swap3A_904 : memref<1x400x64xf32, #tpu.memory_space<vmem>> -> memref<400x64xf32, #tpu.memory_space<vmem>>
        %swap3A_906 = arith.index_cast %add3A_901 : i32 to index
        %swap3A_907 = arith.constant 0 : index
        %swap3A_908 = tpu.vector_load %swap3A_905[%swap3A_906, %swap3A_907] {strides = array<i32>} : memref<400x64xf32, #tpu.memory_space<vmem>>, vector<16xf32>,
        tpu.vector_store %swap3A_905[%swap3A_906, %swap3A_907], %mul3A_897 {strides = array<i32>} : memref<400x64xf32, #tpu.memory_space<vmem>>, vector<16xf32>,
        %mul3A_909 = arith.constant 8 : i32
        %mul3A_910 = arith.muli %scan3A_285, %mul3A_909 : i32
        %add3A_911 = arith.constant 6 : i32
        %add3A_912 = arith.addi %mul3A_910, %add3A_911 : i32
        %get3A_913 = arith.constant 0 : i32
        %get3A_914 = arith.constant 0 : i32
        %get3A_915 = tpu.memref_slice %arg6[%scan3A_95, %get3A_913, %get3A_914] : memref<4x400x64xf32, #tpu.memory_space<vmem>> -> memref<1x400x64xf32, #tpu.memory_space<vmem>>
        %get3A_916 = tpu.memref_squeeze %get3A_915 : memref<1x400x64xf32, #tpu.memory_space<vmem>> -> memref<400x64xf32, #tpu.memory_space<vmem>>
        %get3A_917 = arith.index_cast %add3A_912 : i32 to index
        %get3A_918 = arith.constant 16 : index
        %get3A_919 = tpu.vector_load %get3A_916[%get3A_917, %get3A_918] {strides = array<i32>} : memref<400x64xf32, #tpu.memory_space<vmem>>, vector<16xf32>,
        %mul3A_920 = arith.constant 8.000000e+00 : f32
        %mul3A_921 = vector.broadcast %mul3A_920 : f32 to vector<16xf32>
        %mul3A_922 = arith.mulf %get3A_919, %mul3A_921 : vector<16xf32>
        %mul3A_923 = arith.constant 8 : i32
        %mul3A_924 = arith.muli %scan3A_285, %mul3A_923 : i32
        %add3A_925 = arith.constant 6 : i32
        %add3A_926 = arith.addi %mul3A_924, %add3A_925 : i32
        %swap3A_927 = arith.constant 0 : i32
        %swap3A_928 = arith.constant 0 : i32
        %swap3A_929 = tpu.memref_slice %arg6[%scan3A_95, %swap3A_927, %swap3A_928] : memref<4x400x64xf32, #tpu.memory_space<vmem>> -> memref<1x400x64xf32, #tpu.memory_space<vmem>>
        %swap3A_930 = tpu.memref_squeeze %swap3A_929 : memref<1x400x64xf32, #tpu.memory_space<vmem>> -> memref<400x64xf32, #tpu.memory_space<vmem>>
        %swap3A_931 = arith.index_cast %add3A_926 : i32 to index
        %swap3A_932 = arith.constant 16 : index
        %swap3A_933 = tpu.vector_load %swap3A_930[%swap3A_931, %swap3A_932] {strides = array<i32>} : memref<400x64xf32, #tpu.memory_space<vmem>>, vector<16xf32>,
        tpu.vector_store %swap3A_930[%swap3A_931, %swap3A_932], %mul3A_922 {strides = array<i32>} : memref<400x64xf32, #tpu.memory_space<vmem>>, vector<16xf32>,
        %mul3A_934 = arith.constant 8 : i32
        %mul3A_935 = arith.muli %scan3A_285, %mul3A_934 : i32
        %add3A_936 = arith.constant 6 : i32
        %add3A_937 = arith.addi %mul3A_935, %add3A_936 : i32
        %get3A_938 = arith.constant 0 : i32
        %get3A_939 = arith.constant 0 : i32
        %get3A_940 = tpu.memref_slice %arg6[%scan3A_95, %get3A_938, %get3A_939] : memref<4x400x64xf32, #tpu.memory_space<vmem>> -> memref<1x400x64xf32, #tpu.memory_space<vmem>>
        %get3A_941 = tpu.memref_squeeze %get3A_940 : memref<1x400x64xf32, #tpu.memory_space<vmem>> -> memref<400x64xf32, #tpu.memory_space<vmem>>
        %get3A_942 = arith.index_cast %add3A_937 : i32 to index
        %get3A_943 = arith.constant 32 : index
        %get3A_944 = tpu.vector_load %get3A_941[%get3A_942, %get3A_943] {strides = array<i32>} : memref<400x64xf32, #tpu.memory_space<vmem>>, vector<16xf32>,
        %mul3A_945 = arith.constant 8.000000e+00 : f32
        %mul3A_946 = vector.broadcast %mul3A_945 : f32 to vector<16xf32>
        %mul3A_947 = arith.mulf %get3A_944, %mul3A_946 : vector<16xf32>
        %mul3A_948 = arith.constant 8 : i32
        %mul3A_949 = arith.muli %scan3A_285, %mul3A_948 : i32
        %add3A_950 = arith.constant 6 : i32
        %add3A_951 = arith.addi %mul3A_949, %add3A_950 : i32
        %swap3A_952 = arith.constant 0 : i32
        %swap3A_953 = arith.constant 0 : i32
        %swap3A_954 = tpu.memref_slice %arg6[%scan3A_95, %swap3A_952, %swap3A_953] : memref<4x400x64xf32, #tpu.memory_space<vmem>> -> memref<1x400x64xf32, #tpu.memory_space<vmem>>
        %swap3A_955 = tpu.memref_squeeze %swap3A_954 : memref<1x400x64xf32, #tpu.memory_space<vmem>> -> memref<400x64xf32, #tpu.memory_space<vmem>>
        %swap3A_956 = arith.index_cast %add3A_951 : i32 to index
        %swap3A_957 = arith.constant 32 : index
        %swap3A_958 = tpu.vector_load %swap3A_955[%swap3A_956, %swap3A_957] {strides = array<i32>} : memref<400x64xf32, #tpu.memory_space<vmem>>, vector<16xf32>,
        tpu.vector_store %swap3A_955[%swap3A_956, %swap3A_957], %mul3A_947 {strides = array<i32>} : memref<400x64xf32, #tpu.memory_space<vmem>>, vector<16xf32>,
        %mul3A_959 = arith.constant 8 : i32
        %mul3A_960 = arith.muli %scan3A_285, %mul3A_959 : i32
        %add3A_961 = arith.constant 6 : i32
        %add3A_962 = arith.addi %mul3A_960, %add3A_961 : i32
        %get3A_963 = arith.constant 0 : i32
        %get3A_964 = arith.constant 0 : i32
        %get3A_965 = tpu.memref_slice %arg6[%scan3A_95, %get3A_963, %get3A_964] : memref<4x400x64xf32, #tpu.memory_space<vmem>> -> memref<1x400x64xf32, #tpu.memory_space<vmem>>
        %get3A_966 = tpu.memref_squeeze %get3A_965 : memref<1x400x64xf32, #tpu.memory_space<vmem>> -> memref<400x64xf32, #tpu.memory_space<vmem>>
        %get3A_967 = arith.index_cast %add3A_962 : i32 to index
        %get3A_968 = arith.constant 48 : index
        %get3A_969 = tpu.vector_load %get3A_966[%get3A_967, %get3A_968] {strides = array<i32>} : memref<400x64xf32, #tpu.memory_space<vmem>>, vector<16xf32>,
        %mul3A_970 = arith.constant 8.000000e+00 : f32
        %mul3A_971 = vector.broadcast %mul3A_970 : f32 to vector<16xf32>
        %mul3A_972 = arith.mulf %get3A_969, %mul3A_971 : vector<16xf32>
        %mul3A_973 = arith.constant 8 : i32
        %mul3A_974 = arith.muli %scan3A_285, %mul3A_973 : i32
        %add3A_975 = arith.constant 6 : i32
        %add3A_976 = arith.addi %mul3A_974, %add3A_975 : i32
        %swap3A_977 = arith.constant 0 : i32
        %swap3A_978 = arith.constant 0 : i32
        %swap3A_979 = tpu.memref_slice %arg6[%scan3A_95, %swap3A_977, %swap3A_978] : memref<4x400x64xf32, #tpu.memory_space<vmem>> -> memref<1x400x64xf32, #tpu.memory_space<vmem>>
        %swap3A_980 = tpu.memref_squeeze %swap3A_979 : memref<1x400x64xf32, #tpu.memory_space<vmem>> -> memref<400x64xf32, #tpu.memory_space<vmem>>
        %swap3A_981 = arith.index_cast %add3A_976 : i32 to index
        %swap3A_982 = arith.constant 48 : index
        %swap3A_983 = tpu.vector_load %swap3A_980[%swap3A_981, %swap3A_982] {strides = array<i32>} : memref<400x64xf32, #tpu.memory_space<vmem>>, vector<16xf32>,
        tpu.vector_store %swap3A_980[%swap3A_981, %swap3A_982], %mul3A_972 {strides = array<i32>} : memref<400x64xf32, #tpu.memory_space<vmem>>, vector<16xf32>,
        %mul3A_984 = arith.constant 8 : i32
        %mul3A_985 = arith.muli %scan3A_285, %mul3A_984 : i32
        %add3A_986 = arith.constant 7 : i32
        %add3A_987 = arith.addi %mul3A_985, %add3A_986 : i32
        %get3A_988 = arith.constant 0 : i32
        %get3A_989 = arith.constant 0 : i32
        %get3A_990 = tpu.memref_slice %arg6[%scan3A_95, %get3A_988, %get3A_989] : memref<4x400x64xf32, #tpu.memory_space<vmem>> -> memref<1x400x64xf32, #tpu.memory_space<vmem>>
        %get3A_991 = tpu.memref_squeeze %get3A_990 : memref<1x400x64xf32, #tpu.memory_space<vmem>> -> memref<400x64xf32, #tpu.memory_space<vmem>>
        %get3A_992 = arith.index_cast %add3A_987 : i32 to index
        %get3A_993 = arith.constant 0 : index
        %get3A_994 = tpu.vector_load %get3A_991[%get3A_992, %get3A_993] {strides = array<i32>} : memref<400x64xf32, #tpu.memory_space<vmem>>, vector<16xf32>,
        %mul3A_995 = arith.constant 8.000000e+00 : f32
        %mul3A_996 = vector.broadcast %mul3A_995 : f32 to vector<16xf32>
        %mul3A_997 = arith.mulf %get3A_994, %mul3A_996 : vector<16xf32>
        %mul3A_998 = arith.constant 8 : i32
        %mul3A_999 = arith.muli %scan3A_285, %mul3A_998 : i32
        %add3A_1000 = arith.constant 7 : i32
        %add3A_1001 = arith.addi %mul3A_999, %add3A_1000 : i32
        %swap3A_1002 = arith.constant 0 : i32
        %swap3A_1003 = arith.constant 0 : i32
        %swap3A_1004 = tpu.memref_slice %arg6[%scan3A_95, %swap3A_1002, %swap3A_1003] : memref<4x400x64xf32, #tpu.memory_space<vmem>> -> memref<1x400x64xf32, #tpu.memory_space<vmem>>
        %swap3A_1005 = tpu.memref_squeeze %swap3A_1004 : memref<1x400x64xf32, #tpu.memory_space<vmem>> -> memref<400x64xf32, #tpu.memory_space<vmem>>
        %swap3A_1006 = arith.index_cast %add3A_1001 : i32 to index
        %swap3A_1007 = arith.constant 0 : index
        %swap3A_1008 = tpu.vector_load %swap3A_1005[%swap3A_1006, %swap3A_1007] {strides = array<i32>} : memref<400x64xf32, #tpu.memory_space<vmem>>, vector<16xf32>,
        tpu.vector_store %swap3A_1005[%swap3A_1006, %swap3A_1007], %mul3A_997 {strides = array<i32>} : memref<400x64xf32, #tpu.memory_space<vmem>>, vector<16xf32>,
        %mul3A_1009 = arith.constant 8 : i32
        %mul3A_1010 = arith.muli %scan3A_285, %mul3A_1009 : i32
        %add3A_1011 = arith.constant 7 : i32
        %add3A_1012 = arith.addi %mul3A_1010, %add3A_1011 : i32
        %get3A_1013 = arith.constant 0 : i32
        %get3A_1014 = arith.constant 0 : i32
        %get3A_1015 = tpu.memref_slice %arg6[%scan3A_95, %get3A_1013, %get3A_1014] : memref<4x400x64xf32, #tpu.memory_space<vmem>> -> memref<1x400x64xf32, #tpu.memory_space<vmem>>
        %get3A_1016 = tpu.memref_squeeze %get3A_1015 : memref<1x400x64xf32, #tpu.memory_space<vmem>> -> memref<400x64xf32, #tpu.memory_space<vmem>>
        %get3A_1017 = arith.index_cast %add3A_1012 : i32 to index
        %get3A_1018 = arith.constant 16 : index
        %get3A_1019 = tpu.vector_load %get3A_1016[%get3A_1017, %get3A_1018] {strides = array<i32>} : memref<400x64xf32, #tpu.memory_space<vmem>>, vector<16xf32>,
        %mul3A_1020 = arith.constant 8.000000e+00 : f32
        %mul3A_1021 = vector.broadcast %mul3A_1020 : f32 to vector<16xf32>
        %mul3A_1022 = arith.mulf %get3A_1019, %mul3A_1021 : vector<16xf32>
        %mul3A_1023 = arith.constant 8 : i32
        %mul3A_1024 = arith.muli %scan3A_285, %mul3A_1023 : i32
        %add3A_1025 = arith.constant 7 : i32
        %add3A_1026 = arith.addi %mul3A_1024, %add3A_1025 : i32
        %swap3A_1027 = arith.constant 0 : i32
        %swap3A_1028 = arith.constant 0 : i32
        %swap3A_1029 = tpu.memref_slice %arg6[%scan3A_95, %swap3A_1027, %swap3A_1028] : memref<4x400x64xf32, #tpu.memory_space<vmem>> -> memref<1x400x64xf32, #tpu.memory_space<vmem>>
        %swap3A_1030 = tpu.memref_squeeze %swap3A_1029 : memref<1x400x64xf32, #tpu.memory_space<vmem>> -> memref<400x64xf32, #tpu.memory_space<vmem>>
        %swap3A_1031 = arith.index_cast %add3A_1026 : i32 to index
        %swap3A_1032 = arith.constant 16 : index
        %swap3A_1033 = tpu.vector_load %swap3A_1030[%swap3A_1031, %swap3A_1032] {strides = array<i32>} : memref<400x64xf32, #tpu.memory_space<vmem>>, vector<16xf32>,
        tpu.vector_store %swap3A_1030[%swap3A_1031, %swap3A_1032], %mul3A_1022 {strides = array<i32>} : memref<400x64xf32, #tpu.memory_space<vmem>>, vector<16xf32>,
        %mul3A_1034 = arith.constant 8 : i32
        %mul3A_1035 = arith.muli %scan3A_285, %mul3A_1034 : i32
        %add3A_1036 = arith.constant 7 : i32
        %add3A_1037 = arith.addi %mul3A_1035, %add3A_1036 : i32
        %get3A_1038 = arith.constant 0 : i32
        %get3A_1039 = arith.constant 0 : i32
        %get3A_1040 = tpu.memref_slice %arg6[%scan3A_95, %get3A_1038, %get3A_1039] : memref<4x400x64xf32, #tpu.memory_space<vmem>> -> memref<1x400x64xf32, #tpu.memory_space<vmem>>
        %get3A_1041 = tpu.memref_squeeze %get3A_1040 : memref<1x400x64xf32, #tpu.memory_space<vmem>> -> memref<400x64xf32, #tpu.memory_space<vmem>>
        %get3A_1042 = arith.index_cast %add3A_1037 : i32 to index
        %get3A_1043 = arith.constant 32 : index
        %get3A_1044 = tpu.vector_load %get3A_1041[%get3A_1042, %get3A_1043] {strides = array<i32>} : memref<400x64xf32, #tpu.memory_space<vmem>>, vector<16xf32>,
        %mul3A_1045 = arith.constant 8.000000e+00 : f32
        %mul3A_1046 = vector.broadcast %mul3A_1045 : f32 to vector<16xf32>
        %mul3A_1047 = arith.mulf %get3A_1044, %mul3A_1046 : vector<16xf32>
        %mul3A_1048 = arith.constant 8 : i32
        %mul3A_1049 = arith.muli %scan3A_285, %mul3A_1048 : i32
        %add3A_1050 = arith.constant 7 : i32
        %add3A_1051 = arith.addi %mul3A_1049, %add3A_1050 : i32
        %swap3A_1052 = arith.constant 0 : i32
        %swap3A_1053 = arith.constant 0 : i32
        %swap3A_1054 = tpu.memref_slice %arg6[%scan3A_95, %swap3A_1052, %swap3A_1053] : memref<4x400x64xf32, #tpu.memory_space<vmem>> -> memref<1x400x64xf32, #tpu.memory_space<vmem>>
        %swap3A_1055 = tpu.memref_squeeze %swap3A_1054 : memref<1x400x64xf32, #tpu.memory_space<vmem>> -> memref<400x64xf32, #tpu.memory_space<vmem>>
        %swap3A_1056 = arith.index_cast %add3A_1051 : i32 to index
        %swap3A_1057 = arith.constant 32 : index
        %swap3A_1058 = tpu.vector_load %swap3A_1055[%swap3A_1056, %swap3A_1057] {strides = array<i32>} : memref<400x64xf32, #tpu.memory_space<vmem>>, vector<16xf32>,
        tpu.vector_store %swap3A_1055[%swap3A_1056, %swap3A_1057], %mul3A_1047 {strides = array<i32>} : memref<400x64xf32, #tpu.memory_space<vmem>>, vector<16xf32>,
        %mul3A_1059 = arith.constant 8 : i32
        %mul3A_1060 = arith.muli %scan3A_285, %mul3A_1059 : i32
        %add3A_1061 = arith.constant 7 : i32
        %add3A_1062 = arith.addi %mul3A_1060, %add3A_1061 : i32
        %get3A_1063 = arith.constant 0 : i32
        %get3A_1064 = arith.constant 0 : i32
        %get3A_1065 = tpu.memref_slice %arg6[%scan3A_95, %get3A_1063, %get3A_1064] : memref<4x400x64xf32, #tpu.memory_space<vmem>> -> memref<1x400x64xf32, #tpu.memory_space<vmem>>
        %get3A_1066 = tpu.memref_squeeze %get3A_1065 : memref<1x400x64xf32, #tpu.memory_space<vmem>> -> memref<400x64xf32, #tpu.memory_space<vmem>>
        %get3A_1067 = arith.index_cast %add3A_1062 : i32 to index
        %get3A_1068 = arith.constant 48 : index
        %get3A_1069 = tpu.vector_load %get3A_1066[%get3A_1067, %get3A_1068] {strides = array<i32>} : memref<400x64xf32, #tpu.memory_space<vmem>>, vector<16xf32>,
        %mul3A_1070 = arith.constant 8.000000e+00 : f32
        %mul3A_1071 = vector.broadcast %mul3A_1070 : f32 to vector<16xf32>
        %mul3A_1072 = arith.mulf %get3A_1069, %mul3A_1071 : vector<16xf32>
        %mul3A_1073 = arith.constant 8 : i32
        %mul3A_1074 = arith.muli %scan3A_285, %mul3A_1073 : i32
        %add3A_1075 = arith.constant 7 : i32
        %add3A_1076 = arith.addi %mul3A_1074, %add3A_1075 : i32
        %swap3A_1077 = arith.constant 0 : i32
        %swap3A_1078 = arith.constant 0 : i32
        %swap3A_1079 = tpu.memref_slice %arg6[%scan3A_95, %swap3A_1077, %swap3A_1078] : memref<4x400x64xf32, #tpu.memory_space<vmem>> -> memref<1x400x64xf32, #tpu.memory_space<vmem>>
        %swap3A_1080 = tpu.memref_squeeze %swap3A_1079 : memref<1x400x64xf32, #tpu.memory_space<vmem>> -> memref<400x64xf32, #tpu.memory_space<vmem>>
        %swap3A_1081 = arith.index_cast %add3A_1076 : i32 to index
        %swap3A_1082 = arith.constant 48 : index
        %swap3A_1083 = tpu.vector_load %swap3A_1080[%swap3A_1081, %swap3A_1082] {strides = array<i32>} : memref<400x64xf32, #tpu.memory_space<vmem>>, vector<16xf32>,
        tpu.vector_store %swap3A_1080[%swap3A_1081, %swap3A_1082], %mul3A_1072 {strides = array<i32>} : memref<400x64xf32, #tpu.memory_space<vmem>>, vector<16xf32>,
      }
      %scan3A_100 = arith.constant 50 : i32
      %mul3A_101 = arith.constant 400 : i32
      %mul3A_102 = arith.muli %add3A_72, %mul3A_101 : i32
      %add3A_103 = arith.addi %mul3A_2, %mul3A_102 : i32
      %dma_start3A_104 = arith.constant 0 : i32
      %dma_start3A_105 = arith.constant 0 : i32
      %dma_start3A_106 = arith.constant 0 : i32
      %dma_start3A_107 = arith.constant 0 : i32
      %dma_start3A_108 = tpu.memref_slice %arg6[%dma_start3A_104, %dma_start3A_106, %dma_start3A_107] : memref<4x400x64xf32, #tpu.memory_space<vmem>> -> memref<1x400x64xf32, #tpu.memory_space<vmem>>
      %dma_start3A_109 = tpu.memref_squeeze %dma_start3A_108 : memref<1x400x64xf32, #tpu.memory_space<vmem>> -> memref<400x64xf32, #tpu.memory_space<vmem>>
      %dma_start3A_110 = arith.constant 0 : i32
      %dma_start3A_111 = tpu.memref_slice %arg4[%add3A_103, %dma_start3A_110] : memref<819200x64xf32, #tpu.memory_space<hbm>> -> memref<400x64xf32, #tpu.memory_space<hbm>>
      %dma_start3A_112 = tpu.memref_slice %arg8[%dma_start3A_105] : memref<4x!tpu.dma_semaphore, #tpu.memory_space<semaphore_mem>> -> memref<1x!tpu.dma_semaphore, #tpu.memory_space<semaphore_mem>>
      %dma_start3A_113 = tpu.memref_squeeze %dma_start3A_112 : memref<1x!tpu.dma_semaphore, #tpu.memory_space<semaphore_mem>> -> memref<!tpu.dma_semaphore, #tpu.memory_space<semaphore_mem>>
      %dma_start3A_114 = arith.constant 0 : i32
      %dma_start3A_115 = tpu.memref_slice %arg4[%add3A_103, %dma_start3A_114] : memref<819200x64xf32, #tpu.memory_space<hbm>> -> memref<400x64xf32, #tpu.memory_space<hbm>>
      %dma_start3A_116 = arith.constant 0 : i32
      %dma_start3A_117 = arith.constant 0 : i32
      %dma_start3A_118 = tpu.memref_slice %arg6[%dma_start3A_104, %dma_start3A_116, %dma_start3A_117] : memref<4x400x64xf32, #tpu.memory_space<vmem>> -> memref<1x400x64xf32, #tpu.memory_space<vmem>>
      %dma_start3A_119 = tpu.memref_squeeze %dma_start3A_118 : memref<1x400x64xf32, #tpu.memory_space<vmem>> -> memref<400x64xf32, #tpu.memory_space<vmem>>
      tpu.enqueue_dma source(%dma_start3A_119 : memref<400x64xf32, #tpu.memory_space<vmem>>) target(%dma_start3A_115 : memref<400x64xf32, #tpu.memory_space<hbm>>) target_semaphore(%dma_start3A_113 : memref<!tpu.dma_semaphore, #tpu.memory_space<semaphore_mem>>)
      %mul3A_120 = arith.constant 4 : i32
      %mul3A_121 = arith.muli %scan3A_68, %mul3A_120 : i32
      %add3A_122 = arith.constant 1 : i32
      %add3A_123 = arith.addi %mul3A_121, %add3A_122 : i32
      %ge3A_124 = arith.constant 2 : i32
      %ge3A_125 = arith.cmpi sge, %add3A_123, %ge3A_124 : i32
      %convert_element_type3A_126 = arith.extui %ge3A_125 : i1 to i32
      %cond3A_127 = arith.constant 0 : i32
      %cond3A_128 = arith.cmpi ne, %convert_element_type3A_126, %cond3A_127 : i32
      scf.if %cond3A_128 {
        %dma_wait3A_285 = arith.constant 3 : i32
        %dma_wait3A_286 = arith.constant 3 : i32
        %dma_wait3A_287 = arith.constant 0 : i32
        %dma_wait3A_288 = arith.constant 0 : i32
        %dma_wait3A_289 = tpu.memref_slice %arg6[%dma_wait3A_285, %dma_wait3A_287, %dma_wait3A_288] : memref<4x400x64xf32, #tpu.memory_space<vmem>> -> memref<1x400x64xf32, #tpu.memory_space<vmem>>
        %dma_wait3A_290 = tpu.memref_squeeze %dma_wait3A_289 : memref<1x400x64xf32, #tpu.memory_space<vmem>> -> memref<400x64xf32, #tpu.memory_space<vmem>>
        %dma_wait3A_291 = arith.constant 0 : i32
        %dma_wait3A_292 = arith.constant 0 : i32
        %dma_wait3A_293 = tpu.memref_slice %arg4[%dma_wait3A_291, %dma_wait3A_292] : memref<819200x64xf32, #tpu.memory_space<hbm>> -> memref<400x64xf32, #tpu.memory_space<hbm>>
        %dma_wait3A_294 = tpu.memref_slice %arg8[%dma_wait3A_286] : memref<4x!tpu.dma_semaphore, #tpu.memory_space<semaphore_mem>> -> memref<1x!tpu.dma_semaphore, #tpu.memory_space<semaphore_mem>>
        %dma_wait3A_295 = tpu.memref_squeeze %dma_wait3A_294 : memref<1x!tpu.dma_semaphore, #tpu.memory_space<semaphore_mem>> -> memref<!tpu.dma_semaphore, #tpu.memory_space<semaphore_mem>>
        %dma_wait3A_296 = arith.constant 0 : i32
        %dma_wait3A_297 = arith.constant 0 : i32
        %dma_wait3A_298 = tpu.memref_slice %arg4[%dma_wait3A_296, %dma_wait3A_297] : memref<819200x64xf32, #tpu.memory_space<hbm>> -> memref<400x64xf32, #tpu.memory_space<hbm>>
        %dma_wait3A_299 = arith.constant 0 : i32
        %dma_wait3A_300 = arith.constant 0 : i32
        %dma_wait3A_301 = tpu.memref_slice %arg6[%dma_wait3A_285, %dma_wait3A_299, %dma_wait3A_300] : memref<4x400x64xf32, #tpu.memory_space<vmem>> -> memref<1x400x64xf32, #tpu.memory_space<vmem>>
        %dma_wait3A_302 = tpu.memref_squeeze %dma_wait3A_301 : memref<1x400x64xf32, #tpu.memory_space<vmem>> -> memref<400x64xf32, #tpu.memory_space<vmem>>
        tpu.wait_dma2 semaphore(%dma_wait3A_295 : memref<!tpu.dma_semaphore, #tpu.memory_space<semaphore_mem>>) src(%dma_wait3A_302 : memref<400x64xf32, #tpu.memory_space<vmem>>) dst(%dma_wait3A_298 : memref<400x64xf32, #tpu.memory_space<hbm>>)
      } else {
      }
      %add3A_129 = arith.constant 2 : i32
      %add3A_130 = arith.addi %add3A_123, %add3A_129 : i32
      %lt3A_131 = arith.constant 64 : i32
      %lt3A_132 = arith.cmpi slt, %add3A_130, %lt3A_131 : i32
      %convert_element_type3A_133 = arith.extui %lt3A_132 : i1 to i32
      %cond3A_134 = arith.constant 0 : i32
      %cond3A_135 = arith.cmpi ne, %convert_element_type3A_133, %cond3A_134 : i32
      scf.if %cond3A_135 {
        %add3A_285 = arith.constant 2 : i32
        %add3A_286 = arith.addi %add3A_123, %add3A_285 : i32
        %mul3A_287 = arith.constant 400 : i32
        %mul3A_288 = arith.muli %add3A_286, %mul3A_287 : i32
        %dma_start3A_289 = arith.constant 3 : i32
        %dma_start3A_290 = arith.constant 3 : i32
        %dma_start3A_291 = arith.constant 0 : i32
        %dma_start3A_292 = arith.constant 0 : i32
        %dma_start3A_293 = tpu.memref_slice %arg6[%dma_start3A_289, %dma_start3A_291, %dma_start3A_292] : memref<4x400x64xf32, #tpu.memory_space<vmem>> -> memref<1x400x64xf32, #tpu.memory_space<vmem>>
        %dma_start3A_294 = tpu.memref_squeeze %dma_start3A_293 : memref<1x400x64xf32, #tpu.memory_space<vmem>> -> memref<400x64xf32, #tpu.memory_space<vmem>>
        %dma_start3A_295 = tpu.memref_slice %arg5[%mul3A_288] : memref<25600xi32, #tpu.memory_space<vmem>> -> memref<400xi32, #tpu.memory_space<vmem>>
        %dma_start3A_296 = arith.constant 0 : i32
        %dma_start3A_297 = arith.constant 0 : i32
        %dma_start3A_298 = tpu.memref_slice %arg3[%dma_start3A_296, %dma_start3A_297] : memref<1000000x64xf32, #tpu.memory_space<hbm>> -> memref<1000000x64xf32, #tpu.memory_space<hbm>>
        %dma_start3A_299 = tpu.memref_slice %arg7[%dma_start3A_290] : memref<4x!tpu.dma_semaphore, #tpu.memory_space<semaphore_mem>> -> memref<1x!tpu.dma_semaphore, #tpu.memory_space<semaphore_mem>>
        %dma_start3A_300 = tpu.memref_squeeze %dma_start3A_299 : memref<1x!tpu.dma_semaphore, #tpu.memory_space<semaphore_mem>> -> memref<!tpu.dma_semaphore, #tpu.memory_space<semaphore_mem>>
        tpu.enqueue_indirect_dma source(%dma_start3A_298 : memref<1000000x64xf32, #tpu.memory_space<hbm>>) target(%dma_start3A_294 : memref<400x64xf32, #tpu.memory_space<vmem>>) offsets(%dma_start3A_295 : memref<400xi32, #tpu.memory_space<vmem>>) semaphore(%dma_start3A_300 : memref<!tpu.dma_semaphore, #tpu.memory_space<semaphore_mem>>)
      } else {
      }
      %dma_wait3A_136 = arith.constant 1 : i32
      %dma_wait3A_137 = arith.constant 1 : i32
      %dma_wait3A_138 = arith.constant 0 : i32
      %dma_wait3A_139 = arith.constant 0 : i32
      %dma_wait3A_140 = tpu.memref_slice %arg6[%dma_wait3A_136, %dma_wait3A_138, %dma_wait3A_139] : memref<4x400x64xf32, #tpu.memory_space<vmem>> -> memref<1x400x64xf32, #tpu.memory_space<vmem>>
      %dma_wait3A_141 = tpu.memref_squeeze %dma_wait3A_140 : memref<1x400x64xf32, #tpu.memory_space<vmem>> -> memref<400x64xf32, #tpu.memory_space<vmem>>
      %dma_wait3A_142 = arith.constant 0 : i32
      %dma_wait3A_143 = tpu.memref_slice %arg5[%dma_wait3A_142] : memref<25600xi32, #tpu.memory_space<vmem>> -> memref<400xi32, #tpu.memory_space<vmem>>
      %dma_wait3A_144 = arith.constant 0 : i32
      %dma_wait3A_145 = arith.constant 0 : i32
      %dma_wait3A_146 = tpu.memref_slice %arg3[%dma_wait3A_144, %dma_wait3A_145] : memref<1000000x64xf32, #tpu.memory_space<hbm>> -> memref<1000000x64xf32, #tpu.memory_space<hbm>>
      %dma_wait3A_147 = tpu.memref_slice %arg7[%dma_wait3A_137] : memref<4x!tpu.dma_semaphore, #tpu.memory_space<semaphore_mem>> -> memref<1x!tpu.dma_semaphore, #tpu.memory_space<semaphore_mem>>
      %dma_wait3A_148 = tpu.memref_squeeze %dma_wait3A_147 : memref<1x!tpu.dma_semaphore, #tpu.memory_space<semaphore_mem>> -> memref<!tpu.dma_semaphore, #tpu.memory_space<semaphore_mem>>
      tpu.wait_indirect_dma semaphore(%dma_wait3A_148 : memref<!tpu.dma_semaphore, #tpu.memory_space<semaphore_mem>>) src(%dma_wait3A_146 : memref<1000000x64xf32, #tpu.memory_space<hbm>>) dst(%dma_wait3A_141 : memref<400x64xf32, #tpu.memory_space<vmem>>)
      %scan3A_149 = arith.constant 0 : i32
      %scan3A_150 = arith.constant 1 : i32
      %scan3A_151 = arith.constant 0 : i32
      %scan3A_152 = arith.constant 50 : i32
      %scan3A_153 = arith.addi %scan3A_151, %scan3A_152 : i32
      %scan3A_154 = arith.constant 1 : i32
      scf.for %scan3A_285 = %scan3A_151 to %scan3A_153 step %scan3A_154  : i32 {
        %mul3A_286 = arith.constant 8 : i32
        %mul3A_287 = arith.muli %scan3A_285, %mul3A_286 : i32
        %add3A_288 = arith.constant 0 : i32
        %add3A_289 = arith.addi %mul3A_287, %add3A_288 : i32
        %get3A = arith.constant 0 : i32
        %get3A_290 = arith.constant 0 : i32
        %get3A_291 = tpu.memref_slice %arg6[%scan3A_150, %get3A, %get3A_290] : memref<4x400x64xf32, #tpu.memory_space<vmem>> -> memref<1x400x64xf32, #tpu.memory_space<vmem>>
        %get3A_292 = tpu.memref_squeeze %get3A_291 : memref<1x400x64xf32, #tpu.memory_space<vmem>> -> memref<400x64xf32, #tpu.memory_space<vmem>>
        %get3A_293 = arith.index_cast %add3A_289 : i32 to index
        %get3A_294 = arith.constant 0 : index
        %get3A_295 = tpu.vector_load %get3A_292[%get3A_293, %get3A_294] {strides = array<i32>} : memref<400x64xf32, #tpu.memory_space<vmem>>, vector<16xf32>,
        %mul3A_296 = arith.constant 8.000000e+00 : f32
        %mul3A_297 = vector.broadcast %mul3A_296 : f32 to vector<16xf32>
        %mul3A_298 = arith.mulf %get3A_295, %mul3A_297 : vector<16xf32>
        %mul3A_299 = arith.constant 8 : i32
        %mul3A_300 = arith.muli %scan3A_285, %mul3A_299 : i32
        %add3A_301 = arith.constant 0 : i32
        %add3A_302 = arith.addi %mul3A_300, %add3A_301 : i32
        %swap3A = arith.constant 0 : i32
        %swap3A_303 = arith.constant 0 : i32
        %swap3A_304 = tpu.memref_slice %arg6[%scan3A_150, %swap3A, %swap3A_303] : memref<4x400x64xf32, #tpu.memory_space<vmem>> -> memref<1x400x64xf32, #tpu.memory_space<vmem>>
        %swap3A_305 = tpu.memref_squeeze %swap3A_304 : memref<1x400x64xf32, #tpu.memory_space<vmem>> -> memref<400x64xf32, #tpu.memory_space<vmem>>
        %swap3A_306 = arith.index_cast %add3A_302 : i32 to index
        %swap3A_307 = arith.constant 0 : index
        %swap3A_308 = tpu.vector_load %swap3A_305[%swap3A_306, %swap3A_307] {strides = array<i32>} : memref<400x64xf32, #tpu.memory_space<vmem>>, vector<16xf32>,
        tpu.vector_store %swap3A_305[%swap3A_306, %swap3A_307], %mul3A_298 {strides = array<i32>} : memref<400x64xf32, #tpu.memory_space<vmem>>, vector<16xf32>,
        %mul3A_309 = arith.constant 8 : i32
        %mul3A_310 = arith.muli %scan3A_285, %mul3A_309 : i32
        %add3A_311 = arith.constant 0 : i32
        %add3A_312 = arith.addi %mul3A_310, %add3A_311 : i32
        %get3A_313 = arith.constant 0 : i32
        %get3A_314 = arith.constant 0 : i32
        %get3A_315 = tpu.memref_slice %arg6[%scan3A_150, %get3A_313, %get3A_314] : memref<4x400x64xf32, #tpu.memory_space<vmem>> -> memref<1x400x64xf32, #tpu.memory_space<vmem>>
        %get3A_316 = tpu.memref_squeeze %get3A_315 : memref<1x400x64xf32, #tpu.memory_space<vmem>> -> memref<400x64xf32, #tpu.memory_space<vmem>>
        %get3A_317 = arith.index_cast %add3A_312 : i32 to index
        %get3A_318 = arith.constant 16 : index
        %get3A_319 = tpu.vector_load %get3A_316[%get3A_317, %get3A_318] {strides = array<i32>} : memref<400x64xf32, #tpu.memory_space<vmem>>, vector<16xf32>,
        %mul3A_320 = arith.constant 8.000000e+00 : f32
        %mul3A_321 = vector.broadcast %mul3A_320 : f32 to vector<16xf32>
        %mul3A_322 = arith.mulf %get3A_319, %mul3A_321 : vector<16xf32>
        %mul3A_323 = arith.constant 8 : i32
        %mul3A_324 = arith.muli %scan3A_285, %mul3A_323 : i32
        %add3A_325 = arith.constant 0 : i32
        %add3A_326 = arith.addi %mul3A_324, %add3A_325 : i32
        %swap3A_327 = arith.constant 0 : i32
        %swap3A_328 = arith.constant 0 : i32
        %swap3A_329 = tpu.memref_slice %arg6[%scan3A_150, %swap3A_327, %swap3A_328] : memref<4x400x64xf32, #tpu.memory_space<vmem>> -> memref<1x400x64xf32, #tpu.memory_space<vmem>>
        %swap3A_330 = tpu.memref_squeeze %swap3A_329 : memref<1x400x64xf32, #tpu.memory_space<vmem>> -> memref<400x64xf32, #tpu.memory_space<vmem>>
        %swap3A_331 = arith.index_cast %add3A_326 : i32 to index
        %swap3A_332 = arith.constant 16 : index
        %swap3A_333 = tpu.vector_load %swap3A_330[%swap3A_331, %swap3A_332] {strides = array<i32>} : memref<400x64xf32, #tpu.memory_space<vmem>>, vector<16xf32>,
        tpu.vector_store %swap3A_330[%swap3A_331, %swap3A_332], %mul3A_322 {strides = array<i32>} : memref<400x64xf32, #tpu.memory_space<vmem>>, vector<16xf32>,
        %mul3A_334 = arith.constant 8 : i32
        %mul3A_335 = arith.muli %scan3A_285, %mul3A_334 : i32
        %add3A_336 = arith.constant 0 : i32
        %add3A_337 = arith.addi %mul3A_335, %add3A_336 : i32
        %get3A_338 = arith.constant 0 : i32
        %get3A_339 = arith.constant 0 : i32
        %get3A_340 = tpu.memref_slice %arg6[%scan3A_150, %get3A_338, %get3A_339] : memref<4x400x64xf32, #tpu.memory_space<vmem>> -> memref<1x400x64xf32, #tpu.memory_space<vmem>>
        %get3A_341 = tpu.memref_squeeze %get3A_340 : memref<1x400x64xf32, #tpu.memory_space<vmem>> -> memref<400x64xf32, #tpu.memory_space<vmem>>
        %get3A_342 = arith.index_cast %add3A_337 : i32 to index
        %get3A_343 = arith.constant 32 : index
        %get3A_344 = tpu.vector_load %get3A_341[%get3A_342, %get3A_343] {strides = array<i32>} : memref<400x64xf32, #tpu.memory_space<vmem>>, vector<16xf32>,
        %mul3A_345 = arith.constant 8.000000e+00 : f32
        %mul3A_346 = vector.broadcast %mul3A_345 : f32 to vector<16xf32>
        %mul3A_347 = arith.mulf %get3A_344, %mul3A_346 : vector<16xf32>
        %mul3A_348 = arith.constant 8 : i32
        %mul3A_349 = arith.muli %scan3A_285, %mul3A_348 : i32
        %add3A_350 = arith.constant 0 : i32
        %add3A_351 = arith.addi %mul3A_349, %add3A_350 : i32
        %swap3A_352 = arith.constant 0 : i32
        %swap3A_353 = arith.constant 0 : i32
        %swap3A_354 = tpu.memref_slice %arg6[%scan3A_150, %swap3A_352, %swap3A_353] : memref<4x400x64xf32, #tpu.memory_space<vmem>> -> memref<1x400x64xf32, #tpu.memory_space<vmem>>
        %swap3A_355 = tpu.memref_squeeze %swap3A_354 : memref<1x400x64xf32, #tpu.memory_space<vmem>> -> memref<400x64xf32, #tpu.memory_space<vmem>>
        %swap3A_356 = arith.index_cast %add3A_351 : i32 to index
        %swap3A_357 = arith.constant 32 : index
        %swap3A_358 = tpu.vector_load %swap3A_355[%swap3A_356, %swap3A_357] {strides = array<i32>} : memref<400x64xf32, #tpu.memory_space<vmem>>, vector<16xf32>,
        tpu.vector_store %swap3A_355[%swap3A_356, %swap3A_357], %mul3A_347 {strides = array<i32>} : memref<400x64xf32, #tpu.memory_space<vmem>>, vector<16xf32>,
        %mul3A_359 = arith.constant 8 : i32
        %mul3A_360 = arith.muli %scan3A_285, %mul3A_359 : i32
        %add3A_361 = arith.constant 0 : i32
        %add3A_362 = arith.addi %mul3A_360, %add3A_361 : i32
        %get3A_363 = arith.constant 0 : i32
        %get3A_364 = arith.constant 0 : i32
        %get3A_365 = tpu.memref_slice %arg6[%scan3A_150, %get3A_363, %get3A_364] : memref<4x400x64xf32, #tpu.memory_space<vmem>> -> memref<1x400x64xf32, #tpu.memory_space<vmem>>
        %get3A_366 = tpu.memref_squeeze %get3A_365 : memref<1x400x64xf32, #tpu.memory_space<vmem>> -> memref<400x64xf32, #tpu.memory_space<vmem>>
        %get3A_367 = arith.index_cast %add3A_362 : i32 to index
        %get3A_368 = arith.constant 48 : index
        %get3A_369 = tpu.vector_load %get3A_366[%get3A_367, %get3A_368] {strides = array<i32>} : memref<400x64xf32, #tpu.memory_space<vmem>>, vector<16xf32>,
        %mul3A_370 = arith.constant 8.000000e+00 : f32
        %mul3A_371 = vector.broadcast %mul3A_370 : f32 to vector<16xf32>
        %mul3A_372 = arith.mulf %get3A_369, %mul3A_371 : vector<16xf32>
        %mul3A_373 = arith.constant 8 : i32
        %mul3A_374 = arith.muli %scan3A_285, %mul3A_373 : i32
        %add3A_375 = arith.constant 0 : i32
        %add3A_376 = arith.addi %mul3A_374, %add3A_375 : i32
        %swap3A_377 = arith.constant 0 : i32
        %swap3A_378 = arith.constant 0 : i32
        %swap3A_379 = tpu.memref_slice %arg6[%scan3A_150, %swap3A_377, %swap3A_378] : memref<4x400x64xf32, #tpu.memory_space<vmem>> -> memref<1x400x64xf32, #tpu.memory_space<vmem>>
        %swap3A_380 = tpu.memref_squeeze %swap3A_379 : memref<1x400x64xf32, #tpu.memory_space<vmem>> -> memref<400x64xf32, #tpu.memory_space<vmem>>
        %swap3A_381 = arith.index_cast %add3A_376 : i32 to index
        %swap3A_382 = arith.constant 48 : index
        %swap3A_383 = tpu.vector_load %swap3A_380[%swap3A_381, %swap3A_382] {strides = array<i32>} : memref<400x64xf32, #tpu.memory_space<vmem>>, vector<16xf32>,
        tpu.vector_store %swap3A_380[%swap3A_381, %swap3A_382], %mul3A_372 {strides = array<i32>} : memref<400x64xf32, #tpu.memory_space<vmem>>, vector<16xf32>,
        %mul3A_384 = arith.constant 8 : i32
        %mul3A_385 = arith.muli %scan3A_285, %mul3A_384 : i32
        %add3A_386 = arith.constant 1 : i32
        %add3A_387 = arith.addi %mul3A_385, %add3A_386 : i32
        %get3A_388 = arith.constant 0 : i32
        %get3A_389 = arith.constant 0 : i32
        %get3A_390 = tpu.memref_slice %arg6[%scan3A_150, %get3A_388, %get3A_389] : memref<4x400x64xf32, #tpu.memory_space<vmem>> -> memref<1x400x64xf32, #tpu.memory_space<vmem>>
        %get3A_391 = tpu.memref_squeeze %get3A_390 : memref<1x400x64xf32, #tpu.memory_space<vmem>> -> memref<400x64xf32, #tpu.memory_space<vmem>>
        %get3A_392 = arith.index_cast %add3A_387 : i32 to index
        %get3A_393 = arith.constant 0 : index
        %get3A_394 = tpu.vector_load %get3A_391[%get3A_392, %get3A_393] {strides = array<i32>} : memref<400x64xf32, #tpu.memory_space<vmem>>, vector<16xf32>,
        %mul3A_395 = arith.constant 8.000000e+00 : f32
        %mul3A_396 = vector.broadcast %mul3A_395 : f32 to vector<16xf32>
        %mul3A_397 = arith.mulf %get3A_394, %mul3A_396 : vector<16xf32>
        %mul3A_398 = arith.constant 8 : i32
        %mul3A_399 = arith.muli %scan3A_285, %mul3A_398 : i32
        %add3A_400 = arith.constant 1 : i32
        %add3A_401 = arith.addi %mul3A_399, %add3A_400 : i32
        %swap3A_402 = arith.constant 0 : i32
        %swap3A_403 = arith.constant 0 : i32
        %swap3A_404 = tpu.memref_slice %arg6[%scan3A_150, %swap3A_402, %swap3A_403] : memref<4x400x64xf32, #tpu.memory_space<vmem>> -> memref<1x400x64xf32, #tpu.memory_space<vmem>>
        %swap3A_405 = tpu.memref_squeeze %swap3A_404 : memref<1x400x64xf32, #tpu.memory_space<vmem>> -> memref<400x64xf32, #tpu.memory_space<vmem>>
        %swap3A_406 = arith.index_cast %add3A_401 : i32 to index
        %swap3A_407 = arith.constant 0 : index
        %swap3A_408 = tpu.vector_load %swap3A_405[%swap3A_406, %swap3A_407] {strides = array<i32>} : memref<400x64xf32, #tpu.memory_space<vmem>>, vector<16xf32>,
        tpu.vector_store %swap3A_405[%swap3A_406, %swap3A_407], %mul3A_397 {strides = array<i32>} : memref<400x64xf32, #tpu.memory_space<vmem>>, vector<16xf32>,
        %mul3A_409 = arith.constant 8 : i32
        %mul3A_410 = arith.muli %scan3A_285, %mul3A_409 : i32
        %add3A_411 = arith.constant 1 : i32
        %add3A_412 = arith.addi %mul3A_410, %add3A_411 : i32
        %get3A_413 = arith.constant 0 : i32
        %get3A_414 = arith.constant 0 : i32
        %get3A_415 = tpu.memref_slice %arg6[%scan3A_150, %get3A_413, %get3A_414] : memref<4x400x64xf32, #tpu.memory_space<vmem>> -> memref<1x400x64xf32, #tpu.memory_space<vmem>>
        %get3A_416 = tpu.memref_squeeze %get3A_415 : memref<1x400x64xf32, #tpu.memory_space<vmem>> -> memref<400x64xf32, #tpu.memory_space<vmem>>
        %get3A_417 = arith.index_cast %add3A_412 : i32 to index
        %get3A_418 = arith.constant 16 : index
        %get3A_419 = tpu.vector_load %get3A_416[%get3A_417, %get3A_418] {strides = array<i32>} : memref<400x64xf32, #tpu.memory_space<vmem>>, vector<16xf32>,
        %mul3A_420 = arith.constant 8.000000e+00 : f32
        %mul3A_421 = vector.broadcast %mul3A_420 : f32 to vector<16xf32>
        %mul3A_422 = arith.mulf %get3A_419, %mul3A_421 : vector<16xf32>
        %mul3A_423 = arith.constant 8 : i32
        %mul3A_424 = arith.muli %scan3A_285, %mul3A_423 : i32
        %add3A_425 = arith.constant 1 : i32
        %add3A_426 = arith.addi %mul3A_424, %add3A_425 : i32
        %swap3A_427 = arith.constant 0 : i32
        %swap3A_428 = arith.constant 0 : i32
        %swap3A_429 = tpu.memref_slice %arg6[%scan3A_150, %swap3A_427, %swap3A_428] : memref<4x400x64xf32, #tpu.memory_space<vmem>> -> memref<1x400x64xf32, #tpu.memory_space<vmem>>
        %swap3A_430 = tpu.memref_squeeze %swap3A_429 : memref<1x400x64xf32, #tpu.memory_space<vmem>> -> memref<400x64xf32, #tpu.memory_space<vmem>>
        %swap3A_431 = arith.index_cast %add3A_426 : i32 to index
        %swap3A_432 = arith.constant 16 : index
        %swap3A_433 = tpu.vector_load %swap3A_430[%swap3A_431, %swap3A_432] {strides = array<i32>} : memref<400x64xf32, #tpu.memory_space<vmem>>, vector<16xf32>,
        tpu.vector_store %swap3A_430[%swap3A_431, %swap3A_432], %mul3A_422 {strides = array<i32>} : memref<400x64xf32, #tpu.memory_space<vmem>>, vector<16xf32>,
        %mul3A_434 = arith.constant 8 : i32
        %mul3A_435 = arith.muli %scan3A_285, %mul3A_434 : i32
        %add3A_436 = arith.constant 1 : i32
        %add3A_437 = arith.addi %mul3A_435, %add3A_436 : i32
        %get3A_438 = arith.constant 0 : i32
        %get3A_439 = arith.constant 0 : i32
        %get3A_440 = tpu.memref_slice %arg6[%scan3A_150, %get3A_438, %get3A_439] : memref<4x400x64xf32, #tpu.memory_space<vmem>> -> memref<1x400x64xf32, #tpu.memory_space<vmem>>
        %get3A_441 = tpu.memref_squeeze %get3A_440 : memref<1x400x64xf32, #tpu.memory_space<vmem>> -> memref<400x64xf32, #tpu.memory_space<vmem>>
        %get3A_442 = arith.index_cast %add3A_437 : i32 to index
        %get3A_443 = arith.constant 32 : index
        %get3A_444 = tpu.vector_load %get3A_441[%get3A_442, %get3A_443] {strides = array<i32>} : memref<400x64xf32, #tpu.memory_space<vmem>>, vector<16xf32>,
        %mul3A_445 = arith.constant 8.000000e+00 : f32
        %mul3A_446 = vector.broadcast %mul3A_445 : f32 to vector<16xf32>
        %mul3A_447 = arith.mulf %get3A_444, %mul3A_446 : vector<16xf32>
        %mul3A_448 = arith.constant 8 : i32
        %mul3A_449 = arith.muli %scan3A_285, %mul3A_448 : i32
        %add3A_450 = arith.constant 1 : i32
        %add3A_451 = arith.addi %mul3A_449, %add3A_450 : i32
        %swap3A_452 = arith.constant 0 : i32
        %swap3A_453 = arith.constant 0 : i32
        %swap3A_454 = tpu.memref_slice %arg6[%scan3A_150, %swap3A_452, %swap3A_453] : memref<4x400x64xf32, #tpu.memory_space<vmem>> -> memref<1x400x64xf32, #tpu.memory_space<vmem>>
        %swap3A_455 = tpu.memref_squeeze %swap3A_454 : memref<1x400x64xf32, #tpu.memory_space<vmem>> -> memref<400x64xf32, #tpu.memory_space<vmem>>
        %swap3A_456 = arith.index_cast %add3A_451 : i32 to index
        %swap3A_457 = arith.constant 32 : index
        %swap3A_458 = tpu.vector_load %swap3A_455[%swap3A_456, %swap3A_457] {strides = array<i32>} : memref<400x64xf32, #tpu.memory_space<vmem>>, vector<16xf32>,
        tpu.vector_store %swap3A_455[%swap3A_456, %swap3A_457], %mul3A_447 {strides = array<i32>} : memref<400x64xf32, #tpu.memory_space<vmem>>, vector<16xf32>,
        %mul3A_459 = arith.constant 8 : i32
        %mul3A_460 = arith.muli %scan3A_285, %mul3A_459 : i32
        %add3A_461 = arith.constant 1 : i32
        %add3A_462 = arith.addi %mul3A_460, %add3A_461 : i32
        %get3A_463 = arith.constant 0 : i32
        %get3A_464 = arith.constant 0 : i32
        %get3A_465 = tpu.memref_slice %arg6[%scan3A_150, %get3A_463, %get3A_464] : memref<4x400x64xf32, #tpu.memory_space<vmem>> -> memref<1x400x64xf32, #tpu.memory_space<vmem>>
        %get3A_466 = tpu.memref_squeeze %get3A_465 : memref<1x400x64xf32, #tpu.memory_space<vmem>> -> memref<400x64xf32, #tpu.memory_space<vmem>>
        %get3A_467 = arith.index_cast %add3A_462 : i32 to index
        %get3A_468 = arith.constant 48 : index
        %get3A_469 = tpu.vector_load %get3A_466[%get3A_467, %get3A_468] {strides = array<i32>} : memref<400x64xf32, #tpu.memory_space<vmem>>, vector<16xf32>,
        %mul3A_470 = arith.constant 8.000000e+00 : f32
        %mul3A_471 = vector.broadcast %mul3A_470 : f32 to vector<16xf32>
        %mul3A_472 = arith.mulf %get3A_469, %mul3A_471 : vector<16xf32>
        %mul3A_473 = arith.constant 8 : i32
        %mul3A_474 = arith.muli %scan3A_285, %mul3A_473 : i32
        %add3A_475 = arith.constant 1 : i32
        %add3A_476 = arith.addi %mul3A_474, %add3A_475 : i32
        %swap3A_477 = arith.constant 0 : i32
        %swap3A_478 = arith.constant 0 : i32
        %swap3A_479 = tpu.memref_slice %arg6[%scan3A_150, %swap3A_477, %swap3A_478] : memref<4x400x64xf32, #tpu.memory_space<vmem>> -> memref<1x400x64xf32, #tpu.memory_space<vmem>>
        %swap3A_480 = tpu.memref_squeeze %swap3A_479 : memref<1x400x64xf32, #tpu.memory_space<vmem>> -> memref<400x64xf32, #tpu.memory_space<vmem>>
        %swap3A_481 = arith.index_cast %add3A_476 : i32 to index
        %swap3A_482 = arith.constant 48 : index
        %swap3A_483 = tpu.vector_load %swap3A_480[%swap3A_481, %swap3A_482] {strides = array<i32>} : memref<400x64xf32, #tpu.memory_space<vmem>>, vector<16xf32>,
        tpu.vector_store %swap3A_480[%swap3A_481, %swap3A_482], %mul3A_472 {strides = array<i32>} : memref<400x64xf32, #tpu.memory_space<vmem>>, vector<16xf32>,
        %mul3A_484 = arith.constant 8 : i32
        %mul3A_485 = arith.muli %scan3A_285, %mul3A_484 : i32
        %add3A_486 = arith.constant 2 : i32
        %add3A_487 = arith.addi %mul3A_485, %add3A_486 : i32
        %get3A_488 = arith.constant 0 : i32
        %get3A_489 = arith.constant 0 : i32
        %get3A_490 = tpu.memref_slice %arg6[%scan3A_150, %get3A_488, %get3A_489] : memref<4x400x64xf32, #tpu.memory_space<vmem>> -> memref<1x400x64xf32, #tpu.memory_space<vmem>>
        %get3A_491 = tpu.memref_squeeze %get3A_490 : memref<1x400x64xf32, #tpu.memory_space<vmem>> -> memref<400x64xf32, #tpu.memory_space<vmem>>
        %get3A_492 = arith.index_cast %add3A_487 : i32 to index
        %get3A_493 = arith.constant 0 : index
        %get3A_494 = tpu.vector_load %get3A_491[%get3A_492, %get3A_493] {strides = array<i32>} : memref<400x64xf32, #tpu.memory_space<vmem>>, vector<16xf32>,
        %mul3A_495 = arith.constant 8.000000e+00 : f32
        %mul3A_496 = vector.broadcast %mul3A_495 : f32 to vector<16xf32>
        %mul3A_497 = arith.mulf %get3A_494, %mul3A_496 : vector<16xf32>
        %mul3A_498 = arith.constant 8 : i32
        %mul3A_499 = arith.muli %scan3A_285, %mul3A_498 : i32
        %add3A_500 = arith.constant 2 : i32
        %add3A_501 = arith.addi %mul3A_499, %add3A_500 : i32
        %swap3A_502 = arith.constant 0 : i32
        %swap3A_503 = arith.constant 0 : i32
        %swap3A_504 = tpu.memref_slice %arg6[%scan3A_150, %swap3A_502, %swap3A_503] : memref<4x400x64xf32, #tpu.memory_space<vmem>> -> memref<1x400x64xf32, #tpu.memory_space<vmem>>
        %swap3A_505 = tpu.memref_squeeze %swap3A_504 : memref<1x400x64xf32, #tpu.memory_space<vmem>> -> memref<400x64xf32, #tpu.memory_space<vmem>>
        %swap3A_506 = arith.index_cast %add3A_501 : i32 to index
        %swap3A_507 = arith.constant 0 : index
        %swap3A_508 = tpu.vector_load %swap3A_505[%swap3A_506, %swap3A_507] {strides = array<i32>} : memref<400x64xf32, #tpu.memory_space<vmem>>, vector<16xf32>,
        tpu.vector_store %swap3A_505[%swap3A_506, %swap3A_507], %mul3A_497 {strides = array<i32>} : memref<400x64xf32, #tpu.memory_space<vmem>>, vector<16xf32>,
        %mul3A_509 = arith.constant 8 : i32
        %mul3A_510 = arith.muli %scan3A_285, %mul3A_509 : i32
        %add3A_511 = arith.constant 2 : i32
        %add3A_512 = arith.addi %mul3A_510, %add3A_511 : i32
        %get3A_513 = arith.constant 0 : i32
        %get3A_514 = arith.constant 0 : i32
        %get3A_515 = tpu.memref_slice %arg6[%scan3A_150, %get3A_513, %get3A_514] : memref<4x400x64xf32, #tpu.memory_space<vmem>> -> memref<1x400x64xf32, #tpu.memory_space<vmem>>
        %get3A_516 = tpu.memref_squeeze %get3A_515 : memref<1x400x64xf32, #tpu.memory_space<vmem>> -> memref<400x64xf32, #tpu.memory_space<vmem>>
        %get3A_517 = arith.index_cast %add3A_512 : i32 to index
        %get3A_518 = arith.constant 16 : index
        %get3A_519 = tpu.vector_load %get3A_516[%get3A_517, %get3A_518] {strides = array<i32>} : memref<400x64xf32, #tpu.memory_space<vmem>>, vector<16xf32>,
        %mul3A_520 = arith.constant 8.000000e+00 : f32
        %mul3A_521 = vector.broadcast %mul3A_520 : f32 to vector<16xf32>
        %mul3A_522 = arith.mulf %get3A_519, %mul3A_521 : vector<16xf32>
        %mul3A_523 = arith.constant 8 : i32
        %mul3A_524 = arith.muli %scan3A_285, %mul3A_523 : i32
        %add3A_525 = arith.constant 2 : i32
        %add3A_526 = arith.addi %mul3A_524, %add3A_525 : i32
        %swap3A_527 = arith.constant 0 : i32
        %swap3A_528 = arith.constant 0 : i32
        %swap3A_529 = tpu.memref_slice %arg6[%scan3A_150, %swap3A_527, %swap3A_528] : memref<4x400x64xf32, #tpu.memory_space<vmem>> -> memref<1x400x64xf32, #tpu.memory_space<vmem>>
        %swap3A_530 = tpu.memref_squeeze %swap3A_529 : memref<1x400x64xf32, #tpu.memory_space<vmem>> -> memref<400x64xf32, #tpu.memory_space<vmem>>
        %swap3A_531 = arith.index_cast %add3A_526 : i32 to index
        %swap3A_532 = arith.constant 16 : index
        %swap3A_533 = tpu.vector_load %swap3A_530[%swap3A_531, %swap3A_532] {strides = array<i32>} : memref<400x64xf32, #tpu.memory_space<vmem>>, vector<16xf32>,
        tpu.vector_store %swap3A_530[%swap3A_531, %swap3A_532], %mul3A_522 {strides = array<i32>} : memref<400x64xf32, #tpu.memory_space<vmem>>, vector<16xf32>,
        %mul3A_534 = arith.constant 8 : i32
        %mul3A_535 = arith.muli %scan3A_285, %mul3A_534 : i32
        %add3A_536 = arith.constant 2 : i32
        %add3A_537 = arith.addi %mul3A_535, %add3A_536 : i32
        %get3A_538 = arith.constant 0 : i32
        %get3A_539 = arith.constant 0 : i32
        %get3A_540 = tpu.memref_slice %arg6[%scan3A_150, %get3A_538, %get3A_539] : memref<4x400x64xf32, #tpu.memory_space<vmem>> -> memref<1x400x64xf32, #tpu.memory_space<vmem>>
        %get3A_541 = tpu.memref_squeeze %get3A_540 : memref<1x400x64xf32, #tpu.memory_space<vmem>> -> memref<400x64xf32, #tpu.memory_space<vmem>>
        %get3A_542 = arith.index_cast %add3A_537 : i32 to index
        %get3A_543 = arith.constant 32 : index
        %get3A_544 = tpu.vector_load %get3A_541[%get3A_542, %get3A_543] {strides = array<i32>} : memref<400x64xf32, #tpu.memory_space<vmem>>, vector<16xf32>,
        %mul3A_545 = arith.constant 8.000000e+00 : f32
        %mul3A_546 = vector.broadcast %mul3A_545 : f32 to vector<16xf32>
        %mul3A_547 = arith.mulf %get3A_544, %mul3A_546 : vector<16xf32>
        %mul3A_548 = arith.constant 8 : i32
        %mul3A_549 = arith.muli %scan3A_285, %mul3A_548 : i32
        %add3A_550 = arith.constant 2 : i32
        %add3A_551 = arith.addi %mul3A_549, %add3A_550 : i32
        %swap3A_552 = arith.constant 0 : i32
        %swap3A_553 = arith.constant 0 : i32
        %swap3A_554 = tpu.memref_slice %arg6[%scan3A_150, %swap3A_552, %swap3A_553] : memref<4x400x64xf32, #tpu.memory_space<vmem>> -> memref<1x400x64xf32, #tpu.memory_space<vmem>>
        %swap3A_555 = tpu.memref_squeeze %swap3A_554 : memref<1x400x64xf32, #tpu.memory_space<vmem>> -> memref<400x64xf32, #tpu.memory_space<vmem>>
        %swap3A_556 = arith.index_cast %add3A_551 : i32 to index
        %swap3A_557 = arith.constant 32 : index
        %swap3A_558 = tpu.vector_load %swap3A_555[%swap3A_556, %swap3A_557] {strides = array<i32>} : memref<400x64xf32, #tpu.memory_space<vmem>>, vector<16xf32>,
        tpu.vector_store %swap3A_555[%swap3A_556, %swap3A_557], %mul3A_547 {strides = array<i32>} : memref<400x64xf32, #tpu.memory_space<vmem>>, vector<16xf32>,
        %mul3A_559 = arith.constant 8 : i32
        %mul3A_560 = arith.muli %scan3A_285, %mul3A_559 : i32
        %add3A_561 = arith.constant 2 : i32
        %add3A_562 = arith.addi %mul3A_560, %add3A_561 : i32
        %get3A_563 = arith.constant 0 : i32
        %get3A_564 = arith.constant 0 : i32
        %get3A_565 = tpu.memref_slice %arg6[%scan3A_150, %get3A_563, %get3A_564] : memref<4x400x64xf32, #tpu.memory_space<vmem>> -> memref<1x400x64xf32, #tpu.memory_space<vmem>>
        %get3A_566 = tpu.memref_squeeze %get3A_565 : memref<1x400x64xf32, #tpu.memory_space<vmem>> -> memref<400x64xf32, #tpu.memory_space<vmem>>
        %get3A_567 = arith.index_cast %add3A_562 : i32 to index
        %get3A_568 = arith.constant 48 : index
        %get3A_569 = tpu.vector_load %get3A_566[%get3A_567, %get3A_568] {strides = array<i32>} : memref<400x64xf32, #tpu.memory_space<vmem>>, vector<16xf32>,
        %mul3A_570 = arith.constant 8.000000e+00 : f32
        %mul3A_571 = vector.broadcast %mul3A_570 : f32 to vector<16xf32>
        %mul3A_572 = arith.mulf %get3A_569, %mul3A_571 : vector<16xf32>
        %mul3A_573 = arith.constant 8 : i32
        %mul3A_574 = arith.muli %scan3A_285, %mul3A_573 : i32
        %add3A_575 = arith.constant 2 : i32
        %add3A_576 = arith.addi %mul3A_574, %add3A_575 : i32
        %swap3A_577 = arith.constant 0 : i32
        %swap3A_578 = arith.constant 0 : i32
        %swap3A_579 = tpu.memref_slice %arg6[%scan3A_150, %swap3A_577, %swap3A_578] : memref<4x400x64xf32, #tpu.memory_space<vmem>> -> memref<1x400x64xf32, #tpu.memory_space<vmem>>
        %swap3A_580 = tpu.memref_squeeze %swap3A_579 : memref<1x400x64xf32, #tpu.memory_space<vmem>> -> memref<400x64xf32, #tpu.memory_space<vmem>>
        %swap3A_581 = arith.index_cast %add3A_576 : i32 to index
        %swap3A_582 = arith.constant 48 : index
        %swap3A_583 = tpu.vector_load %swap3A_580[%swap3A_581, %swap3A_582] {strides = array<i32>} : memref<400x64xf32, #tpu.memory_space<vmem>>, vector<16xf32>,
        tpu.vector_store %swap3A_580[%swap3A_581, %swap3A_582], %mul3A_572 {strides = array<i32>} : memref<400x64xf32, #tpu.memory_space<vmem>>, vector<16xf32>,
        %mul3A_584 = arith.constant 8 : i32
        %mul3A_585 = arith.muli %scan3A_285, %mul3A_584 : i32
        %add3A_586 = arith.constant 3 : i32
        %add3A_587 = arith.addi %mul3A_585, %add3A_586 : i32
        %get3A_588 = arith.constant 0 : i32
        %get3A_589 = arith.constant 0 : i32
        %get3A_590 = tpu.memref_slice %arg6[%scan3A_150, %get3A_588, %get3A_589] : memref<4x400x64xf32, #tpu.memory_space<vmem>> -> memref<1x400x64xf32, #tpu.memory_space<vmem>>
        %get3A_591 = tpu.memref_squeeze %get3A_590 : memref<1x400x64xf32, #tpu.memory_space<vmem>> -> memref<400x64xf32, #tpu.memory_space<vmem>>
        %get3A_592 = arith.index_cast %add3A_587 : i32 to index
        %get3A_593 = arith.constant 0 : index
        %get3A_594 = tpu.vector_load %get3A_591[%get3A_592, %get3A_593] {strides = array<i32>} : memref<400x64xf32, #tpu.memory_space<vmem>>, vector<16xf32>,
        %mul3A_595 = arith.constant 8.000000e+00 : f32
        %mul3A_596 = vector.broadcast %mul3A_595 : f32 to vector<16xf32>
        %mul3A_597 = arith.mulf %get3A_594, %mul3A_596 : vector<16xf32>
        %mul3A_598 = arith.constant 8 : i32
        %mul3A_599 = arith.muli %scan3A_285, %mul3A_598 : i32
        %add3A_600 = arith.constant 3 : i32
        %add3A_601 = arith.addi %mul3A_599, %add3A_600 : i32
        %swap3A_602 = arith.constant 0 : i32
        %swap3A_603 = arith.constant 0 : i32
        %swap3A_604 = tpu.memref_slice %arg6[%scan3A_150, %swap3A_602, %swap3A_603] : memref<4x400x64xf32, #tpu.memory_space<vmem>> -> memref<1x400x64xf32, #tpu.memory_space<vmem>>
        %swap3A_605 = tpu.memref_squeeze %swap3A_604 : memref<1x400x64xf32, #tpu.memory_space<vmem>> -> memref<400x64xf32, #tpu.memory_space<vmem>>
        %swap3A_606 = arith.index_cast %add3A_601 : i32 to index
        %swap3A_607 = arith.constant 0 : index
        %swap3A_608 = tpu.vector_load %swap3A_605[%swap3A_606, %swap3A_607] {strides = array<i32>} : memref<400x64xf32, #tpu.memory_space<vmem>>, vector<16xf32>,
        tpu.vector_store %swap3A_605[%swap3A_606, %swap3A_607], %mul3A_597 {strides = array<i32>} : memref<400x64xf32, #tpu.memory_space<vmem>>, vector<16xf32>,
        %mul3A_609 = arith.constant 8 : i32
        %mul3A_610 = arith.muli %scan3A_285, %mul3A_609 : i32
        %add3A_611 = arith.constant 3 : i32
        %add3A_612 = arith.addi %mul3A_610, %add3A_611 : i32
        %get3A_613 = arith.constant 0 : i32
        %get3A_614 = arith.constant 0 : i32
        %get3A_615 = tpu.memref_slice %arg6[%scan3A_150, %get3A_613, %get3A_614] : memref<4x400x64xf32, #tpu.memory_space<vmem>> -> memref<1x400x64xf32, #tpu.memory_space<vmem>>
        %get3A_616 = tpu.memref_squeeze %get3A_615 : memref<1x400x64xf32, #tpu.memory_space<vmem>> -> memref<400x64xf32, #tpu.memory_space<vmem>>
        %get3A_617 = arith.index_cast %add3A_612 : i32 to index
        %get3A_618 = arith.constant 16 : index
        %get3A_619 = tpu.vector_load %get3A_616[%get3A_617, %get3A_618] {strides = array<i32>} : memref<400x64xf32, #tpu.memory_space<vmem>>, vector<16xf32>,
        %mul3A_620 = arith.constant 8.000000e+00 : f32
        %mul3A_621 = vector.broadcast %mul3A_620 : f32 to vector<16xf32>
        %mul3A_622 = arith.mulf %get3A_619, %mul3A_621 : vector<16xf32>
        %mul3A_623 = arith.constant 8 : i32
        %mul3A_624 = arith.muli %scan3A_285, %mul3A_623 : i32
        %add3A_625 = arith.constant 3 : i32
        %add3A_626 = arith.addi %mul3A_624, %add3A_625 : i32
        %swap3A_627 = arith.constant 0 : i32
        %swap3A_628 = arith.constant 0 : i32
        %swap3A_629 = tpu.memref_slice %arg6[%scan3A_150, %swap3A_627, %swap3A_628] : memref<4x400x64xf32, #tpu.memory_space<vmem>> -> memref<1x400x64xf32, #tpu.memory_space<vmem>>
        %swap3A_630 = tpu.memref_squeeze %swap3A_629 : memref<1x400x64xf32, #tpu.memory_space<vmem>> -> memref<400x64xf32, #tpu.memory_space<vmem>>
        %swap3A_631 = arith.index_cast %add3A_626 : i32 to index
        %swap3A_632 = arith.constant 16 : index
        %swap3A_633 = tpu.vector_load %swap3A_630[%swap3A_631, %swap3A_632] {strides = array<i32>} : memref<400x64xf32, #tpu.memory_space<vmem>>, vector<16xf32>,
        tpu.vector_store %swap3A_630[%swap3A_631, %swap3A_632], %mul3A_622 {strides = array<i32>} : memref<400x64xf32, #tpu.memory_space<vmem>>, vector<16xf32>,
        %mul3A_634 = arith.constant 8 : i32
        %mul3A_635 = arith.muli %scan3A_285, %mul3A_634 : i32
        %add3A_636 = arith.constant 3 : i32
        %add3A_637 = arith.addi %mul3A_635, %add3A_636 : i32
        %get3A_638 = arith.constant 0 : i32
        %get3A_639 = arith.constant 0 : i32
        %get3A_640 = tpu.memref_slice %arg6[%scan3A_150, %get3A_638, %get3A_639] : memref<4x400x64xf32, #tpu.memory_space<vmem>> -> memref<1x400x64xf32, #tpu.memory_space<vmem>>
        %get3A_641 = tpu.memref_squeeze %get3A_640 : memref<1x400x64xf32, #tpu.memory_space<vmem>> -> memref<400x64xf32, #tpu.memory_space<vmem>>
        %get3A_642 = arith.index_cast %add3A_637 : i32 to index
        %get3A_643 = arith.constant 32 : index
        %get3A_644 = tpu.vector_load %get3A_641[%get3A_642, %get3A_643] {strides = array<i32>} : memref<400x64xf32, #tpu.memory_space<vmem>>, vector<16xf32>,
        %mul3A_645 = arith.constant 8.000000e+00 : f32
        %mul3A_646 = vector.broadcast %mul3A_645 : f32 to vector<16xf32>
        %mul3A_647 = arith.mulf %get3A_644, %mul3A_646 : vector<16xf32>
        %mul3A_648 = arith.constant 8 : i32
        %mul3A_649 = arith.muli %scan3A_285, %mul3A_648 : i32
        %add3A_650 = arith.constant 3 : i32
        %add3A_651 = arith.addi %mul3A_649, %add3A_650 : i32
        %swap3A_652 = arith.constant 0 : i32
        %swap3A_653 = arith.constant 0 : i32
        %swap3A_654 = tpu.memref_slice %arg6[%scan3A_150, %swap3A_652, %swap3A_653] : memref<4x400x64xf32, #tpu.memory_space<vmem>> -> memref<1x400x64xf32, #tpu.memory_space<vmem>>
        %swap3A_655 = tpu.memref_squeeze %swap3A_654 : memref<1x400x64xf32, #tpu.memory_space<vmem>> -> memref<400x64xf32, #tpu.memory_space<vmem>>
        %swap3A_656 = arith.index_cast %add3A_651 : i32 to index
        %swap3A_657 = arith.constant 32 : index
        %swap3A_658 = tpu.vector_load %swap3A_655[%swap3A_656, %swap3A_657] {strides = array<i32>} : memref<400x64xf32, #tpu.memory_space<vmem>>, vector<16xf32>,
        tpu.vector_store %swap3A_655[%swap3A_656, %swap3A_657], %mul3A_647 {strides = array<i32>} : memref<400x64xf32, #tpu.memory_space<vmem>>, vector<16xf32>,
        %mul3A_659 = arith.constant 8 : i32
        %mul3A_660 = arith.muli %scan3A_285, %mul3A_659 : i32
        %add3A_661 = arith.constant 3 : i32
        %add3A_662 = arith.addi %mul3A_660, %add3A_661 : i32
        %get3A_663 = arith.constant 0 : i32
        %get3A_664 = arith.constant 0 : i32
        %get3A_665 = tpu.memref_slice %arg6[%scan3A_150, %get3A_663, %get3A_664] : memref<4x400x64xf32, #tpu.memory_space<vmem>> -> memref<1x400x64xf32, #tpu.memory_space<vmem>>
        %get3A_666 = tpu.memref_squeeze %get3A_665 : memref<1x400x64xf32, #tpu.memory_space<vmem>> -> memref<400x64xf32, #tpu.memory_space<vmem>>
        %get3A_667 = arith.index_cast %add3A_662 : i32 to index
        %get3A_668 = arith.constant 48 : index
        %get3A_669 = tpu.vector_load %get3A_666[%get3A_667, %get3A_668] {strides = array<i32>} : memref<400x64xf32, #tpu.memory_space<vmem>>, vector<16xf32>,
        %mul3A_670 = arith.constant 8.000000e+00 : f32
        %mul3A_671 = vector.broadcast %mul3A_670 : f32 to vector<16xf32>
        %mul3A_672 = arith.mulf %get3A_669, %mul3A_671 : vector<16xf32>
        %mul3A_673 = arith.constant 8 : i32
        %mul3A_674 = arith.muli %scan3A_285, %mul3A_673 : i32
        %add3A_675 = arith.constant 3 : i32
        %add3A_676 = arith.addi %mul3A_674, %add3A_675 : i32
        %swap3A_677 = arith.constant 0 : i32
        %swap3A_678 = arith.constant 0 : i32
        %swap3A_679 = tpu.memref_slice %arg6[%scan3A_150, %swap3A_677, %swap3A_678] : memref<4x400x64xf32, #tpu.memory_space<vmem>> -> memref<1x400x64xf32, #tpu.memory_space<vmem>>
        %swap3A_680 = tpu.memref_squeeze %swap3A_679 : memref<1x400x64xf32, #tpu.memory_space<vmem>> -> memref<400x64xf32, #tpu.memory_space<vmem>>
        %swap3A_681 = arith.index_cast %add3A_676 : i32 to index
        %swap3A_682 = arith.constant 48 : index
        %swap3A_683 = tpu.vector_load %swap3A_680[%swap3A_681, %swap3A_682] {strides = array<i32>} : memref<400x64xf32, #tpu.memory_space<vmem>>, vector<16xf32>,
        tpu.vector_store %swap3A_680[%swap3A_681, %swap3A_682], %mul3A_672 {strides = array<i32>} : memref<400x64xf32, #tpu.memory_space<vmem>>, vector<16xf32>,
        %mul3A_684 = arith.constant 8 : i32
        %mul3A_685 = arith.muli %scan3A_285, %mul3A_684 : i32
        %add3A_686 = arith.constant 4 : i32
        %add3A_687 = arith.addi %mul3A_685, %add3A_686 : i32
        %get3A_688 = arith.constant 0 : i32
        %get3A_689 = arith.constant 0 : i32
        %get3A_690 = tpu.memref_slice %arg6[%scan3A_150, %get3A_688, %get3A_689] : memref<4x400x64xf32, #tpu.memory_space<vmem>> -> memref<1x400x64xf32, #tpu.memory_space<vmem>>
        %get3A_691 = tpu.memref_squeeze %get3A_690 : memref<1x400x64xf32, #tpu.memory_space<vmem>> -> memref<400x64xf32, #tpu.memory_space<vmem>>
        %get3A_692 = arith.index_cast %add3A_687 : i32 to index
        %get3A_693 = arith.constant 0 : index
        %get3A_694 = tpu.vector_load %get3A_691[%get3A_692, %get3A_693] {strides = array<i32>} : memref<400x64xf32, #tpu.memory_space<vmem>>, vector<16xf32>,
        %mul3A_695 = arith.constant 8.000000e+00 : f32
        %mul3A_696 = vector.broadcast %mul3A_695 : f32 to vector<16xf32>
        %mul3A_697 = arith.mulf %get3A_694, %mul3A_696 : vector<16xf32>
        %mul3A_698 = arith.constant 8 : i32
        %mul3A_699 = arith.muli %scan3A_285, %mul3A_698 : i32
        %add3A_700 = arith.constant 4 : i32
        %add3A_701 = arith.addi %mul3A_699, %add3A_700 : i32
        %swap3A_702 = arith.constant 0 : i32
        %swap3A_703 = arith.constant 0 : i32
        %swap3A_704 = tpu.memref_slice %arg6[%scan3A_150, %swap3A_702, %swap3A_703] : memref<4x400x64xf32, #tpu.memory_space<vmem>> -> memref<1x400x64xf32, #tpu.memory_space<vmem>>
        %swap3A_705 = tpu.memref_squeeze %swap3A_704 : memref<1x400x64xf32, #tpu.memory_space<vmem>> -> memref<400x64xf32, #tpu.memory_space<vmem>>
        %swap3A_706 = arith.index_cast %add3A_701 : i32 to index
        %swap3A_707 = arith.constant 0 : index
        %swap3A_708 = tpu.vector_load %swap3A_705[%swap3A_706, %swap3A_707] {strides = array<i32>} : memref<400x64xf32, #tpu.memory_space<vmem>>, vector<16xf32>,
        tpu.vector_store %swap3A_705[%swap3A_706, %swap3A_707], %mul3A_697 {strides = array<i32>} : memref<400x64xf32, #tpu.memory_space<vmem>>, vector<16xf32>,
        %mul3A_709 = arith.constant 8 : i32
        %mul3A_710 = arith.muli %scan3A_285, %mul3A_709 : i32
        %add3A_711 = arith.constant 4 : i32
        %add3A_712 = arith.addi %mul3A_710, %add3A_711 : i32
        %get3A_713 = arith.constant 0 : i32
        %get3A_714 = arith.constant 0 : i32
        %get3A_715 = tpu.memref_slice %arg6[%scan3A_150, %get3A_713, %get3A_714] : memref<4x400x64xf32, #tpu.memory_space<vmem>> -> memref<1x400x64xf32, #tpu.memory_space<vmem>>
        %get3A_716 = tpu.memref_squeeze %get3A_715 : memref<1x400x64xf32, #tpu.memory_space<vmem>> -> memref<400x64xf32, #tpu.memory_space<vmem>>
        %get3A_717 = arith.index_cast %add3A_712 : i32 to index
        %get3A_718 = arith.constant 16 : index
        %get3A_719 = tpu.vector_load %get3A_716[%get3A_717, %get3A_718] {strides = array<i32>} : memref<400x64xf32, #tpu.memory_space<vmem>>, vector<16xf32>,
        %mul3A_720 = arith.constant 8.000000e+00 : f32
        %mul3A_721 = vector.broadcast %mul3A_720 : f32 to vector<16xf32>
        %mul3A_722 = arith.mulf %get3A_719, %mul3A_721 : vector<16xf32>
        %mul3A_723 = arith.constant 8 : i32
        %mul3A_724 = arith.muli %scan3A_285, %mul3A_723 : i32
        %add3A_725 = arith.constant 4 : i32
        %add3A_726 = arith.addi %mul3A_724, %add3A_725 : i32
        %swap3A_727 = arith.constant 0 : i32
        %swap3A_728 = arith.constant 0 : i32
        %swap3A_729 = tpu.memref_slice %arg6[%scan3A_150, %swap3A_727, %swap3A_728] : memref<4x400x64xf32, #tpu.memory_space<vmem>> -> memref<1x400x64xf32, #tpu.memory_space<vmem>>
        %swap3A_730 = tpu.memref_squeeze %swap3A_729 : memref<1x400x64xf32, #tpu.memory_space<vmem>> -> memref<400x64xf32, #tpu.memory_space<vmem>>
        %swap3A_731 = arith.index_cast %add3A_726 : i32 to index
        %swap3A_732 = arith.constant 16 : index
        %swap3A_733 = tpu.vector_load %swap3A_730[%swap3A_731, %swap3A_732] {strides = array<i32>} : memref<400x64xf32, #tpu.memory_space<vmem>>, vector<16xf32>,
        tpu.vector_store %swap3A_730[%swap3A_731, %swap3A_732], %mul3A_722 {strides = array<i32>} : memref<400x64xf32, #tpu.memory_space<vmem>>, vector<16xf32>,
        %mul3A_734 = arith.constant 8 : i32
        %mul3A_735 = arith.muli %scan3A_285, %mul3A_734 : i32
        %add3A_736 = arith.constant 4 : i32
        %add3A_737 = arith.addi %mul3A_735, %add3A_736 : i32
        %get3A_738 = arith.constant 0 : i32
        %get3A_739 = arith.constant 0 : i32
        %get3A_740 = tpu.memref_slice %arg6[%scan3A_150, %get3A_738, %get3A_739] : memref<4x400x64xf32, #tpu.memory_space<vmem>> -> memref<1x400x64xf32, #tpu.memory_space<vmem>>
        %get3A_741 = tpu.memref_squeeze %get3A_740 : memref<1x400x64xf32, #tpu.memory_space<vmem>> -> memref<400x64xf32, #tpu.memory_space<vmem>>
        %get3A_742 = arith.index_cast %add3A_737 : i32 to index
        %get3A_743 = arith.constant 32 : index
        %get3A_744 = tpu.vector_load %get3A_741[%get3A_742, %get3A_743] {strides = array<i32>} : memref<400x64xf32, #tpu.memory_space<vmem>>, vector<16xf32>,
        %mul3A_745 = arith.constant 8.000000e+00 : f32
        %mul3A_746 = vector.broadcast %mul3A_745 : f32 to vector<16xf32>
        %mul3A_747 = arith.mulf %get3A_744, %mul3A_746 : vector<16xf32>
        %mul3A_748 = arith.constant 8 : i32
        %mul3A_749 = arith.muli %scan3A_285, %mul3A_748 : i32
        %add3A_750 = arith.constant 4 : i32
        %add3A_751 = arith.addi %mul3A_749, %add3A_750 : i32
        %swap3A_752 = arith.constant 0 : i32
        %swap3A_753 = arith.constant 0 : i32
        %swap3A_754 = tpu.memref_slice %arg6[%scan3A_150, %swap3A_752, %swap3A_753] : memref<4x400x64xf32, #tpu.memory_space<vmem>> -> memref<1x400x64xf32, #tpu.memory_space<vmem>>
        %swap3A_755 = tpu.memref_squeeze %swap3A_754 : memref<1x400x64xf32, #tpu.memory_space<vmem>> -> memref<400x64xf32, #tpu.memory_space<vmem>>
        %swap3A_756 = arith.index_cast %add3A_751 : i32 to index
        %swap3A_757 = arith.constant 32 : index
        %swap3A_758 = tpu.vector_load %swap3A_755[%swap3A_756, %swap3A_757] {strides = array<i32>} : memref<400x64xf32, #tpu.memory_space<vmem>>, vector<16xf32>,
        tpu.vector_store %swap3A_755[%swap3A_756, %swap3A_757], %mul3A_747 {strides = array<i32>} : memref<400x64xf32, #tpu.memory_space<vmem>>, vector<16xf32>,
        %mul3A_759 = arith.constant 8 : i32
        %mul3A_760 = arith.muli %scan3A_285, %mul3A_759 : i32
        %add3A_761 = arith.constant 4 : i32
        %add3A_762 = arith.addi %mul3A_760, %add3A_761 : i32
        %get3A_763 = arith.constant 0 : i32
        %get3A_764 = arith.constant 0 : i32
        %get3A_765 = tpu.memref_slice %arg6[%scan3A_150, %get3A_763, %get3A_764] : memref<4x400x64xf32, #tpu.memory_space<vmem>> -> memref<1x400x64xf32, #tpu.memory_space<vmem>>
        %get3A_766 = tpu.memref_squeeze %get3A_765 : memref<1x400x64xf32, #tpu.memory_space<vmem>> -> memref<400x64xf32, #tpu.memory_space<vmem>>
        %get3A_767 = arith.index_cast %add3A_762 : i32 to index
        %get3A_768 = arith.constant 48 : index
        %get3A_769 = tpu.vector_load %get3A_766[%get3A_767, %get3A_768] {strides = array<i32>} : memref<400x64xf32, #tpu.memory_space<vmem>>, vector<16xf32>,
        %mul3A_770 = arith.constant 8.000000e+00 : f32
        %mul3A_771 = vector.broadcast %mul3A_770 : f32 to vector<16xf32>
        %mul3A_772 = arith.mulf %get3A_769, %mul3A_771 : vector<16xf32>
        %mul3A_773 = arith.constant 8 : i32
        %mul3A_774 = arith.muli %scan3A_285, %mul3A_773 : i32
        %add3A_775 = arith.constant 4 : i32
        %add3A_776 = arith.addi %mul3A_774, %add3A_775 : i32
        %swap3A_777 = arith.constant 0 : i32
        %swap3A_778 = arith.constant 0 : i32
        %swap3A_779 = tpu.memref_slice %arg6[%scan3A_150, %swap3A_777, %swap3A_778] : memref<4x400x64xf32, #tpu.memory_space<vmem>> -> memref<1x400x64xf32, #tpu.memory_space<vmem>>
        %swap3A_780 = tpu.memref_squeeze %swap3A_779 : memref<1x400x64xf32, #tpu.memory_space<vmem>> -> memref<400x64xf32, #tpu.memory_space<vmem>>
        %swap3A_781 = arith.index_cast %add3A_776 : i32 to index
        %swap3A_782 = arith.constant 48 : index
        %swap3A_783 = tpu.vector_load %swap3A_780[%swap3A_781, %swap3A_782] {strides = array<i32>} : memref<400x64xf32, #tpu.memory_space<vmem>>, vector<16xf32>,
        tpu.vector_store %swap3A_780[%swap3A_781, %swap3A_782], %mul3A_772 {strides = array<i32>} : memref<400x64xf32, #tpu.memory_space<vmem>>, vector<16xf32>,
        %mul3A_784 = arith.constant 8 : i32
        %mul3A_785 = arith.muli %scan3A_285, %mul3A_784 : i32
        %add3A_786 = arith.constant 5 : i32
        %add3A_787 = arith.addi %mul3A_785, %add3A_786 : i32
        %get3A_788 = arith.constant 0 : i32
        %get3A_789 = arith.constant 0 : i32
        %get3A_790 = tpu.memref_slice %arg6[%scan3A_150, %get3A_788, %get3A_789] : memref<4x400x64xf32, #tpu.memory_space<vmem>> -> memref<1x400x64xf32, #tpu.memory_space<vmem>>
        %get3A_791 = tpu.memref_squeeze %get3A_790 : memref<1x400x64xf32, #tpu.memory_space<vmem>> -> memref<400x64xf32, #tpu.memory_space<vmem>>
        %get3A_792 = arith.index_cast %add3A_787 : i32 to index
        %get3A_793 = arith.constant 0 : index
        %get3A_794 = tpu.vector_load %get3A_791[%get3A_792, %get3A_793] {strides = array<i32>} : memref<400x64xf32, #tpu.memory_space<vmem>>, vector<16xf32>,
        %mul3A_795 = arith.constant 8.000000e+00 : f32
        %mul3A_796 = vector.broadcast %mul3A_795 : f32 to vector<16xf32>
        %mul3A_797 = arith.mulf %get3A_794, %mul3A_796 : vector<16xf32>
        %mul3A_798 = arith.constant 8 : i32
        %mul3A_799 = arith.muli %scan3A_285, %mul3A_798 : i32
        %add3A_800 = arith.constant 5 : i32
        %add3A_801 = arith.addi %mul3A_799, %add3A_800 : i32
        %swap3A_802 = arith.constant 0 : i32
        %swap3A_803 = arith.constant 0 : i32
        %swap3A_804 = tpu.memref_slice %arg6[%scan3A_150, %swap3A_802, %swap3A_803] : memref<4x400x64xf32, #tpu.memory_space<vmem>> -> memref<1x400x64xf32, #tpu.memory_space<vmem>>
        %swap3A_805 = tpu.memref_squeeze %swap3A_804 : memref<1x400x64xf32, #tpu.memory_space<vmem>> -> memref<400x64xf32, #tpu.memory_space<vmem>>
        %swap3A_806 = arith.index_cast %add3A_801 : i32 to index
        %swap3A_807 = arith.constant 0 : index
        %swap3A_808 = tpu.vector_load %swap3A_805[%swap3A_806, %swap3A_807] {strides = array<i32>} : memref<400x64xf32, #tpu.memory_space<vmem>>, vector<16xf32>,
        tpu.vector_store %swap3A_805[%swap3A_806, %swap3A_807], %mul3A_797 {strides = array<i32>} : memref<400x64xf32, #tpu.memory_space<vmem>>, vector<16xf32>,
        %mul3A_809 = arith.constant 8 : i32
        %mul3A_810 = arith.muli %scan3A_285, %mul3A_809 : i32
        %add3A_811 = arith.constant 5 : i32
        %add3A_812 = arith.addi %mul3A_810, %add3A_811 : i32
        %get3A_813 = arith.constant 0 : i32
        %get3A_814 = arith.constant 0 : i32
        %get3A_815 = tpu.memref_slice %arg6[%scan3A_150, %get3A_813, %get3A_814] : memref<4x400x64xf32, #tpu.memory_space<vmem>> -> memref<1x400x64xf32, #tpu.memory_space<vmem>>
        %get3A_816 = tpu.memref_squeeze %get3A_815 : memref<1x400x64xf32, #tpu.memory_space<vmem>> -> memref<400x64xf32, #tpu.memory_space<vmem>>
        %get3A_817 = arith.index_cast %add3A_812 : i32 to index
        %get3A_818 = arith.constant 16 : index
        %get3A_819 = tpu.vector_load %get3A_816[%get3A_817, %get3A_818] {strides = array<i32>} : memref<400x64xf32, #tpu.memory_space<vmem>>, vector<16xf32>,
        %mul3A_820 = arith.constant 8.000000e+00 : f32
        %mul3A_821 = vector.broadcast %mul3A_820 : f32 to vector<16xf32>
        %mul3A_822 = arith.mulf %get3A_819, %mul3A_821 : vector<16xf32>
        %mul3A_823 = arith.constant 8 : i32
        %mul3A_824 = arith.muli %scan3A_285, %mul3A_823 : i32
        %add3A_825 = arith.constant 5 : i32
        %add3A_826 = arith.addi %mul3A_824, %add3A_825 : i32
        %swap3A_827 = arith.constant 0 : i32
        %swap3A_828 = arith.constant 0 : i32
        %swap3A_829 = tpu.memref_slice %arg6[%scan3A_150, %swap3A_827, %swap3A_828] : memref<4x400x64xf32, #tpu.memory_space<vmem>> -> memref<1x400x64xf32, #tpu.memory_space<vmem>>
        %swap3A_830 = tpu.memref_squeeze %swap3A_829 : memref<1x400x64xf32, #tpu.memory_space<vmem>> -> memref<400x64xf32, #tpu.memory_space<vmem>>
        %swap3A_831 = arith.index_cast %add3A_826 : i32 to index
        %swap3A_832 = arith.constant 16 : index
        %swap3A_833 = tpu.vector_load %swap3A_830[%swap3A_831, %swap3A_832] {strides = array<i32>} : memref<400x64xf32, #tpu.memory_space<vmem>>, vector<16xf32>,
        tpu.vector_store %swap3A_830[%swap3A_831, %swap3A_832], %mul3A_822 {strides = array<i32>} : memref<400x64xf32, #tpu.memory_space<vmem>>, vector<16xf32>,
        %mul3A_834 = arith.constant 8 : i32
        %mul3A_835 = arith.muli %scan3A_285, %mul3A_834 : i32
        %add3A_836 = arith.constant 5 : i32
        %add3A_837 = arith.addi %mul3A_835, %add3A_836 : i32
        %get3A_838 = arith.constant 0 : i32
        %get3A_839 = arith.constant 0 : i32
        %get3A_840 = tpu.memref_slice %arg6[%scan3A_150, %get3A_838, %get3A_839] : memref<4x400x64xf32, #tpu.memory_space<vmem>> -> memref<1x400x64xf32, #tpu.memory_space<vmem>>
        %get3A_841 = tpu.memref_squeeze %get3A_840 : memref<1x400x64xf32, #tpu.memory_space<vmem>> -> memref<400x64xf32, #tpu.memory_space<vmem>>
        %get3A_842 = arith.index_cast %add3A_837 : i32 to index
        %get3A_843 = arith.constant 32 : index
        %get3A_844 = tpu.vector_load %get3A_841[%get3A_842, %get3A_843] {strides = array<i32>} : memref<400x64xf32, #tpu.memory_space<vmem>>, vector<16xf32>,
        %mul3A_845 = arith.constant 8.000000e+00 : f32
        %mul3A_846 = vector.broadcast %mul3A_845 : f32 to vector<16xf32>
        %mul3A_847 = arith.mulf %get3A_844, %mul3A_846 : vector<16xf32>
        %mul3A_848 = arith.constant 8 : i32
        %mul3A_849 = arith.muli %scan3A_285, %mul3A_848 : i32
        %add3A_850 = arith.constant 5 : i32
        %add3A_851 = arith.addi %mul3A_849, %add3A_850 : i32
        %swap3A_852 = arith.constant 0 : i32
        %swap3A_853 = arith.constant 0 : i32
        %swap3A_854 = tpu.memref_slice %arg6[%scan3A_150, %swap3A_852, %swap3A_853] : memref<4x400x64xf32, #tpu.memory_space<vmem>> -> memref<1x400x64xf32, #tpu.memory_space<vmem>>
        %swap3A_855 = tpu.memref_squeeze %swap3A_854 : memref<1x400x64xf32, #tpu.memory_space<vmem>> -> memref<400x64xf32, #tpu.memory_space<vmem>>
        %swap3A_856 = arith.index_cast %add3A_851 : i32 to index
        %swap3A_857 = arith.constant 32 : index
        %swap3A_858 = tpu.vector_load %swap3A_855[%swap3A_856, %swap3A_857] {strides = array<i32>} : memref<400x64xf32, #tpu.memory_space<vmem>>, vector<16xf32>,
        tpu.vector_store %swap3A_855[%swap3A_856, %swap3A_857], %mul3A_847 {strides = array<i32>} : memref<400x64xf32, #tpu.memory_space<vmem>>, vector<16xf32>,
        %mul3A_859 = arith.constant 8 : i32
        %mul3A_860 = arith.muli %scan3A_285, %mul3A_859 : i32
        %add3A_861 = arith.constant 5 : i32
        %add3A_862 = arith.addi %mul3A_860, %add3A_861 : i32
        %get3A_863 = arith.constant 0 : i32
        %get3A_864 = arith.constant 0 : i32
        %get3A_865 = tpu.memref_slice %arg6[%scan3A_150, %get3A_863, %get3A_864] : memref<4x400x64xf32, #tpu.memory_space<vmem>> -> memref<1x400x64xf32, #tpu.memory_space<vmem>>
        %get3A_866 = tpu.memref_squeeze %get3A_865 : memref<1x400x64xf32, #tpu.memory_space<vmem>> -> memref<400x64xf32, #tpu.memory_space<vmem>>
        %get3A_867 = arith.index_cast %add3A_862 : i32 to index
        %get3A_868 = arith.constant 48 : index
        %get3A_869 = tpu.vector_load %get3A_866[%get3A_867, %get3A_868] {strides = array<i32>} : memref<400x64xf32, #tpu.memory_space<vmem>>, vector<16xf32>,
        %mul3A_870 = arith.constant 8.000000e+00 : f32
        %mul3A_871 = vector.broadcast %mul3A_870 : f32 to vector<16xf32>
        %mul3A_872 = arith.mulf %get3A_869, %mul3A_871 : vector<16xf32>
        %mul3A_873 = arith.constant 8 : i32
        %mul3A_874 = arith.muli %scan3A_285, %mul3A_873 : i32
        %add3A_875 = arith.constant 5 : i32
        %add3A_876 = arith.addi %mul3A_874, %add3A_875 : i32
        %swap3A_877 = arith.constant 0 : i32
        %swap3A_878 = arith.constant 0 : i32
        %swap3A_879 = tpu.memref_slice %arg6[%scan3A_150, %swap3A_877, %swap3A_878] : memref<4x400x64xf32, #tpu.memory_space<vmem>> -> memref<1x400x64xf32, #tpu.memory_space<vmem>>
        %swap3A_880 = tpu.memref_squeeze %swap3A_879 : memref<1x400x64xf32, #tpu.memory_space<vmem>> -> memref<400x64xf32, #tpu.memory_space<vmem>>
        %swap3A_881 = arith.index_cast %add3A_876 : i32 to index
        %swap3A_882 = arith.constant 48 : index
        %swap3A_883 = tpu.vector_load %swap3A_880[%swap3A_881, %swap3A_882] {strides = array<i32>} : memref<400x64xf32, #tpu.memory_space<vmem>>, vector<16xf32>,
        tpu.vector_store %swap3A_880[%swap3A_881, %swap3A_882], %mul3A_872 {strides = array<i32>} : memref<400x64xf32, #tpu.memory_space<vmem>>, vector<16xf32>,
        %mul3A_884 = arith.constant 8 : i32
        %mul3A_885 = arith.muli %scan3A_285, %mul3A_884 : i32
        %add3A_886 = arith.constant 6 : i32
        %add3A_887 = arith.addi %mul3A_885, %add3A_886 : i32
        %get3A_888 = arith.constant 0 : i32
        %get3A_889 = arith.constant 0 : i32
        %get3A_890 = tpu.memref_slice %arg6[%scan3A_150, %get3A_888, %get3A_889] : memref<4x400x64xf32, #tpu.memory_space<vmem>> -> memref<1x400x64xf32, #tpu.memory_space<vmem>>
        %get3A_891 = tpu.memref_squeeze %get3A_890 : memref<1x400x64xf32, #tpu.memory_space<vmem>> -> memref<400x64xf32, #tpu.memory_space<vmem>>
        %get3A_892 = arith.index_cast %add3A_887 : i32 to index
        %get3A_893 = arith.constant 0 : index
        %get3A_894 = tpu.vector_load %get3A_891[%get3A_892, %get3A_893] {strides = array<i32>} : memref<400x64xf32, #tpu.memory_space<vmem>>, vector<16xf32>,
        %mul3A_895 = arith.constant 8.000000e+00 : f32
        %mul3A_896 = vector.broadcast %mul3A_895 : f32 to vector<16xf32>
        %mul3A_897 = arith.mulf %get3A_894, %mul3A_896 : vector<16xf32>
        %mul3A_898 = arith.constant 8 : i32
        %mul3A_899 = arith.muli %scan3A_285, %mul3A_898 : i32
        %add3A_900 = arith.constant 6 : i32
        %add3A_901 = arith.addi %mul3A_899, %add3A_900 : i32
        %swap3A_902 = arith.constant 0 : i32
        %swap3A_903 = arith.constant 0 : i32
        %swap3A_904 = tpu.memref_slice %arg6[%scan3A_150, %swap3A_902, %swap3A_903] : memref<4x400x64xf32, #tpu.memory_space<vmem>> -> memref<1x400x64xf32, #tpu.memory_space<vmem>>
        %swap3A_905 = tpu.memref_squeeze %swap3A_904 : memref<1x400x64xf32, #tpu.memory_space<vmem>> -> memref<400x64xf32, #tpu.memory_space<vmem>>
        %swap3A_906 = arith.index_cast %add3A_901 : i32 to index
        %swap3A_907 = arith.constant 0 : index
        %swap3A_908 = tpu.vector_load %swap3A_905[%swap3A_906, %swap3A_907] {strides = array<i32>} : memref<400x64xf32, #tpu.memory_space<vmem>>, vector<16xf32>,
        tpu.vector_store %swap3A_905[%swap3A_906, %swap3A_907], %mul3A_897 {strides = array<i32>} : memref<400x64xf32, #tpu.memory_space<vmem>>, vector<16xf32>,
        %mul3A_909 = arith.constant 8 : i32
        %mul3A_910 = arith.muli %scan3A_285, %mul3A_909 : i32
        %add3A_911 = arith.constant 6 : i32
        %add3A_912 = arith.addi %mul3A_910, %add3A_911 : i32
        %get3A_913 = arith.constant 0 : i32
        %get3A_914 = arith.constant 0 : i32
        %get3A_915 = tpu.memref_slice %arg6[%scan3A_150, %get3A_913, %get3A_914] : memref<4x400x64xf32, #tpu.memory_space<vmem>> -> memref<1x400x64xf32, #tpu.memory_space<vmem>>
        %get3A_916 = tpu.memref_squeeze %get3A_915 : memref<1x400x64xf32, #tpu.memory_space<vmem>> -> memref<400x64xf32, #tpu.memory_space<vmem>>
        %get3A_917 = arith.index_cast %add3A_912 : i32 to index
        %get3A_918 = arith.constant 16 : index
        %get3A_919 = tpu.vector_load %get3A_916[%get3A_917, %get3A_918] {strides = array<i32>} : memref<400x64xf32, #tpu.memory_space<vmem>>, vector<16xf32>,
        %mul3A_920 = arith.constant 8.000000e+00 : f32
        %mul3A_921 = vector.broadcast %mul3A_920 : f32 to vector<16xf32>
        %mul3A_922 = arith.mulf %get3A_919, %mul3A_921 : vector<16xf32>
        %mul3A_923 = arith.constant 8 : i32
        %mul3A_924 = arith.muli %scan3A_285, %mul3A_923 : i32
        %add3A_925 = arith.constant 6 : i32
        %add3A_926 = arith.addi %mul3A_924, %add3A_925 : i32
        %swap3A_927 = arith.constant 0 : i32
        %swap3A_928 = arith.constant 0 : i32
        %swap3A_929 = tpu.memref_slice %arg6[%scan3A_150, %swap3A_927, %swap3A_928] : memref<4x400x64xf32, #tpu.memory_space<vmem>> -> memref<1x400x64xf32, #tpu.memory_space<vmem>>
        %swap3A_930 = tpu.memref_squeeze %swap3A_929 : memref<1x400x64xf32, #tpu.memory_space<vmem>> -> memref<400x64xf32, #tpu.memory_space<vmem>>
        %swap3A_931 = arith.index_cast %add3A_926 : i32 to index
        %swap3A_932 = arith.constant 16 : index
        %swap3A_933 = tpu.vector_load %swap3A_930[%swap3A_931, %swap3A_932] {strides = array<i32>} : memref<400x64xf32, #tpu.memory_space<vmem>>, vector<16xf32>,
        tpu.vector_store %swap3A_930[%swap3A_931, %swap3A_932], %mul3A_922 {strides = array<i32>} : memref<400x64xf32, #tpu.memory_space<vmem>>, vector<16xf32>,
        %mul3A_934 = arith.constant 8 : i32
        %mul3A_935 = arith.muli %scan3A_285, %mul3A_934 : i32
        %add3A_936 = arith.constant 6 : i32
        %add3A_937 = arith.addi %mul3A_935, %add3A_936 : i32
        %get3A_938 = arith.constant 0 : i32
        %get3A_939 = arith.constant 0 : i32
        %get3A_940 = tpu.memref_slice %arg6[%scan3A_150, %get3A_938, %get3A_939] : memref<4x400x64xf32, #tpu.memory_space<vmem>> -> memref<1x400x64xf32, #tpu.memory_space<vmem>>
        %get3A_941 = tpu.memref_squeeze %get3A_940 : memref<1x400x64xf32, #tpu.memory_space<vmem>> -> memref<400x64xf32, #tpu.memory_space<vmem>>
        %get3A_942 = arith.index_cast %add3A_937 : i32 to index
        %get3A_943 = arith.constant 32 : index
        %get3A_944 = tpu.vector_load %get3A_941[%get3A_942, %get3A_943] {strides = array<i32>} : memref<400x64xf32, #tpu.memory_space<vmem>>, vector<16xf32>,
        %mul3A_945 = arith.constant 8.000000e+00 : f32
        %mul3A_946 = vector.broadcast %mul3A_945 : f32 to vector<16xf32>
        %mul3A_947 = arith.mulf %get3A_944, %mul3A_946 : vector<16xf32>
        %mul3A_948 = arith.constant 8 : i32
        %mul3A_949 = arith.muli %scan3A_285, %mul3A_948 : i32
        %add3A_950 = arith.constant 6 : i32
        %add3A_951 = arith.addi %mul3A_949, %add3A_950 : i32
        %swap3A_952 = arith.constant 0 : i32
        %swap3A_953 = arith.constant 0 : i32
        %swap3A_954 = tpu.memref_slice %arg6[%scan3A_150, %swap3A_952, %swap3A_953] : memref<4x400x64xf32, #tpu.memory_space<vmem>> -> memref<1x400x64xf32, #tpu.memory_space<vmem>>
        %swap3A_955 = tpu.memref_squeeze %swap3A_954 : memref<1x400x64xf32, #tpu.memory_space<vmem>> -> memref<400x64xf32, #tpu.memory_space<vmem>>
        %swap3A_956 = arith.index_cast %add3A_951 : i32 to index
        %swap3A_957 = arith.constant 32 : index
        %swap3A_958 = tpu.vector_load %swap3A_955[%swap3A_956, %swap3A_957] {strides = array<i32>} : memref<400x64xf32, #tpu.memory_space<vmem>>, vector<16xf32>,
        tpu.vector_store %swap3A_955[%swap3A_956, %swap3A_957], %mul3A_947 {strides = array<i32>} : memref<400x64xf32, #tpu.memory_space<vmem>>, vector<16xf32>,
        %mul3A_959 = arith.constant 8 : i32
        %mul3A_960 = arith.muli %scan3A_285, %mul3A_959 : i32
        %add3A_961 = arith.constant 6 : i32
        %add3A_962 = arith.addi %mul3A_960, %add3A_961 : i32
        %get3A_963 = arith.constant 0 : i32
        %get3A_964 = arith.constant 0 : i32
        %get3A_965 = tpu.memref_slice %arg6[%scan3A_150, %get3A_963, %get3A_964] : memref<4x400x64xf32, #tpu.memory_space<vmem>> -> memref<1x400x64xf32, #tpu.memory_space<vmem>>
        %get3A_966 = tpu.memref_squeeze %get3A_965 : memref<1x400x64xf32, #tpu.memory_space<vmem>> -> memref<400x64xf32, #tpu.memory_space<vmem>>
        %get3A_967 = arith.index_cast %add3A_962 : i32 to index
        %get3A_968 = arith.constant 48 : index
        %get3A_969 = tpu.vector_load %get3A_966[%get3A_967, %get3A_968] {strides = array<i32>} : memref<400x64xf32, #tpu.memory_space<vmem>>, vector<16xf32>,
        %mul3A_970 = arith.constant 8.000000e+00 : f32
        %mul3A_971 = vector.broadcast %mul3A_970 : f32 to vector<16xf32>
        %mul3A_972 = arith.mulf %get3A_969, %mul3A_971 : vector<16xf32>
        %mul3A_973 = arith.constant 8 : i32
        %mul3A_974 = arith.muli %scan3A_285, %mul3A_973 : i32
        %add3A_975 = arith.constant 6 : i32
        %add3A_976 = arith.addi %mul3A_974, %add3A_975 : i32
        %swap3A_977 = arith.constant 0 : i32
        %swap3A_978 = arith.constant 0 : i32
        %swap3A_979 = tpu.memref_slice %arg6[%scan3A_150, %swap3A_977, %swap3A_978] : memref<4x400x64xf32, #tpu.memory_space<vmem>> -> memref<1x400x64xf32, #tpu.memory_space<vmem>>
        %swap3A_980 = tpu.memref_squeeze %swap3A_979 : memref<1x400x64xf32, #tpu.memory_space<vmem>> -> memref<400x64xf32, #tpu.memory_space<vmem>>
        %swap3A_981 = arith.index_cast %add3A_976 : i32 to index
        %swap3A_982 = arith.constant 48 : index
        %swap3A_983 = tpu.vector_load %swap3A_980[%swap3A_981, %swap3A_982] {strides = array<i32>} : memref<400x64xf32, #tpu.memory_space<vmem>>, vector<16xf32>,
        tpu.vector_store %swap3A_980[%swap3A_981, %swap3A_982], %mul3A_972 {strides = array<i32>} : memref<400x64xf32, #tpu.memory_space<vmem>>, vector<16xf32>,
        %mul3A_984 = arith.constant 8 : i32
        %mul3A_985 = arith.muli %scan3A_285, %mul3A_984 : i32
        %add3A_986 = arith.constant 7 : i32
        %add3A_987 = arith.addi %mul3A_985, %add3A_986 : i32
        %get3A_988 = arith.constant 0 : i32
        %get3A_989 = arith.constant 0 : i32
        %get3A_990 = tpu.memref_slice %arg6[%scan3A_150, %get3A_988, %get3A_989] : memref<4x400x64xf32, #tpu.memory_space<vmem>> -> memref<1x400x64xf32, #tpu.memory_space<vmem>>
        %get3A_991 = tpu.memref_squeeze %get3A_990 : memref<1x400x64xf32, #tpu.memory_space<vmem>> -> memref<400x64xf32, #tpu.memory_space<vmem>>
        %get3A_992 = arith.index_cast %add3A_987 : i32 to index
        %get3A_993 = arith.constant 0 : index
        %get3A_994 = tpu.vector_load %get3A_991[%get3A_992, %get3A_993] {strides = array<i32>} : memref<400x64xf32, #tpu.memory_space<vmem>>, vector<16xf32>,
        %mul3A_995 = arith.constant 8.000000e+00 : f32
        %mul3A_996 = vector.broadcast %mul3A_995 : f32 to vector<16xf32>
        %mul3A_997 = arith.mulf %get3A_994, %mul3A_996 : vector<16xf32>
        %mul3A_998 = arith.constant 8 : i32
        %mul3A_999 = arith.muli %scan3A_285, %mul3A_998 : i32
        %add3A_1000 = arith.constant 7 : i32
        %add3A_1001 = arith.addi %mul3A_999, %add3A_1000 : i32
        %swap3A_1002 = arith.constant 0 : i32
        %swap3A_1003 = arith.constant 0 : i32
        %swap3A_1004 = tpu.memref_slice %arg6[%scan3A_150, %swap3A_1002, %swap3A_1003] : memref<4x400x64xf32, #tpu.memory_space<vmem>> -> memref<1x400x64xf32, #tpu.memory_space<vmem>>
        %swap3A_1005 = tpu.memref_squeeze %swap3A_1004 : memref<1x400x64xf32, #tpu.memory_space<vmem>> -> memref<400x64xf32, #tpu.memory_space<vmem>>
        %swap3A_1006 = arith.index_cast %add3A_1001 : i32 to index
        %swap3A_1007 = arith.constant 0 : index
        %swap3A_1008 = tpu.vector_load %swap3A_1005[%swap3A_1006, %swap3A_1007] {strides = array<i32>} : memref<400x64xf32, #tpu.memory_space<vmem>>, vector<16xf32>,
        tpu.vector_store %swap3A_1005[%swap3A_1006, %swap3A_1007], %mul3A_997 {strides = array<i32>} : memref<400x64xf32, #tpu.memory_space<vmem>>, vector<16xf32>,
        %mul3A_1009 = arith.constant 8 : i32
        %mul3A_1010 = arith.muli %scan3A_285, %mul3A_1009 : i32
        %add3A_1011 = arith.constant 7 : i32
        %add3A_1012 = arith.addi %mul3A_1010, %add3A_1011 : i32
        %get3A_1013 = arith.constant 0 : i32
        %get3A_1014 = arith.constant 0 : i32
        %get3A_1015 = tpu.memref_slice %arg6[%scan3A_150, %get3A_1013, %get3A_1014] : memref<4x400x64xf32, #tpu.memory_space<vmem>> -> memref<1x400x64xf32, #tpu.memory_space<vmem>>
        %get3A_1016 = tpu.memref_squeeze %get3A_1015 : memref<1x400x64xf32, #tpu.memory_space<vmem>> -> memref<400x64xf32, #tpu.memory_space<vmem>>
        %get3A_1017 = arith.index_cast %add3A_1012 : i32 to index
        %get3A_1018 = arith.constant 16 : index
        %get3A_1019 = tpu.vector_load %get3A_1016[%get3A_1017, %get3A_1018] {strides = array<i32>} : memref<400x64xf32, #tpu.memory_space<vmem>>, vector<16xf32>,
        %mul3A_1020 = arith.constant 8.000000e+00 : f32
        %mul3A_1021 = vector.broadcast %mul3A_1020 : f32 to vector<16xf32>
        %mul3A_1022 = arith.mulf %get3A_1019, %mul3A_1021 : vector<16xf32>
        %mul3A_1023 = arith.constant 8 : i32
        %mul3A_1024 = arith.muli %scan3A_285, %mul3A_1023 : i32
        %add3A_1025 = arith.constant 7 : i32
        %add3A_1026 = arith.addi %mul3A_1024, %add3A_1025 : i32
        %swap3A_1027 = arith.constant 0 : i32
        %swap3A_1028 = arith.constant 0 : i32
        %swap3A_1029 = tpu.memref_slice %arg6[%scan3A_150, %swap3A_1027, %swap3A_1028] : memref<4x400x64xf32, #tpu.memory_space<vmem>> -> memref<1x400x64xf32, #tpu.memory_space<vmem>>
        %swap3A_1030 = tpu.memref_squeeze %swap3A_1029 : memref<1x400x64xf32, #tpu.memory_space<vmem>> -> memref<400x64xf32, #tpu.memory_space<vmem>>
        %swap3A_1031 = arith.index_cast %add3A_1026 : i32 to index
        %swap3A_1032 = arith.constant 16 : index
        %swap3A_1033 = tpu.vector_load %swap3A_1030[%swap3A_1031, %swap3A_1032] {strides = array<i32>} : memref<400x64xf32, #tpu.memory_space<vmem>>, vector<16xf32>,
        tpu.vector_store %swap3A_1030[%swap3A_1031, %swap3A_1032], %mul3A_1022 {strides = array<i32>} : memref<400x64xf32, #tpu.memory_space<vmem>>, vector<16xf32>,
        %mul3A_1034 = arith.constant 8 : i32
        %mul3A_1035 = arith.muli %scan3A_285, %mul3A_1034 : i32
        %add3A_1036 = arith.constant 7 : i32
        %add3A_1037 = arith.addi %mul3A_1035, %add3A_1036 : i32
        %get3A_1038 = arith.constant 0 : i32
        %get3A_1039 = arith.constant 0 : i32
        %get3A_1040 = tpu.memref_slice %arg6[%scan3A_150, %get3A_1038, %get3A_1039] : memref<4x400x64xf32, #tpu.memory_space<vmem>> -> memref<1x400x64xf32, #tpu.memory_space<vmem>>
        %get3A_1041 = tpu.memref_squeeze %get3A_1040 : memref<1x400x64xf32, #tpu.memory_space<vmem>> -> memref<400x64xf32, #tpu.memory_space<vmem>>
        %get3A_1042 = arith.index_cast %add3A_1037 : i32 to index
        %get3A_1043 = arith.constant 32 : index
        %get3A_1044 = tpu.vector_load %get3A_1041[%get3A_1042, %get3A_1043] {strides = array<i32>} : memref<400x64xf32, #tpu.memory_space<vmem>>, vector<16xf32>,
        %mul3A_1045 = arith.constant 8.000000e+00 : f32
        %mul3A_1046 = vector.broadcast %mul3A_1045 : f32 to vector<16xf32>
        %mul3A_1047 = arith.mulf %get3A_1044, %mul3A_1046 : vector<16xf32>
        %mul3A_1048 = arith.constant 8 : i32
        %mul3A_1049 = arith.muli %scan3A_285, %mul3A_1048 : i32
        %add3A_1050 = arith.constant 7 : i32
        %add3A_1051 = arith.addi %mul3A_1049, %add3A_1050 : i32
        %swap3A_1052 = arith.constant 0 : i32
        %swap3A_1053 = arith.constant 0 : i32
        %swap3A_1054 = tpu.memref_slice %arg6[%scan3A_150, %swap3A_1052, %swap3A_1053] : memref<4x400x64xf32, #tpu.memory_space<vmem>> -> memref<1x400x64xf32, #tpu.memory_space<vmem>>
        %swap3A_1055 = tpu.memref_squeeze %swap3A_1054 : memref<1x400x64xf32, #tpu.memory_space<vmem>> -> memref<400x64xf32, #tpu.memory_space<vmem>>
        %swap3A_1056 = arith.index_cast %add3A_1051 : i32 to index
        %swap3A_1057 = arith.constant 32 : index
        %swap3A_1058 = tpu.vector_load %swap3A_1055[%swap3A_1056, %swap3A_1057] {strides = array<i32>} : memref<400x64xf32, #tpu.memory_space<vmem>>, vector<16xf32>,
        tpu.vector_store %swap3A_1055[%swap3A_1056, %swap3A_1057], %mul3A_1047 {strides = array<i32>} : memref<400x64xf32, #tpu.memory_space<vmem>>, vector<16xf32>,
        %mul3A_1059 = arith.constant 8 : i32
        %mul3A_1060 = arith.muli %scan3A_285, %mul3A_1059 : i32
        %add3A_1061 = arith.constant 7 : i32
        %add3A_1062 = arith.addi %mul3A_1060, %add3A_1061 : i32
        %get3A_1063 = arith.constant 0 : i32
        %get3A_1064 = arith.constant 0 : i32
        %get3A_1065 = tpu.memref_slice %arg6[%scan3A_150, %get3A_1063, %get3A_1064] : memref<4x400x64xf32, #tpu.memory_space<vmem>> -> memref<1x400x64xf32, #tpu.memory_space<vmem>>
        %get3A_1066 = tpu.memref_squeeze %get3A_1065 : memref<1x400x64xf32, #tpu.memory_space<vmem>> -> memref<400x64xf32, #tpu.memory_space<vmem>>
        %get3A_1067 = arith.index_cast %add3A_1062 : i32 to index
        %get3A_1068 = arith.constant 48 : index
        %get3A_1069 = tpu.vector_load %get3A_1066[%get3A_1067, %get3A_1068] {strides = array<i32>} : memref<400x64xf32, #tpu.memory_space<vmem>>, vector<16xf32>,
        %mul3A_1070 = arith.constant 8.000000e+00 : f32
        %mul3A_1071 = vector.broadcast %mul3A_1070 : f32 to vector<16xf32>
        %mul3A_1072 = arith.mulf %get3A_1069, %mul3A_1071 : vector<16xf32>
        %mul3A_1073 = arith.constant 8 : i32
        %mul3A_1074 = arith.muli %scan3A_285, %mul3A_1073 : i32
        %add3A_1075 = arith.constant 7 : i32
        %add3A_1076 = arith.addi %mul3A_1074, %add3A_1075 : i32
        %swap3A_1077 = arith.constant 0 : i32
        %swap3A_1078 = arith.constant 0 : i32
        %swap3A_1079 = tpu.memref_slice %arg6[%scan3A_150, %swap3A_1077, %swap3A_1078] : memref<4x400x64xf32, #tpu.memory_space<vmem>> -> memref<1x400x64xf32, #tpu.memory_space<vmem>>
        %swap3A_1080 = tpu.memref_squeeze %swap3A_1079 : memref<1x400x64xf32, #tpu.memory_space<vmem>> -> memref<400x64xf32, #tpu.memory_space<vmem>>
        %swap3A_1081 = arith.index_cast %add3A_1076 : i32 to index
        %swap3A_1082 = arith.constant 48 : index
        %swap3A_1083 = tpu.vector_load %swap3A_1080[%swap3A_1081, %swap3A_1082] {strides = array<i32>} : memref<400x64xf32, #tpu.memory_space<vmem>>, vector<16xf32>,
        tpu.vector_store %swap3A_1080[%swap3A_1081, %swap3A_1082], %mul3A_1072 {strides = array<i32>} : memref<400x64xf32, #tpu.memory_space<vmem>>, vector<16xf32>,
      }
      %scan3A_155 = arith.constant 50 : i32
      %mul3A_156 = arith.constant 400 : i32
      %mul3A_157 = arith.muli %add3A_123, %mul3A_156 : i32
      %add3A_158 = arith.addi %mul3A_2, %mul3A_157 : i32
      %dma_start3A_159 = arith.constant 1 : i32
      %dma_start3A_160 = arith.constant 1 : i32
      %dma_start3A_161 = arith.constant 0 : i32
      %dma_start3A_162 = arith.constant 0 : i32
      %dma_start3A_163 = tpu.memref_slice %arg6[%dma_start3A_159, %dma_start3A_161, %dma_start3A_162] : memref<4x400x64xf32, #tpu.memory_space<vmem>> -> memref<1x400x64xf32, #tpu.memory_space<vmem>>
      %dma_start3A_164 = tpu.memref_squeeze %dma_start3A_163 : memref<1x400x64xf32, #tpu.memory_space<vmem>> -> memref<400x64xf32, #tpu.memory_space<vmem>>
      %dma_start3A_165 = arith.constant 0 : i32
      %dma_start3A_166 = tpu.memref_slice %arg4[%add3A_158, %dma_start3A_165] : memref<819200x64xf32, #tpu.memory_space<hbm>> -> memref<400x64xf32, #tpu.memory_space<hbm>>
      %dma_start3A_167 = tpu.memref_slice %arg8[%dma_start3A_160] : memref<4x!tpu.dma_semaphore, #tpu.memory_space<semaphore_mem>> -> memref<1x!tpu.dma_semaphore, #tpu.memory_space<semaphore_mem>>
      %dma_start3A_168 = tpu.memref_squeeze %dma_start3A_167 : memref<1x!tpu.dma_semaphore, #tpu.memory_space<semaphore_mem>> -> memref<!tpu.dma_semaphore, #tpu.memory_space<semaphore_mem>>
      %dma_start3A_169 = arith.constant 0 : i32
      %dma_start3A_170 = tpu.memref_slice %arg4[%add3A_158, %dma_start3A_169] : memref<819200x64xf32, #tpu.memory_space<hbm>> -> memref<400x64xf32, #tpu.memory_space<hbm>>
      %dma_start3A_171 = arith.constant 0 : i32
      %dma_start3A_172 = arith.constant 0 : i32
      %dma_start3A_173 = tpu.memref_slice %arg6[%dma_start3A_159, %dma_start3A_171, %dma_start3A_172] : memref<4x400x64xf32, #tpu.memory_space<vmem>> -> memref<1x400x64xf32, #tpu.memory_space<vmem>>
      %dma_start3A_174 = tpu.memref_squeeze %dma_start3A_173 : memref<1x400x64xf32, #tpu.memory_space<vmem>> -> memref<400x64xf32, #tpu.memory_space<vmem>>
      tpu.enqueue_dma source(%dma_start3A_174 : memref<400x64xf32, #tpu.memory_space<vmem>>) target(%dma_start3A_170 : memref<400x64xf32, #tpu.memory_space<hbm>>) target_semaphore(%dma_start3A_168 : memref<!tpu.dma_semaphore, #tpu.memory_space<semaphore_mem>>)
      %mul3A_175 = arith.constant 4 : i32
      %mul3A_176 = arith.muli %scan3A_68, %mul3A_175 : i32
      %add3A_177 = arith.constant 2 : i32
      %add3A_178 = arith.addi %mul3A_176, %add3A_177 : i32
      %ge3A_179 = arith.constant 2 : i32
      %ge3A_180 = arith.cmpi sge, %add3A_178, %ge3A_179 : i32
      %convert_element_type3A_181 = arith.extui %ge3A_180 : i1 to i32
      %cond3A_182 = arith.constant 0 : i32
      %cond3A_183 = arith.cmpi ne, %convert_element_type3A_181, %cond3A_182 : i32
      scf.if %cond3A_183 {
        %dma_wait3A_285 = arith.constant 0 : i32
        %dma_wait3A_286 = arith.constant 0 : i32
        %dma_wait3A_287 = arith.constant 0 : i32
        %dma_wait3A_288 = arith.constant 0 : i32
        %dma_wait3A_289 = tpu.memref_slice %arg6[%dma_wait3A_285, %dma_wait3A_287, %dma_wait3A_288] : memref<4x400x64xf32, #tpu.memory_space<vmem>> -> memref<1x400x64xf32, #tpu.memory_space<vmem>>
        %dma_wait3A_290 = tpu.memref_squeeze %dma_wait3A_289 : memref<1x400x64xf32, #tpu.memory_space<vmem>> -> memref<400x64xf32, #tpu.memory_space<vmem>>
        %dma_wait3A_291 = arith.constant 0 : i32
        %dma_wait3A_292 = arith.constant 0 : i32
        %dma_wait3A_293 = tpu.memref_slice %arg4[%dma_wait3A_291, %dma_wait3A_292] : memref<819200x64xf32, #tpu.memory_space<hbm>> -> memref<400x64xf32, #tpu.memory_space<hbm>>
        %dma_wait3A_294 = tpu.memref_slice %arg8[%dma_wait3A_286] : memref<4x!tpu.dma_semaphore, #tpu.memory_space<semaphore_mem>> -> memref<1x!tpu.dma_semaphore, #tpu.memory_space<semaphore_mem>>
        %dma_wait3A_295 = tpu.memref_squeeze %dma_wait3A_294 : memref<1x!tpu.dma_semaphore, #tpu.memory_space<semaphore_mem>> -> memref<!tpu.dma_semaphore, #tpu.memory_space<semaphore_mem>>
        %dma_wait3A_296 = arith.constant 0 : i32
        %dma_wait3A_297 = arith.constant 0 : i32
        %dma_wait3A_298 = tpu.memref_slice %arg4[%dma_wait3A_296, %dma_wait3A_297] : memref<819200x64xf32, #tpu.memory_space<hbm>> -> memref<400x64xf32, #tpu.memory_space<hbm>>
        %dma_wait3A_299 = arith.constant 0 : i32
        %dma_wait3A_300 = arith.constant 0 : i32
        %dma_wait3A_301 = tpu.memref_slice %arg6[%dma_wait3A_285, %dma_wait3A_299, %dma_wait3A_300] : memref<4x400x64xf32, #tpu.memory_space<vmem>> -> memref<1x400x64xf32, #tpu.memory_space<vmem>>
        %dma_wait3A_302 = tpu.memref_squeeze %dma_wait3A_301 : memref<1x400x64xf32, #tpu.memory_space<vmem>> -> memref<400x64xf32, #tpu.memory_space<vmem>>
        tpu.wait_dma2 semaphore(%dma_wait3A_295 : memref<!tpu.dma_semaphore, #tpu.memory_space<semaphore_mem>>) src(%dma_wait3A_302 : memref<400x64xf32, #tpu.memory_space<vmem>>) dst(%dma_wait3A_298 : memref<400x64xf32, #tpu.memory_space<hbm>>)
      } else {
      }
      %add3A_184 = arith.constant 2 : i32
      %add3A_185 = arith.addi %add3A_178, %add3A_184 : i32
      %lt3A_186 = arith.constant 64 : i32
      %lt3A_187 = arith.cmpi slt, %add3A_185, %lt3A_186 : i32
      %convert_element_type3A_188 = arith.extui %lt3A_187 : i1 to i32
      %cond3A_189 = arith.constant 0 : i32
      %cond3A_190 = arith.cmpi ne, %convert_element_type3A_188, %cond3A_189 : i32
      scf.if %cond3A_190 {
        %add3A_285 = arith.constant 2 : i32
        %add3A_286 = arith.addi %add3A_178, %add3A_285 : i32
        %mul3A_287 = arith.constant 400 : i32
        %mul3A_288 = arith.muli %add3A_286, %mul3A_287 : i32
        %dma_start3A_289 = arith.constant 0 : i32
        %dma_start3A_290 = arith.constant 0 : i32
        %dma_start3A_291 = arith.constant 0 : i32
        %dma_start3A_292 = arith.constant 0 : i32
        %dma_start3A_293 = tpu.memref_slice %arg6[%dma_start3A_289, %dma_start3A_291, %dma_start3A_292] : memref<4x400x64xf32, #tpu.memory_space<vmem>> -> memref<1x400x64xf32, #tpu.memory_space<vmem>>
        %dma_start3A_294 = tpu.memref_squeeze %dma_start3A_293 : memref<1x400x64xf32, #tpu.memory_space<vmem>> -> memref<400x64xf32, #tpu.memory_space<vmem>>
        %dma_start3A_295 = tpu.memref_slice %arg5[%mul3A_288] : memref<25600xi32, #tpu.memory_space<vmem>> -> memref<400xi32, #tpu.memory_space<vmem>>
        %dma_start3A_296 = arith.constant 0 : i32
        %dma_start3A_297 = arith.constant 0 : i32
        %dma_start3A_298 = tpu.memref_slice %arg3[%dma_start3A_296, %dma_start3A_297] : memref<1000000x64xf32, #tpu.memory_space<hbm>> -> memref<1000000x64xf32, #tpu.memory_space<hbm>>
        %dma_start3A_299 = tpu.memref_slice %arg7[%dma_start3A_290] : memref<4x!tpu.dma_semaphore, #tpu.memory_space<semaphore_mem>> -> memref<1x!tpu.dma_semaphore, #tpu.memory_space<semaphore_mem>>
        %dma_start3A_300 = tpu.memref_squeeze %dma_start3A_299 : memref<1x!tpu.dma_semaphore, #tpu.memory_space<semaphore_mem>> -> memref<!tpu.dma_semaphore, #tpu.memory_space<semaphore_mem>>
        tpu.enqueue_indirect_dma source(%dma_start3A_298 : memref<1000000x64xf32, #tpu.memory_space<hbm>>) target(%dma_start3A_294 : memref<400x64xf32, #tpu.memory_space<vmem>>) offsets(%dma_start3A_295 : memref<400xi32, #tpu.memory_space<vmem>>) semaphore(%dma_start3A_300 : memref<!tpu.dma_semaphore, #tpu.memory_space<semaphore_mem>>)
      } else {
      }
      %dma_wait3A_191 = arith.constant 2 : i32
      %dma_wait3A_192 = arith.constant 2 : i32
      %dma_wait3A_193 = arith.constant 0 : i32
      %dma_wait3A_194 = arith.constant 0 : i32
      %dma_wait3A_195 = tpu.memref_slice %arg6[%dma_wait3A_191, %dma_wait3A_193, %dma_wait3A_194] : memref<4x400x64xf32, #tpu.memory_space<vmem>> -> memref<1x400x64xf32, #tpu.memory_space<vmem>>
      %dma_wait3A_196 = tpu.memref_squeeze %dma_wait3A_195 : memref<1x400x64xf32, #tpu.memory_space<vmem>> -> memref<400x64xf32, #tpu.memory_space<vmem>>
      %dma_wait3A_197 = arith.constant 0 : i32
      %dma_wait3A_198 = tpu.memref_slice %arg5[%dma_wait3A_197] : memref<25600xi32, #tpu.memory_space<vmem>> -> memref<400xi32, #tpu.memory_space<vmem>>
      %dma_wait3A_199 = arith.constant 0 : i32
      %dma_wait3A_200 = arith.constant 0 : i32
      %dma_wait3A_201 = tpu.memref_slice %arg3[%dma_wait3A_199, %dma_wait3A_200] : memref<1000000x64xf32, #tpu.memory_space<hbm>> -> memref<1000000x64xf32, #tpu.memory_space<hbm>>
      %dma_wait3A_202 = tpu.memref_slice %arg7[%dma_wait3A_192] : memref<4x!tpu.dma_semaphore, #tpu.memory_space<semaphore_mem>> -> memref<1x!tpu.dma_semaphore, #tpu.memory_space<semaphore_mem>>
      %dma_wait3A_203 = tpu.memref_squeeze %dma_wait3A_202 : memref<1x!tpu.dma_semaphore, #tpu.memory_space<semaphore_mem>> -> memref<!tpu.dma_semaphore, #tpu.memory_space<semaphore_mem>>
      tpu.wait_indirect_dma semaphore(%dma_wait3A_203 : memref<!tpu.dma_semaphore, #tpu.memory_space<semaphore_mem>>) src(%dma_wait3A_201 : memref<1000000x64xf32, #tpu.memory_space<hbm>>) dst(%dma_wait3A_196 : memref<400x64xf32, #tpu.memory_space<vmem>>)
      %scan3A_204 = arith.constant 0 : i32
      %scan3A_205 = arith.constant 2 : i32
      %scan3A_206 = arith.constant 0 : i32
      %scan3A_207 = arith.constant 50 : i32
      %scan3A_208 = arith.addi %scan3A_206, %scan3A_207 : i32
      %scan3A_209 = arith.constant 1 : i32
      scf.for %scan3A_285 = %scan3A_206 to %scan3A_208 step %scan3A_209  : i32 {
        %mul3A_286 = arith.constant 8 : i32
        %mul3A_287 = arith.muli %scan3A_285, %mul3A_286 : i32
        %add3A_288 = arith.constant 0 : i32
        %add3A_289 = arith.addi %mul3A_287, %add3A_288 : i32
        %get3A = arith.constant 0 : i32
        %get3A_290 = arith.constant 0 : i32
        %get3A_291 = tpu.memref_slice %arg6[%scan3A_205, %get3A, %get3A_290] : memref<4x400x64xf32, #tpu.memory_space<vmem>> -> memref<1x400x64xf32, #tpu.memory_space<vmem>>
        %get3A_292 = tpu.memref_squeeze %get3A_291 : memref<1x400x64xf32, #tpu.memory_space<vmem>> -> memref<400x64xf32, #tpu.memory_space<vmem>>
        %get3A_293 = arith.index_cast %add3A_289 : i32 to index
        %get3A_294 = arith.constant 0 : index
        %get3A_295 = tpu.vector_load %get3A_292[%get3A_293, %get3A_294] {strides = array<i32>} : memref<400x64xf32, #tpu.memory_space<vmem>>, vector<16xf32>,
        %mul3A_296 = arith.constant 8.000000e+00 : f32
        %mul3A_297 = vector.broadcast %mul3A_296 : f32 to vector<16xf32>
        %mul3A_298 = arith.mulf %get3A_295, %mul3A_297 : vector<16xf32>
        %mul3A_299 = arith.constant 8 : i32
        %mul3A_300 = arith.muli %scan3A_285, %mul3A_299 : i32
        %add3A_301 = arith.constant 0 : i32
        %add3A_302 = arith.addi %mul3A_300, %add3A_301 : i32
        %swap3A = arith.constant 0 : i32
        %swap3A_303 = arith.constant 0 : i32
        %swap3A_304 = tpu.memref_slice %arg6[%scan3A_205, %swap3A, %swap3A_303] : memref<4x400x64xf32, #tpu.memory_space<vmem>> -> memref<1x400x64xf32, #tpu.memory_space<vmem>>
        %swap3A_305 = tpu.memref_squeeze %swap3A_304 : memref<1x400x64xf32, #tpu.memory_space<vmem>> -> memref<400x64xf32, #tpu.memory_space<vmem>>
        %swap3A_306 = arith.index_cast %add3A_302 : i32 to index
        %swap3A_307 = arith.constant 0 : index
        %swap3A_308 = tpu.vector_load %swap3A_305[%swap3A_306, %swap3A_307] {strides = array<i32>} : memref<400x64xf32, #tpu.memory_space<vmem>>, vector<16xf32>,
        tpu.vector_store %swap3A_305[%swap3A_306, %swap3A_307], %mul3A_298 {strides = array<i32>} : memref<400x64xf32, #tpu.memory_space<vmem>>, vector<16xf32>,
        %mul3A_309 = arith.constant 8 : i32
        %mul3A_310 = arith.muli %scan3A_285, %mul3A_309 : i32
        %add3A_311 = arith.constant 0 : i32
        %add3A_312 = arith.addi %mul3A_310, %add3A_311 : i32
        %get3A_313 = arith.constant 0 : i32
        %get3A_314 = arith.constant 0 : i32
        %get3A_315 = tpu.memref_slice %arg6[%scan3A_205, %get3A_313, %get3A_314] : memref<4x400x64xf32, #tpu.memory_space<vmem>> -> memref<1x400x64xf32, #tpu.memory_space<vmem>>
        %get3A_316 = tpu.memref_squeeze %get3A_315 : memref<1x400x64xf32, #tpu.memory_space<vmem>> -> memref<400x64xf32, #tpu.memory_space<vmem>>
        %get3A_317 = arith.index_cast %add3A_312 : i32 to index
        %get3A_318 = arith.constant 16 : index
        %get3A_319 = tpu.vector_load %get3A_316[%get3A_317, %get3A_318] {strides = array<i32>} : memref<400x64xf32, #tpu.memory_space<vmem>>, vector<16xf32>,
        %mul3A_320 = arith.constant 8.000000e+00 : f32
        %mul3A_321 = vector.broadcast %mul3A_320 : f32 to vector<16xf32>
        %mul3A_322 = arith.mulf %get3A_319, %mul3A_321 : vector<16xf32>
        %mul3A_323 = arith.constant 8 : i32
        %mul3A_324 = arith.muli %scan3A_285, %mul3A_323 : i32
        %add3A_325 = arith.constant 0 : i32
        %add3A_326 = arith.addi %mul3A_324, %add3A_325 : i32
        %swap3A_327 = arith.constant 0 : i32
        %swap3A_328 = arith.constant 0 : i32
        %swap3A_329 = tpu.memref_slice %arg6[%scan3A_205, %swap3A_327, %swap3A_328] : memref<4x400x64xf32, #tpu.memory_space<vmem>> -> memref<1x400x64xf32, #tpu.memory_space<vmem>>
        %swap3A_330 = tpu.memref_squeeze %swap3A_329 : memref<1x400x64xf32, #tpu.memory_space<vmem>> -> memref<400x64xf32, #tpu.memory_space<vmem>>
        %swap3A_331 = arith.index_cast %add3A_326 : i32 to index
        %swap3A_332 = arith.constant 16 : index
        %swap3A_333 = tpu.vector_load %swap3A_330[%swap3A_331, %swap3A_332] {strides = array<i32>} : memref<400x64xf32, #tpu.memory_space<vmem>>, vector<16xf32>,
        tpu.vector_store %swap3A_330[%swap3A_331, %swap3A_332], %mul3A_322 {strides = array<i32>} : memref<400x64xf32, #tpu.memory_space<vmem>>, vector<16xf32>,
        %mul3A_334 = arith.constant 8 : i32
        %mul3A_335 = arith.muli %scan3A_285, %mul3A_334 : i32
        %add3A_336 = arith.constant 0 : i32
        %add3A_337 = arith.addi %mul3A_335, %add3A_336 : i32
        %get3A_338 = arith.constant 0 : i32
        %get3A_339 = arith.constant 0 : i32
        %get3A_340 = tpu.memref_slice %arg6[%scan3A_205, %get3A_338, %get3A_339] : memref<4x400x64xf32, #tpu.memory_space<vmem>> -> memref<1x400x64xf32, #tpu.memory_space<vmem>>
        %get3A_341 = tpu.memref_squeeze %get3A_340 : memref<1x400x64xf32, #tpu.memory_space<vmem>> -> memref<400x64xf32, #tpu.memory_space<vmem>>
        %get3A_342 = arith.index_cast %add3A_337 : i32 to index
        %get3A_343 = arith.constant 32 : index
        %get3A_344 = tpu.vector_load %get3A_341[%get3A_342, %get3A_343] {strides = array<i32>} : memref<400x64xf32, #tpu.memory_space<vmem>>, vector<16xf32>,
        %mul3A_345 = arith.constant 8.000000e+00 : f32
        %mul3A_346 = vector.broadcast %mul3A_345 : f32 to vector<16xf32>
        %mul3A_347 = arith.mulf %get3A_344, %mul3A_346 : vector<16xf32>
        %mul3A_348 = arith.constant 8 : i32
        %mul3A_349 = arith.muli %scan3A_285, %mul3A_348 : i32
        %add3A_350 = arith.constant 0 : i32
        %add3A_351 = arith.addi %mul3A_349, %add3A_350 : i32
        %swap3A_352 = arith.constant 0 : i32
        %swap3A_353 = arith.constant 0 : i32
        %swap3A_354 = tpu.memref_slice %arg6[%scan3A_205, %swap3A_352, %swap3A_353] : memref<4x400x64xf32, #tpu.memory_space<vmem>> -> memref<1x400x64xf32, #tpu.memory_space<vmem>>
        %swap3A_355 = tpu.memref_squeeze %swap3A_354 : memref<1x400x64xf32, #tpu.memory_space<vmem>> -> memref<400x64xf32, #tpu.memory_space<vmem>>
        %swap3A_356 = arith.index_cast %add3A_351 : i32 to index
        %swap3A_357 = arith.constant 32 : index
        %swap3A_358 = tpu.vector_load %swap3A_355[%swap3A_356, %swap3A_357] {strides = array<i32>} : memref<400x64xf32, #tpu.memory_space<vmem>>, vector<16xf32>,
        tpu.vector_store %swap3A_355[%swap3A_356, %swap3A_357], %mul3A_347 {strides = array<i32>} : memref<400x64xf32, #tpu.memory_space<vmem>>, vector<16xf32>,
        %mul3A_359 = arith.constant 8 : i32
        %mul3A_360 = arith.muli %scan3A_285, %mul3A_359 : i32
        %add3A_361 = arith.constant 0 : i32
        %add3A_362 = arith.addi %mul3A_360, %add3A_361 : i32
        %get3A_363 = arith.constant 0 : i32
        %get3A_364 = arith.constant 0 : i32
        %get3A_365 = tpu.memref_slice %arg6[%scan3A_205, %get3A_363, %get3A_364] : memref<4x400x64xf32, #tpu.memory_space<vmem>> -> memref<1x400x64xf32, #tpu.memory_space<vmem>>
        %get3A_366 = tpu.memref_squeeze %get3A_365 : memref<1x400x64xf32, #tpu.memory_space<vmem>> -> memref<400x64xf32, #tpu.memory_space<vmem>>
        %get3A_367 = arith.index_cast %add3A_362 : i32 to index
        %get3A_368 = arith.constant 48 : index
        %get3A_369 = tpu.vector_load %get3A_366[%get3A_367, %get3A_368] {strides = array<i32>} : memref<400x64xf32, #tpu.memory_space<vmem>>, vector<16xf32>,
        %mul3A_370 = arith.constant 8.000000e+00 : f32
        %mul3A_371 = vector.broadcast %mul3A_370 : f32 to vector<16xf32>
        %mul3A_372 = arith.mulf %get3A_369, %mul3A_371 : vector<16xf32>
        %mul3A_373 = arith.constant 8 : i32
        %mul3A_374 = arith.muli %scan3A_285, %mul3A_373 : i32
        %add3A_375 = arith.constant 0 : i32
        %add3A_376 = arith.addi %mul3A_374, %add3A_375 : i32
        %swap3A_377 = arith.constant 0 : i32
        %swap3A_378 = arith.constant 0 : i32
        %swap3A_379 = tpu.memref_slice %arg6[%scan3A_205, %swap3A_377, %swap3A_378] : memref<4x400x64xf32, #tpu.memory_space<vmem>> -> memref<1x400x64xf32, #tpu.memory_space<vmem>>
        %swap3A_380 = tpu.memref_squeeze %swap3A_379 : memref<1x400x64xf32, #tpu.memory_space<vmem>> -> memref<400x64xf32, #tpu.memory_space<vmem>>
        %swap3A_381 = arith.index_cast %add3A_376 : i32 to index
        %swap3A_382 = arith.constant 48 : index
        %swap3A_383 = tpu.vector_load %swap3A_380[%swap3A_381, %swap3A_382] {strides = array<i32>} : memref<400x64xf32, #tpu.memory_space<vmem>>, vector<16xf32>,
        tpu.vector_store %swap3A_380[%swap3A_381, %swap3A_382], %mul3A_372 {strides = array<i32>} : memref<400x64xf32, #tpu.memory_space<vmem>>, vector<16xf32>,
        %mul3A_384 = arith.constant 8 : i32
        %mul3A_385 = arith.muli %scan3A_285, %mul3A_384 : i32
        %add3A_386 = arith.constant 1 : i32
        %add3A_387 = arith.addi %mul3A_385, %add3A_386 : i32
        %get3A_388 = arith.constant 0 : i32
        %get3A_389 = arith.constant 0 : i32
        %get3A_390 = tpu.memref_slice %arg6[%scan3A_205, %get3A_388, %get3A_389] : memref<4x400x64xf32, #tpu.memory_space<vmem>> -> memref<1x400x64xf32, #tpu.memory_space<vmem>>
        %get3A_391 = tpu.memref_squeeze %get3A_390 : memref<1x400x64xf32, #tpu.memory_space<vmem>> -> memref<400x64xf32, #tpu.memory_space<vmem>>
        %get3A_392 = arith.index_cast %add3A_387 : i32 to index
        %get3A_393 = arith.constant 0 : index
        %get3A_394 = tpu.vector_load %get3A_391[%get3A_392, %get3A_393] {strides = array<i32>} : memref<400x64xf32, #tpu.memory_space<vmem>>, vector<16xf32>,
        %mul3A_395 = arith.constant 8.000000e+00 : f32
        %mul3A_396 = vector.broadcast %mul3A_395 : f32 to vector<16xf32>
        %mul3A_397 = arith.mulf %get3A_394, %mul3A_396 : vector<16xf32>
        %mul3A_398 = arith.constant 8 : i32
        %mul3A_399 = arith.muli %scan3A_285, %mul3A_398 : i32
        %add3A_400 = arith.constant 1 : i32
        %add3A_401 = arith.addi %mul3A_399, %add3A_400 : i32
        %swap3A_402 = arith.constant 0 : i32
        %swap3A_403 = arith.constant 0 : i32
        %swap3A_404 = tpu.memref_slice %arg6[%scan3A_205, %swap3A_402, %swap3A_403] : memref<4x400x64xf32, #tpu.memory_space<vmem>> -> memref<1x400x64xf32, #tpu.memory_space<vmem>>
        %swap3A_405 = tpu.memref_squeeze %swap3A_404 : memref<1x400x64xf32, #tpu.memory_space<vmem>> -> memref<400x64xf32, #tpu.memory_space<vmem>>
        %swap3A_406 = arith.index_cast %add3A_401 : i32 to index
        %swap3A_407 = arith.constant 0 : index
        %swap3A_408 = tpu.vector_load %swap3A_405[%swap3A_406, %swap3A_407] {strides = array<i32>} : memref<400x64xf32, #tpu.memory_space<vmem>>, vector<16xf32>,
        tpu.vector_store %swap3A_405[%swap3A_406, %swap3A_407], %mul3A_397 {strides = array<i32>} : memref<400x64xf32, #tpu.memory_space<vmem>>, vector<16xf32>,
        %mul3A_409 = arith.constant 8 : i32
        %mul3A_410 = arith.muli %scan3A_285, %mul3A_409 : i32
        %add3A_411 = arith.constant 1 : i32
        %add3A_412 = arith.addi %mul3A_410, %add3A_411 : i32
        %get3A_413 = arith.constant 0 : i32
        %get3A_414 = arith.constant 0 : i32
        %get3A_415 = tpu.memref_slice %arg6[%scan3A_205, %get3A_413, %get3A_414] : memref<4x400x64xf32, #tpu.memory_space<vmem>> -> memref<1x400x64xf32, #tpu.memory_space<vmem>>
        %get3A_416 = tpu.memref_squeeze %get3A_415 : memref<1x400x64xf32, #tpu.memory_space<vmem>> -> memref<400x64xf32, #tpu.memory_space<vmem>>
        %get3A_417 = arith.index_cast %add3A_412 : i32 to index
        %get3A_418 = arith.constant 16 : index
        %get3A_419 = tpu.vector_load %get3A_416[%get3A_417, %get3A_418] {strides = array<i32>} : memref<400x64xf32, #tpu.memory_space<vmem>>, vector<16xf32>,
        %mul3A_420 = arith.constant 8.000000e+00 : f32
        %mul3A_421 = vector.broadcast %mul3A_420 : f32 to vector<16xf32>
        %mul3A_422 = arith.mulf %get3A_419, %mul3A_421 : vector<16xf32>
        %mul3A_423 = arith.constant 8 : i32
        %mul3A_424 = arith.muli %scan3A_285, %mul3A_423 : i32
        %add3A_425 = arith.constant 1 : i32
        %add3A_426 = arith.addi %mul3A_424, %add3A_425 : i32
        %swap3A_427 = arith.constant 0 : i32
        %swap3A_428 = arith.constant 0 : i32
        %swap3A_429 = tpu.memref_slice %arg6[%scan3A_205, %swap3A_427, %swap3A_428] : memref<4x400x64xf32, #tpu.memory_space<vmem>> -> memref<1x400x64xf32, #tpu.memory_space<vmem>>
        %swap3A_430 = tpu.memref_squeeze %swap3A_429 : memref<1x400x64xf32, #tpu.memory_space<vmem>> -> memref<400x64xf32, #tpu.memory_space<vmem>>
        %swap3A_431 = arith.index_cast %add3A_426 : i32 to index
        %swap3A_432 = arith.constant 16 : index
        %swap3A_433 = tpu.vector_load %swap3A_430[%swap3A_431, %swap3A_432] {strides = array<i32>} : memref<400x64xf32, #tpu.memory_space<vmem>>, vector<16xf32>,
        tpu.vector_store %swap3A_430[%swap3A_431, %swap3A_432], %mul3A_422 {strides = array<i32>} : memref<400x64xf32, #tpu.memory_space<vmem>>, vector<16xf32>,
        %mul3A_434 = arith.constant 8 : i32
        %mul3A_435 = arith.muli %scan3A_285, %mul3A_434 : i32
        %add3A_436 = arith.constant 1 : i32
        %add3A_437 = arith.addi %mul3A_435, %add3A_436 : i32
        %get3A_438 = arith.constant 0 : i32
        %get3A_439 = arith.constant 0 : i32
        %get3A_440 = tpu.memref_slice %arg6[%scan3A_205, %get3A_438, %get3A_439] : memref<4x400x64xf32, #tpu.memory_space<vmem>> -> memref<1x400x64xf32, #tpu.memory_space<vmem>>
        %get3A_441 = tpu.memref_squeeze %get3A_440 : memref<1x400x64xf32, #tpu.memory_space<vmem>> -> memref<400x64xf32, #tpu.memory_space<vmem>>
        %get3A_442 = arith.index_cast %add3A_437 : i32 to index
        %get3A_443 = arith.constant 32 : index
        %get3A_444 = tpu.vector_load %get3A_441[%get3A_442, %get3A_443] {strides = array<i32>} : memref<400x64xf32, #tpu.memory_space<vmem>>, vector<16xf32>,
        %mul3A_445 = arith.constant 8.000000e+00 : f32
        %mul3A_446 = vector.broadcast %mul3A_445 : f32 to vector<16xf32>
        %mul3A_447 = arith.mulf %get3A_444, %mul3A_446 : vector<16xf32>
        %mul3A_448 = arith.constant 8 : i32
        %mul3A_449 = arith.muli %scan3A_285, %mul3A_448 : i32
        %add3A_450 = arith.constant 1 : i32
        %add3A_451 = arith.addi %mul3A_449, %add3A_450 : i32
        %swap3A_452 = arith.constant 0 : i32
        %swap3A_453 = arith.constant 0 : i32
        %swap3A_454 = tpu.memref_slice %arg6[%scan3A_205, %swap3A_452, %swap3A_453] : memref<4x400x64xf32, #tpu.memory_space<vmem>> -> memref<1x400x64xf32, #tpu.memory_space<vmem>>
        %swap3A_455 = tpu.memref_squeeze %swap3A_454 : memref<1x400x64xf32, #tpu.memory_space<vmem>> -> memref<400x64xf32, #tpu.memory_space<vmem>>
        %swap3A_456 = arith.index_cast %add3A_451 : i32 to index
        %swap3A_457 = arith.constant 32 : index
        %swap3A_458 = tpu.vector_load %swap3A_455[%swap3A_456, %swap3A_457] {strides = array<i32>} : memref<400x64xf32, #tpu.memory_space<vmem>>, vector<16xf32>,
        tpu.vector_store %swap3A_455[%swap3A_456, %swap3A_457], %mul3A_447 {strides = array<i32>} : memref<400x64xf32, #tpu.memory_space<vmem>>, vector<16xf32>,
        %mul3A_459 = arith.constant 8 : i32
        %mul3A_460 = arith.muli %scan3A_285, %mul3A_459 : i32
        %add3A_461 = arith.constant 1 : i32
        %add3A_462 = arith.addi %mul3A_460, %add3A_461 : i32
        %get3A_463 = arith.constant 0 : i32
        %get3A_464 = arith.constant 0 : i32
        %get3A_465 = tpu.memref_slice %arg6[%scan3A_205, %get3A_463, %get3A_464] : memref<4x400x64xf32, #tpu.memory_space<vmem>> -> memref<1x400x64xf32, #tpu.memory_space<vmem>>
        %get3A_466 = tpu.memref_squeeze %get3A_465 : memref<1x400x64xf32, #tpu.memory_space<vmem>> -> memref<400x64xf32, #tpu.memory_space<vmem>>
        %get3A_467 = arith.index_cast %add3A_462 : i32 to index
        %get3A_468 = arith.constant 48 : index
        %get3A_469 = tpu.vector_load %get3A_466[%get3A_467, %get3A_468] {strides = array<i32>} : memref<400x64xf32, #tpu.memory_space<vmem>>, vector<16xf32>,
        %mul3A_470 = arith.constant 8.000000e+00 : f32
        %mul3A_471 = vector.broadcast %mul3A_470 : f32 to vector<16xf32>
        %mul3A_472 = arith.mulf %get3A_469, %mul3A_471 : vector<16xf32>
        %mul3A_473 = arith.constant 8 : i32
        %mul3A_474 = arith.muli %scan3A_285, %mul3A_473 : i32
        %add3A_475 = arith.constant 1 : i32
        %add3A_476 = arith.addi %mul3A_474, %add3A_475 : i32
        %swap3A_477 = arith.constant 0 : i32
        %swap3A_478 = arith.constant 0 : i32
        %swap3A_479 = tpu.memref_slice %arg6[%scan3A_205, %swap3A_477, %swap3A_478] : memref<4x400x64xf32, #tpu.memory_space<vmem>> -> memref<1x400x64xf32, #tpu.memory_space<vmem>>
        %swap3A_480 = tpu.memref_squeeze %swap3A_479 : memref<1x400x64xf32, #tpu.memory_space<vmem>> -> memref<400x64xf32, #tpu.memory_space<vmem>>
        %swap3A_481 = arith.index_cast %add3A_476 : i32 to index
        %swap3A_482 = arith.constant 48 : index
        %swap3A_483 = tpu.vector_load %swap3A_480[%swap3A_481, %swap3A_482] {strides = array<i32>} : memref<400x64xf32, #tpu.memory_space<vmem>>, vector<16xf32>,
        tpu.vector_store %swap3A_480[%swap3A_481, %swap3A_482], %mul3A_472 {strides = array<i32>} : memref<400x64xf32, #tpu.memory_space<vmem>>, vector<16xf32>,
        %mul3A_484 = arith.constant 8 : i32
        %mul3A_485 = arith.muli %scan3A_285, %mul3A_484 : i32
        %add3A_486 = arith.constant 2 : i32
        %add3A_487 = arith.addi %mul3A_485, %add3A_486 : i32
        %get3A_488 = arith.constant 0 : i32
        %get3A_489 = arith.constant 0 : i32
        %get3A_490 = tpu.memref_slice %arg6[%scan3A_205, %get3A_488, %get3A_489] : memref<4x400x64xf32, #tpu.memory_space<vmem>> -> memref<1x400x64xf32, #tpu.memory_space<vmem>>
        %get3A_491 = tpu.memref_squeeze %get3A_490 : memref<1x400x64xf32, #tpu.memory_space<vmem>> -> memref<400x64xf32, #tpu.memory_space<vmem>>
        %get3A_492 = arith.index_cast %add3A_487 : i32 to index
        %get3A_493 = arith.constant 0 : index
        %get3A_494 = tpu.vector_load %get3A_491[%get3A_492, %get3A_493] {strides = array<i32>} : memref<400x64xf32, #tpu.memory_space<vmem>>, vector<16xf32>,
        %mul3A_495 = arith.constant 8.000000e+00 : f32
        %mul3A_496 = vector.broadcast %mul3A_495 : f32 to vector<16xf32>
        %mul3A_497 = arith.mulf %get3A_494, %mul3A_496 : vector<16xf32>
        %mul3A_498 = arith.constant 8 : i32
        %mul3A_499 = arith.muli %scan3A_285, %mul3A_498 : i32
        %add3A_500 = arith.constant 2 : i32
        %add3A_501 = arith.addi %mul3A_499, %add3A_500 : i32
        %swap3A_502 = arith.constant 0 : i32
        %swap3A_503 = arith.constant 0 : i32
        %swap3A_504 = tpu.memref_slice %arg6[%scan3A_205, %swap3A_502, %swap3A_503] : memref<4x400x64xf32, #tpu.memory_space<vmem>> -> memref<1x400x64xf32, #tpu.memory_space<vmem>>
        %swap3A_505 = tpu.memref_squeeze %swap3A_504 : memref<1x400x64xf32, #tpu.memory_space<vmem>> -> memref<400x64xf32, #tpu.memory_space<vmem>>
        %swap3A_506 = arith.index_cast %add3A_501 : i32 to index
        %swap3A_507 = arith.constant 0 : index
        %swap3A_508 = tpu.vector_load %swap3A_505[%swap3A_506, %swap3A_507] {strides = array<i32>} : memref<400x64xf32, #tpu.memory_space<vmem>>, vector<16xf32>,
        tpu.vector_store %swap3A_505[%swap3A_506, %swap3A_507], %mul3A_497 {strides = array<i32>} : memref<400x64xf32, #tpu.memory_space<vmem>>, vector<16xf32>,
        %mul3A_509 = arith.constant 8 : i32
        %mul3A_510 = arith.muli %scan3A_285, %mul3A_509 : i32
        %add3A_511 = arith.constant 2 : i32
        %add3A_512 = arith.addi %mul3A_510, %add3A_511 : i32
        %get3A_513 = arith.constant 0 : i32
        %get3A_514 = arith.constant 0 : i32
        %get3A_515 = tpu.memref_slice %arg6[%scan3A_205, %get3A_513, %get3A_514] : memref<4x400x64xf32, #tpu.memory_space<vmem>> -> memref<1x400x64xf32, #tpu.memory_space<vmem>>
        %get3A_516 = tpu.memref_squeeze %get3A_515 : memref<1x400x64xf32, #tpu.memory_space<vmem>> -> memref<400x64xf32, #tpu.memory_space<vmem>>
        %get3A_517 = arith.index_cast %add3A_512 : i32 to index
        %get3A_518 = arith.constant 16 : index
        %get3A_519 = tpu.vector_load %get3A_516[%get3A_517, %get3A_518] {strides = array<i32>} : memref<400x64xf32, #tpu.memory_space<vmem>>, vector<16xf32>,
        %mul3A_520 = arith.constant 8.000000e+00 : f32
        %mul3A_521 = vector.broadcast %mul3A_520 : f32 to vector<16xf32>
        %mul3A_522 = arith.mulf %get3A_519, %mul3A_521 : vector<16xf32>
        %mul3A_523 = arith.constant 8 : i32
        %mul3A_524 = arith.muli %scan3A_285, %mul3A_523 : i32
        %add3A_525 = arith.constant 2 : i32
        %add3A_526 = arith.addi %mul3A_524, %add3A_525 : i32
        %swap3A_527 = arith.constant 0 : i32
        %swap3A_528 = arith.constant 0 : i32
        %swap3A_529 = tpu.memref_slice %arg6[%scan3A_205, %swap3A_527, %swap3A_528] : memref<4x400x64xf32, #tpu.memory_space<vmem>> -> memref<1x400x64xf32, #tpu.memory_space<vmem>>
        %swap3A_530 = tpu.memref_squeeze %swap3A_529 : memref<1x400x64xf32, #tpu.memory_space<vmem>> -> memref<400x64xf32, #tpu.memory_space<vmem>>
        %swap3A_531 = arith.index_cast %add3A_526 : i32 to index
        %swap3A_532 = arith.constant 16 : index
        %swap3A_533 = tpu.vector_load %swap3A_530[%swap3A_531, %swap3A_532] {strides = array<i32>} : memref<400x64xf32, #tpu.memory_space<vmem>>, vector<16xf32>,
        tpu.vector_store %swap3A_530[%swap3A_531, %swap3A_532], %mul3A_522 {strides = array<i32>} : memref<400x64xf32, #tpu.memory_space<vmem>>, vector<16xf32>,
        %mul3A_534 = arith.constant 8 : i32
        %mul3A_535 = arith.muli %scan3A_285, %mul3A_534 : i32
        %add3A_536 = arith.constant 2 : i32
        %add3A_537 = arith.addi %mul3A_535, %add3A_536 : i32
        %get3A_538 = arith.constant 0 : i32
        %get3A_539 = arith.constant 0 : i32
        %get3A_540 = tpu.memref_slice %arg6[%scan3A_205, %get3A_538, %get3A_539] : memref<4x400x64xf32, #tpu.memory_space<vmem>> -> memref<1x400x64xf32, #tpu.memory_space<vmem>>
        %get3A_541 = tpu.memref_squeeze %get3A_540 : memref<1x400x64xf32, #tpu.memory_space<vmem>> -> memref<400x64xf32, #tpu.memory_space<vmem>>
        %get3A_542 = arith.index_cast %add3A_537 : i32 to index
        %get3A_543 = arith.constant 32 : index
        %get3A_544 = tpu.vector_load %get3A_541[%get3A_542, %get3A_543] {strides = array<i32>} : memref<400x64xf32, #tpu.memory_space<vmem>>, vector<16xf32>,
        %mul3A_545 = arith.constant 8.000000e+00 : f32
        %mul3A_546 = vector.broadcast %mul3A_545 : f32 to vector<16xf32>
        %mul3A_547 = arith.mulf %get3A_544, %mul3A_546 : vector<16xf32>
        %mul3A_548 = arith.constant 8 : i32
        %mul3A_549 = arith.muli %scan3A_285, %mul3A_548 : i32
        %add3A_550 = arith.constant 2 : i32
        %add3A_551 = arith.addi %mul3A_549, %add3A_550 : i32
        %swap3A_552 = arith.constant 0 : i32
        %swap3A_553 = arith.constant 0 : i32
        %swap3A_554 = tpu.memref_slice %arg6[%scan3A_205, %swap3A_552, %swap3A_553] : memref<4x400x64xf32, #tpu.memory_space<vmem>> -> memref<1x400x64xf32, #tpu.memory_space<vmem>>
        %swap3A_555 = tpu.memref_squeeze %swap3A_554 : memref<1x400x64xf32, #tpu.memory_space<vmem>> -> memref<400x64xf32, #tpu.memory_space<vmem>>
        %swap3A_556 = arith.index_cast %add3A_551 : i32 to index
        %swap3A_557 = arith.constant 32 : index
        %swap3A_558 = tpu.vector_load %swap3A_555[%swap3A_556, %swap3A_557] {strides = array<i32>} : memref<400x64xf32, #tpu.memory_space<vmem>>, vector<16xf32>,
        tpu.vector_store %swap3A_555[%swap3A_556, %swap3A_557], %mul3A_547 {strides = array<i32>} : memref<400x64xf32, #tpu.memory_space<vmem>>, vector<16xf32>,
        %mul3A_559 = arith.constant 8 : i32
        %mul3A_560 = arith.muli %scan3A_285, %mul3A_559 : i32
        %add3A_561 = arith.constant 2 : i32
        %add3A_562 = arith.addi %mul3A_560, %add3A_561 : i32
        %get3A_563 = arith.constant 0 : i32
        %get3A_564 = arith.constant 0 : i32
        %get3A_565 = tpu.memref_slice %arg6[%scan3A_205, %get3A_563, %get3A_564] : memref<4x400x64xf32, #tpu.memory_space<vmem>> -> memref<1x400x64xf32, #tpu.memory_space<vmem>>
        %get3A_566 = tpu.memref_squeeze %get3A_565 : memref<1x400x64xf32, #tpu.memory_space<vmem>> -> memref<400x64xf32, #tpu.memory_space<vmem>>
        %get3A_567 = arith.index_cast %add3A_562 : i32 to index
        %get3A_568 = arith.constant 48 : index
        %get3A_569 = tpu.vector_load %get3A_566[%get3A_567, %get3A_568] {strides = array<i32>} : memref<400x64xf32, #tpu.memory_space<vmem>>, vector<16xf32>,
        %mul3A_570 = arith.constant 8.000000e+00 : f32
        %mul3A_571 = vector.broadcast %mul3A_570 : f32 to vector<16xf32>
        %mul3A_572 = arith.mulf %get3A_569, %mul3A_571 : vector<16xf32>
        %mul3A_573 = arith.constant 8 : i32
        %mul3A_574 = arith.muli %scan3A_285, %mul3A_573 : i32
        %add3A_575 = arith.constant 2 : i32
        %add3A_576 = arith.addi %mul3A_574, %add3A_575 : i32
        %swap3A_577 = arith.constant 0 : i32
        %swap3A_578 = arith.constant 0 : i32
        %swap3A_579 = tpu.memref_slice %arg6[%scan3A_205, %swap3A_577, %swap3A_578] : memref<4x400x64xf32, #tpu.memory_space<vmem>> -> memref<1x400x64xf32, #tpu.memory_space<vmem>>
        %swap3A_580 = tpu.memref_squeeze %swap3A_579 : memref<1x400x64xf32, #tpu.memory_space<vmem>> -> memref<400x64xf32, #tpu.memory_space<vmem>>
        %swap3A_581 = arith.index_cast %add3A_576 : i32 to index
        %swap3A_582 = arith.constant 48 : index
        %swap3A_583 = tpu.vector_load %swap3A_580[%swap3A_581, %swap3A_582] {strides = array<i32>} : memref<400x64xf32, #tpu.memory_space<vmem>>, vector<16xf32>,
        tpu.vector_store %swap3A_580[%swap3A_581, %swap3A_582], %mul3A_572 {strides = array<i32>} : memref<400x64xf32, #tpu.memory_space<vmem>>, vector<16xf32>,
        %mul3A_584 = arith.constant 8 : i32
        %mul3A_585 = arith.muli %scan3A_285, %mul3A_584 : i32
        %add3A_586 = arith.constant 3 : i32
        %add3A_587 = arith.addi %mul3A_585, %add3A_586 : i32
        %get3A_588 = arith.constant 0 : i32
        %get3A_589 = arith.constant 0 : i32
        %get3A_590 = tpu.memref_slice %arg6[%scan3A_205, %get3A_588, %get3A_589] : memref<4x400x64xf32, #tpu.memory_space<vmem>> -> memref<1x400x64xf32, #tpu.memory_space<vmem>>
        %get3A_591 = tpu.memref_squeeze %get3A_590 : memref<1x400x64xf32, #tpu.memory_space<vmem>> -> memref<400x64xf32, #tpu.memory_space<vmem>>
        %get3A_592 = arith.index_cast %add3A_587 : i32 to index
        %get3A_593 = arith.constant 0 : index
        %get3A_594 = tpu.vector_load %get3A_591[%get3A_592, %get3A_593] {strides = array<i32>} : memref<400x64xf32, #tpu.memory_space<vmem>>, vector<16xf32>,
        %mul3A_595 = arith.constant 8.000000e+00 : f32
        %mul3A_596 = vector.broadcast %mul3A_595 : f32 to vector<16xf32>
        %mul3A_597 = arith.mulf %get3A_594, %mul3A_596 : vector<16xf32>
        %mul3A_598 = arith.constant 8 : i32
        %mul3A_599 = arith.muli %scan3A_285, %mul3A_598 : i32
        %add3A_600 = arith.constant 3 : i32
        %add3A_601 = arith.addi %mul3A_599, %add3A_600 : i32
        %swap3A_602 = arith.constant 0 : i32
        %swap3A_603 = arith.constant 0 : i32
        %swap3A_604 = tpu.memref_slice %arg6[%scan3A_205, %swap3A_602, %swap3A_603] : memref<4x400x64xf32, #tpu.memory_space<vmem>> -> memref<1x400x64xf32, #tpu.memory_space<vmem>>
        %swap3A_605 = tpu.memref_squeeze %swap3A_604 : memref<1x400x64xf32, #tpu.memory_space<vmem>> -> memref<400x64xf32, #tpu.memory_space<vmem>>
        %swap3A_606 = arith.index_cast %add3A_601 : i32 to index
        %swap3A_607 = arith.constant 0 : index
        %swap3A_608 = tpu.vector_load %swap3A_605[%swap3A_606, %swap3A_607] {strides = array<i32>} : memref<400x64xf32, #tpu.memory_space<vmem>>, vector<16xf32>,
        tpu.vector_store %swap3A_605[%swap3A_606, %swap3A_607], %mul3A_597 {strides = array<i32>} : memref<400x64xf32, #tpu.memory_space<vmem>>, vector<16xf32>,
        %mul3A_609 = arith.constant 8 : i32
        %mul3A_610 = arith.muli %scan3A_285, %mul3A_609 : i32
        %add3A_611 = arith.constant 3 : i32
        %add3A_612 = arith.addi %mul3A_610, %add3A_611 : i32
        %get3A_613 = arith.constant 0 : i32
        %get3A_614 = arith.constant 0 : i32
        %get3A_615 = tpu.memref_slice %arg6[%scan3A_205, %get3A_613, %get3A_614] : memref<4x400x64xf32, #tpu.memory_space<vmem>> -> memref<1x400x64xf32, #tpu.memory_space<vmem>>
        %get3A_616 = tpu.memref_squeeze %get3A_615 : memref<1x400x64xf32, #tpu.memory_space<vmem>> -> memref<400x64xf32, #tpu.memory_space<vmem>>
        %get3A_617 = arith.index_cast %add3A_612 : i32 to index
        %get3A_618 = arith.constant 16 : index
        %get3A_619 = tpu.vector_load %get3A_616[%get3A_617, %get3A_618] {strides = array<i32>} : memref<400x64xf32, #tpu.memory_space<vmem>>, vector<16xf32>,
        %mul3A_620 = arith.constant 8.000000e+00 : f32
        %mul3A_621 = vector.broadcast %mul3A_620 : f32 to vector<16xf32>
        %mul3A_622 = arith.mulf %get3A_619, %mul3A_621 : vector<16xf32>
        %mul3A_623 = arith.constant 8 : i32
        %mul3A_624 = arith.muli %scan3A_285, %mul3A_623 : i32
        %add3A_625 = arith.constant 3 : i32
        %add3A_626 = arith.addi %mul3A_624, %add3A_625 : i32
        %swap3A_627 = arith.constant 0 : i32
        %swap3A_628 = arith.constant 0 : i32
        %swap3A_629 = tpu.memref_slice %arg6[%scan3A_205, %swap3A_627, %swap3A_628] : memref<4x400x64xf32, #tpu.memory_space<vmem>> -> memref<1x400x64xf32, #tpu.memory_space<vmem>>
        %swap3A_630 = tpu.memref_squeeze %swap3A_629 : memref<1x400x64xf32, #tpu.memory_space<vmem>> -> memref<400x64xf32, #tpu.memory_space<vmem>>
        %swap3A_631 = arith.index_cast %add3A_626 : i32 to index
        %swap3A_632 = arith.constant 16 : index
        %swap3A_633 = tpu.vector_load %swap3A_630[%swap3A_631, %swap3A_632] {strides = array<i32>} : memref<400x64xf32, #tpu.memory_space<vmem>>, vector<16xf32>,
        tpu.vector_store %swap3A_630[%swap3A_631, %swap3A_632], %mul3A_622 {strides = array<i32>} : memref<400x64xf32, #tpu.memory_space<vmem>>, vector<16xf32>,
        %mul3A_634 = arith.constant 8 : i32
        %mul3A_635 = arith.muli %scan3A_285, %mul3A_634 : i32
        %add3A_636 = arith.constant 3 : i32
        %add3A_637 = arith.addi %mul3A_635, %add3A_636 : i32
        %get3A_638 = arith.constant 0 : i32
        %get3A_639 = arith.constant 0 : i32
        %get3A_640 = tpu.memref_slice %arg6[%scan3A_205, %get3A_638, %get3A_639] : memref<4x400x64xf32, #tpu.memory_space<vmem>> -> memref<1x400x64xf32, #tpu.memory_space<vmem>>
        %get3A_641 = tpu.memref_squeeze %get3A_640 : memref<1x400x64xf32, #tpu.memory_space<vmem>> -> memref<400x64xf32, #tpu.memory_space<vmem>>
        %get3A_642 = arith.index_cast %add3A_637 : i32 to index
        %get3A_643 = arith.constant 32 : index
        %get3A_644 = tpu.vector_load %get3A_641[%get3A_642, %get3A_643] {strides = array<i32>} : memref<400x64xf32, #tpu.memory_space<vmem>>, vector<16xf32>,
        %mul3A_645 = arith.constant 8.000000e+00 : f32
        %mul3A_646 = vector.broadcast %mul3A_645 : f32 to vector<16xf32>
        %mul3A_647 = arith.mulf %get3A_644, %mul3A_646 : vector<16xf32>
        %mul3A_648 = arith.constant 8 : i32
        %mul3A_649 = arith.muli %scan3A_285, %mul3A_648 : i32
        %add3A_650 = arith.constant 3 : i32
        %add3A_651 = arith.addi %mul3A_649, %add3A_650 : i32
        %swap3A_652 = arith.constant 0 : i32
        %swap3A_653 = arith.constant 0 : i32
        %swap3A_654 = tpu.memref_slice %arg6[%scan3A_205, %swap3A_652, %swap3A_653] : memref<4x400x64xf32, #tpu.memory_space<vmem>> -> memref<1x400x64xf32, #tpu.memory_space<vmem>>
        %swap3A_655 = tpu.memref_squeeze %swap3A_654 : memref<1x400x64xf32, #tpu.memory_space<vmem>> -> memref<400x64xf32, #tpu.memory_space<vmem>>
        %swap3A_656 = arith.index_cast %add3A_651 : i32 to index
        %swap3A_657 = arith.constant 32 : index
        %swap3A_658 = tpu.vector_load %swap3A_655[%swap3A_656, %swap3A_657] {strides = array<i32>} : memref<400x64xf32, #tpu.memory_space<vmem>>, vector<16xf32>,
        tpu.vector_store %swap3A_655[%swap3A_656, %swap3A_657], %mul3A_647 {strides = array<i32>} : memref<400x64xf32, #tpu.memory_space<vmem>>, vector<16xf32>,
        %mul3A_659 = arith.constant 8 : i32
        %mul3A_660 = arith.muli %scan3A_285, %mul3A_659 : i32
        %add3A_661 = arith.constant 3 : i32
        %add3A_662 = arith.addi %mul3A_660, %add3A_661 : i32
        %get3A_663 = arith.constant 0 : i32
        %get3A_664 = arith.constant 0 : i32
        %get3A_665 = tpu.memref_slice %arg6[%scan3A_205, %get3A_663, %get3A_664] : memref<4x400x64xf32, #tpu.memory_space<vmem>> -> memref<1x400x64xf32, #tpu.memory_space<vmem>>
        %get3A_666 = tpu.memref_squeeze %get3A_665 : memref<1x400x64xf32, #tpu.memory_space<vmem>> -> memref<400x64xf32, #tpu.memory_space<vmem>>
        %get3A_667 = arith.index_cast %add3A_662 : i32 to index
        %get3A_668 = arith.constant 48 : index
        %get3A_669 = tpu.vector_load %get3A_666[%get3A_667, %get3A_668] {strides = array<i32>} : memref<400x64xf32, #tpu.memory_space<vmem>>, vector<16xf32>,
        %mul3A_670 = arith.constant 8.000000e+00 : f32
        %mul3A_671 = vector.broadcast %mul3A_670 : f32 to vector<16xf32>
        %mul3A_672 = arith.mulf %get3A_669, %mul3A_671 : vector<16xf32>
        %mul3A_673 = arith.constant 8 : i32
        %mul3A_674 = arith.muli %scan3A_285, %mul3A_673 : i32
        %add3A_675 = arith.constant 3 : i32
        %add3A_676 = arith.addi %mul3A_674, %add3A_675 : i32
        %swap3A_677 = arith.constant 0 : i32
        %swap3A_678 = arith.constant 0 : i32
        %swap3A_679 = tpu.memref_slice %arg6[%scan3A_205, %swap3A_677, %swap3A_678] : memref<4x400x64xf32, #tpu.memory_space<vmem>> -> memref<1x400x64xf32, #tpu.memory_space<vmem>>
        %swap3A_680 = tpu.memref_squeeze %swap3A_679 : memref<1x400x64xf32, #tpu.memory_space<vmem>> -> memref<400x64xf32, #tpu.memory_space<vmem>>
        %swap3A_681 = arith.index_cast %add3A_676 : i32 to index
        %swap3A_682 = arith.constant 48 : index
        %swap3A_683 = tpu.vector_load %swap3A_680[%swap3A_681, %swap3A_682] {strides = array<i32>} : memref<400x64xf32, #tpu.memory_space<vmem>>, vector<16xf32>,
        tpu.vector_store %swap3A_680[%swap3A_681, %swap3A_682], %mul3A_672 {strides = array<i32>} : memref<400x64xf32, #tpu.memory_space<vmem>>, vector<16xf32>,
        %mul3A_684 = arith.constant 8 : i32
        %mul3A_685 = arith.muli %scan3A_285, %mul3A_684 : i32
        %add3A_686 = arith.constant 4 : i32
        %add3A_687 = arith.addi %mul3A_685, %add3A_686 : i32
        %get3A_688 = arith.constant 0 : i32
        %get3A_689 = arith.constant 0 : i32
        %get3A_690 = tpu.memref_slice %arg6[%scan3A_205, %get3A_688, %get3A_689] : memref<4x400x64xf32, #tpu.memory_space<vmem>> -> memref<1x400x64xf32, #tpu.memory_space<vmem>>
        %get3A_691 = tpu.memref_squeeze %get3A_690 : memref<1x400x64xf32, #tpu.memory_space<vmem>> -> memref<400x64xf32, #tpu.memory_space<vmem>>
        %get3A_692 = arith.index_cast %add3A_687 : i32 to index
        %get3A_693 = arith.constant 0 : index
        %get3A_694 = tpu.vector_load %get3A_691[%get3A_692, %get3A_693] {strides = array<i32>} : memref<400x64xf32, #tpu.memory_space<vmem>>, vector<16xf32>,
        %mul3A_695 = arith.constant 8.000000e+00 : f32
        %mul3A_696 = vector.broadcast %mul3A_695 : f32 to vector<16xf32>
        %mul3A_697 = arith.mulf %get3A_694, %mul3A_696 : vector<16xf32>
        %mul3A_698 = arith.constant 8 : i32
        %mul3A_699 = arith.muli %scan3A_285, %mul3A_698 : i32
        %add3A_700 = arith.constant 4 : i32
        %add3A_701 = arith.addi %mul3A_699, %add3A_700 : i32
        %swap3A_702 = arith.constant 0 : i32
        %swap3A_703 = arith.constant 0 : i32
        %swap3A_704 = tpu.memref_slice %arg6[%scan3A_205, %swap3A_702, %swap3A_703] : memref<4x400x64xf32, #tpu.memory_space<vmem>> -> memref<1x400x64xf32, #tpu.memory_space<vmem>>
        %swap3A_705 = tpu.memref_squeeze %swap3A_704 : memref<1x400x64xf32, #tpu.memory_space<vmem>> -> memref<400x64xf32, #tpu.memory_space<vmem>>
        %swap3A_706 = arith.index_cast %add3A_701 : i32 to index
        %swap3A_707 = arith.constant 0 : index
        %swap3A_708 = tpu.vector_load %swap3A_705[%swap3A_706, %swap3A_707] {strides = array<i32>} : memref<400x64xf32, #tpu.memory_space<vmem>>, vector<16xf32>,
        tpu.vector_store %swap3A_705[%swap3A_706, %swap3A_707], %mul3A_697 {strides = array<i32>} : memref<400x64xf32, #tpu.memory_space<vmem>>, vector<16xf32>,
        %mul3A_709 = arith.constant 8 : i32
        %mul3A_710 = arith.muli %scan3A_285, %mul3A_709 : i32
        %add3A_711 = arith.constant 4 : i32
        %add3A_712 = arith.addi %mul3A_710, %add3A_711 : i32
        %get3A_713 = arith.constant 0 : i32
        %get3A_714 = arith.constant 0 : i32
        %get3A_715 = tpu.memref_slice %arg6[%scan3A_205, %get3A_713, %get3A_714] : memref<4x400x64xf32, #tpu.memory_space<vmem>> -> memref<1x400x64xf32, #tpu.memory_space<vmem>>
        %get3A_716 = tpu.memref_squeeze %get3A_715 : memref<1x400x64xf32, #tpu.memory_space<vmem>> -> memref<400x64xf32, #tpu.memory_space<vmem>>
        %get3A_717 = arith.index_cast %add3A_712 : i32 to index
        %get3A_718 = arith.constant 16 : index
        %get3A_719 = tpu.vector_load %get3A_716[%get3A_717, %get3A_718] {strides = array<i32>} : memref<400x64xf32, #tpu.memory_space<vmem>>, vector<16xf32>,
        %mul3A_720 = arith.constant 8.000000e+00 : f32
        %mul3A_721 = vector.broadcast %mul3A_720 : f32 to vector<16xf32>
        %mul3A_722 = arith.mulf %get3A_719, %mul3A_721 : vector<16xf32>
        %mul3A_723 = arith.constant 8 : i32
        %mul3A_724 = arith.muli %scan3A_285, %mul3A_723 : i32
        %add3A_725 = arith.constant 4 : i32
        %add3A_726 = arith.addi %mul3A_724, %add3A_725 : i32
        %swap3A_727 = arith.constant 0 : i32
        %swap3A_728 = arith.constant 0 : i32
        %swap3A_729 = tpu.memref_slice %arg6[%scan3A_205, %swap3A_727, %swap3A_728] : memref<4x400x64xf32, #tpu.memory_space<vmem>> -> memref<1x400x64xf32, #tpu.memory_space<vmem>>
        %swap3A_730 = tpu.memref_squeeze %swap3A_729 : memref<1x400x64xf32, #tpu.memory_space<vmem>> -> memref<400x64xf32, #tpu.memory_space<vmem>>
        %swap3A_731 = arith.index_cast %add3A_726 : i32 to index
        %swap3A_732 = arith.constant 16 : index
        %swap3A_733 = tpu.vector_load %swap3A_730[%swap3A_731, %swap3A_732] {strides = array<i32>} : memref<400x64xf32, #tpu.memory_space<vmem>>, vector<16xf32>,
        tpu.vector_store %swap3A_730[%swap3A_731, %swap3A_732], %mul3A_722 {strides = array<i32>} : memref<400x64xf32, #tpu.memory_space<vmem>>, vector<16xf32>,
        %mul3A_734 = arith.constant 8 : i32
        %mul3A_735 = arith.muli %scan3A_285, %mul3A_734 : i32
        %add3A_736 = arith.constant 4 : i32
        %add3A_737 = arith.addi %mul3A_735, %add3A_736 : i32
        %get3A_738 = arith.constant 0 : i32
        %get3A_739 = arith.constant 0 : i32
        %get3A_740 = tpu.memref_slice %arg6[%scan3A_205, %get3A_738, %get3A_739] : memref<4x400x64xf32, #tpu.memory_space<vmem>> -> memref<1x400x64xf32, #tpu.memory_space<vmem>>
        %get3A_741 = tpu.memref_squeeze %get3A_740 : memref<1x400x64xf32, #tpu.memory_space<vmem>> -> memref<400x64xf32, #tpu.memory_space<vmem>>
        %get3A_742 = arith.index_cast %add3A_737 : i32 to index
        %get3A_743 = arith.constant 32 : index
        %get3A_744 = tpu.vector_load %get3A_741[%get3A_742, %get3A_743] {strides = array<i32>} : memref<400x64xf32, #tpu.memory_space<vmem>>, vector<16xf32>,
        %mul3A_745 = arith.constant 8.000000e+00 : f32
        %mul3A_746 = vector.broadcast %mul3A_745 : f32 to vector<16xf32>
        %mul3A_747 = arith.mulf %get3A_744, %mul3A_746 : vector<16xf32>
        %mul3A_748 = arith.constant 8 : i32
        %mul3A_749 = arith.muli %scan3A_285, %mul3A_748 : i32
        %add3A_750 = arith.constant 4 : i32
        %add3A_751 = arith.addi %mul3A_749, %add3A_750 : i32
        %swap3A_752 = arith.constant 0 : i32
        %swap3A_753 = arith.constant 0 : i32
        %swap3A_754 = tpu.memref_slice %arg6[%scan3A_205, %swap3A_752, %swap3A_753] : memref<4x400x64xf32, #tpu.memory_space<vmem>> -> memref<1x400x64xf32, #tpu.memory_space<vmem>>
        %swap3A_755 = tpu.memref_squeeze %swap3A_754 : memref<1x400x64xf32, #tpu.memory_space<vmem>> -> memref<400x64xf32, #tpu.memory_space<vmem>>
        %swap3A_756 = arith.index_cast %add3A_751 : i32 to index
        %swap3A_757 = arith.constant 32 : index
        %swap3A_758 = tpu.vector_load %swap3A_755[%swap3A_756, %swap3A_757] {strides = array<i32>} : memref<400x64xf32, #tpu.memory_space<vmem>>, vector<16xf32>,
        tpu.vector_store %swap3A_755[%swap3A_756, %swap3A_757], %mul3A_747 {strides = array<i32>} : memref<400x64xf32, #tpu.memory_space<vmem>>, vector<16xf32>,
        %mul3A_759 = arith.constant 8 : i32
        %mul3A_760 = arith.muli %scan3A_285, %mul3A_759 : i32
        %add3A_761 = arith.constant 4 : i32
        %add3A_762 = arith.addi %mul3A_760, %add3A_761 : i32
        %get3A_763 = arith.constant 0 : i32
        %get3A_764 = arith.constant 0 : i32
        %get3A_765 = tpu.memref_slice %arg6[%scan3A_205, %get3A_763, %get3A_764] : memref<4x400x64xf32, #tpu.memory_space<vmem>> -> memref<1x400x64xf32, #tpu.memory_space<vmem>>
        %get3A_766 = tpu.memref_squeeze %get3A_765 : memref<1x400x64xf32, #tpu.memory_space<vmem>> -> memref<400x64xf32, #tpu.memory_space<vmem>>
        %get3A_767 = arith.index_cast %add3A_762 : i32 to index
        %get3A_768 = arith.constant 48 : index
        %get3A_769 = tpu.vector_load %get3A_766[%get3A_767, %get3A_768] {strides = array<i32>} : memref<400x64xf32, #tpu.memory_space<vmem>>, vector<16xf32>,
        %mul3A_770 = arith.constant 8.000000e+00 : f32
        %mul3A_771 = vector.broadcast %mul3A_770 : f32 to vector<16xf32>
        %mul3A_772 = arith.mulf %get3A_769, %mul3A_771 : vector<16xf32>
        %mul3A_773 = arith.constant 8 : i32
        %mul3A_774 = arith.muli %scan3A_285, %mul3A_773 : i32
        %add3A_775 = arith.constant 4 : i32
        %add3A_776 = arith.addi %mul3A_774, %add3A_775 : i32
        %swap3A_777 = arith.constant 0 : i32
        %swap3A_778 = arith.constant 0 : i32
        %swap3A_779 = tpu.memref_slice %arg6[%scan3A_205, %swap3A_777, %swap3A_778] : memref<4x400x64xf32, #tpu.memory_space<vmem>> -> memref<1x400x64xf32, #tpu.memory_space<vmem>>
        %swap3A_780 = tpu.memref_squeeze %swap3A_779 : memref<1x400x64xf32, #tpu.memory_space<vmem>> -> memref<400x64xf32, #tpu.memory_space<vmem>>
        %swap3A_781 = arith.index_cast %add3A_776 : i32 to index
        %swap3A_782 = arith.constant 48 : index
        %swap3A_783 = tpu.vector_load %swap3A_780[%swap3A_781, %swap3A_782] {strides = array<i32>} : memref<400x64xf32, #tpu.memory_space<vmem>>, vector<16xf32>,
        tpu.vector_store %swap3A_780[%swap3A_781, %swap3A_782], %mul3A_772 {strides = array<i32>} : memref<400x64xf32, #tpu.memory_space<vmem>>, vector<16xf32>,
        %mul3A_784 = arith.constant 8 : i32
        %mul3A_785 = arith.muli %scan3A_285, %mul3A_784 : i32
        %add3A_786 = arith.constant 5 : i32
        %add3A_787 = arith.addi %mul3A_785, %add3A_786 : i32
        %get3A_788 = arith.constant 0 : i32
        %get3A_789 = arith.constant 0 : i32
        %get3A_790 = tpu.memref_slice %arg6[%scan3A_205, %get3A_788, %get3A_789] : memref<4x400x64xf32, #tpu.memory_space<vmem>> -> memref<1x400x64xf32, #tpu.memory_space<vmem>>
        %get3A_791 = tpu.memref_squeeze %get3A_790 : memref<1x400x64xf32, #tpu.memory_space<vmem>> -> memref<400x64xf32, #tpu.memory_space<vmem>>
        %get3A_792 = arith.index_cast %add3A_787 : i32 to index
        %get3A_793 = arith.constant 0 : index
        %get3A_794 = tpu.vector_load %get3A_791[%get3A_792, %get3A_793] {strides = array<i32>} : memref<400x64xf32, #tpu.memory_space<vmem>>, vector<16xf32>,
        %mul3A_795 = arith.constant 8.000000e+00 : f32
        %mul3A_796 = vector.broadcast %mul3A_795 : f32 to vector<16xf32>
        %mul3A_797 = arith.mulf %get3A_794, %mul3A_796 : vector<16xf32>
        %mul3A_798 = arith.constant 8 : i32
        %mul3A_799 = arith.muli %scan3A_285, %mul3A_798 : i32
        %add3A_800 = arith.constant 5 : i32
        %add3A_801 = arith.addi %mul3A_799, %add3A_800 : i32
        %swap3A_802 = arith.constant 0 : i32
        %swap3A_803 = arith.constant 0 : i32
        %swap3A_804 = tpu.memref_slice %arg6[%scan3A_205, %swap3A_802, %swap3A_803] : memref<4x400x64xf32, #tpu.memory_space<vmem>> -> memref<1x400x64xf32, #tpu.memory_space<vmem>>
        %swap3A_805 = tpu.memref_squeeze %swap3A_804 : memref<1x400x64xf32, #tpu.memory_space<vmem>> -> memref<400x64xf32, #tpu.memory_space<vmem>>
        %swap3A_806 = arith.index_cast %add3A_801 : i32 to index
        %swap3A_807 = arith.constant 0 : index
        %swap3A_808 = tpu.vector_load %swap3A_805[%swap3A_806, %swap3A_807] {strides = array<i32>} : memref<400x64xf32, #tpu.memory_space<vmem>>, vector<16xf32>,
        tpu.vector_store %swap3A_805[%swap3A_806, %swap3A_807], %mul3A_797 {strides = array<i32>} : memref<400x64xf32, #tpu.memory_space<vmem>>, vector<16xf32>,
        %mul3A_809 = arith.constant 8 : i32
        %mul3A_810 = arith.muli %scan3A_285, %mul3A_809 : i32
        %add3A_811 = arith.constant 5 : i32
        %add3A_812 = arith.addi %mul3A_810, %add3A_811 : i32
        %get3A_813 = arith.constant 0 : i32
        %get3A_814 = arith.constant 0 : i32
        %get3A_815 = tpu.memref_slice %arg6[%scan3A_205, %get3A_813, %get3A_814] : memref<4x400x64xf32, #tpu.memory_space<vmem>> -> memref<1x400x64xf32, #tpu.memory_space<vmem>>
        %get3A_816 = tpu.memref_squeeze %get3A_815 : memref<1x400x64xf32, #tpu.memory_space<vmem>> -> memref<400x64xf32, #tpu.memory_space<vmem>>
        %get3A_817 = arith.index_cast %add3A_812 : i32 to index
        %get3A_818 = arith.constant 16 : index
        %get3A_819 = tpu.vector_load %get3A_816[%get3A_817, %get3A_818] {strides = array<i32>} : memref<400x64xf32, #tpu.memory_space<vmem>>, vector<16xf32>,
        %mul3A_820 = arith.constant 8.000000e+00 : f32
        %mul3A_821 = vector.broadcast %mul3A_820 : f32 to vector<16xf32>
        %mul3A_822 = arith.mulf %get3A_819, %mul3A_821 : vector<16xf32>
        %mul3A_823 = arith.constant 8 : i32
        %mul3A_824 = arith.muli %scan3A_285, %mul3A_823 : i32
        %add3A_825 = arith.constant 5 : i32
        %add3A_826 = arith.addi %mul3A_824, %add3A_825 : i32
        %swap3A_827 = arith.constant 0 : i32
        %swap3A_828 = arith.constant 0 : i32
        %swap3A_829 = tpu.memref_slice %arg6[%scan3A_205, %swap3A_827, %swap3A_828] : memref<4x400x64xf32, #tpu.memory_space<vmem>> -> memref<1x400x64xf32, #tpu.memory_space<vmem>>
        %swap3A_830 = tpu.memref_squeeze %swap3A_829 : memref<1x400x64xf32, #tpu.memory_space<vmem>> -> memref<400x64xf32, #tpu.memory_space<vmem>>
        %swap3A_831 = arith.index_cast %add3A_826 : i32 to index
        %swap3A_832 = arith.constant 16 : index
        %swap3A_833 = tpu.vector_load %swap3A_830[%swap3A_831, %swap3A_832] {strides = array<i32>} : memref<400x64xf32, #tpu.memory_space<vmem>>, vector<16xf32>,
        tpu.vector_store %swap3A_830[%swap3A_831, %swap3A_832], %mul3A_822 {strides = array<i32>} : memref<400x64xf32, #tpu.memory_space<vmem>>, vector<16xf32>,
        %mul3A_834 = arith.constant 8 : i32
        %mul3A_835 = arith.muli %scan3A_285, %mul3A_834 : i32
        %add3A_836 = arith.constant 5 : i32
        %add3A_837 = arith.addi %mul3A_835, %add3A_836 : i32
        %get3A_838 = arith.constant 0 : i32
        %get3A_839 = arith.constant 0 : i32
        %get3A_840 = tpu.memref_slice %arg6[%scan3A_205, %get3A_838, %get3A_839] : memref<4x400x64xf32, #tpu.memory_space<vmem>> -> memref<1x400x64xf32, #tpu.memory_space<vmem>>
        %get3A_841 = tpu.memref_squeeze %get3A_840 : memref<1x400x64xf32, #tpu.memory_space<vmem>> -> memref<400x64xf32, #tpu.memory_space<vmem>>
        %get3A_842 = arith.index_cast %add3A_837 : i32 to index
        %get3A_843 = arith.constant 32 : index
        %get3A_844 = tpu.vector_load %get3A_841[%get3A_842, %get3A_843] {strides = array<i32>} : memref<400x64xf32, #tpu.memory_space<vmem>>, vector<16xf32>,
        %mul3A_845 = arith.constant 8.000000e+00 : f32
        %mul3A_846 = vector.broadcast %mul3A_845 : f32 to vector<16xf32>
        %mul3A_847 = arith.mulf %get3A_844, %mul3A_846 : vector<16xf32>
        %mul3A_848 = arith.constant 8 : i32
        %mul3A_849 = arith.muli %scan3A_285, %mul3A_848 : i32
        %add3A_850 = arith.constant 5 : i32
        %add3A_851 = arith.addi %mul3A_849, %add3A_850 : i32
        %swap3A_852 = arith.constant 0 : i32
        %swap3A_853 = arith.constant 0 : i32
        %swap3A_854 = tpu.memref_slice %arg6[%scan3A_205, %swap3A_852, %swap3A_853] : memref<4x400x64xf32, #tpu.memory_space<vmem>> -> memref<1x400x64xf32, #tpu.memory_space<vmem>>
        %swap3A_855 = tpu.memref_squeeze %swap3A_854 : memref<1x400x64xf32, #tpu.memory_space<vmem>> -> memref<400x64xf32, #tpu.memory_space<vmem>>
        %swap3A_856 = arith.index_cast %add3A_851 : i32 to index
        %swap3A_857 = arith.constant 32 : index
        %swap3A_858 = tpu.vector_load %swap3A_855[%swap3A_856, %swap3A_857] {strides = array<i32>} : memref<400x64xf32, #tpu.memory_space<vmem>>, vector<16xf32>,
        tpu.vector_store %swap3A_855[%swap3A_856, %swap3A_857], %mul3A_847 {strides = array<i32>} : memref<400x64xf32, #tpu.memory_space<vmem>>, vector<16xf32>,
        %mul3A_859 = arith.constant 8 : i32
        %mul3A_860 = arith.muli %scan3A_285, %mul3A_859 : i32
        %add3A_861 = arith.constant 5 : i32
        %add3A_862 = arith.addi %mul3A_860, %add3A_861 : i32
        %get3A_863 = arith.constant 0 : i32
        %get3A_864 = arith.constant 0 : i32
        %get3A_865 = tpu.memref_slice %arg6[%scan3A_205, %get3A_863, %get3A_864] : memref<4x400x64xf32, #tpu.memory_space<vmem>> -> memref<1x400x64xf32, #tpu.memory_space<vmem>>
        %get3A_866 = tpu.memref_squeeze %get3A_865 : memref<1x400x64xf32, #tpu.memory_space<vmem>> -> memref<400x64xf32, #tpu.memory_space<vmem>>
        %get3A_867 = arith.index_cast %add3A_862 : i32 to index
        %get3A_868 = arith.constant 48 : index
        %get3A_869 = tpu.vector_load %get3A_866[%get3A_867, %get3A_868] {strides = array<i32>} : memref<400x64xf32, #tpu.memory_space<vmem>>, vector<16xf32>,
        %mul3A_870 = arith.constant 8.000000e+00 : f32
        %mul3A_871 = vector.broadcast %mul3A_870 : f32 to vector<16xf32>
        %mul3A_872 = arith.mulf %get3A_869, %mul3A_871 : vector<16xf32>
        %mul3A_873 = arith.constant 8 : i32
        %mul3A_874 = arith.muli %scan3A_285, %mul3A_873 : i32
        %add3A_875 = arith.constant 5 : i32
        %add3A_876 = arith.addi %mul3A_874, %add3A_875 : i32
        %swap3A_877 = arith.constant 0 : i32
        %swap3A_878 = arith.constant 0 : i32
        %swap3A_879 = tpu.memref_slice %arg6[%scan3A_205, %swap3A_877, %swap3A_878] : memref<4x400x64xf32, #tpu.memory_space<vmem>> -> memref<1x400x64xf32, #tpu.memory_space<vmem>>
        %swap3A_880 = tpu.memref_squeeze %swap3A_879 : memref<1x400x64xf32, #tpu.memory_space<vmem>> -> memref<400x64xf32, #tpu.memory_space<vmem>>
        %swap3A_881 = arith.index_cast %add3A_876 : i32 to index
        %swap3A_882 = arith.constant 48 : index
        %swap3A_883 = tpu.vector_load %swap3A_880[%swap3A_881, %swap3A_882] {strides = array<i32>} : memref<400x64xf32, #tpu.memory_space<vmem>>, vector<16xf32>,
        tpu.vector_store %swap3A_880[%swap3A_881, %swap3A_882], %mul3A_872 {strides = array<i32>} : memref<400x64xf32, #tpu.memory_space<vmem>>, vector<16xf32>,
        %mul3A_884 = arith.constant 8 : i32
        %mul3A_885 = arith.muli %scan3A_285, %mul3A_884 : i32
        %add3A_886 = arith.constant 6 : i32
        %add3A_887 = arith.addi %mul3A_885, %add3A_886 : i32
        %get3A_888 = arith.constant 0 : i32
        %get3A_889 = arith.constant 0 : i32
        %get3A_890 = tpu.memref_slice %arg6[%scan3A_205, %get3A_888, %get3A_889] : memref<4x400x64xf32, #tpu.memory_space<vmem>> -> memref<1x400x64xf32, #tpu.memory_space<vmem>>
        %get3A_891 = tpu.memref_squeeze %get3A_890 : memref<1x400x64xf32, #tpu.memory_space<vmem>> -> memref<400x64xf32, #tpu.memory_space<vmem>>
        %get3A_892 = arith.index_cast %add3A_887 : i32 to index
        %get3A_893 = arith.constant 0 : index
        %get3A_894 = tpu.vector_load %get3A_891[%get3A_892, %get3A_893] {strides = array<i32>} : memref<400x64xf32, #tpu.memory_space<vmem>>, vector<16xf32>,
        %mul3A_895 = arith.constant 8.000000e+00 : f32
        %mul3A_896 = vector.broadcast %mul3A_895 : f32 to vector<16xf32>
        %mul3A_897 = arith.mulf %get3A_894, %mul3A_896 : vector<16xf32>
        %mul3A_898 = arith.constant 8 : i32
        %mul3A_899 = arith.muli %scan3A_285, %mul3A_898 : i32
        %add3A_900 = arith.constant 6 : i32
        %add3A_901 = arith.addi %mul3A_899, %add3A_900 : i32
        %swap3A_902 = arith.constant 0 : i32
        %swap3A_903 = arith.constant 0 : i32
        %swap3A_904 = tpu.memref_slice %arg6[%scan3A_205, %swap3A_902, %swap3A_903] : memref<4x400x64xf32, #tpu.memory_space<vmem>> -> memref<1x400x64xf32, #tpu.memory_space<vmem>>
        %swap3A_905 = tpu.memref_squeeze %swap3A_904 : memref<1x400x64xf32, #tpu.memory_space<vmem>> -> memref<400x64xf32, #tpu.memory_space<vmem>>
        %swap3A_906 = arith.index_cast %add3A_901 : i32 to index
        %swap3A_907 = arith.constant 0 : index
        %swap3A_908 = tpu.vector_load %swap3A_905[%swap3A_906, %swap3A_907] {strides = array<i32>} : memref<400x64xf32, #tpu.memory_space<vmem>>, vector<16xf32>,
        tpu.vector_store %swap3A_905[%swap3A_906, %swap3A_907], %mul3A_897 {strides = array<i32>} : memref<400x64xf32, #tpu.memory_space<vmem>>, vector<16xf32>,
        %mul3A_909 = arith.constant 8 : i32
        %mul3A_910 = arith.muli %scan3A_285, %mul3A_909 : i32
        %add3A_911 = arith.constant 6 : i32
        %add3A_912 = arith.addi %mul3A_910, %add3A_911 : i32
        %get3A_913 = arith.constant 0 : i32
        %get3A_914 = arith.constant 0 : i32
        %get3A_915 = tpu.memref_slice %arg6[%scan3A_205, %get3A_913, %get3A_914] : memref<4x400x64xf32, #tpu.memory_space<vmem>> -> memref<1x400x64xf32, #tpu.memory_space<vmem>>
        %get3A_916 = tpu.memref_squeeze %get3A_915 : memref<1x400x64xf32, #tpu.memory_space<vmem>> -> memref<400x64xf32, #tpu.memory_space<vmem>>
        %get3A_917 = arith.index_cast %add3A_912 : i32 to index
        %get3A_918 = arith.constant 16 : index
        %get3A_919 = tpu.vector_load %get3A_916[%get3A_917, %get3A_918] {strides = array<i32>} : memref<400x64xf32, #tpu.memory_space<vmem>>, vector<16xf32>,
        %mul3A_920 = arith.constant 8.000000e+00 : f32
        %mul3A_921 = vector.broadcast %mul3A_920 : f32 to vector<16xf32>
        %mul3A_922 = arith.mulf %get3A_919, %mul3A_921 : vector<16xf32>
        %mul3A_923 = arith.constant 8 : i32
        %mul3A_924 = arith.muli %scan3A_285, %mul3A_923 : i32
        %add3A_925 = arith.constant 6 : i32
        %add3A_926 = arith.addi %mul3A_924, %add3A_925 : i32
        %swap3A_927 = arith.constant 0 : i32
        %swap3A_928 = arith.constant 0 : i32
        %swap3A_929 = tpu.memref_slice %arg6[%scan3A_205, %swap3A_927, %swap3A_928] : memref<4x400x64xf32, #tpu.memory_space<vmem>> -> memref<1x400x64xf32, #tpu.memory_space<vmem>>
        %swap3A_930 = tpu.memref_squeeze %swap3A_929 : memref<1x400x64xf32, #tpu.memory_space<vmem>> -> memref<400x64xf32, #tpu.memory_space<vmem>>
        %swap3A_931 = arith.index_cast %add3A_926 : i32 to index
        %swap3A_932 = arith.constant 16 : index
        %swap3A_933 = tpu.vector_load %swap3A_930[%swap3A_931, %swap3A_932] {strides = array<i32>} : memref<400x64xf32, #tpu.memory_space<vmem>>, vector<16xf32>,
        tpu.vector_store %swap3A_930[%swap3A_931, %swap3A_932], %mul3A_922 {strides = array<i32>} : memref<400x64xf32, #tpu.memory_space<vmem>>, vector<16xf32>,
        %mul3A_934 = arith.constant 8 : i32
        %mul3A_935 = arith.muli %scan3A_285, %mul3A_934 : i32
        %add3A_936 = arith.constant 6 : i32
        %add3A_937 = arith.addi %mul3A_935, %add3A_936 : i32
        %get3A_938 = arith.constant 0 : i32
        %get3A_939 = arith.constant 0 : i32
        %get3A_940 = tpu.memref_slice %arg6[%scan3A_205, %get3A_938, %get3A_939] : memref<4x400x64xf32, #tpu.memory_space<vmem>> -> memref<1x400x64xf32, #tpu.memory_space<vmem>>
        %get3A_941 = tpu.memref_squeeze %get3A_940 : memref<1x400x64xf32, #tpu.memory_space<vmem>> -> memref<400x64xf32, #tpu.memory_space<vmem>>
        %get3A_942 = arith.index_cast %add3A_937 : i32 to index
        %get3A_943 = arith.constant 32 : index
        %get3A_944 = tpu.vector_load %get3A_941[%get3A_942, %get3A_943] {strides = array<i32>} : memref<400x64xf32, #tpu.memory_space<vmem>>, vector<16xf32>,
        %mul3A_945 = arith.constant 8.000000e+00 : f32
        %mul3A_946 = vector.broadcast %mul3A_945 : f32 to vector<16xf32>
        %mul3A_947 = arith.mulf %get3A_944, %mul3A_946 : vector<16xf32>
        %mul3A_948 = arith.constant 8 : i32
        %mul3A_949 = arith.muli %scan3A_285, %mul3A_948 : i32
        %add3A_950 = arith.constant 6 : i32
        %add3A_951 = arith.addi %mul3A_949, %add3A_950 : i32
        %swap3A_952 = arith.constant 0 : i32
        %swap3A_953 = arith.constant 0 : i32
        %swap3A_954 = tpu.memref_slice %arg6[%scan3A_205, %swap3A_952, %swap3A_953] : memref<4x400x64xf32, #tpu.memory_space<vmem>> -> memref<1x400x64xf32, #tpu.memory_space<vmem>>
        %swap3A_955 = tpu.memref_squeeze %swap3A_954 : memref<1x400x64xf32, #tpu.memory_space<vmem>> -> memref<400x64xf32, #tpu.memory_space<vmem>>
        %swap3A_956 = arith.index_cast %add3A_951 : i32 to index
        %swap3A_957 = arith.constant 32 : index
        %swap3A_958 = tpu.vector_load %swap3A_955[%swap3A_956, %swap3A_957] {strides = array<i32>} : memref<400x64xf32, #tpu.memory_space<vmem>>, vector<16xf32>,
        tpu.vector_store %swap3A_955[%swap3A_956, %swap3A_957], %mul3A_947 {strides = array<i32>} : memref<400x64xf32, #tpu.memory_space<vmem>>, vector<16xf32>,
        %mul3A_959 = arith.constant 8 : i32
        %mul3A_960 = arith.muli %scan3A_285, %mul3A_959 : i32
        %add3A_961 = arith.constant 6 : i32
        %add3A_962 = arith.addi %mul3A_960, %add3A_961 : i32
        %get3A_963 = arith.constant 0 : i32
        %get3A_964 = arith.constant 0 : i32
        %get3A_965 = tpu.memref_slice %arg6[%scan3A_205, %get3A_963, %get3A_964] : memref<4x400x64xf32, #tpu.memory_space<vmem>> -> memref<1x400x64xf32, #tpu.memory_space<vmem>>
        %get3A_966 = tpu.memref_squeeze %get3A_965 : memref<1x400x64xf32, #tpu.memory_space<vmem>> -> memref<400x64xf32, #tpu.memory_space<vmem>>
        %get3A_967 = arith.index_cast %add3A_962 : i32 to index
        %get3A_968 = arith.constant 48 : index
        %get3A_969 = tpu.vector_load %get3A_966[%get3A_967, %get3A_968] {strides = array<i32>} : memref<400x64xf32, #tpu.memory_space<vmem>>, vector<16xf32>,
        %mul3A_970 = arith.constant 8.000000e+00 : f32
        %mul3A_971 = vector.broadcast %mul3A_970 : f32 to vector<16xf32>
        %mul3A_972 = arith.mulf %get3A_969, %mul3A_971 : vector<16xf32>
        %mul3A_973 = arith.constant 8 : i32
        %mul3A_974 = arith.muli %scan3A_285, %mul3A_973 : i32
        %add3A_975 = arith.constant 6 : i32
        %add3A_976 = arith.addi %mul3A_974, %add3A_975 : i32
        %swap3A_977 = arith.constant 0 : i32
        %swap3A_978 = arith.constant 0 : i32
        %swap3A_979 = tpu.memref_slice %arg6[%scan3A_205, %swap3A_977, %swap3A_978] : memref<4x400x64xf32, #tpu.memory_space<vmem>> -> memref<1x400x64xf32, #tpu.memory_space<vmem>>
        %swap3A_980 = tpu.memref_squeeze %swap3A_979 : memref<1x400x64xf32, #tpu.memory_space<vmem>> -> memref<400x64xf32, #tpu.memory_space<vmem>>
        %swap3A_981 = arith.index_cast %add3A_976 : i32 to index
        %swap3A_982 = arith.constant 48 : index
        %swap3A_983 = tpu.vector_load %swap3A_980[%swap3A_981, %swap3A_982] {strides = array<i32>} : memref<400x64xf32, #tpu.memory_space<vmem>>, vector<16xf32>,
        tpu.vector_store %swap3A_980[%swap3A_981, %swap3A_982], %mul3A_972 {strides = array<i32>} : memref<400x64xf32, #tpu.memory_space<vmem>>, vector<16xf32>,
        %mul3A_984 = arith.constant 8 : i32
        %mul3A_985 = arith.muli %scan3A_285, %mul3A_984 : i32
        %add3A_986 = arith.constant 7 : i32
        %add3A_987 = arith.addi %mul3A_985, %add3A_986 : i32
        %get3A_988 = arith.constant 0 : i32
        %get3A_989 = arith.constant 0 : i32
        %get3A_990 = tpu.memref_slice %arg6[%scan3A_205, %get3A_988, %get3A_989] : memref<4x400x64xf32, #tpu.memory_space<vmem>> -> memref<1x400x64xf32, #tpu.memory_space<vmem>>
        %get3A_991 = tpu.memref_squeeze %get3A_990 : memref<1x400x64xf32, #tpu.memory_space<vmem>> -> memref<400x64xf32, #tpu.memory_space<vmem>>
        %get3A_992 = arith.index_cast %add3A_987 : i32 to index
        %get3A_993 = arith.constant 0 : index
        %get3A_994 = tpu.vector_load %get3A_991[%get3A_992, %get3A_993] {strides = array<i32>} : memref<400x64xf32, #tpu.memory_space<vmem>>, vector<16xf32>,
        %mul3A_995 = arith.constant 8.000000e+00 : f32
        %mul3A_996 = vector.broadcast %mul3A_995 : f32 to vector<16xf32>
        %mul3A_997 = arith.mulf %get3A_994, %mul3A_996 : vector<16xf32>
        %mul3A_998 = arith.constant 8 : i32
        %mul3A_999 = arith.muli %scan3A_285, %mul3A_998 : i32
        %add3A_1000 = arith.constant 7 : i32
        %add3A_1001 = arith.addi %mul3A_999, %add3A_1000 : i32
        %swap3A_1002 = arith.constant 0 : i32
        %swap3A_1003 = arith.constant 0 : i32
        %swap3A_1004 = tpu.memref_slice %arg6[%scan3A_205, %swap3A_1002, %swap3A_1003] : memref<4x400x64xf32, #tpu.memory_space<vmem>> -> memref<1x400x64xf32, #tpu.memory_space<vmem>>
        %swap3A_1005 = tpu.memref_squeeze %swap3A_1004 : memref<1x400x64xf32, #tpu.memory_space<vmem>> -> memref<400x64xf32, #tpu.memory_space<vmem>>
        %swap3A_1006 = arith.index_cast %add3A_1001 : i32 to index
        %swap3A_1007 = arith.constant 0 : index
        %swap3A_1008 = tpu.vector_load %swap3A_1005[%swap3A_1006, %swap3A_1007] {strides = array<i32>} : memref<400x64xf32, #tpu.memory_space<vmem>>, vector<16xf32>,
        tpu.vector_store %swap3A_1005[%swap3A_1006, %swap3A_1007], %mul3A_997 {strides = array<i32>} : memref<400x64xf32, #tpu.memory_space<vmem>>, vector<16xf32>,
        %mul3A_1009 = arith.constant 8 : i32
        %mul3A_1010 = arith.muli %scan3A_285, %mul3A_1009 : i32
        %add3A_1011 = arith.constant 7 : i32
        %add3A_1012 = arith.addi %mul3A_1010, %add3A_1011 : i32
        %get3A_1013 = arith.constant 0 : i32
        %get3A_1014 = arith.constant 0 : i32
        %get3A_1015 = tpu.memref_slice %arg6[%scan3A_205, %get3A_1013, %get3A_1014] : memref<4x400x64xf32, #tpu.memory_space<vmem>> -> memref<1x400x64xf32, #tpu.memory_space<vmem>>
        %get3A_1016 = tpu.memref_squeeze %get3A_1015 : memref<1x400x64xf32, #tpu.memory_space<vmem>> -> memref<400x64xf32, #tpu.memory_space<vmem>>
        %get3A_1017 = arith.index_cast %add3A_1012 : i32 to index
        %get3A_1018 = arith.constant 16 : index
        %get3A_1019 = tpu.vector_load %get3A_1016[%get3A_1017, %get3A_1018] {strides = array<i32>} : memref<400x64xf32, #tpu.memory_space<vmem>>, vector<16xf32>,
        %mul3A_1020 = arith.constant 8.000000e+00 : f32
        %mul3A_1021 = vector.broadcast %mul3A_1020 : f32 to vector<16xf32>
        %mul3A_1022 = arith.mulf %get3A_1019, %mul3A_1021 : vector<16xf32>
        %mul3A_1023 = arith.constant 8 : i32
        %mul3A_1024 = arith.muli %scan3A_285, %mul3A_1023 : i32
        %add3A_1025 = arith.constant 7 : i32
        %add3A_1026 = arith.addi %mul3A_1024, %add3A_1025 : i32
        %swap3A_1027 = arith.constant 0 : i32
        %swap3A_1028 = arith.constant 0 : i32
        %swap3A_1029 = tpu.memref_slice %arg6[%scan3A_205, %swap3A_1027, %swap3A_1028] : memref<4x400x64xf32, #tpu.memory_space<vmem>> -> memref<1x400x64xf32, #tpu.memory_space<vmem>>
        %swap3A_1030 = tpu.memref_squeeze %swap3A_1029 : memref<1x400x64xf32, #tpu.memory_space<vmem>> -> memref<400x64xf32, #tpu.memory_space<vmem>>
        %swap3A_1031 = arith.index_cast %add3A_1026 : i32 to index
        %swap3A_1032 = arith.constant 16 : index
        %swap3A_1033 = tpu.vector_load %swap3A_1030[%swap3A_1031, %swap3A_1032] {strides = array<i32>} : memref<400x64xf32, #tpu.memory_space<vmem>>, vector<16xf32>,
        tpu.vector_store %swap3A_1030[%swap3A_1031, %swap3A_1032], %mul3A_1022 {strides = array<i32>} : memref<400x64xf32, #tpu.memory_space<vmem>>, vector<16xf32>,
        %mul3A_1034 = arith.constant 8 : i32
        %mul3A_1035 = arith.muli %scan3A_285, %mul3A_1034 : i32
        %add3A_1036 = arith.constant 7 : i32
        %add3A_1037 = arith.addi %mul3A_1035, %add3A_1036 : i32
        %get3A_1038 = arith.constant 0 : i32
        %get3A_1039 = arith.constant 0 : i32
        %get3A_1040 = tpu.memref_slice %arg6[%scan3A_205, %get3A_1038, %get3A_1039] : memref<4x400x64xf32, #tpu.memory_space<vmem>> -> memref<1x400x64xf32, #tpu.memory_space<vmem>>
        %get3A_1041 = tpu.memref_squeeze %get3A_1040 : memref<1x400x64xf32, #tpu.memory_space<vmem>> -> memref<400x64xf32, #tpu.memory_space<vmem>>
        %get3A_1042 = arith.index_cast %add3A_1037 : i32 to index
        %get3A_1043 = arith.constant 32 : index
        %get3A_1044 = tpu.vector_load %get3A_1041[%get3A_1042, %get3A_1043] {strides = array<i32>} : memref<400x64xf32, #tpu.memory_space<vmem>>, vector<16xf32>,
        %mul3A_1045 = arith.constant 8.000000e+00 : f32
        %mul3A_1046 = vector.broadcast %mul3A_1045 : f32 to vector<16xf32>
        %mul3A_1047 = arith.mulf %get3A_1044, %mul3A_1046 : vector<16xf32>
        %mul3A_1048 = arith.constant 8 : i32
        %mul3A_1049 = arith.muli %scan3A_285, %mul3A_1048 : i32
        %add3A_1050 = arith.constant 7 : i32
        %add3A_1051 = arith.addi %mul3A_1049, %add3A_1050 : i32
        %swap3A_1052 = arith.constant 0 : i32
        %swap3A_1053 = arith.constant 0 : i32
        %swap3A_1054 = tpu.memref_slice %arg6[%scan3A_205, %swap3A_1052, %swap3A_1053] : memref<4x400x64xf32, #tpu.memory_space<vmem>> -> memref<1x400x64xf32, #tpu.memory_space<vmem>>
        %swap3A_1055 = tpu.memref_squeeze %swap3A_1054 : memref<1x400x64xf32, #tpu.memory_space<vmem>> -> memref<400x64xf32, #tpu.memory_space<vmem>>
        %swap3A_1056 = arith.index_cast %add3A_1051 : i32 to index
        %swap3A_1057 = arith.constant 32 : index
        %swap3A_1058 = tpu.vector_load %swap3A_1055[%swap3A_1056, %swap3A_1057] {strides = array<i32>} : memref<400x64xf32, #tpu.memory_space<vmem>>, vector<16xf32>,
        tpu.vector_store %swap3A_1055[%swap3A_1056, %swap3A_1057], %mul3A_1047 {strides = array<i32>} : memref<400x64xf32, #tpu.memory_space<vmem>>, vector<16xf32>,
        %mul3A_1059 = arith.constant 8 : i32
        %mul3A_1060 = arith.muli %scan3A_285, %mul3A_1059 : i32
        %add3A_1061 = arith.constant 7 : i32
        %add3A_1062 = arith.addi %mul3A_1060, %add3A_1061 : i32
        %get3A_1063 = arith.constant 0 : i32
        %get3A_1064 = arith.constant 0 : i32
        %get3A_1065 = tpu.memref_slice %arg6[%scan3A_205, %get3A_1063, %get3A_1064] : memref<4x400x64xf32, #tpu.memory_space<vmem>> -> memref<1x400x64xf32, #tpu.memory_space<vmem>>
        %get3A_1066 = tpu.memref_squeeze %get3A_1065 : memref<1x400x64xf32, #tpu.memory_space<vmem>> -> memref<400x64xf32, #tpu.memory_space<vmem>>
        %get3A_1067 = arith.index_cast %add3A_1062 : i32 to index
        %get3A_1068 = arith.constant 48 : index
        %get3A_1069 = tpu.vector_load %get3A_1066[%get3A_1067, %get3A_1068] {strides = array<i32>} : memref<400x64xf32, #tpu.memory_space<vmem>>, vector<16xf32>,
        %mul3A_1070 = arith.constant 8.000000e+00 : f32
        %mul3A_1071 = vector.broadcast %mul3A_1070 : f32 to vector<16xf32>
        %mul3A_1072 = arith.mulf %get3A_1069, %mul3A_1071 : vector<16xf32>
        %mul3A_1073 = arith.constant 8 : i32
        %mul3A_1074 = arith.muli %scan3A_285, %mul3A_1073 : i32
        %add3A_1075 = arith.constant 7 : i32
        %add3A_1076 = arith.addi %mul3A_1074, %add3A_1075 : i32
        %swap3A_1077 = arith.constant 0 : i32
        %swap3A_1078 = arith.constant 0 : i32
        %swap3A_1079 = tpu.memref_slice %arg6[%scan3A_205, %swap3A_1077, %swap3A_1078] : memref<4x400x64xf32, #tpu.memory_space<vmem>> -> memref<1x400x64xf32, #tpu.memory_space<vmem>>
        %swap3A_1080 = tpu.memref_squeeze %swap3A_1079 : memref<1x400x64xf32, #tpu.memory_space<vmem>> -> memref<400x64xf32, #tpu.memory_space<vmem>>
        %swap3A_1081 = arith.index_cast %add3A_1076 : i32 to index
        %swap3A_1082 = arith.constant 48 : index
        %swap3A_1083 = tpu.vector_load %swap3A_1080[%swap3A_1081, %swap3A_1082] {strides = array<i32>} : memref<400x64xf32, #tpu.memory_space<vmem>>, vector<16xf32>,
        tpu.vector_store %swap3A_1080[%swap3A_1081, %swap3A_1082], %mul3A_1072 {strides = array<i32>} : memref<400x64xf32, #tpu.memory_space<vmem>>, vector<16xf32>,
      }
      %scan3A_210 = arith.constant 50 : i32
      %mul3A_211 = arith.constant 400 : i32
      %mul3A_212 = arith.muli %add3A_178, %mul3A_211 : i32
      %add3A_213 = arith.addi %mul3A_2, %mul3A_212 : i32
      %dma_start3A_214 = arith.constant 2 : i32
      %dma_start3A_215 = arith.constant 2 : i32
      %dma_start3A_216 = arith.constant 0 : i32
      %dma_start3A_217 = arith.constant 0 : i32
      %dma_start3A_218 = tpu.memref_slice %arg6[%dma_start3A_214, %dma_start3A_216, %dma_start3A_217] : memref<4x400x64xf32, #tpu.memory_space<vmem>> -> memref<1x400x64xf32, #tpu.memory_space<vmem>>
      %dma_start3A_219 = tpu.memref_squeeze %dma_start3A_218 : memref<1x400x64xf32, #tpu.memory_space<vmem>> -> memref<400x64xf32, #tpu.memory_space<vmem>>
      %dma_start3A_220 = arith.constant 0 : i32
      %dma_start3A_221 = tpu.memref_slice %arg4[%add3A_213, %dma_start3A_220] : memref<819200x64xf32, #tpu.memory_space<hbm>> -> memref<400x64xf32, #tpu.memory_space<hbm>>
      %dma_start3A_222 = tpu.memref_slice %arg8[%dma_start3A_215] : memref<4x!tpu.dma_semaphore, #tpu.memory_space<semaphore_mem>> -> memref<1x!tpu.dma_semaphore, #tpu.memory_space<semaphore_mem>>
      %dma_start3A_223 = tpu.memref_squeeze %dma_start3A_222 : memref<1x!tpu.dma_semaphore, #tpu.memory_space<semaphore_mem>> -> memref<!tpu.dma_semaphore, #tpu.memory_space<semaphore_mem>>
      %dma_start3A_224 = arith.constant 0 : i32
      %dma_start3A_225 = tpu.memref_slice %arg4[%add3A_213, %dma_start3A_224] : memref<819200x64xf32, #tpu.memory_space<hbm>> -> memref<400x64xf32, #tpu.memory_space<hbm>>
      %dma_start3A_226 = arith.constant 0 : i32
      %dma_start3A_227 = arith.constant 0 : i32
      %dma_start3A_228 = tpu.memref_slice %arg6[%dma_start3A_214, %dma_start3A_226, %dma_start3A_227] : memref<4x400x64xf32, #tpu.memory_space<vmem>> -> memref<1x400x64xf32, #tpu.memory_space<vmem>>
      %dma_start3A_229 = tpu.memref_squeeze %dma_start3A_228 : memref<1x400x64xf32, #tpu.memory_space<vmem>> -> memref<400x64xf32, #tpu.memory_space<vmem>>
      tpu.enqueue_dma source(%dma_start3A_229 : memref<400x64xf32, #tpu.memory_space<vmem>>) target(%dma_start3A_225 : memref<400x64xf32, #tpu.memory_space<hbm>>) target_semaphore(%dma_start3A_223 : memref<!tpu.dma_semaphore, #tpu.memory_space<semaphore_mem>>)
      %mul3A_230 = arith.constant 4 : i32
      %mul3A_231 = arith.muli %scan3A_68, %mul3A_230 : i32
      %add3A_232 = arith.constant 3 : i32
      %add3A_233 = arith.addi %mul3A_231, %add3A_232 : i32
      %ge3A_234 = arith.constant 2 : i32
      %ge3A_235 = arith.cmpi sge, %add3A_233, %ge3A_234 : i32
      %convert_element_type3A_236 = arith.extui %ge3A_235 : i1 to i32
      %cond3A_237 = arith.constant 0 : i32
      %cond3A_238 = arith.cmpi ne, %convert_element_type3A_236, %cond3A_237 : i32
      scf.if %cond3A_238 {
        %dma_wait3A_285 = arith.constant 1 : i32
        %dma_wait3A_286 = arith.constant 1 : i32
        %dma_wait3A_287 = arith.constant 0 : i32
        %dma_wait3A_288 = arith.constant 0 : i32
        %dma_wait3A_289 = tpu.memref_slice %arg6[%dma_wait3A_285, %dma_wait3A_287, %dma_wait3A_288] : memref<4x400x64xf32, #tpu.memory_space<vmem>> -> memref<1x400x64xf32, #tpu.memory_space<vmem>>
        %dma_wait3A_290 = tpu.memref_squeeze %dma_wait3A_289 : memref<1x400x64xf32, #tpu.memory_space<vmem>> -> memref<400x64xf32, #tpu.memory_space<vmem>>
        %dma_wait3A_291 = arith.constant 0 : i32
        %dma_wait3A_292 = arith.constant 0 : i32
        %dma_wait3A_293 = tpu.memref_slice %arg4[%dma_wait3A_291, %dma_wait3A_292] : memref<819200x64xf32, #tpu.memory_space<hbm>> -> memref<400x64xf32, #tpu.memory_space<hbm>>
        %dma_wait3A_294 = tpu.memref_slice %arg8[%dma_wait3A_286] : memref<4x!tpu.dma_semaphore, #tpu.memory_space<semaphore_mem>> -> memref<1x!tpu.dma_semaphore, #tpu.memory_space<semaphore_mem>>
        %dma_wait3A_295 = tpu.memref_squeeze %dma_wait3A_294 : memref<1x!tpu.dma_semaphore, #tpu.memory_space<semaphore_mem>> -> memref<!tpu.dma_semaphore, #tpu.memory_space<semaphore_mem>>
        %dma_wait3A_296 = arith.constant 0 : i32
        %dma_wait3A_297 = arith.constant 0 : i32
        %dma_wait3A_298 = tpu.memref_slice %arg4[%dma_wait3A_296, %dma_wait3A_297] : memref<819200x64xf32, #tpu.memory_space<hbm>> -> memref<400x64xf32, #tpu.memory_space<hbm>>
        %dma_wait3A_299 = arith.constant 0 : i32
        %dma_wait3A_300 = arith.constant 0 : i32
        %dma_wait3A_301 = tpu.memref_slice %arg6[%dma_wait3A_285, %dma_wait3A_299, %dma_wait3A_300] : memref<4x400x64xf32, #tpu.memory_space<vmem>> -> memref<1x400x64xf32, #tpu.memory_space<vmem>>
        %dma_wait3A_302 = tpu.memref_squeeze %dma_wait3A_301 : memref<1x400x64xf32, #tpu.memory_space<vmem>> -> memref<400x64xf32, #tpu.memory_space<vmem>>
        tpu.wait_dma2 semaphore(%dma_wait3A_295 : memref<!tpu.dma_semaphore, #tpu.memory_space<semaphore_mem>>) src(%dma_wait3A_302 : memref<400x64xf32, #tpu.memory_space<vmem>>) dst(%dma_wait3A_298 : memref<400x64xf32, #tpu.memory_space<hbm>>)
      } else {
      }
      %add3A_239 = arith.constant 2 : i32
      %add3A_240 = arith.addi %add3A_233, %add3A_239 : i32
      %lt3A_241 = arith.constant 64 : i32
      %lt3A_242 = arith.cmpi slt, %add3A_240, %lt3A_241 : i32
      %convert_element_type3A_243 = arith.extui %lt3A_242 : i1 to i32
      %cond3A_244 = arith.constant 0 : i32
      %cond3A_245 = arith.cmpi ne, %convert_element_type3A_243, %cond3A_244 : i32
      scf.if %cond3A_245 {
        %add3A_285 = arith.constant 2 : i32
        %add3A_286 = arith.addi %add3A_233, %add3A_285 : i32
        %mul3A_287 = arith.constant 400 : i32
        %mul3A_288 = arith.muli %add3A_286, %mul3A_287 : i32
        %dma_start3A_289 = arith.constant 1 : i32
        %dma_start3A_290 = arith.constant 1 : i32
        %dma_start3A_291 = arith.constant 0 : i32
        %dma_start3A_292 = arith.constant 0 : i32
        %dma_start3A_293 = tpu.memref_slice %arg6[%dma_start3A_289, %dma_start3A_291, %dma_start3A_292] : memref<4x400x64xf32, #tpu.memory_space<vmem>> -> memref<1x400x64xf32, #tpu.memory_space<vmem>>
        %dma_start3A_294 = tpu.memref_squeeze %dma_start3A_293 : memref<1x400x64xf32, #tpu.memory_space<vmem>> -> memref<400x64xf32, #tpu.memory_space<vmem>>
        %dma_start3A_295 = tpu.memref_slice %arg5[%mul3A_288] : memref<25600xi32, #tpu.memory_space<vmem>> -> memref<400xi32, #tpu.memory_space<vmem>>
        %dma_start3A_296 = arith.constant 0 : i32
        %dma_start3A_297 = arith.constant 0 : i32
        %dma_start3A_298 = tpu.memref_slice %arg3[%dma_start3A_296, %dma_start3A_297] : memref<1000000x64xf32, #tpu.memory_space<hbm>> -> memref<1000000x64xf32, #tpu.memory_space<hbm>>
        %dma_start3A_299 = tpu.memref_slice %arg7[%dma_start3A_290] : memref<4x!tpu.dma_semaphore, #tpu.memory_space<semaphore_mem>> -> memref<1x!tpu.dma_semaphore, #tpu.memory_space<semaphore_mem>>
        %dma_start3A_300 = tpu.memref_squeeze %dma_start3A_299 : memref<1x!tpu.dma_semaphore, #tpu.memory_space<semaphore_mem>> -> memref<!tpu.dma_semaphore, #tpu.memory_space<semaphore_mem>>
        tpu.enqueue_indirect_dma source(%dma_start3A_298 : memref<1000000x64xf32, #tpu.memory_space<hbm>>) target(%dma_start3A_294 : memref<400x64xf32, #tpu.memory_space<vmem>>) offsets(%dma_start3A_295 : memref<400xi32, #tpu.memory_space<vmem>>) semaphore(%dma_start3A_300 : memref<!tpu.dma_semaphore, #tpu.memory_space<semaphore_mem>>)
      } else {
      }
      %dma_wait3A_246 = arith.constant 3 : i32
      %dma_wait3A_247 = arith.constant 3 : i32
      %dma_wait3A_248 = arith.constant 0 : i32
      %dma_wait3A_249 = arith.constant 0 : i32
      %dma_wait3A_250 = tpu.memref_slice %arg6[%dma_wait3A_246, %dma_wait3A_248, %dma_wait3A_249] : memref<4x400x64xf32, #tpu.memory_space<vmem>> -> memref<1x400x64xf32, #tpu.memory_space<vmem>>
      %dma_wait3A_251 = tpu.memref_squeeze %dma_wait3A_250 : memref<1x400x64xf32, #tpu.memory_space<vmem>> -> memref<400x64xf32, #tpu.memory_space<vmem>>
      %dma_wait3A_252 = arith.constant 0 : i32
      %dma_wait3A_253 = tpu.memref_slice %arg5[%dma_wait3A_252] : memref<25600xi32, #tpu.memory_space<vmem>> -> memref<400xi32, #tpu.memory_space<vmem>>
      %dma_wait3A_254 = arith.constant 0 : i32
      %dma_wait3A_255 = arith.constant 0 : i32
      %dma_wait3A_256 = tpu.memref_slice %arg3[%dma_wait3A_254, %dma_wait3A_255] : memref<1000000x64xf32, #tpu.memory_space<hbm>> -> memref<1000000x64xf32, #tpu.memory_space<hbm>>
      %dma_wait3A_257 = tpu.memref_slice %arg7[%dma_wait3A_247] : memref<4x!tpu.dma_semaphore, #tpu.memory_space<semaphore_mem>> -> memref<1x!tpu.dma_semaphore, #tpu.memory_space<semaphore_mem>>
      %dma_wait3A_258 = tpu.memref_squeeze %dma_wait3A_257 : memref<1x!tpu.dma_semaphore, #tpu.memory_space<semaphore_mem>> -> memref<!tpu.dma_semaphore, #tpu.memory_space<semaphore_mem>>
      tpu.wait_indirect_dma semaphore(%dma_wait3A_258 : memref<!tpu.dma_semaphore, #tpu.memory_space<semaphore_mem>>) src(%dma_wait3A_256 : memref<1000000x64xf32, #tpu.memory_space<hbm>>) dst(%dma_wait3A_251 : memref<400x64xf32, #tpu.memory_space<vmem>>)
      %scan3A_259 = arith.constant 0 : i32
      %scan3A_260 = arith.constant 3 : i32
      %scan3A_261 = arith.constant 0 : i32
      %scan3A_262 = arith.constant 50 : i32
      %scan3A_263 = arith.addi %scan3A_261, %scan3A_262 : i32
      %scan3A_264 = arith.constant 1 : i32
      scf.for %scan3A_285 = %scan3A_261 to %scan3A_263 step %scan3A_264  : i32 {
        %mul3A_286 = arith.constant 8 : i32
        %mul3A_287 = arith.muli %scan3A_285, %mul3A_286 : i32
        %add3A_288 = arith.constant 0 : i32
        %add3A_289 = arith.addi %mul3A_287, %add3A_288 : i32
        %get3A = arith.constant 0 : i32
        %get3A_290 = arith.constant 0 : i32
        %get3A_291 = tpu.memref_slice %arg6[%scan3A_260, %get3A, %get3A_290] : memref<4x400x64xf32, #tpu.memory_space<vmem>> -> memref<1x400x64xf32, #tpu.memory_space<vmem>>
        %get3A_292 = tpu.memref_squeeze %get3A_291 : memref<1x400x64xf32, #tpu.memory_space<vmem>> -> memref<400x64xf32, #tpu.memory_space<vmem>>
        %get3A_293 = arith.index_cast %add3A_289 : i32 to index
        %get3A_294 = arith.constant 0 : index
        %get3A_295 = tpu.vector_load %get3A_292[%get3A_293, %get3A_294] {strides = array<i32>} : memref<400x64xf32, #tpu.memory_space<vmem>>, vector<16xf32>,
        %mul3A_296 = arith.constant 8.000000e+00 : f32
        %mul3A_297 = vector.broadcast %mul3A_296 : f32 to vector<16xf32>
        %mul3A_298 = arith.mulf %get3A_295, %mul3A_297 : vector<16xf32>
        %mul3A_299 = arith.constant 8 : i32
        %mul3A_300 = arith.muli %scan3A_285, %mul3A_299 : i32
        %add3A_301 = arith.constant 0 : i32
        %add3A_302 = arith.addi %mul3A_300, %add3A_301 : i32
        %swap3A = arith.constant 0 : i32
        %swap3A_303 = arith.constant 0 : i32
        %swap3A_304 = tpu.memref_slice %arg6[%scan3A_260, %swap3A, %swap3A_303] : memref<4x400x64xf32, #tpu.memory_space<vmem>> -> memref<1x400x64xf32, #tpu.memory_space<vmem>>
        %swap3A_305 = tpu.memref_squeeze %swap3A_304 : memref<1x400x64xf32, #tpu.memory_space<vmem>> -> memref<400x64xf32, #tpu.memory_space<vmem>>
        %swap3A_306 = arith.index_cast %add3A_302 : i32 to index
        %swap3A_307 = arith.constant 0 : index
        %swap3A_308 = tpu.vector_load %swap3A_305[%swap3A_306, %swap3A_307] {strides = array<i32>} : memref<400x64xf32, #tpu.memory_space<vmem>>, vector<16xf32>,
        tpu.vector_store %swap3A_305[%swap3A_306, %swap3A_307], %mul3A_298 {strides = array<i32>} : memref<400x64xf32, #tpu.memory_space<vmem>>, vector<16xf32>,
        %mul3A_309 = arith.constant 8 : i32
        %mul3A_310 = arith.muli %scan3A_285, %mul3A_309 : i32
        %add3A_311 = arith.constant 0 : i32
        %add3A_312 = arith.addi %mul3A_310, %add3A_311 : i32
        %get3A_313 = arith.constant 0 : i32
        %get3A_314 = arith.constant 0 : i32
        %get3A_315 = tpu.memref_slice %arg6[%scan3A_260, %get3A_313, %get3A_314] : memref<4x400x64xf32, #tpu.memory_space<vmem>> -> memref<1x400x64xf32, #tpu.memory_space<vmem>>
        %get3A_316 = tpu.memref_squeeze %get3A_315 : memref<1x400x64xf32, #tpu.memory_space<vmem>> -> memref<400x64xf32, #tpu.memory_space<vmem>>
        %get3A_317 = arith.index_cast %add3A_312 : i32 to index
        %get3A_318 = arith.constant 16 : index
        %get3A_319 = tpu.vector_load %get3A_316[%get3A_317, %get3A_318] {strides = array<i32>} : memref<400x64xf32, #tpu.memory_space<vmem>>, vector<16xf32>,
        %mul3A_320 = arith.constant 8.000000e+00 : f32
        %mul3A_321 = vector.broadcast %mul3A_320 : f32 to vector<16xf32>
        %mul3A_322 = arith.mulf %get3A_319, %mul3A_321 : vector<16xf32>
        %mul3A_323 = arith.constant 8 : i32
        %mul3A_324 = arith.muli %scan3A_285, %mul3A_323 : i32
        %add3A_325 = arith.constant 0 : i32
        %add3A_326 = arith.addi %mul3A_324, %add3A_325 : i32
        %swap3A_327 = arith.constant 0 : i32
        %swap3A_328 = arith.constant 0 : i32
        %swap3A_329 = tpu.memref_slice %arg6[%scan3A_260, %swap3A_327, %swap3A_328] : memref<4x400x64xf32, #tpu.memory_space<vmem>> -> memref<1x400x64xf32, #tpu.memory_space<vmem>>
        %swap3A_330 = tpu.memref_squeeze %swap3A_329 : memref<1x400x64xf32, #tpu.memory_space<vmem>> -> memref<400x64xf32, #tpu.memory_space<vmem>>
        %swap3A_331 = arith.index_cast %add3A_326 : i32 to index
        %swap3A_332 = arith.constant 16 : index
        %swap3A_333 = tpu.vector_load %swap3A_330[%swap3A_331, %swap3A_332] {strides = array<i32>} : memref<400x64xf32, #tpu.memory_space<vmem>>, vector<16xf32>,
        tpu.vector_store %swap3A_330[%swap3A_331, %swap3A_332], %mul3A_322 {strides = array<i32>} : memref<400x64xf32, #tpu.memory_space<vmem>>, vector<16xf32>,
        %mul3A_334 = arith.constant 8 : i32
        %mul3A_335 = arith.muli %scan3A_285, %mul3A_334 : i32
        %add3A_336 = arith.constant 0 : i32
        %add3A_337 = arith.addi %mul3A_335, %add3A_336 : i32
        %get3A_338 = arith.constant 0 : i32
        %get3A_339 = arith.constant 0 : i32
        %get3A_340 = tpu.memref_slice %arg6[%scan3A_260, %get3A_338, %get3A_339] : memref<4x400x64xf32, #tpu.memory_space<vmem>> -> memref<1x400x64xf32, #tpu.memory_space<vmem>>
        %get3A_341 = tpu.memref_squeeze %get3A_340 : memref<1x400x64xf32, #tpu.memory_space<vmem>> -> memref<400x64xf32, #tpu.memory_space<vmem>>
        %get3A_342 = arith.index_cast %add3A_337 : i32 to index
        %get3A_343 = arith.constant 32 : index
        %get3A_344 = tpu.vector_load %get3A_341[%get3A_342, %get3A_343] {strides = array<i32>} : memref<400x64xf32, #tpu.memory_space<vmem>>, vector<16xf32>,
        %mul3A_345 = arith.constant 8.000000e+00 : f32
        %mul3A_346 = vector.broadcast %mul3A_345 : f32 to vector<16xf32>
        %mul3A_347 = arith.mulf %get3A_344, %mul3A_346 : vector<16xf32>
        %mul3A_348 = arith.constant 8 : i32
        %mul3A_349 = arith.muli %scan3A_285, %mul3A_348 : i32
        %add3A_350 = arith.constant 0 : i32
        %add3A_351 = arith.addi %mul3A_349, %add3A_350 : i32
        %swap3A_352 = arith.constant 0 : i32
        %swap3A_353 = arith.constant 0 : i32
        %swap3A_354 = tpu.memref_slice %arg6[%scan3A_260, %swap3A_352, %swap3A_353] : memref<4x400x64xf32, #tpu.memory_space<vmem>> -> memref<1x400x64xf32, #tpu.memory_space<vmem>>
        %swap3A_355 = tpu.memref_squeeze %swap3A_354 : memref<1x400x64xf32, #tpu.memory_space<vmem>> -> memref<400x64xf32, #tpu.memory_space<vmem>>
        %swap3A_356 = arith.index_cast %add3A_351 : i32 to index
        %swap3A_357 = arith.constant 32 : index
        %swap3A_358 = tpu.vector_load %swap3A_355[%swap3A_356, %swap3A_357] {strides = array<i32>} : memref<400x64xf32, #tpu.memory_space<vmem>>, vector<16xf32>,
        tpu.vector_store %swap3A_355[%swap3A_356, %swap3A_357], %mul3A_347 {strides = array<i32>} : memref<400x64xf32, #tpu.memory_space<vmem>>, vector<16xf32>,
        %mul3A_359 = arith.constant 8 : i32
        %mul3A_360 = arith.muli %scan3A_285, %mul3A_359 : i32
        %add3A_361 = arith.constant 0 : i32
        %add3A_362 = arith.addi %mul3A_360, %add3A_361 : i32
        %get3A_363 = arith.constant 0 : i32
        %get3A_364 = arith.constant 0 : i32
        %get3A_365 = tpu.memref_slice %arg6[%scan3A_260, %get3A_363, %get3A_364] : memref<4x400x64xf32, #tpu.memory_space<vmem>> -> memref<1x400x64xf32, #tpu.memory_space<vmem>>
        %get3A_366 = tpu.memref_squeeze %get3A_365 : memref<1x400x64xf32, #tpu.memory_space<vmem>> -> memref<400x64xf32, #tpu.memory_space<vmem>>
        %get3A_367 = arith.index_cast %add3A_362 : i32 to index
        %get3A_368 = arith.constant 48 : index
        %get3A_369 = tpu.vector_load %get3A_366[%get3A_367, %get3A_368] {strides = array<i32>} : memref<400x64xf32, #tpu.memory_space<vmem>>, vector<16xf32>,
        %mul3A_370 = arith.constant 8.000000e+00 : f32
        %mul3A_371 = vector.broadcast %mul3A_370 : f32 to vector<16xf32>
        %mul3A_372 = arith.mulf %get3A_369, %mul3A_371 : vector<16xf32>
        %mul3A_373 = arith.constant 8 : i32
        %mul3A_374 = arith.muli %scan3A_285, %mul3A_373 : i32
        %add3A_375 = arith.constant 0 : i32
        %add3A_376 = arith.addi %mul3A_374, %add3A_375 : i32
        %swap3A_377 = arith.constant 0 : i32
        %swap3A_378 = arith.constant 0 : i32
        %swap3A_379 = tpu.memref_slice %arg6[%scan3A_260, %swap3A_377, %swap3A_378] : memref<4x400x64xf32, #tpu.memory_space<vmem>> -> memref<1x400x64xf32, #tpu.memory_space<vmem>>
        %swap3A_380 = tpu.memref_squeeze %swap3A_379 : memref<1x400x64xf32, #tpu.memory_space<vmem>> -> memref<400x64xf32, #tpu.memory_space<vmem>>
        %swap3A_381 = arith.index_cast %add3A_376 : i32 to index
        %swap3A_382 = arith.constant 48 : index
        %swap3A_383 = tpu.vector_load %swap3A_380[%swap3A_381, %swap3A_382] {strides = array<i32>} : memref<400x64xf32, #tpu.memory_space<vmem>>, vector<16xf32>,
        tpu.vector_store %swap3A_380[%swap3A_381, %swap3A_382], %mul3A_372 {strides = array<i32>} : memref<400x64xf32, #tpu.memory_space<vmem>>, vector<16xf32>,
        %mul3A_384 = arith.constant 8 : i32
        %mul3A_385 = arith.muli %scan3A_285, %mul3A_384 : i32
        %add3A_386 = arith.constant 1 : i32
        %add3A_387 = arith.addi %mul3A_385, %add3A_386 : i32
        %get3A_388 = arith.constant 0 : i32
        %get3A_389 = arith.constant 0 : i32
        %get3A_390 = tpu.memref_slice %arg6[%scan3A_260, %get3A_388, %get3A_389] : memref<4x400x64xf32, #tpu.memory_space<vmem>> -> memref<1x400x64xf32, #tpu.memory_space<vmem>>
        %get3A_391 = tpu.memref_squeeze %get3A_390 : memref<1x400x64xf32, #tpu.memory_space<vmem>> -> memref<400x64xf32, #tpu.memory_space<vmem>>
        %get3A_392 = arith.index_cast %add3A_387 : i32 to index
        %get3A_393 = arith.constant 0 : index
        %get3A_394 = tpu.vector_load %get3A_391[%get3A_392, %get3A_393] {strides = array<i32>} : memref<400x64xf32, #tpu.memory_space<vmem>>, vector<16xf32>,
        %mul3A_395 = arith.constant 8.000000e+00 : f32
        %mul3A_396 = vector.broadcast %mul3A_395 : f32 to vector<16xf32>
        %mul3A_397 = arith.mulf %get3A_394, %mul3A_396 : vector<16xf32>
        %mul3A_398 = arith.constant 8 : i32
        %mul3A_399 = arith.muli %scan3A_285, %mul3A_398 : i32
        %add3A_400 = arith.constant 1 : i32
        %add3A_401 = arith.addi %mul3A_399, %add3A_400 : i32
        %swap3A_402 = arith.constant 0 : i32
        %swap3A_403 = arith.constant 0 : i32
        %swap3A_404 = tpu.memref_slice %arg6[%scan3A_260, %swap3A_402, %swap3A_403] : memref<4x400x64xf32, #tpu.memory_space<vmem>> -> memref<1x400x64xf32, #tpu.memory_space<vmem>>
        %swap3A_405 = tpu.memref_squeeze %swap3A_404 : memref<1x400x64xf32, #tpu.memory_space<vmem>> -> memref<400x64xf32, #tpu.memory_space<vmem>>
        %swap3A_406 = arith.index_cast %add3A_401 : i32 to index
        %swap3A_407 = arith.constant 0 : index
        %swap3A_408 = tpu.vector_load %swap3A_405[%swap3A_406, %swap3A_407] {strides = array<i32>} : memref<400x64xf32, #tpu.memory_space<vmem>>, vector<16xf32>,
        tpu.vector_store %swap3A_405[%swap3A_406, %swap3A_407], %mul3A_397 {strides = array<i32>} : memref<400x64xf32, #tpu.memory_space<vmem>>, vector<16xf32>,
        %mul3A_409 = arith.constant 8 : i32
        %mul3A_410 = arith.muli %scan3A_285, %mul3A_409 : i32
        %add3A_411 = arith.constant 1 : i32
        %add3A_412 = arith.addi %mul3A_410, %add3A_411 : i32
        %get3A_413 = arith.constant 0 : i32
        %get3A_414 = arith.constant 0 : i32
        %get3A_415 = tpu.memref_slice %arg6[%scan3A_260, %get3A_413, %get3A_414] : memref<4x400x64xf32, #tpu.memory_space<vmem>> -> memref<1x400x64xf32, #tpu.memory_space<vmem>>
        %get3A_416 = tpu.memref_squeeze %get3A_415 : memref<1x400x64xf32, #tpu.memory_space<vmem>> -> memref<400x64xf32, #tpu.memory_space<vmem>>
        %get3A_417 = arith.index_cast %add3A_412 : i32 to index
        %get3A_418 = arith.constant 16 : index
        %get3A_419 = tpu.vector_load %get3A_416[%get3A_417, %get3A_418] {strides = array<i32>} : memref<400x64xf32, #tpu.memory_space<vmem>>, vector<16xf32>,
        %mul3A_420 = arith.constant 8.000000e+00 : f32
        %mul3A_421 = vector.broadcast %mul3A_420 : f32 to vector<16xf32>
        %mul3A_422 = arith.mulf %get3A_419, %mul3A_421 : vector<16xf32>
        %mul3A_423 = arith.constant 8 : i32
        %mul3A_424 = arith.muli %scan3A_285, %mul3A_423 : i32
        %add3A_425 = arith.constant 1 : i32
        %add3A_426 = arith.addi %mul3A_424, %add3A_425 : i32
        %swap3A_427 = arith.constant 0 : i32
        %swap3A_428 = arith.constant 0 : i32
        %swap3A_429 = tpu.memref_slice %arg6[%scan3A_260, %swap3A_427, %swap3A_428] : memref<4x400x64xf32, #tpu.memory_space<vmem>> -> memref<1x400x64xf32, #tpu.memory_space<vmem>>
        %swap3A_430 = tpu.memref_squeeze %swap3A_429 : memref<1x400x64xf32, #tpu.memory_space<vmem>> -> memref<400x64xf32, #tpu.memory_space<vmem>>
        %swap3A_431 = arith.index_cast %add3A_426 : i32 to index
        %swap3A_432 = arith.constant 16 : index
        %swap3A_433 = tpu.vector_load %swap3A_430[%swap3A_431, %swap3A_432] {strides = array<i32>} : memref<400x64xf32, #tpu.memory_space<vmem>>, vector<16xf32>,
        tpu.vector_store %swap3A_430[%swap3A_431, %swap3A_432], %mul3A_422 {strides = array<i32>} : memref<400x64xf32, #tpu.memory_space<vmem>>, vector<16xf32>,
        %mul3A_434 = arith.constant 8 : i32
        %mul3A_435 = arith.muli %scan3A_285, %mul3A_434 : i32
        %add3A_436 = arith.constant 1 : i32
        %add3A_437 = arith.addi %mul3A_435, %add3A_436 : i32
        %get3A_438 = arith.constant 0 : i32
        %get3A_439 = arith.constant 0 : i32
        %get3A_440 = tpu.memref_slice %arg6[%scan3A_260, %get3A_438, %get3A_439] : memref<4x400x64xf32, #tpu.memory_space<vmem>> -> memref<1x400x64xf32, #tpu.memory_space<vmem>>
        %get3A_441 = tpu.memref_squeeze %get3A_440 : memref<1x400x64xf32, #tpu.memory_space<vmem>> -> memref<400x64xf32, #tpu.memory_space<vmem>>
        %get3A_442 = arith.index_cast %add3A_437 : i32 to index
        %get3A_443 = arith.constant 32 : index
        %get3A_444 = tpu.vector_load %get3A_441[%get3A_442, %get3A_443] {strides = array<i32>} : memref<400x64xf32, #tpu.memory_space<vmem>>, vector<16xf32>,
        %mul3A_445 = arith.constant 8.000000e+00 : f32
        %mul3A_446 = vector.broadcast %mul3A_445 : f32 to vector<16xf32>
        %mul3A_447 = arith.mulf %get3A_444, %mul3A_446 : vector<16xf32>
        %mul3A_448 = arith.constant 8 : i32
        %mul3A_449 = arith.muli %scan3A_285, %mul3A_448 : i32
        %add3A_450 = arith.constant 1 : i32
        %add3A_451 = arith.addi %mul3A_449, %add3A_450 : i32
        %swap3A_452 = arith.constant 0 : i32
        %swap3A_453 = arith.constant 0 : i32
        %swap3A_454 = tpu.memref_slice %arg6[%scan3A_260, %swap3A_452, %swap3A_453] : memref<4x400x64xf32, #tpu.memory_space<vmem>> -> memref<1x400x64xf32, #tpu.memory_space<vmem>>
        %swap3A_455 = tpu.memref_squeeze %swap3A_454 : memref<1x400x64xf32, #tpu.memory_space<vmem>> -> memref<400x64xf32, #tpu.memory_space<vmem>>
        %swap3A_456 = arith.index_cast %add3A_451 : i32 to index
        %swap3A_457 = arith.constant 32 : index
        %swap3A_458 = tpu.vector_load %swap3A_455[%swap3A_456, %swap3A_457] {strides = array<i32>} : memref<400x64xf32, #tpu.memory_space<vmem>>, vector<16xf32>,
        tpu.vector_store %swap3A_455[%swap3A_456, %swap3A_457], %mul3A_447 {strides = array<i32>} : memref<400x64xf32, #tpu.memory_space<vmem>>, vector<16xf32>,
        %mul3A_459 = arith.constant 8 : i32
        %mul3A_460 = arith.muli %scan3A_285, %mul3A_459 : i32
        %add3A_461 = arith.constant 1 : i32
        %add3A_462 = arith.addi %mul3A_460, %add3A_461 : i32
        %get3A_463 = arith.constant 0 : i32
        %get3A_464 = arith.constant 0 : i32
        %get3A_465 = tpu.memref_slice %arg6[%scan3A_260, %get3A_463, %get3A_464] : memref<4x400x64xf32, #tpu.memory_space<vmem>> -> memref<1x400x64xf32, #tpu.memory_space<vmem>>
        %get3A_466 = tpu.memref_squeeze %get3A_465 : memref<1x400x64xf32, #tpu.memory_space<vmem>> -> memref<400x64xf32, #tpu.memory_space<vmem>>
        %get3A_467 = arith.index_cast %add3A_462 : i32 to index
        %get3A_468 = arith.constant 48 : index
        %get3A_469 = tpu.vector_load %get3A_466[%get3A_467, %get3A_468] {strides = array<i32>} : memref<400x64xf32, #tpu.memory_space<vmem>>, vector<16xf32>,
        %mul3A_470 = arith.constant 8.000000e+00 : f32
        %mul3A_471 = vector.broadcast %mul3A_470 : f32 to vector<16xf32>
        %mul3A_472 = arith.mulf %get3A_469, %mul3A_471 : vector<16xf32>
        %mul3A_473 = arith.constant 8 : i32
        %mul3A_474 = arith.muli %scan3A_285, %mul3A_473 : i32
        %add3A_475 = arith.constant 1 : i32
        %add3A_476 = arith.addi %mul3A_474, %add3A_475 : i32
        %swap3A_477 = arith.constant 0 : i32
        %swap3A_478 = arith.constant 0 : i32
        %swap3A_479 = tpu.memref_slice %arg6[%scan3A_260, %swap3A_477, %swap3A_478] : memref<4x400x64xf32, #tpu.memory_space<vmem>> -> memref<1x400x64xf32, #tpu.memory_space<vmem>>
        %swap3A_480 = tpu.memref_squeeze %swap3A_479 : memref<1x400x64xf32, #tpu.memory_space<vmem>> -> memref<400x64xf32, #tpu.memory_space<vmem>>
        %swap3A_481 = arith.index_cast %add3A_476 : i32 to index
        %swap3A_482 = arith.constant 48 : index
        %swap3A_483 = tpu.vector_load %swap3A_480[%swap3A_481, %swap3A_482] {strides = array<i32>} : memref<400x64xf32, #tpu.memory_space<vmem>>, vector<16xf32>,
        tpu.vector_store %swap3A_480[%swap3A_481, %swap3A_482], %mul3A_472 {strides = array<i32>} : memref<400x64xf32, #tpu.memory_space<vmem>>, vector<16xf32>,
        %mul3A_484 = arith.constant 8 : i32
        %mul3A_485 = arith.muli %scan3A_285, %mul3A_484 : i32
        %add3A_486 = arith.constant 2 : i32
        %add3A_487 = arith.addi %mul3A_485, %add3A_486 : i32
        %get3A_488 = arith.constant 0 : i32
        %get3A_489 = arith.constant 0 : i32
        %get3A_490 = tpu.memref_slice %arg6[%scan3A_260, %get3A_488, %get3A_489] : memref<4x400x64xf32, #tpu.memory_space<vmem>> -> memref<1x400x64xf32, #tpu.memory_space<vmem>>
        %get3A_491 = tpu.memref_squeeze %get3A_490 : memref<1x400x64xf32, #tpu.memory_space<vmem>> -> memref<400x64xf32, #tpu.memory_space<vmem>>
        %get3A_492 = arith.index_cast %add3A_487 : i32 to index
        %get3A_493 = arith.constant 0 : index
        %get3A_494 = tpu.vector_load %get3A_491[%get3A_492, %get3A_493] {strides = array<i32>} : memref<400x64xf32, #tpu.memory_space<vmem>>, vector<16xf32>,
        %mul3A_495 = arith.constant 8.000000e+00 : f32
        %mul3A_496 = vector.broadcast %mul3A_495 : f32 to vector<16xf32>
        %mul3A_497 = arith.mulf %get3A_494, %mul3A_496 : vector<16xf32>
        %mul3A_498 = arith.constant 8 : i32
        %mul3A_499 = arith.muli %scan3A_285, %mul3A_498 : i32
        %add3A_500 = arith.constant 2 : i32
        %add3A_501 = arith.addi %mul3A_499, %add3A_500 : i32
        %swap3A_502 = arith.constant 0 : i32
        %swap3A_503 = arith.constant 0 : i32
        %swap3A_504 = tpu.memref_slice %arg6[%scan3A_260, %swap3A_502, %swap3A_503] : memref<4x400x64xf32, #tpu.memory_space<vmem>> -> memref<1x400x64xf32, #tpu.memory_space<vmem>>
        %swap3A_505 = tpu.memref_squeeze %swap3A_504 : memref<1x400x64xf32, #tpu.memory_space<vmem>> -> memref<400x64xf32, #tpu.memory_space<vmem>>
        %swap3A_506 = arith.index_cast %add3A_501 : i32 to index
        %swap3A_507 = arith.constant 0 : index
        %swap3A_508 = tpu.vector_load %swap3A_505[%swap3A_506, %swap3A_507] {strides = array<i32>} : memref<400x64xf32, #tpu.memory_space<vmem>>, vector<16xf32>,
        tpu.vector_store %swap3A_505[%swap3A_506, %swap3A_507], %mul3A_497 {strides = array<i32>} : memref<400x64xf32, #tpu.memory_space<vmem>>, vector<16xf32>,
        %mul3A_509 = arith.constant 8 : i32
        %mul3A_510 = arith.muli %scan3A_285, %mul3A_509 : i32
        %add3A_511 = arith.constant 2 : i32
        %add3A_512 = arith.addi %mul3A_510, %add3A_511 : i32
        %get3A_513 = arith.constant 0 : i32
        %get3A_514 = arith.constant 0 : i32
        %get3A_515 = tpu.memref_slice %arg6[%scan3A_260, %get3A_513, %get3A_514] : memref<4x400x64xf32, #tpu.memory_space<vmem>> -> memref<1x400x64xf32, #tpu.memory_space<vmem>>
        %get3A_516 = tpu.memref_squeeze %get3A_515 : memref<1x400x64xf32, #tpu.memory_space<vmem>> -> memref<400x64xf32, #tpu.memory_space<vmem>>
        %get3A_517 = arith.index_cast %add3A_512 : i32 to index
        %get3A_518 = arith.constant 16 : index
        %get3A_519 = tpu.vector_load %get3A_516[%get3A_517, %get3A_518] {strides = array<i32>} : memref<400x64xf32, #tpu.memory_space<vmem>>, vector<16xf32>,
        %mul3A_520 = arith.constant 8.000000e+00 : f32
        %mul3A_521 = vector.broadcast %mul3A_520 : f32 to vector<16xf32>
        %mul3A_522 = arith.mulf %get3A_519, %mul3A_521 : vector<16xf32>
        %mul3A_523 = arith.constant 8 : i32
        %mul3A_524 = arith.muli %scan3A_285, %mul3A_523 : i32
        %add3A_525 = arith.constant 2 : i32
        %add3A_526 = arith.addi %mul3A_524, %add3A_525 : i32
        %swap3A_527 = arith.constant 0 : i32
        %swap3A_528 = arith.constant 0 : i32
        %swap3A_529 = tpu.memref_slice %arg6[%scan3A_260, %swap3A_527, %swap3A_528] : memref<4x400x64xf32, #tpu.memory_space<vmem>> -> memref<1x400x64xf32, #tpu.memory_space<vmem>>
        %swap3A_530 = tpu.memref_squeeze %swap3A_529 : memref<1x400x64xf32, #tpu.memory_space<vmem>> -> memref<400x64xf32, #tpu.memory_space<vmem>>
        %swap3A_531 = arith.index_cast %add3A_526 : i32 to index
        %swap3A_532 = arith.constant 16 : index
        %swap3A_533 = tpu.vector_load %swap3A_530[%swap3A_531, %swap3A_532] {strides = array<i32>} : memref<400x64xf32, #tpu.memory_space<vmem>>, vector<16xf32>,
        tpu.vector_store %swap3A_530[%swap3A_531, %swap3A_532], %mul3A_522 {strides = array<i32>} : memref<400x64xf32, #tpu.memory_space<vmem>>, vector<16xf32>,
        %mul3A_534 = arith.constant 8 : i32
        %mul3A_535 = arith.muli %scan3A_285, %mul3A_534 : i32
        %add3A_536 = arith.constant 2 : i32
        %add3A_537 = arith.addi %mul3A_535, %add3A_536 : i32
        %get3A_538 = arith.constant 0 : i32
        %get3A_539 = arith.constant 0 : i32
        %get3A_540 = tpu.memref_slice %arg6[%scan3A_260, %get3A_538, %get3A_539] : memref<4x400x64xf32, #tpu.memory_space<vmem>> -> memref<1x400x64xf32, #tpu.memory_space<vmem>>
        %get3A_541 = tpu.memref_squeeze %get3A_540 : memref<1x400x64xf32, #tpu.memory_space<vmem>> -> memref<400x64xf32, #tpu.memory_space<vmem>>
        %get3A_542 = arith.index_cast %add3A_537 : i32 to index
        %get3A_543 = arith.constant 32 : index
        %get3A_544 = tpu.vector_load %get3A_541[%get3A_542, %get3A_543] {strides = array<i32>} : memref<400x64xf32, #tpu.memory_space<vmem>>, vector<16xf32>,
        %mul3A_545 = arith.constant 8.000000e+00 : f32
        %mul3A_546 = vector.broadcast %mul3A_545 : f32 to vector<16xf32>
        %mul3A_547 = arith.mulf %get3A_544, %mul3A_546 : vector<16xf32>
        %mul3A_548 = arith.constant 8 : i32
        %mul3A_549 = arith.muli %scan3A_285, %mul3A_548 : i32
        %add3A_550 = arith.constant 2 : i32
        %add3A_551 = arith.addi %mul3A_549, %add3A_550 : i32
        %swap3A_552 = arith.constant 0 : i32
        %swap3A_553 = arith.constant 0 : i32
        %swap3A_554 = tpu.memref_slice %arg6[%scan3A_260, %swap3A_552, %swap3A_553] : memref<4x400x64xf32, #tpu.memory_space<vmem>> -> memref<1x400x64xf32, #tpu.memory_space<vmem>>
        %swap3A_555 = tpu.memref_squeeze %swap3A_554 : memref<1x400x64xf32, #tpu.memory_space<vmem>> -> memref<400x64xf32, #tpu.memory_space<vmem>>
        %swap3A_556 = arith.index_cast %add3A_551 : i32 to index
        %swap3A_557 = arith.constant 32 : index
        %swap3A_558 = tpu.vector_load %swap3A_555[%swap3A_556, %swap3A_557] {strides = array<i32>} : memref<400x64xf32, #tpu.memory_space<vmem>>, vector<16xf32>,
        tpu.vector_store %swap3A_555[%swap3A_556, %swap3A_557], %mul3A_547 {strides = array<i32>} : memref<400x64xf32, #tpu.memory_space<vmem>>, vector<16xf32>,
        %mul3A_559 = arith.constant 8 : i32
        %mul3A_560 = arith.muli %scan3A_285, %mul3A_559 : i32
        %add3A_561 = arith.constant 2 : i32
        %add3A_562 = arith.addi %mul3A_560, %add3A_561 : i32
        %get3A_563 = arith.constant 0 : i32
        %get3A_564 = arith.constant 0 : i32
        %get3A_565 = tpu.memref_slice %arg6[%scan3A_260, %get3A_563, %get3A_564] : memref<4x400x64xf32, #tpu.memory_space<vmem>> -> memref<1x400x64xf32, #tpu.memory_space<vmem>>
        %get3A_566 = tpu.memref_squeeze %get3A_565 : memref<1x400x64xf32, #tpu.memory_space<vmem>> -> memref<400x64xf32, #tpu.memory_space<vmem>>
        %get3A_567 = arith.index_cast %add3A_562 : i32 to index
        %get3A_568 = arith.constant 48 : index
        %get3A_569 = tpu.vector_load %get3A_566[%get3A_567, %get3A_568] {strides = array<i32>} : memref<400x64xf32, #tpu.memory_space<vmem>>, vector<16xf32>,
        %mul3A_570 = arith.constant 8.000000e+00 : f32
        %mul3A_571 = vector.broadcast %mul3A_570 : f32 to vector<16xf32>
        %mul3A_572 = arith.mulf %get3A_569, %mul3A_571 : vector<16xf32>
        %mul3A_573 = arith.constant 8 : i32
        %mul3A_574 = arith.muli %scan3A_285, %mul3A_573 : i32
        %add3A_575 = arith.constant 2 : i32
        %add3A_576 = arith.addi %mul3A_574, %add3A_575 : i32
        %swap3A_577 = arith.constant 0 : i32
        %swap3A_578 = arith.constant 0 : i32
        %swap3A_579 = tpu.memref_slice %arg6[%scan3A_260, %swap3A_577, %swap3A_578] : memref<4x400x64xf32, #tpu.memory_space<vmem>> -> memref<1x400x64xf32, #tpu.memory_space<vmem>>
        %swap3A_580 = tpu.memref_squeeze %swap3A_579 : memref<1x400x64xf32, #tpu.memory_space<vmem>> -> memref<400x64xf32, #tpu.memory_space<vmem>>
        %swap3A_581 = arith.index_cast %add3A_576 : i32 to index
        %swap3A_582 = arith.constant 48 : index
        %swap3A_583 = tpu.vector_load %swap3A_580[%swap3A_581, %swap3A_582] {strides = array<i32>} : memref<400x64xf32, #tpu.memory_space<vmem>>, vector<16xf32>,
        tpu.vector_store %swap3A_580[%swap3A_581, %swap3A_582], %mul3A_572 {strides = array<i32>} : memref<400x64xf32, #tpu.memory_space<vmem>>, vector<16xf32>,
        %mul3A_584 = arith.constant 8 : i32
        %mul3A_585 = arith.muli %scan3A_285, %mul3A_584 : i32
        %add3A_586 = arith.constant 3 : i32
        %add3A_587 = arith.addi %mul3A_585, %add3A_586 : i32
        %get3A_588 = arith.constant 0 : i32
        %get3A_589 = arith.constant 0 : i32
        %get3A_590 = tpu.memref_slice %arg6[%scan3A_260, %get3A_588, %get3A_589] : memref<4x400x64xf32, #tpu.memory_space<vmem>> -> memref<1x400x64xf32, #tpu.memory_space<vmem>>
        %get3A_591 = tpu.memref_squeeze %get3A_590 : memref<1x400x64xf32, #tpu.memory_space<vmem>> -> memref<400x64xf32, #tpu.memory_space<vmem>>
        %get3A_592 = arith.index_cast %add3A_587 : i32 to index
        %get3A_593 = arith.constant 0 : index
        %get3A_594 = tpu.vector_load %get3A_591[%get3A_592, %get3A_593] {strides = array<i32>} : memref<400x64xf32, #tpu.memory_space<vmem>>, vector<16xf32>,
        %mul3A_595 = arith.constant 8.000000e+00 : f32
        %mul3A_596 = vector.broadcast %mul3A_595 : f32 to vector<16xf32>
        %mul3A_597 = arith.mulf %get3A_594, %mul3A_596 : vector<16xf32>
        %mul3A_598 = arith.constant 8 : i32
        %mul3A_599 = arith.muli %scan3A_285, %mul3A_598 : i32
        %add3A_600 = arith.constant 3 : i32
        %add3A_601 = arith.addi %mul3A_599, %add3A_600 : i32
        %swap3A_602 = arith.constant 0 : i32
        %swap3A_603 = arith.constant 0 : i32
        %swap3A_604 = tpu.memref_slice %arg6[%scan3A_260, %swap3A_602, %swap3A_603] : memref<4x400x64xf32, #tpu.memory_space<vmem>> -> memref<1x400x64xf32, #tpu.memory_space<vmem>>
        %swap3A_605 = tpu.memref_squeeze %swap3A_604 : memref<1x400x64xf32, #tpu.memory_space<vmem>> -> memref<400x64xf32, #tpu.memory_space<vmem>>
        %swap3A_606 = arith.index_cast %add3A_601 : i32 to index
        %swap3A_607 = arith.constant 0 : index
        %swap3A_608 = tpu.vector_load %swap3A_605[%swap3A_606, %swap3A_607] {strides = array<i32>} : memref<400x64xf32, #tpu.memory_space<vmem>>, vector<16xf32>,
        tpu.vector_store %swap3A_605[%swap3A_606, %swap3A_607], %mul3A_597 {strides = array<i32>} : memref<400x64xf32, #tpu.memory_space<vmem>>, vector<16xf32>,
        %mul3A_609 = arith.constant 8 : i32
        %mul3A_610 = arith.muli %scan3A_285, %mul3A_609 : i32
        %add3A_611 = arith.constant 3 : i32
        %add3A_612 = arith.addi %mul3A_610, %add3A_611 : i32
        %get3A_613 = arith.constant 0 : i32
        %get3A_614 = arith.constant 0 : i32
        %get3A_615 = tpu.memref_slice %arg6[%scan3A_260, %get3A_613, %get3A_614] : memref<4x400x64xf32, #tpu.memory_space<vmem>> -> memref<1x400x64xf32, #tpu.memory_space<vmem>>
        %get3A_616 = tpu.memref_squeeze %get3A_615 : memref<1x400x64xf32, #tpu.memory_space<vmem>> -> memref<400x64xf32, #tpu.memory_space<vmem>>
        %get3A_617 = arith.index_cast %add3A_612 : i32 to index
        %get3A_618 = arith.constant 16 : index
        %get3A_619 = tpu.vector_load %get3A_616[%get3A_617, %get3A_618] {strides = array<i32>} : memref<400x64xf32, #tpu.memory_space<vmem>>, vector<16xf32>,
        %mul3A_620 = arith.constant 8.000000e+00 : f32
        %mul3A_621 = vector.broadcast %mul3A_620 : f32 to vector<16xf32>
        %mul3A_622 = arith.mulf %get3A_619, %mul3A_621 : vector<16xf32>
        %mul3A_623 = arith.constant 8 : i32
        %mul3A_624 = arith.muli %scan3A_285, %mul3A_623 : i32
        %add3A_625 = arith.constant 3 : i32
        %add3A_626 = arith.addi %mul3A_624, %add3A_625 : i32
        %swap3A_627 = arith.constant 0 : i32
        %swap3A_628 = arith.constant 0 : i32
        %swap3A_629 = tpu.memref_slice %arg6[%scan3A_260, %swap3A_627, %swap3A_628] : memref<4x400x64xf32, #tpu.memory_space<vmem>> -> memref<1x400x64xf32, #tpu.memory_space<vmem>>
        %swap3A_630 = tpu.memref_squeeze %swap3A_629 : memref<1x400x64xf32, #tpu.memory_space<vmem>> -> memref<400x64xf32, #tpu.memory_space<vmem>>
        %swap3A_631 = arith.index_cast %add3A_626 : i32 to index
        %swap3A_632 = arith.constant 16 : index
        %swap3A_633 = tpu.vector_load %swap3A_630[%swap3A_631, %swap3A_632] {strides = array<i32>} : memref<400x64xf32, #tpu.memory_space<vmem>>, vector<16xf32>,
        tpu.vector_store %swap3A_630[%swap3A_631, %swap3A_632], %mul3A_622 {strides = array<i32>} : memref<400x64xf32, #tpu.memory_space<vmem>>, vector<16xf32>,
        %mul3A_634 = arith.constant 8 : i32
        %mul3A_635 = arith.muli %scan3A_285, %mul3A_634 : i32
        %add3A_636 = arith.constant 3 : i32
        %add3A_637 = arith.addi %mul3A_635, %add3A_636 : i32
        %get3A_638 = arith.constant 0 : i32
        %get3A_639 = arith.constant 0 : i32
        %get3A_640 = tpu.memref_slice %arg6[%scan3A_260, %get3A_638, %get3A_639] : memref<4x400x64xf32, #tpu.memory_space<vmem>> -> memref<1x400x64xf32, #tpu.memory_space<vmem>>
        %get3A_641 = tpu.memref_squeeze %get3A_640 : memref<1x400x64xf32, #tpu.memory_space<vmem>> -> memref<400x64xf32, #tpu.memory_space<vmem>>
        %get3A_642 = arith.index_cast %add3A_637 : i32 to index
        %get3A_643 = arith.constant 32 : index
        %get3A_644 = tpu.vector_load %get3A_641[%get3A_642, %get3A_643] {strides = array<i32>} : memref<400x64xf32, #tpu.memory_space<vmem>>, vector<16xf32>,
        %mul3A_645 = arith.constant 8.000000e+00 : f32
        %mul3A_646 = vector.broadcast %mul3A_645 : f32 to vector<16xf32>
        %mul3A_647 = arith.mulf %get3A_644, %mul3A_646 : vector<16xf32>
        %mul3A_648 = arith.constant 8 : i32
        %mul3A_649 = arith.muli %scan3A_285, %mul3A_648 : i32
        %add3A_650 = arith.constant 3 : i32
        %add3A_651 = arith.addi %mul3A_649, %add3A_650 : i32
        %swap3A_652 = arith.constant 0 : i32
        %swap3A_653 = arith.constant 0 : i32
        %swap3A_654 = tpu.memref_slice %arg6[%scan3A_260, %swap3A_652, %swap3A_653] : memref<4x400x64xf32, #tpu.memory_space<vmem>> -> memref<1x400x64xf32, #tpu.memory_space<vmem>>
        %swap3A_655 = tpu.memref_squeeze %swap3A_654 : memref<1x400x64xf32, #tpu.memory_space<vmem>> -> memref<400x64xf32, #tpu.memory_space<vmem>>
        %swap3A_656 = arith.index_cast %add3A_651 : i32 to index
        %swap3A_657 = arith.constant 32 : index
        %swap3A_658 = tpu.vector_load %swap3A_655[%swap3A_656, %swap3A_657] {strides = array<i32>} : memref<400x64xf32, #tpu.memory_space<vmem>>, vector<16xf32>,
        tpu.vector_store %swap3A_655[%swap3A_656, %swap3A_657], %mul3A_647 {strides = array<i32>} : memref<400x64xf32, #tpu.memory_space<vmem>>, vector<16xf32>,
        %mul3A_659 = arith.constant 8 : i32
        %mul3A_660 = arith.muli %scan3A_285, %mul3A_659 : i32
        %add3A_661 = arith.constant 3 : i32
        %add3A_662 = arith.addi %mul3A_660, %add3A_661 : i32
        %get3A_663 = arith.constant 0 : i32
        %get3A_664 = arith.constant 0 : i32
        %get3A_665 = tpu.memref_slice %arg6[%scan3A_260, %get3A_663, %get3A_664] : memref<4x400x64xf32, #tpu.memory_space<vmem>> -> memref<1x400x64xf32, #tpu.memory_space<vmem>>
        %get3A_666 = tpu.memref_squeeze %get3A_665 : memref<1x400x64xf32, #tpu.memory_space<vmem>> -> memref<400x64xf32, #tpu.memory_space<vmem>>
        %get3A_667 = arith.index_cast %add3A_662 : i32 to index
        %get3A_668 = arith.constant 48 : index
        %get3A_669 = tpu.vector_load %get3A_666[%get3A_667, %get3A_668] {strides = array<i32>} : memref<400x64xf32, #tpu.memory_space<vmem>>, vector<16xf32>,
        %mul3A_670 = arith.constant 8.000000e+00 : f32
        %mul3A_671 = vector.broadcast %mul3A_670 : f32 to vector<16xf32>
        %mul3A_672 = arith.mulf %get3A_669, %mul3A_671 : vector<16xf32>
        %mul3A_673 = arith.constant 8 : i32
        %mul3A_674 = arith.muli %scan3A_285, %mul3A_673 : i32
        %add3A_675 = arith.constant 3 : i32
        %add3A_676 = arith.addi %mul3A_674, %add3A_675 : i32
        %swap3A_677 = arith.constant 0 : i32
        %swap3A_678 = arith.constant 0 : i32
        %swap3A_679 = tpu.memref_slice %arg6[%scan3A_260, %swap3A_677, %swap3A_678] : memref<4x400x64xf32, #tpu.memory_space<vmem>> -> memref<1x400x64xf32, #tpu.memory_space<vmem>>
        %swap3A_680 = tpu.memref_squeeze %swap3A_679 : memref<1x400x64xf32, #tpu.memory_space<vmem>> -> memref<400x64xf32, #tpu.memory_space<vmem>>
        %swap3A_681 = arith.index_cast %add3A_676 : i32 to index
        %swap3A_682 = arith.constant 48 : index
        %swap3A_683 = tpu.vector_load %swap3A_680[%swap3A_681, %swap3A_682] {strides = array<i32>} : memref<400x64xf32, #tpu.memory_space<vmem>>, vector<16xf32>,
        tpu.vector_store %swap3A_680[%swap3A_681, %swap3A_682], %mul3A_672 {strides = array<i32>} : memref<400x64xf32, #tpu.memory_space<vmem>>, vector<16xf32>,
        %mul3A_684 = arith.constant 8 : i32
        %mul3A_685 = arith.muli %scan3A_285, %mul3A_684 : i32
        %add3A_686 = arith.constant 4 : i32
        %add3A_687 = arith.addi %mul3A_685, %add3A_686 : i32
        %get3A_688 = arith.constant 0 : i32
        %get3A_689 = arith.constant 0 : i32
        %get3A_690 = tpu.memref_slice %arg6[%scan3A_260, %get3A_688, %get3A_689] : memref<4x400x64xf32, #tpu.memory_space<vmem>> -> memref<1x400x64xf32, #tpu.memory_space<vmem>>
        %get3A_691 = tpu.memref_squeeze %get3A_690 : memref<1x400x64xf32, #tpu.memory_space<vmem>> -> memref<400x64xf32, #tpu.memory_space<vmem>>
        %get3A_692 = arith.index_cast %add3A_687 : i32 to index
        %get3A_693 = arith.constant 0 : index
        %get3A_694 = tpu.vector_load %get3A_691[%get3A_692, %get3A_693] {strides = array<i32>} : memref<400x64xf32, #tpu.memory_space<vmem>>, vector<16xf32>,
        %mul3A_695 = arith.constant 8.000000e+00 : f32
        %mul3A_696 = vector.broadcast %mul3A_695 : f32 to vector<16xf32>
        %mul3A_697 = arith.mulf %get3A_694, %mul3A_696 : vector<16xf32>
        %mul3A_698 = arith.constant 8 : i32
        %mul3A_699 = arith.muli %scan3A_285, %mul3A_698 : i32
        %add3A_700 = arith.constant 4 : i32
        %add3A_701 = arith.addi %mul3A_699, %add3A_700 : i32
        %swap3A_702 = arith.constant 0 : i32
        %swap3A_703 = arith.constant 0 : i32
        %swap3A_704 = tpu.memref_slice %arg6[%scan3A_260, %swap3A_702, %swap3A_703] : memref<4x400x64xf32, #tpu.memory_space<vmem>> -> memref<1x400x64xf32, #tpu.memory_space<vmem>>
        %swap3A_705 = tpu.memref_squeeze %swap3A_704 : memref<1x400x64xf32, #tpu.memory_space<vmem>> -> memref<400x64xf32, #tpu.memory_space<vmem>>
        %swap3A_706 = arith.index_cast %add3A_701 : i32 to index
        %swap3A_707 = arith.constant 0 : index
        %swap3A_708 = tpu.vector_load %swap3A_705[%swap3A_706, %swap3A_707] {strides = array<i32>} : memref<400x64xf32, #tpu.memory_space<vmem>>, vector<16xf32>,
        tpu.vector_store %swap3A_705[%swap3A_706, %swap3A_707], %mul3A_697 {strides = array<i32>} : memref<400x64xf32, #tpu.memory_space<vmem>>, vector<16xf32>,
        %mul3A_709 = arith.constant 8 : i32
        %mul3A_710 = arith.muli %scan3A_285, %mul3A_709 : i32
        %add3A_711 = arith.constant 4 : i32
        %add3A_712 = arith.addi %mul3A_710, %add3A_711 : i32
        %get3A_713 = arith.constant 0 : i32
        %get3A_714 = arith.constant 0 : i32
        %get3A_715 = tpu.memref_slice %arg6[%scan3A_260, %get3A_713, %get3A_714] : memref<4x400x64xf32, #tpu.memory_space<vmem>> -> memref<1x400x64xf32, #tpu.memory_space<vmem>>
        %get3A_716 = tpu.memref_squeeze %get3A_715 : memref<1x400x64xf32, #tpu.memory_space<vmem>> -> memref<400x64xf32, #tpu.memory_space<vmem>>
        %get3A_717 = arith.index_cast %add3A_712 : i32 to index
        %get3A_718 = arith.constant 16 : index
        %get3A_719 = tpu.vector_load %get3A_716[%get3A_717, %get3A_718] {strides = array<i32>} : memref<400x64xf32, #tpu.memory_space<vmem>>, vector<16xf32>,
        %mul3A_720 = arith.constant 8.000000e+00 : f32
        %mul3A_721 = vector.broadcast %mul3A_720 : f32 to vector<16xf32>
        %mul3A_722 = arith.mulf %get3A_719, %mul3A_721 : vector<16xf32>
        %mul3A_723 = arith.constant 8 : i32
        %mul3A_724 = arith.muli %scan3A_285, %mul3A_723 : i32
        %add3A_725 = arith.constant 4 : i32
        %add3A_726 = arith.addi %mul3A_724, %add3A_725 : i32
        %swap3A_727 = arith.constant 0 : i32
        %swap3A_728 = arith.constant 0 : i32
        %swap3A_729 = tpu.memref_slice %arg6[%scan3A_260, %swap3A_727, %swap3A_728] : memref<4x400x64xf32, #tpu.memory_space<vmem>> -> memref<1x400x64xf32, #tpu.memory_space<vmem>>
        %swap3A_730 = tpu.memref_squeeze %swap3A_729 : memref<1x400x64xf32, #tpu.memory_space<vmem>> -> memref<400x64xf32, #tpu.memory_space<vmem>>
        %swap3A_731 = arith.index_cast %add3A_726 : i32 to index
        %swap3A_732 = arith.constant 16 : index
        %swap3A_733 = tpu.vector_load %swap3A_730[%swap3A_731, %swap3A_732] {strides = array<i32>} : memref<400x64xf32, #tpu.memory_space<vmem>>, vector<16xf32>,
        tpu.vector_store %swap3A_730[%swap3A_731, %swap3A_732], %mul3A_722 {strides = array<i32>} : memref<400x64xf32, #tpu.memory_space<vmem>>, vector<16xf32>,
        %mul3A_734 = arith.constant 8 : i32
        %mul3A_735 = arith.muli %scan3A_285, %mul3A_734 : i32
        %add3A_736 = arith.constant 4 : i32
        %add3A_737 = arith.addi %mul3A_735, %add3A_736 : i32
        %get3A_738 = arith.constant 0 : i32
        %get3A_739 = arith.constant 0 : i32
        %get3A_740 = tpu.memref_slice %arg6[%scan3A_260, %get3A_738, %get3A_739] : memref<4x400x64xf32, #tpu.memory_space<vmem>> -> memref<1x400x64xf32, #tpu.memory_space<vmem>>
        %get3A_741 = tpu.memref_squeeze %get3A_740 : memref<1x400x64xf32, #tpu.memory_space<vmem>> -> memref<400x64xf32, #tpu.memory_space<vmem>>
        %get3A_742 = arith.index_cast %add3A_737 : i32 to index
        %get3A_743 = arith.constant 32 : index
        %get3A_744 = tpu.vector_load %get3A_741[%get3A_742, %get3A_743] {strides = array<i32>} : memref<400x64xf32, #tpu.memory_space<vmem>>, vector<16xf32>,
        %mul3A_745 = arith.constant 8.000000e+00 : f32
        %mul3A_746 = vector.broadcast %mul3A_745 : f32 to vector<16xf32>
        %mul3A_747 = arith.mulf %get3A_744, %mul3A_746 : vector<16xf32>
        %mul3A_748 = arith.constant 8 : i32
        %mul3A_749 = arith.muli %scan3A_285, %mul3A_748 : i32
        %add3A_750 = arith.constant 4 : i32
        %add3A_751 = arith.addi %mul3A_749, %add3A_750 : i32
        %swap3A_752 = arith.constant 0 : i32
        %swap3A_753 = arith.constant 0 : i32
        %swap3A_754 = tpu.memref_slice %arg6[%scan3A_260, %swap3A_752, %swap3A_753] : memref<4x400x64xf32, #tpu.memory_space<vmem>> -> memref<1x400x64xf32, #tpu.memory_space<vmem>>
        %swap3A_755 = tpu.memref_squeeze %swap3A_754 : memref<1x400x64xf32, #tpu.memory_space<vmem>> -> memref<400x64xf32, #tpu.memory_space<vmem>>
        %swap3A_756 = arith.index_cast %add3A_751 : i32 to index
        %swap3A_757 = arith.constant 32 : index
        %swap3A_758 = tpu.vector_load %swap3A_755[%swap3A_756, %swap3A_757] {strides = array<i32>} : memref<400x64xf32, #tpu.memory_space<vmem>>, vector<16xf32>,
        tpu.vector_store %swap3A_755[%swap3A_756, %swap3A_757], %mul3A_747 {strides = array<i32>} : memref<400x64xf32, #tpu.memory_space<vmem>>, vector<16xf32>,
        %mul3A_759 = arith.constant 8 : i32
        %mul3A_760 = arith.muli %scan3A_285, %mul3A_759 : i32
        %add3A_761 = arith.constant 4 : i32
        %add3A_762 = arith.addi %mul3A_760, %add3A_761 : i32
        %get3A_763 = arith.constant 0 : i32
        %get3A_764 = arith.constant 0 : i32
        %get3A_765 = tpu.memref_slice %arg6[%scan3A_260, %get3A_763, %get3A_764] : memref<4x400x64xf32, #tpu.memory_space<vmem>> -> memref<1x400x64xf32, #tpu.memory_space<vmem>>
        %get3A_766 = tpu.memref_squeeze %get3A_765 : memref<1x400x64xf32, #tpu.memory_space<vmem>> -> memref<400x64xf32, #tpu.memory_space<vmem>>
        %get3A_767 = arith.index_cast %add3A_762 : i32 to index
        %get3A_768 = arith.constant 48 : index
        %get3A_769 = tpu.vector_load %get3A_766[%get3A_767, %get3A_768] {strides = array<i32>} : memref<400x64xf32, #tpu.memory_space<vmem>>, vector<16xf32>,
        %mul3A_770 = arith.constant 8.000000e+00 : f32
        %mul3A_771 = vector.broadcast %mul3A_770 : f32 to vector<16xf32>
        %mul3A_772 = arith.mulf %get3A_769, %mul3A_771 : vector<16xf32>
        %mul3A_773 = arith.constant 8 : i32
        %mul3A_774 = arith.muli %scan3A_285, %mul3A_773 : i32
        %add3A_775 = arith.constant 4 : i32
        %add3A_776 = arith.addi %mul3A_774, %add3A_775 : i32
        %swap3A_777 = arith.constant 0 : i32
        %swap3A_778 = arith.constant 0 : i32
        %swap3A_779 = tpu.memref_slice %arg6[%scan3A_260, %swap3A_777, %swap3A_778] : memref<4x400x64xf32, #tpu.memory_space<vmem>> -> memref<1x400x64xf32, #tpu.memory_space<vmem>>
        %swap3A_780 = tpu.memref_squeeze %swap3A_779 : memref<1x400x64xf32, #tpu.memory_space<vmem>> -> memref<400x64xf32, #tpu.memory_space<vmem>>
        %swap3A_781 = arith.index_cast %add3A_776 : i32 to index
        %swap3A_782 = arith.constant 48 : index
        %swap3A_783 = tpu.vector_load %swap3A_780[%swap3A_781, %swap3A_782] {strides = array<i32>} : memref<400x64xf32, #tpu.memory_space<vmem>>, vector<16xf32>,
        tpu.vector_store %swap3A_780[%swap3A_781, %swap3A_782], %mul3A_772 {strides = array<i32>} : memref<400x64xf32, #tpu.memory_space<vmem>>, vector<16xf32>,
        %mul3A_784 = arith.constant 8 : i32
        %mul3A_785 = arith.muli %scan3A_285, %mul3A_784 : i32
        %add3A_786 = arith.constant 5 : i32
        %add3A_787 = arith.addi %mul3A_785, %add3A_786 : i32
        %get3A_788 = arith.constant 0 : i32
        %get3A_789 = arith.constant 0 : i32
        %get3A_790 = tpu.memref_slice %arg6[%scan3A_260, %get3A_788, %get3A_789] : memref<4x400x64xf32, #tpu.memory_space<vmem>> -> memref<1x400x64xf32, #tpu.memory_space<vmem>>
        %get3A_791 = tpu.memref_squeeze %get3A_790 : memref<1x400x64xf32, #tpu.memory_space<vmem>> -> memref<400x64xf32, #tpu.memory_space<vmem>>
        %get3A_792 = arith.index_cast %add3A_787 : i32 to index
        %get3A_793 = arith.constant 0 : index
        %get3A_794 = tpu.vector_load %get3A_791[%get3A_792, %get3A_793] {strides = array<i32>} : memref<400x64xf32, #tpu.memory_space<vmem>>, vector<16xf32>,
        %mul3A_795 = arith.constant 8.000000e+00 : f32
        %mul3A_796 = vector.broadcast %mul3A_795 : f32 to vector<16xf32>
        %mul3A_797 = arith.mulf %get3A_794, %mul3A_796 : vector<16xf32>
        %mul3A_798 = arith.constant 8 : i32
        %mul3A_799 = arith.muli %scan3A_285, %mul3A_798 : i32
        %add3A_800 = arith.constant 5 : i32
        %add3A_801 = arith.addi %mul3A_799, %add3A_800 : i32
        %swap3A_802 = arith.constant 0 : i32
        %swap3A_803 = arith.constant 0 : i32
        %swap3A_804 = tpu.memref_slice %arg6[%scan3A_260, %swap3A_802, %swap3A_803] : memref<4x400x64xf32, #tpu.memory_space<vmem>> -> memref<1x400x64xf32, #tpu.memory_space<vmem>>
        %swap3A_805 = tpu.memref_squeeze %swap3A_804 : memref<1x400x64xf32, #tpu.memory_space<vmem>> -> memref<400x64xf32, #tpu.memory_space<vmem>>
        %swap3A_806 = arith.index_cast %add3A_801 : i32 to index
        %swap3A_807 = arith.constant 0 : index
        %swap3A_808 = tpu.vector_load %swap3A_805[%swap3A_806, %swap3A_807] {strides = array<i32>} : memref<400x64xf32, #tpu.memory_space<vmem>>, vector<16xf32>,
        tpu.vector_store %swap3A_805[%swap3A_806, %swap3A_807], %mul3A_797 {strides = array<i32>} : memref<400x64xf32, #tpu.memory_space<vmem>>, vector<16xf32>,
        %mul3A_809 = arith.constant 8 : i32
        %mul3A_810 = arith.muli %scan3A_285, %mul3A_809 : i32
        %add3A_811 = arith.constant 5 : i32
        %add3A_812 = arith.addi %mul3A_810, %add3A_811 : i32
        %get3A_813 = arith.constant 0 : i32
        %get3A_814 = arith.constant 0 : i32
        %get3A_815 = tpu.memref_slice %arg6[%scan3A_260, %get3A_813, %get3A_814] : memref<4x400x64xf32, #tpu.memory_space<vmem>> -> memref<1x400x64xf32, #tpu.memory_space<vmem>>
        %get3A_816 = tpu.memref_squeeze %get3A_815 : memref<1x400x64xf32, #tpu.memory_space<vmem>> -> memref<400x64xf32, #tpu.memory_space<vmem>>
        %get3A_817 = arith.index_cast %add3A_812 : i32 to index
        %get3A_818 = arith.constant 16 : index
        %get3A_819 = tpu.vector_load %get3A_816[%get3A_817, %get3A_818] {strides = array<i32>} : memref<400x64xf32, #tpu.memory_space<vmem>>, vector<16xf32>,
        %mul3A_820 = arith.constant 8.000000e+00 : f32
        %mul3A_821 = vector.broadcast %mul3A_820 : f32 to vector<16xf32>
        %mul3A_822 = arith.mulf %get3A_819, %mul3A_821 : vector<16xf32>
        %mul3A_823 = arith.constant 8 : i32
        %mul3A_824 = arith.muli %scan3A_285, %mul3A_823 : i32
        %add3A_825 = arith.constant 5 : i32
        %add3A_826 = arith.addi %mul3A_824, %add3A_825 : i32
        %swap3A_827 = arith.constant 0 : i32
        %swap3A_828 = arith.constant 0 : i32
        %swap3A_829 = tpu.memref_slice %arg6[%scan3A_260, %swap3A_827, %swap3A_828] : memref<4x400x64xf32, #tpu.memory_space<vmem>> -> memref<1x400x64xf32, #tpu.memory_space<vmem>>
        %swap3A_830 = tpu.memref_squeeze %swap3A_829 : memref<1x400x64xf32, #tpu.memory_space<vmem>> -> memref<400x64xf32, #tpu.memory_space<vmem>>
        %swap3A_831 = arith.index_cast %add3A_826 : i32 to index
        %swap3A_832 = arith.constant 16 : index
        %swap3A_833 = tpu.vector_load %swap3A_830[%swap3A_831, %swap3A_832] {strides = array<i32>} : memref<400x64xf32, #tpu.memory_space<vmem>>, vector<16xf32>,
        tpu.vector_store %swap3A_830[%swap3A_831, %swap3A_832], %mul3A_822 {strides = array<i32>} : memref<400x64xf32, #tpu.memory_space<vmem>>, vector<16xf32>,
        %mul3A_834 = arith.constant 8 : i32
        %mul3A_835 = arith.muli %scan3A_285, %mul3A_834 : i32
        %add3A_836 = arith.constant 5 : i32
        %add3A_837 = arith.addi %mul3A_835, %add3A_836 : i32
        %get3A_838 = arith.constant 0 : i32
        %get3A_839 = arith.constant 0 : i32
        %get3A_840 = tpu.memref_slice %arg6[%scan3A_260, %get3A_838, %get3A_839] : memref<4x400x64xf32, #tpu.memory_space<vmem>> -> memref<1x400x64xf32, #tpu.memory_space<vmem>>
        %get3A_841 = tpu.memref_squeeze %get3A_840 : memref<1x400x64xf32, #tpu.memory_space<vmem>> -> memref<400x64xf32, #tpu.memory_space<vmem>>
        %get3A_842 = arith.index_cast %add3A_837 : i32 to index
        %get3A_843 = arith.constant 32 : index
        %get3A_844 = tpu.vector_load %get3A_841[%get3A_842, %get3A_843] {strides = array<i32>} : memref<400x64xf32, #tpu.memory_space<vmem>>, vector<16xf32>,
        %mul3A_845 = arith.constant 8.000000e+00 : f32
        %mul3A_846 = vector.broadcast %mul3A_845 : f32 to vector<16xf32>
        %mul3A_847 = arith.mulf %get3A_844, %mul3A_846 : vector<16xf32>
        %mul3A_848 = arith.constant 8 : i32
        %mul3A_849 = arith.muli %scan3A_285, %mul3A_848 : i32
        %add3A_850 = arith.constant 5 : i32
        %add3A_851 = arith.addi %mul3A_849, %add3A_850 : i32
        %swap3A_852 = arith.constant 0 : i32
        %swap3A_853 = arith.constant 0 : i32
        %swap3A_854 = tpu.memref_slice %arg6[%scan3A_260, %swap3A_852, %swap3A_853] : memref<4x400x64xf32, #tpu.memory_space<vmem>> -> memref<1x400x64xf32, #tpu.memory_space<vmem>>
        %swap3A_855 = tpu.memref_squeeze %swap3A_854 : memref<1x400x64xf32, #tpu.memory_space<vmem>> -> memref<400x64xf32, #tpu.memory_space<vmem>>
        %swap3A_856 = arith.index_cast %add3A_851 : i32 to index
        %swap3A_857 = arith.constant 32 : index
        %swap3A_858 = tpu.vector_load %swap3A_855[%swap3A_856, %swap3A_857] {strides = array<i32>} : memref<400x64xf32, #tpu.memory_space<vmem>>, vector<16xf32>,
        tpu.vector_store %swap3A_855[%swap3A_856, %swap3A_857], %mul3A_847 {strides = array<i32>} : memref<400x64xf32, #tpu.memory_space<vmem>>, vector<16xf32>,
        %mul3A_859 = arith.constant 8 : i32
        %mul3A_860 = arith.muli %scan3A_285, %mul3A_859 : i32
        %add3A_861 = arith.constant 5 : i32
        %add3A_862 = arith.addi %mul3A_860, %add3A_861 : i32
        %get3A_863 = arith.constant 0 : i32
        %get3A_864 = arith.constant 0 : i32
        %get3A_865 = tpu.memref_slice %arg6[%scan3A_260, %get3A_863, %get3A_864] : memref<4x400x64xf32, #tpu.memory_space<vmem>> -> memref<1x400x64xf32, #tpu.memory_space<vmem>>
        %get3A_866 = tpu.memref_squeeze %get3A_865 : memref<1x400x64xf32, #tpu.memory_space<vmem>> -> memref<400x64xf32, #tpu.memory_space<vmem>>
        %get3A_867 = arith.index_cast %add3A_862 : i32 to index
        %get3A_868 = arith.constant 48 : index
        %get3A_869 = tpu.vector_load %get3A_866[%get3A_867, %get3A_868] {strides = array<i32>} : memref<400x64xf32, #tpu.memory_space<vmem>>, vector<16xf32>,
        %mul3A_870 = arith.constant 8.000000e+00 : f32
        %mul3A_871 = vector.broadcast %mul3A_870 : f32 to vector<16xf32>
        %mul3A_872 = arith.mulf %get3A_869, %mul3A_871 : vector<16xf32>
        %mul3A_873 = arith.constant 8 : i32
        %mul3A_874 = arith.muli %scan3A_285, %mul3A_873 : i32
        %add3A_875 = arith.constant 5 : i32
        %add3A_876 = arith.addi %mul3A_874, %add3A_875 : i32
        %swap3A_877 = arith.constant 0 : i32
        %swap3A_878 = arith.constant 0 : i32
        %swap3A_879 = tpu.memref_slice %arg6[%scan3A_260, %swap3A_877, %swap3A_878] : memref<4x400x64xf32, #tpu.memory_space<vmem>> -> memref<1x400x64xf32, #tpu.memory_space<vmem>>
        %swap3A_880 = tpu.memref_squeeze %swap3A_879 : memref<1x400x64xf32, #tpu.memory_space<vmem>> -> memref<400x64xf32, #tpu.memory_space<vmem>>
        %swap3A_881 = arith.index_cast %add3A_876 : i32 to index
        %swap3A_882 = arith.constant 48 : index
        %swap3A_883 = tpu.vector_load %swap3A_880[%swap3A_881, %swap3A_882] {strides = array<i32>} : memref<400x64xf32, #tpu.memory_space<vmem>>, vector<16xf32>,
        tpu.vector_store %swap3A_880[%swap3A_881, %swap3A_882], %mul3A_872 {strides = array<i32>} : memref<400x64xf32, #tpu.memory_space<vmem>>, vector<16xf32>,
        %mul3A_884 = arith.constant 8 : i32
        %mul3A_885 = arith.muli %scan3A_285, %mul3A_884 : i32
        %add3A_886 = arith.constant 6 : i32
        %add3A_887 = arith.addi %mul3A_885, %add3A_886 : i32
        %get3A_888 = arith.constant 0 : i32
        %get3A_889 = arith.constant 0 : i32
        %get3A_890 = tpu.memref_slice %arg6[%scan3A_260, %get3A_888, %get3A_889] : memref<4x400x64xf32, #tpu.memory_space<vmem>> -> memref<1x400x64xf32, #tpu.memory_space<vmem>>
        %get3A_891 = tpu.memref_squeeze %get3A_890 : memref<1x400x64xf32, #tpu.memory_space<vmem>> -> memref<400x64xf32, #tpu.memory_space<vmem>>
        %get3A_892 = arith.index_cast %add3A_887 : i32 to index
        %get3A_893 = arith.constant 0 : index
        %get3A_894 = tpu.vector_load %get3A_891[%get3A_892, %get3A_893] {strides = array<i32>} : memref<400x64xf32, #tpu.memory_space<vmem>>, vector<16xf32>,
        %mul3A_895 = arith.constant 8.000000e+00 : f32
        %mul3A_896 = vector.broadcast %mul3A_895 : f32 to vector<16xf32>
        %mul3A_897 = arith.mulf %get3A_894, %mul3A_896 : vector<16xf32>
        %mul3A_898 = arith.constant 8 : i32
        %mul3A_899 = arith.muli %scan3A_285, %mul3A_898 : i32
        %add3A_900 = arith.constant 6 : i32
        %add3A_901 = arith.addi %mul3A_899, %add3A_900 : i32
        %swap3A_902 = arith.constant 0 : i32
        %swap3A_903 = arith.constant 0 : i32
        %swap3A_904 = tpu.memref_slice %arg6[%scan3A_260, %swap3A_902, %swap3A_903] : memref<4x400x64xf32, #tpu.memory_space<vmem>> -> memref<1x400x64xf32, #tpu.memory_space<vmem>>
        %swap3A_905 = tpu.memref_squeeze %swap3A_904 : memref<1x400x64xf32, #tpu.memory_space<vmem>> -> memref<400x64xf32, #tpu.memory_space<vmem>>
        %swap3A_906 = arith.index_cast %add3A_901 : i32 to index
        %swap3A_907 = arith.constant 0 : index
        %swap3A_908 = tpu.vector_load %swap3A_905[%swap3A_906, %swap3A_907] {strides = array<i32>} : memref<400x64xf32, #tpu.memory_space<vmem>>, vector<16xf32>,
        tpu.vector_store %swap3A_905[%swap3A_906, %swap3A_907], %mul3A_897 {strides = array<i32>} : memref<400x64xf32, #tpu.memory_space<vmem>>, vector<16xf32>,
        %mul3A_909 = arith.constant 8 : i32
        %mul3A_910 = arith.muli %scan3A_285, %mul3A_909 : i32
        %add3A_911 = arith.constant 6 : i32
        %add3A_912 = arith.addi %mul3A_910, %add3A_911 : i32
        %get3A_913 = arith.constant 0 : i32
        %get3A_914 = arith.constant 0 : i32
        %get3A_915 = tpu.memref_slice %arg6[%scan3A_260, %get3A_913, %get3A_914] : memref<4x400x64xf32, #tpu.memory_space<vmem>> -> memref<1x400x64xf32, #tpu.memory_space<vmem>>
        %get3A_916 = tpu.memref_squeeze %get3A_915 : memref<1x400x64xf32, #tpu.memory_space<vmem>> -> memref<400x64xf32, #tpu.memory_space<vmem>>
        %get3A_917 = arith.index_cast %add3A_912 : i32 to index
        %get3A_918 = arith.constant 16 : index
        %get3A_919 = tpu.vector_load %get3A_916[%get3A_917, %get3A_918] {strides = array<i32>} : memref<400x64xf32, #tpu.memory_space<vmem>>, vector<16xf32>,
        %mul3A_920 = arith.constant 8.000000e+00 : f32
        %mul3A_921 = vector.broadcast %mul3A_920 : f32 to vector<16xf32>
        %mul3A_922 = arith.mulf %get3A_919, %mul3A_921 : vector<16xf32>
        %mul3A_923 = arith.constant 8 : i32
        %mul3A_924 = arith.muli %scan3A_285, %mul3A_923 : i32
        %add3A_925 = arith.constant 6 : i32
        %add3A_926 = arith.addi %mul3A_924, %add3A_925 : i32
        %swap3A_927 = arith.constant 0 : i32
        %swap3A_928 = arith.constant 0 : i32
        %swap3A_929 = tpu.memref_slice %arg6[%scan3A_260, %swap3A_927, %swap3A_928] : memref<4x400x64xf32, #tpu.memory_space<vmem>> -> memref<1x400x64xf32, #tpu.memory_space<vmem>>
        %swap3A_930 = tpu.memref_squeeze %swap3A_929 : memref<1x400x64xf32, #tpu.memory_space<vmem>> -> memref<400x64xf32, #tpu.memory_space<vmem>>
        %swap3A_931 = arith.index_cast %add3A_926 : i32 to index
        %swap3A_932 = arith.constant 16 : index
        %swap3A_933 = tpu.vector_load %swap3A_930[%swap3A_931, %swap3A_932] {strides = array<i32>} : memref<400x64xf32, #tpu.memory_space<vmem>>, vector<16xf32>,
        tpu.vector_store %swap3A_930[%swap3A_931, %swap3A_932], %mul3A_922 {strides = array<i32>} : memref<400x64xf32, #tpu.memory_space<vmem>>, vector<16xf32>,
        %mul3A_934 = arith.constant 8 : i32
        %mul3A_935 = arith.muli %scan3A_285, %mul3A_934 : i32
        %add3A_936 = arith.constant 6 : i32
        %add3A_937 = arith.addi %mul3A_935, %add3A_936 : i32
        %get3A_938 = arith.constant 0 : i32
        %get3A_939 = arith.constant 0 : i32
        %get3A_940 = tpu.memref_slice %arg6[%scan3A_260, %get3A_938, %get3A_939] : memref<4x400x64xf32, #tpu.memory_space<vmem>> -> memref<1x400x64xf32, #tpu.memory_space<vmem>>
        %get3A_941 = tpu.memref_squeeze %get3A_940 : memref<1x400x64xf32, #tpu.memory_space<vmem>> -> memref<400x64xf32, #tpu.memory_space<vmem>>
        %get3A_942 = arith.index_cast %add3A_937 : i32 to index
        %get3A_943 = arith.constant 32 : index
        %get3A_944 = tpu.vector_load %get3A_941[%get3A_942, %get3A_943] {strides = array<i32>} : memref<400x64xf32, #tpu.memory_space<vmem>>, vector<16xf32>,
        %mul3A_945 = arith.constant 8.000000e+00 : f32
        %mul3A_946 = vector.broadcast %mul3A_945 : f32 to vector<16xf32>
        %mul3A_947 = arith.mulf %get3A_944, %mul3A_946 : vector<16xf32>
        %mul3A_948 = arith.constant 8 : i32
        %mul3A_949 = arith.muli %scan3A_285, %mul3A_948 : i32
        %add3A_950 = arith.constant 6 : i32
        %add3A_951 = arith.addi %mul3A_949, %add3A_950 : i32
        %swap3A_952 = arith.constant 0 : i32
        %swap3A_953 = arith.constant 0 : i32
        %swap3A_954 = tpu.memref_slice %arg6[%scan3A_260, %swap3A_952, %swap3A_953] : memref<4x400x64xf32, #tpu.memory_space<vmem>> -> memref<1x400x64xf32, #tpu.memory_space<vmem>>
        %swap3A_955 = tpu.memref_squeeze %swap3A_954 : memref<1x400x64xf32, #tpu.memory_space<vmem>> -> memref<400x64xf32, #tpu.memory_space<vmem>>
        %swap3A_956 = arith.index_cast %add3A_951 : i32 to index
        %swap3A_957 = arith.constant 32 : index
        %swap3A_958 = tpu.vector_load %swap3A_955[%swap3A_956, %swap3A_957] {strides = array<i32>} : memref<400x64xf32, #tpu.memory_space<vmem>>, vector<16xf32>,
        tpu.vector_store %swap3A_955[%swap3A_956, %swap3A_957], %mul3A_947 {strides = array<i32>} : memref<400x64xf32, #tpu.memory_space<vmem>>, vector<16xf32>,
        %mul3A_959 = arith.constant 8 : i32
        %mul3A_960 = arith.muli %scan3A_285, %mul3A_959 : i32
        %add3A_961 = arith.constant 6 : i32
        %add3A_962 = arith.addi %mul3A_960, %add3A_961 : i32
        %get3A_963 = arith.constant 0 : i32
        %get3A_964 = arith.constant 0 : i32
        %get3A_965 = tpu.memref_slice %arg6[%scan3A_260, %get3A_963, %get3A_964] : memref<4x400x64xf32, #tpu.memory_space<vmem>> -> memref<1x400x64xf32, #tpu.memory_space<vmem>>
        %get3A_966 = tpu.memref_squeeze %get3A_965 : memref<1x400x64xf32, #tpu.memory_space<vmem>> -> memref<400x64xf32, #tpu.memory_space<vmem>>
        %get3A_967 = arith.index_cast %add3A_962 : i32 to index
        %get3A_968 = arith.constant 48 : index
        %get3A_969 = tpu.vector_load %get3A_966[%get3A_967, %get3A_968] {strides = array<i32>} : memref<400x64xf32, #tpu.memory_space<vmem>>, vector<16xf32>,
        %mul3A_970 = arith.constant 8.000000e+00 : f32
        %mul3A_971 = vector.broadcast %mul3A_970 : f32 to vector<16xf32>
        %mul3A_972 = arith.mulf %get3A_969, %mul3A_971 : vector<16xf32>
        %mul3A_973 = arith.constant 8 : i32
        %mul3A_974 = arith.muli %scan3A_285, %mul3A_973 : i32
        %add3A_975 = arith.constant 6 : i32
        %add3A_976 = arith.addi %mul3A_974, %add3A_975 : i32
        %swap3A_977 = arith.constant 0 : i32
        %swap3A_978 = arith.constant 0 : i32
        %swap3A_979 = tpu.memref_slice %arg6[%scan3A_260, %swap3A_977, %swap3A_978] : memref<4x400x64xf32, #tpu.memory_space<vmem>> -> memref<1x400x64xf32, #tpu.memory_space<vmem>>
        %swap3A_980 = tpu.memref_squeeze %swap3A_979 : memref<1x400x64xf32, #tpu.memory_space<vmem>> -> memref<400x64xf32, #tpu.memory_space<vmem>>
        %swap3A_981 = arith.index_cast %add3A_976 : i32 to index
        %swap3A_982 = arith.constant 48 : index
        %swap3A_983 = tpu.vector_load %swap3A_980[%swap3A_981, %swap3A_982] {strides = array<i32>} : memref<400x64xf32, #tpu.memory_space<vmem>>, vector<16xf32>,
        tpu.vector_store %swap3A_980[%swap3A_981, %swap3A_982], %mul3A_972 {strides = array<i32>} : memref<400x64xf32, #tpu.memory_space<vmem>>, vector<16xf32>,
        %mul3A_984 = arith.constant 8 : i32
        %mul3A_985 = arith.muli %scan3A_285, %mul3A_984 : i32
        %add3A_986 = arith.constant 7 : i32
        %add3A_987 = arith.addi %mul3A_985, %add3A_986 : i32
        %get3A_988 = arith.constant 0 : i32
        %get3A_989 = arith.constant 0 : i32
        %get3A_990 = tpu.memref_slice %arg6[%scan3A_260, %get3A_988, %get3A_989] : memref<4x400x64xf32, #tpu.memory_space<vmem>> -> memref<1x400x64xf32, #tpu.memory_space<vmem>>
        %get3A_991 = tpu.memref_squeeze %get3A_990 : memref<1x400x64xf32, #tpu.memory_space<vmem>> -> memref<400x64xf32, #tpu.memory_space<vmem>>
        %get3A_992 = arith.index_cast %add3A_987 : i32 to index
        %get3A_993 = arith.constant 0 : index
        %get3A_994 = tpu.vector_load %get3A_991[%get3A_992, %get3A_993] {strides = array<i32>} : memref<400x64xf32, #tpu.memory_space<vmem>>, vector<16xf32>,
        %mul3A_995 = arith.constant 8.000000e+00 : f32
        %mul3A_996 = vector.broadcast %mul3A_995 : f32 to vector<16xf32>
        %mul3A_997 = arith.mulf %get3A_994, %mul3A_996 : vector<16xf32>
        %mul3A_998 = arith.constant 8 : i32
        %mul3A_999 = arith.muli %scan3A_285, %mul3A_998 : i32
        %add3A_1000 = arith.constant 7 : i32
        %add3A_1001 = arith.addi %mul3A_999, %add3A_1000 : i32
        %swap3A_1002 = arith.constant 0 : i32
        %swap3A_1003 = arith.constant 0 : i32
        %swap3A_1004 = tpu.memref_slice %arg6[%scan3A_260, %swap3A_1002, %swap3A_1003] : memref<4x400x64xf32, #tpu.memory_space<vmem>> -> memref<1x400x64xf32, #tpu.memory_space<vmem>>
        %swap3A_1005 = tpu.memref_squeeze %swap3A_1004 : memref<1x400x64xf32, #tpu.memory_space<vmem>> -> memref<400x64xf32, #tpu.memory_space<vmem>>
        %swap3A_1006 = arith.index_cast %add3A_1001 : i32 to index
        %swap3A_1007 = arith.constant 0 : index
        %swap3A_1008 = tpu.vector_load %swap3A_1005[%swap3A_1006, %swap3A_1007] {strides = array<i32>} : memref<400x64xf32, #tpu.memory_space<vmem>>, vector<16xf32>,
        tpu.vector_store %swap3A_1005[%swap3A_1006, %swap3A_1007], %mul3A_997 {strides = array<i32>} : memref<400x64xf32, #tpu.memory_space<vmem>>, vector<16xf32>,
        %mul3A_1009 = arith.constant 8 : i32
        %mul3A_1010 = arith.muli %scan3A_285, %mul3A_1009 : i32
        %add3A_1011 = arith.constant 7 : i32
        %add3A_1012 = arith.addi %mul3A_1010, %add3A_1011 : i32
        %get3A_1013 = arith.constant 0 : i32
        %get3A_1014 = arith.constant 0 : i32
        %get3A_1015 = tpu.memref_slice %arg6[%scan3A_260, %get3A_1013, %get3A_1014] : memref<4x400x64xf32, #tpu.memory_space<vmem>> -> memref<1x400x64xf32, #tpu.memory_space<vmem>>
        %get3A_1016 = tpu.memref_squeeze %get3A_1015 : memref<1x400x64xf32, #tpu.memory_space<vmem>> -> memref<400x64xf32, #tpu.memory_space<vmem>>
        %get3A_1017 = arith.index_cast %add3A_1012 : i32 to index
        %get3A_1018 = arith.constant 16 : index
        %get3A_1019 = tpu.vector_load %get3A_1016[%get3A_1017, %get3A_1018] {strides = array<i32>} : memref<400x64xf32, #tpu.memory_space<vmem>>, vector<16xf32>,
        %mul3A_1020 = arith.constant 8.000000e+00 : f32
        %mul3A_1021 = vector.broadcast %mul3A_1020 : f32 to vector<16xf32>
        %mul3A_1022 = arith.mulf %get3A_1019, %mul3A_1021 : vector<16xf32>
        %mul3A_1023 = arith.constant 8 : i32
        %mul3A_1024 = arith.muli %scan3A_285, %mul3A_1023 : i32
        %add3A_1025 = arith.constant 7 : i32
        %add3A_1026 = arith.addi %mul3A_1024, %add3A_1025 : i32
        %swap3A_1027 = arith.constant 0 : i32
        %swap3A_1028 = arith.constant 0 : i32
        %swap3A_1029 = tpu.memref_slice %arg6[%scan3A_260, %swap3A_1027, %swap3A_1028] : memref<4x400x64xf32, #tpu.memory_space<vmem>> -> memref<1x400x64xf32, #tpu.memory_space<vmem>>
        %swap3A_1030 = tpu.memref_squeeze %swap3A_1029 : memref<1x400x64xf32, #tpu.memory_space<vmem>> -> memref<400x64xf32, #tpu.memory_space<vmem>>
        %swap3A_1031 = arith.index_cast %add3A_1026 : i32 to index
        %swap3A_1032 = arith.constant 16 : index
        %swap3A_1033 = tpu.vector_load %swap3A_1030[%swap3A_1031, %swap3A_1032] {strides = array<i32>} : memref<400x64xf32, #tpu.memory_space<vmem>>, vector<16xf32>,
        tpu.vector_store %swap3A_1030[%swap3A_1031, %swap3A_1032], %mul3A_1022 {strides = array<i32>} : memref<400x64xf32, #tpu.memory_space<vmem>>, vector<16xf32>,
        %mul3A_1034 = arith.constant 8 : i32
        %mul3A_1035 = arith.muli %scan3A_285, %mul3A_1034 : i32
        %add3A_1036 = arith.constant 7 : i32
        %add3A_1037 = arith.addi %mul3A_1035, %add3A_1036 : i32
        %get3A_1038 = arith.constant 0 : i32
        %get3A_1039 = arith.constant 0 : i32
        %get3A_1040 = tpu.memref_slice %arg6[%scan3A_260, %get3A_1038, %get3A_1039] : memref<4x400x64xf32, #tpu.memory_space<vmem>> -> memref<1x400x64xf32, #tpu.memory_space<vmem>>
        %get3A_1041 = tpu.memref_squeeze %get3A_1040 : memref<1x400x64xf32, #tpu.memory_space<vmem>> -> memref<400x64xf32, #tpu.memory_space<vmem>>
        %get3A_1042 = arith.index_cast %add3A_1037 : i32 to index
        %get3A_1043 = arith.constant 32 : index
        %get3A_1044 = tpu.vector_load %get3A_1041[%get3A_1042, %get3A_1043] {strides = array<i32>} : memref<400x64xf32, #tpu.memory_space<vmem>>, vector<16xf32>,
        %mul3A_1045 = arith.constant 8.000000e+00 : f32
        %mul3A_1046 = vector.broadcast %mul3A_1045 : f32 to vector<16xf32>
        %mul3A_1047 = arith.mulf %get3A_1044, %mul3A_1046 : vector<16xf32>
        %mul3A_1048 = arith.constant 8 : i32
        %mul3A_1049 = arith.muli %scan3A_285, %mul3A_1048 : i32
        %add3A_1050 = arith.constant 7 : i32
        %add3A_1051 = arith.addi %mul3A_1049, %add3A_1050 : i32
        %swap3A_1052 = arith.constant 0 : i32
        %swap3A_1053 = arith.constant 0 : i32
        %swap3A_1054 = tpu.memref_slice %arg6[%scan3A_260, %swap3A_1052, %swap3A_1053] : memref<4x400x64xf32, #tpu.memory_space<vmem>> -> memref<1x400x64xf32, #tpu.memory_space<vmem>>
        %swap3A_1055 = tpu.memref_squeeze %swap3A_1054 : memref<1x400x64xf32, #tpu.memory_space<vmem>> -> memref<400x64xf32, #tpu.memory_space<vmem>>
        %swap3A_1056 = arith.index_cast %add3A_1051 : i32 to index
        %swap3A_1057 = arith.constant 32 : index
        %swap3A_1058 = tpu.vector_load %swap3A_1055[%swap3A_1056, %swap3A_1057] {strides = array<i32>} : memref<400x64xf32, #tpu.memory_space<vmem>>, vector<16xf32>,
        tpu.vector_store %swap3A_1055[%swap3A_1056, %swap3A_1057], %mul3A_1047 {strides = array<i32>} : memref<400x64xf32, #tpu.memory_space<vmem>>, vector<16xf32>,
        %mul3A_1059 = arith.constant 8 : i32
        %mul3A_1060 = arith.muli %scan3A_285, %mul3A_1059 : i32
        %add3A_1061 = arith.constant 7 : i32
        %add3A_1062 = arith.addi %mul3A_1060, %add3A_1061 : i32
        %get3A_1063 = arith.constant 0 : i32
        %get3A_1064 = arith.constant 0 : i32
        %get3A_1065 = tpu.memref_slice %arg6[%scan3A_260, %get3A_1063, %get3A_1064] : memref<4x400x64xf32, #tpu.memory_space<vmem>> -> memref<1x400x64xf32, #tpu.memory_space<vmem>>
        %get3A_1066 = tpu.memref_squeeze %get3A_1065 : memref<1x400x64xf32, #tpu.memory_space<vmem>> -> memref<400x64xf32, #tpu.memory_space<vmem>>
        %get3A_1067 = arith.index_cast %add3A_1062 : i32 to index
        %get3A_1068 = arith.constant 48 : index
        %get3A_1069 = tpu.vector_load %get3A_1066[%get3A_1067, %get3A_1068] {strides = array<i32>} : memref<400x64xf32, #tpu.memory_space<vmem>>, vector<16xf32>,
        %mul3A_1070 = arith.constant 8.000000e+00 : f32
        %mul3A_1071 = vector.broadcast %mul3A_1070 : f32 to vector<16xf32>
        %mul3A_1072 = arith.mulf %get3A_1069, %mul3A_1071 : vector<16xf32>
        %mul3A_1073 = arith.constant 8 : i32
        %mul3A_1074 = arith.muli %scan3A_285, %mul3A_1073 : i32
        %add3A_1075 = arith.constant 7 : i32
        %add3A_1076 = arith.addi %mul3A_1074, %add3A_1075 : i32
        %swap3A_1077 = arith.constant 0 : i32
        %swap3A_1078 = arith.constant 0 : i32
        %swap3A_1079 = tpu.memref_slice %arg6[%scan3A_260, %swap3A_1077, %swap3A_1078] : memref<4x400x64xf32, #tpu.memory_space<vmem>> -> memref<1x400x64xf32, #tpu.memory_space<vmem>>
        %swap3A_1080 = tpu.memref_squeeze %swap3A_1079 : memref<1x400x64xf32, #tpu.memory_space<vmem>> -> memref<400x64xf32, #tpu.memory_space<vmem>>
        %swap3A_1081 = arith.index_cast %add3A_1076 : i32 to index
        %swap3A_1082 = arith.constant 48 : index
        %swap3A_1083 = tpu.vector_load %swap3A_1080[%swap3A_1081, %swap3A_1082] {strides = array<i32>} : memref<400x64xf32, #tpu.memory_space<vmem>>, vector<16xf32>,
        tpu.vector_store %swap3A_1080[%swap3A_1081, %swap3A_1082], %mul3A_1072 {strides = array<i32>} : memref<400x64xf32, #tpu.memory_space<vmem>>, vector<16xf32>,
      }
      %scan3A_265 = arith.constant 50 : i32
      %mul3A_266 = arith.constant 400 : i32
      %mul3A_267 = arith.muli %add3A_233, %mul3A_266 : i32
      %add3A_268 = arith.addi %mul3A_2, %mul3A_267 : i32
      %dma_start3A_269 = arith.constant 3 : i32
      %dma_start3A_270 = arith.constant 3 : i32
      %dma_start3A_271 = arith.constant 0 : i32
      %dma_start3A_272 = arith.constant 0 : i32
      %dma_start3A_273 = tpu.memref_slice %arg6[%dma_start3A_269, %dma_start3A_271, %dma_start3A_272] : memref<4x400x64xf32, #tpu.memory_space<vmem>> -> memref<1x400x64xf32, #tpu.memory_space<vmem>>
      %dma_start3A_274 = tpu.memref_squeeze %dma_start3A_273 : memref<1x400x64xf32, #tpu.memory_space<vmem>> -> memref<400x64xf32, #tpu.memory_space<vmem>>
      %dma_start3A_275 = arith.constant 0 : i32
      %dma_start3A_276 = tpu.memref_slice %arg4[%add3A_268, %dma_start3A_275] : memref<819200x64xf32, #tpu.memory_space<hbm>> -> memref<400x64xf32, #tpu.memory_space<hbm>>
      %dma_start3A_277 = tpu.memref_slice %arg8[%dma_start3A_270] : memref<4x!tpu.dma_semaphore, #tpu.memory_space<semaphore_mem>> -> memref<1x!tpu.dma_semaphore, #tpu.memory_space<semaphore_mem>>
      %dma_start3A_278 = tpu.memref_squeeze %dma_start3A_277 : memref<1x!tpu.dma_semaphore, #tpu.memory_space<semaphore_mem>> -> memref<!tpu.dma_semaphore, #tpu.memory_space<semaphore_mem>>
      %dma_start3A_279 = arith.constant 0 : i32
      %dma_start3A_280 = tpu.memref_slice %arg4[%add3A_268, %dma_start3A_279] : memref<819200x64xf32, #tpu.memory_space<hbm>> -> memref<400x64xf32, #tpu.memory_space<hbm>>
      %dma_start3A_281 = arith.constant 0 : i32
      %dma_start3A_282 = arith.constant 0 : i32
      %dma_start3A_283 = tpu.memref_slice %arg6[%dma_start3A_269, %dma_start3A_281, %dma_start3A_282] : memref<4x400x64xf32, #tpu.memory_space<vmem>> -> memref<1x400x64xf32, #tpu.memory_space<vmem>>
      %dma_start3A_284 = tpu.memref_squeeze %dma_start3A_283 : memref<1x400x64xf32, #tpu.memory_space<vmem>> -> memref<400x64xf32, #tpu.memory_space<vmem>>
      tpu.enqueue_dma source(%dma_start3A_284 : memref<400x64xf32, #tpu.memory_space<vmem>>) target(%dma_start3A_280 : memref<400x64xf32, #tpu.memory_space<hbm>>) target_semaphore(%dma_start3A_278 : memref<!tpu.dma_semaphore, #tpu.memory_space<semaphore_mem>>)
    }
    %scan3A_32 = arith.constant 16 : i32
    %dma_wait3A = arith.constant 2 : i32
    %dma_wait3A_33 = arith.constant 2 : i32
    %dma_wait3A_34 = arith.constant 0 : i32
    %dma_wait3A_35 = arith.constant 0 : i32
    %dma_wait3A_36 = tpu.memref_slice %arg6[%dma_wait3A, %dma_wait3A_34, %dma_wait3A_35] : memref<4x400x64xf32, #tpu.memory_space<vmem>> -> memref<1x400x64xf32, #tpu.memory_space<vmem>>
    %dma_wait3A_37 = tpu.memref_squeeze %dma_wait3A_36 : memref<1x400x64xf32, #tpu.memory_space<vmem>> -> memref<400x64xf32, #tpu.memory_space<vmem>>
    %dma_wait3A_38 = arith.constant 0 : i32
    %dma_wait3A_39 = arith.constant 0 : i32
    %dma_wait3A_40 = tpu.memref_slice %arg4[%dma_wait3A_38, %dma_wait3A_39] : memref<819200x64xf32, #tpu.memory_space<hbm>> -> memref<400x64xf32, #tpu.memory_space<hbm>>
    %dma_wait3A_41 = tpu.memref_slice %arg8[%dma_wait3A_33] : memref<4x!tpu.dma_semaphore, #tpu.memory_space<semaphore_mem>> -> memref<1x!tpu.dma_semaphore, #tpu.memory_space<semaphore_mem>>
    %dma_wait3A_42 = tpu.memref_squeeze %dma_wait3A_41 : memref<1x!tpu.dma_semaphore, #tpu.memory_space<semaphore_mem>> -> memref<!tpu.dma_semaphore, #tpu.memory_space<semaphore_mem>>
    %dma_wait3A_43 = arith.constant 0 : i32
    %dma_wait3A_44 = arith.constant 0 : i32
    %dma_wait3A_45 = tpu.memref_slice %arg4[%dma_wait3A_43, %dma_wait3A_44] : memref<819200x64xf32, #tpu.memory_space<hbm>> -> memref<400x64xf32, #tpu.memory_space<hbm>>
    %dma_wait3A_46 = arith.constant 0 : i32
    %dma_wait3A_47 = arith.constant 0 : i32
    %dma_wait3A_48 = tpu.memref_slice %arg6[%dma_wait3A, %dma_wait3A_46, %dma_wait3A_47] : memref<4x400x64xf32, #tpu.memory_space<vmem>> -> memref<1x400x64xf32, #tpu.memory_space<vmem>>
    %dma_wait3A_49 = tpu.memref_squeeze %dma_wait3A_48 : memref<1x400x64xf32, #tpu.memory_space<vmem>> -> memref<400x64xf32, #tpu.memory_space<vmem>>
    tpu.wait_dma2 semaphore(%dma_wait3A_42 : memref<!tpu.dma_semaphore, #tpu.memory_space<semaphore_mem>>) src(%dma_wait3A_49 : memref<400x64xf32, #tpu.memory_space<vmem>>) dst(%dma_wait3A_45 : memref<400x64xf32, #tpu.memory_space<hbm>>)
    %dma_wait3A_50 = arith.constant 3 : i32
    %dma_wait3A_51 = arith.constant 3 : i32
    %dma_wait3A_52 = arith.constant 0 : i32
    %dma_wait3A_53 = arith.constant 0 : i32
    %dma_wait3A_54 = tpu.memref_slice %arg6[%dma_wait3A_50, %dma_wait3A_52, %dma_wait3A_53] : memref<4x400x64xf32, #tpu.memory_space<vmem>> -> memref<1x400x64xf32, #tpu.memory_space<vmem>>
    %dma_wait3A_55 = tpu.memref_squeeze %dma_wait3A_54 : memref<1x400x64xf32, #tpu.memory_space<vmem>> -> memref<400x64xf32, #tpu.memory_space<vmem>>
    %dma_wait3A_56 = arith.constant 0 : i32
    %dma_wait3A_57 = arith.constant 0 : i32
    %dma_wait3A_58 = tpu.memref_slice %arg4[%dma_wait3A_56, %dma_wait3A_57] : memref<819200x64xf32, #tpu.memory_space<hbm>> -> memref<400x64xf32, #tpu.memory_space<hbm>>
    %dma_wait3A_59 = tpu.memref_slice %arg8[%dma_wait3A_51] : memref<4x!tpu.dma_semaphore, #tpu.memory_space<semaphore_mem>> -> memref<1x!tpu.dma_semaphore, #tpu.memory_space<semaphore_mem>>
    %dma_wait3A_60 = tpu.memref_squeeze %dma_wait3A_59 : memref<1x!tpu.dma_semaphore, #tpu.memory_space<semaphore_mem>> -> memref<!tpu.dma_semaphore, #tpu.memory_space<semaphore_mem>>
    %dma_wait3A_61 = arith.constant 0 : i32
    %dma_wait3A_62 = arith.constant 0 : i32
    %dma_wait3A_63 = tpu.memref_slice %arg4[%dma_wait3A_61, %dma_wait3A_62] : memref<819200x64xf32, #tpu.memory_space<hbm>> -> memref<400x64xf32, #tpu.memory_space<hbm>>
    %dma_wait3A_64 = arith.constant 0 : i32
    %dma_wait3A_65 = arith.constant 0 : i32
    %dma_wait3A_66 = tpu.memref_slice %arg6[%dma_wait3A_50, %dma_wait3A_64, %dma_wait3A_65] : memref<4x400x64xf32, #tpu.memory_space<vmem>> -> memref<1x400x64xf32, #tpu.memory_space<vmem>>
    %dma_wait3A_67 = tpu.memref_squeeze %dma_wait3A_66 : memref<1x400x64xf32, #tpu.memory_space<vmem>> -> memref<400x64xf32, #tpu.memory_space<vmem>>
    tpu.wait_dma2 semaphore(%dma_wait3A_60 : memref<!tpu.dma_semaphore, #tpu.memory_space<semaphore_mem>>) src(%dma_wait3A_67 : memref<400x64xf32, #tpu.memory_space<vmem>>) dst(%dma_wait3A_63 : memref<400x64xf32, #tpu.memory_space<hbm>>)
    return
  }
}

</mosaic_0001>

<sc_bundles>
// kernel: kernel.3.cloned.1.call-start
scs
__scs_entry_jumppad:
0x0: {  	(pc) =	sbr.rel $0x88, $3  }
0x1: {  	(tag) =	ssettag $0x0;
	lr =	simm.s32 $0x1  }
0x2: {  	[smem:$0x3F9F] =	sst lr;
	_ =	strace $0xD0000000  }
0x3: {  	_ = 	snop  }
0x4: {  	_ = 	snop  }
0x5: {  	_ = 	snop  }
0x6: {  	_ = 	snop  }
0x7: {  	_ = 	snop  }
__scs_overlays_trampoline_lowered:
0x8: {  	[smem:$0x3FAE] =	sst s0  }
0x9: {  	[smem:$0x3FAF] =	sst s1  }
0xa: {  	[smem:$0x3FB0] =	sst s2  }
0xb: {  	[smem:$0x3FB1] =	sst s3  }
0xc: {  	[smem:$0x3FB2] =	sst s4  }
0xd: {  	[smem:$0x3FB3] =	sst s5  }
0xe: {  	[smem:$0x3FB4] =	sst s6  }
0xf: {  	[smem:$0x3FB5] =	sst s7  }
0x10: {  	[smem:$0x3FB6] =	sst s8  }
0x11: {  	[smem:$0x3FB7] =	sst s9;
	s0 =	simm.s32 @!p0 $0x0  }
0x12: {  	s1 =	sld [smem:$0x3F9D];
	s0 =	simm.s32 @p0 $0x1  }
0x13: {  	[smem:$0x3FB8] =	sst s0;
	s0 =	simm.s32 @!p1 $0x0  }
0x14: {  	s2 =	sld [smem:$0x3F9C];
	s0 =	simm.s32 @p1 $0x1  }
0x15: {  	[smem:$0x3FB9] =	sst s0;
	s0 =	simm.s32 @!p2 $0x0  }
0x16: {  	s3 =	sld [smem:$0x3FDB];
	s0 =	simm.s32 @p2 $0x1  }
0x17: {  	s4 =	simm.s32 $0x1BF5;
	[smem:$0x3FBB] =	sst s0  }
0x18: {  	s0 =	sld [smem:$0x3F9E];
	_ =	swait.ge [sflag:s4], $0x0  }
0x19: {  	s7 =	sld [smem:$0x3F9F]  }
0x1a: {  	s8 =	sadd.s32 $0xFFFFE003, lr  }
0x1b: {  	s9 =	sadd.s32 $0xFFFFFEF7, lr;
	s5 =	simm.s32 $0xFFFFFFFF;
	p2 =	slt.u32 s8, $0xFFFFF086  }
0x1c: {  	p1 =	slt.u32 s9, $0xF7A;
	s5 =	simm.s32 @!p2 $0x0  }
0x1d: {  	s5 =	simm.s32 @p1 $0x1;
	p0 =	seq.s32 s7, s2  }
0x1e: {  	s7 =	smul.u32 @!p0 $0xF7A, s2;
	p2 =	seq.s32 @!p0 s5, $0x0  }
0x1f: {  	s9 =	smul.u32 $0xF7A, s1;
	s8 =	simm.s32 @!p0 $0x1BF5;
	p2 =	por !p2, p0  }
0x20: {  	[sflag:s8] =	ssyncset.s32 @!p0 $0xFFFFF086;
	s6 =	sadd.s32 @!p0 s3, s7;
	s7 =	simm.s32 @!p0 $0x108  }
0x21: {  	s3 =	sadd.s32 s3, s9;
	s6 =	sadd.s32 @!p0 $0x88, s6;
	s7 =	simm.s32 @p2 $0x1082  }
0x22: {  	[simem:s7], [sflag:s8] =	dma.local @!p0 [hbm:s6], $0xF7A  }
0x23: {  	s9 =	sor.u32 $0xD0000000, s2;
	s6 =	simm.s32 $0x108;
	_ =	swait.ge @!p0 [sflag:s8], $0x0  }
0x24: {  	s3 =	sadd.s32 $0x88, s3;
	s6 =	simm.s32 @!p1 $0x1082;
	[sflag:s4] =	ssyncset.s32 $0xFFFFF086  }
0x25: {  	[simem:s6], [sflag:s4] =	dma.local [hbm:s3], $0xF7A  }
0x26: {  	[smem:$0x3F9F] =	sst s1;
	(tag) =	ssettag s2;
	_ =	strace s9  }
0x27: {  	s1 =	sld [smem:$0x3FAF]  }
0x28: {  	s2 =	sld [smem:$0x3FB0]  }
0x29: {  	s4 =	sld [smem:$0x3FB2]  }
0x2a: {  	p0 =	seq.s32 s5, $0x0;
	s5 =	sld [smem:$0x3FB3]  }
0x2b: {  	s6 =	sld [smem:$0x3FB4]  }
0x2c: {  	s7 =	sld [smem:$0x3FB5]  }
0x2d: {  	s3 =	simm.s32 $0x108;
	s8 =	sld [smem:$0x3FB6]  }
0x2e: {  	s3 =	simm.s32 @!p0 $0x1082;
	s9 =	sld [smem:$0x3FB7]  }
0x2f: {  	lr =	sadd.s32 s0, s3;
	s0 =	sld [smem:$0x3FAE]  }
0x30: {  	s3 =	sld [smem:$0x3FB1]  }
0x31: {  	[smem:$0x3FBA] =	sst s10  }
0x32: {  	s10 =	sld [smem:$0x3FB8];
	_ =	sdelay $0x3  }
0x33: {  	p0 =	seq.s32 s10, $0x1;
	s10 =	sld [smem:$0x3FBA];
	_ =	sdelay $0x3  }
0x34: {  	[smem:$0x3FBA] =	sst s10  }
0x35: {  	s10 =	sld [smem:$0x3FB9];
	_ =	sdelay $0x3  }
0x36: {  	p1 =	seq.s32 s10, $0x1;
	s10 =	sld [smem:$0x3FBA];
	_ =	sdelay $0x3  }
0x37: {  	[smem:$0x3FBA] =	sst s10  }
0x38: {  	s10 =	sld [smem:$0x3FBB]  }
0x39: {  	_ = 	snop;
	(pc) =	sbr.ind lr, $3  }
0x3a: {  	_ = 	snop  }
0x3b: {  	_ = 	snop  }
0x3c: {  	p2 =	seq.s32 s10, $0x1;
	s10 =	sld [smem:$0x3FBA]  }
0x3d: {  	_ =	shalt  }
0x3e: {  	_ =	shalt  }
0x3f: {  	_ =	shalt  }
0x40: {  	_ =	shalt  }
0x41: {  	_ =	shalt  }
0x42: {  	_ =	shalt  }
0x43: {  	_ =	shalt  }
0x44: {  	_ =	shalt  }
0x45: {  	_ =	shalt  }
0x46: {  	_ =	shalt  }
0x47: {  	_ =	shalt  }
0x48: {  	_ =	shalt  }
0x49: {  	_ =	shalt  }
0x4a: {  	_ =	shalt  }
0x4b: {  	_ =	shalt  }
0x4c: {  	_ =	shalt  }
0x4d: {  	_ =	shalt  }
0x4e: {  	_ =	shalt  }
0x4f: {  	_ =	shalt  }
0x50: {  	_ =	shalt  }
0x51: {  	_ =	shalt  }
0x52: {  	_ =	shalt  }
0x53: {  	_ =	shalt  }
0x54: {  	_ =	shalt  }
0x55: {  	_ =	shalt  }
0x56: {  	_ =	shalt  }
0x57: {  	_ =	shalt  }
0x58: {  	_ =	shalt  }
0x59: {  	_ =	shalt  }
0x5a: {  	_ =	shalt  }
0x5b: {  	_ =	shalt  }
0x5c: {  	_ =	shalt  }
0x5d: {  	_ =	shalt  }
0x5e: {  	_ =	shalt  }
0x5f: {  	_ =	shalt  }
0x60: {  	_ =	shalt  }
0x61: {  	_ =	shalt  }
0x62: {  	_ =	shalt  }
0x63: {  	_ =	shalt  }
0x64: {  	_ =	shalt  }
0x65: {  	_ =	shalt  }
0x66: {  	_ =	shalt  }
0x67: {  	_ =	shalt  }
0x68: {  	_ =	shalt  }
0x69: {  	_ =	shalt  }
0x6a: {  	_ =	shalt  }
0x6b: {  	_ =	shalt  }
0x6c: {  	_ =	shalt  }
0x6d: {  	_ =	shalt  }
0x6e: {  	_ =	shalt  }
0x6f: {  	_ =	shalt  }
0x70: {  	_ =	shalt  }
0x71: {  	_ =	shalt  }
0x72: {  	_ =	shalt  }
0x73: {  	_ =	shalt  }
0x74: {  	_ =	shalt  }
0x75: {  	_ =	shalt  }
0x76: {  	_ =	shalt  }
0x77: {  	_ =	shalt  }
0x78: {  	_ =	shalt  }
0x79: {  	_ =	shalt  }
0x7a: {  	_ =	shalt  }
0x7b: {  	_ =	shalt  }
0x7c: {  	_ =	shalt  }
0x7d: {  	_ =	shalt  }
0x7e: {  	_ =	shalt  }
0x7f: {  	_ =	shalt  }
0x80: {  	_ =	shalt  }
0x81: {  	_ =	shalt  }
0x82: {  	_ =	shalt  }
0x83: {  	_ =	shalt  }
0x84: {  	_ =	shalt  }
0x85: {  	_ =	shalt  }
0x86: {  	_ =	shalt  }
0x87: {  	_ =	shalt  }
.Lfunc_end0:
.L_simem_size_0:
called_computation.1_lowered:
.L_overlay_start_0:
0x88: {  	s2 =	sld [smem:$0x3FD9]  }
0x89: {  	s3 =	sld [smem:$0x3FFE];
	_ =	sdelay $0x1  }
0x8a: {  	s1 =	srdreg.scid  }
0x8b: {  	s0 =	sand.u32 $0x1, s1  }
0x8c: {  	s17 =	sshll.u32 s0, $0xA;
	s2 =	sadd.s32 s3, s2  }
0x8d: {  	s2 =	sadd.s32 s2, s17  }
0x8e: {  	[smem:$0x3FC6] =	sst s2  }
0x8f: {  	_ = 	snop  }
0x90: {  	s2 =	sld [smem:$0x3FD0];
	(tm) =	ssettm $0x1  }
0x91: {  	s18 =	sld [smem:$0x3FFB];
	_ =	sdelay $0x3  }
0x92: {  	_ =	strace s18  }
0x93: {  	s3 =	sld [smem:$0x3FFC];
	_ =	sdelay $0x3  }
0x94: {  	_ =	strace s3  }
0x95: {  	s3 =	sld [smem:$0x3FFD];
	_ =	sdelay $0x3  }
0x96: {  	_ =	strace s3  }
0x97: {  	_ =	strace $0x8FFFFFFF  }
0x98: {  	s19 =	sld [smem:$0x3FDB];
	_ =	sdelay $0x1  }
0x99: {  	s4 =	simm.s32 $_scs_section_size  }
0x9a: {  	s5 =	simm.s32 $_size__tile_overlayer_lowered;
	s6 =	simm.s32 $_tile_overlayer_lowered  }
0x9b: {  	s22 =	simm.s32 $0x1BFF;
	s21 =	sshll.u32 s6, $0x1;
	s3 =	sadd.s32 s4, s19  }
0x9c: {  	s7 =	simm.s32 $0x0;
	s20 =	sshll.u32 s5, $0x1;
	s5 =	sadd.s32 s21, s3  }
0x9d: {  	[timem:s7], [sflag:s22] =	dma.local [hbm:s5], s20  }
0x9e: {  	_ =	swait.ge [sflag:s22], s20  }
0x9f: {  	s4 =	ssub.s32 $0x0, s20;
	[sflag:s22] =	ssyncset.done $0x0  }
0xa0: {  	[sflag:s22] =	ssyncadd.s32 s4;
	_ =	sdelay $0x1  }
0xa1: {  	s23 =	simm.s32 $0x1B8B  }
0xa2: {  	_ =	swait.ge [sflag:s23], $0x1  }
0xa3: {  	[sflag:s23] =	ssyncset.done $0x0  }
0xa4: {  	s25 =	simm.s32 $0x1B8E;
	s24 =	sld [smem:$0x3FFE];
	[sflag:s23] =	ssyncadd.s32 $0xFFFFFFFF  }
0xa5: {  	s26 =	simm.s32 $execute0_lowered;
	[smem:$0x3FD2] =	sst s25  }
0xa6: {  	s5 =	sshll.u32 s26, $0x1;
	_ =	strace $0x80000046;
	[dreg:$0x1] =	wrdreg $0xFFFFFFFF  }
0xa7: {  	s28 =	simm.s32 $_size_execute0_lowered;
	s3 =	sadd.s32 s3, s5;
	[dreg:$0x0] =	wrdreg $0x0  }
0xa8: {  	s5 =	sshll.u32 s28, $0x1;
	[dreg:$0x2] =	wrdreg s3  }
0xa9: {  	[dreg:$0x3] =	wrdreg s5  }
0xaa: {  	[dreg:$0x4] =	wrdreg $0xC0  }
0xab: {  	_ =	task [dreg:s7], $0x5FFFF  }
0xac: {  	[dreg:$0x1] =	wrdreg $0xFFFFFFFF  }
0xad: {  	[dreg:$0x0] =	wrdreg $0x60  }
0xae: {  	[dreg:$0x2] =	wrdreg s24  }
0xaf: {  	[dreg:$0x3] =	wrdreg s2  }
0xb0: {  	[dreg:$0x4] =	wrdreg $0x9  }
0xb1: {  	_ =	task.clear_ibuf [dreg:s7], $0x5FFFF;
	_ =	strace $0x90000046  }
0xb2: {  	s29 =	simm.s32 $0x9;
	_ =	strace $0x80000048  }
0xb3: {  	_ =	swait.ge [sflag:s29], $0x1  }
0xb4: {  	[sflag:s29] =	ssyncadd.s32 $0xFFFFFFFF  }
0xb5: {  	_ =	strace $0x90000048  }
0xb6: {  	_ =	sfence  }
0xb7: {  	s30 =	sld [smem:$0x0];
	_ =	sdelay $0x2  }
0xb8: {  	s31 =	sshll.u32 s1, $0xD;
	s1 =	sshrl.u32 s1, $0x2  }
0xb9: {  	s3 =	sand.u32 $0x4000, s31;
	s1 =	sadd.s32 s1, s30  }
0xba: {  	s0 =	sor.u32 s3, s0;
	s1 =	sshll.u32 s1, $0x11  }
0xbb: {  	s0 =	sor.u32 s1, s0  }
0xbc: {  	s0 =	sadd.s32 $0x8F2B, s0  }
0xbd: {  	[sflag:s0] =	ssyncadd.remote.s32 $0x1  }
0xbe: {  	_ =	sfence.sel $0xFFFF  }
0xbf: {  	[dreg:$0x0] =	wrdreg $0xFFFFFFFF;
	(pc) =	sbr.abs _section_cstart, $3  }
0xc0: {  	[dreg:$0x1] =	wrdreg $0xFFFFFFFF  }
0xc1: {  	_ =	task.clear_ibuf [dreg:s7], $0x2FFFF;
	_ =	strace $0x9FFFFFFF  }
0xc2: {  	(tm) =	ssettm $0x7FFFFFFF  }
0xc3: {  	_ =	shalt  }
tec
execute0_lowered:
.L_overlay_start_1:
0x0: {  	(tag) =	ssettag $0x1  }
0x1: {  	s1 =	srdreg.scid  }
0x2: {  	s0 =	stileid.u32;
	s5 =	rddreg [dreg:$0x0]  }
0x3: {  	s2 =	rddreg [dreg:$0x1];
	s3 =	simm.s32 $0x0;
	s9 =	simm.s32 $0x9  }
0x4: {  	s10 =	simm.s32 $0x190;
	s11 =	simm.s32 $0x6400;
	s12 =	simm.s32 $0xC800  }
0x5: {  	s13 =	simm.s32 $0x12C00;
	s14 =	simm.s32 $0x1;
	s15 =	simm.s32 $0x19000  }
0x6: {  	s16 =	simm.s32 $0x2;
	s17 =	simm.s32 $0x5;
	s18 =	simm.s32 $0x3  }
0x7: {  	s19 =	simm.s32 $0x6;
	s6 =	sand.u32 $0x1, s1;
	s31 =	sshll.u32 s0, $0x1  }
0x8: {  	s20 =	simm.s32 $0x4;
	s21 =	simm.s32 $0x7;
	s4 =	sor.u32 s6, s31  }
0x9: {  	s22 =	simm.s32 $0x8;
	s6 =	ssub.s32 $0x2, s6;
	s4 =	smul.u32 $0x6400, s4  }
0xa: {  	s23 =	simm.s32 $0x0;
	s1 =	rddreg [dreg:$0x2];
	s8 =	sshrl.u32 s6, $0x1  }
0xb: {  	[smem:$0x7FF] =	sst s3;
	s8 =	ssub.s32 s6, s8;
	s7 =	sshrl.u32 s4, $0x3  }
0xc: {  	_ =	strace $0x80000047;
	s8 =	smax.u32 s8, $0x1;
	s7 =	sadd.s32 s7, s5  }
0xd: {  	s5 =	sadd.s32 $0xF42E00, s5;
	s6 =	sadd.s32 $0xA00, s7;
	s7 =	sor.u32 $0x190, s4  }
.LBB2_1:
0xe: {  	[tilespmem:s3], [sflag:$0x9] =	stream.linear.gather [hbm4b:s6+s3], $0x6400, $0x38;
	[tilespmem:$0x1F400] =	vst v63  }
0xf: {  	_ =	swait.ge [sflag:s9], $0x6400  }
0x10: {  	[sflag:s9] =	ssyncset.done $0x0  }
0x11: {  	[sflag:s9] =	ssyncadd.s32 $0xFFFF9C00  }
0x12: {  	[tilespmem:s11], [sflag:$0x1] =	stream.indirect.gather [hbm4b:s5+s10], $0x40, s3, s10, $0xb8;
	[tilespmem:$0x1F400] =	vst v63  }
0x13: {  	s24 =	simm.s32 $0x0  }
0x14: {  	[tilespmem:s12], [sflag:$0x2] =	stream.indirect.gather [hbm4b:s5+s10], $0x40, s10, s10, $0xb8;
	[tilespmem:$0x1F400] =	vst v63  }
.LBB2_2:
0x15: {  	s26 =	sshll.u32 s24, $0x2;
	p0 =	seq.s32 s24, $0x0  }
0x16: {  	s28 =	simm.s32 @!p0 $0x7;
	s25 =	sor.u32 $0x2, s26  }
0x17: {  	_ =	swait.ge @!p0 [sflag:s28], $0x6400;
	s29 =	smul.u32 $0x640, s25  }
0x18: {  	[sflag:s28] =	ssyncset.done @!p0 $0x0  }
0x19: {  	[sflag:s28] =	ssyncadd.s32 @!p0 $0xFFFF9C00;
	s28 =	sshra.s32 s29, $0x2  }
0x1a: {  	[tilespmem:s13], [sflag:$0x3] =	stream.indirect.gather [hbm4b:s5+s10], $0x40, s28, s10, $0xb8;
	[tilespmem:$0x1F400] =	vst v63  }
0x1b: {  	_ =	swait.ge [sflag:s14], $0x6400  }
0x1c: {  	[sflag:s14] =	ssyncset.done $0x0  }
0x1d: {  	s29 =	simm.s32 $0x0;
	[sflag:s14] =	ssyncadd.s32 $0xFFFF9C00  }
0x1e: {  	v0 =	vld [tilespmem:s29+$0x6400]  }
0x1f: {  	v1 =	vld [tilespmem:s29+$0x6410]  }
0x20: {  	v2 =	vld [tilespmem:s29+$0x6420]  }
0x21: {  	v3 =	vld [tilespmem:s29+$0x6430]  }
0x22: {  	v4 =	vld [tilespmem:s29+$0x6440]  }
0x23: {  	v5 =	vld [tilespmem:s29+$0x6450];
	v0 =	vmul.f32 $8.000000000e+00, v0  }
0x24: {  	v6 =	vld [tilespmem:s29+$0x6460];
	v1 =	vmul.f32 $8.000000000e+00, v1  }
0x25: {  	v2 =	vmul.f32 $8.000000000e+00, v2;
	[tilespmem:s29+$0x6400] =	vst v0;
	v0 =	vld [tilespmem:s29+$0x6470]  }
0x26: {  	v3 =	vmul.f32 $8.000000000e+00, v3;
	[tilespmem:s29+$0x6410] =	vst v1;
	v1 =	vld [tilespmem:s29+$0x6480]  }
0x27: {  	v4 =	vmul.f32 $8.000000000e+00, v4;
	[tilespmem:s29+$0x6420] =	vst v2;
	v2 =	vld [tilespmem:s29+$0x6490]  }
0x28: {  	v5 =	vmul.f32 $8.000000000e+00, v5;
	[tilespmem:s29+$0x6430] =	vst v3;
	v3 =	vld [tilespmem:s29+$0x64A0]  }
0x29: {  	v6 =	vmul.f32 $8.000000000e+00, v6;
	[tilespmem:s29+$0x6440] =	vst v4;
	v4 =	vld [tilespmem:s29+$0x64B0]  }
0x2a: {  	[tilespmem:s29+$0x6450] =	vst v5;
	v5 =	vld [tilespmem:s29+$0x64C0];
	v0 =	vmul.f32 $8.000000000e+00, v0  }
0x2b: {  	[tilespmem:s29+$0x6460] =	vst v6;
	v6 =	vld [tilespmem:s29+$0x64D0];
	v1 =	vmul.f32 $8.000000000e+00, v1  }
0x2c: {  	v2 =	vmul.f32 $8.000000000e+00, v2;
	[tilespmem:s29+$0x6470] =	vst v0;
	v0 =	vld [tilespmem:s29+$0x64E0]  }
0x2d: {  	v3 =	vmul.f32 $8.000000000e+00, v3;
	[tilespmem:s29+$0x6480] =	vst v1;
	v1 =	vld [tilespmem:s29+$0x64F0]  }
0x2e: {  	v4 =	vmul.f32 $8.000000000e+00, v4;
	[tilespmem:s29+$0x6490] =	vst v2;
	v2 =	vld [tilespmem:s29+$0x6500]  }
0x2f: {  	v5 =	vmul.f32 $8.000000000e+00, v5;
	[tilespmem:s29+$0x64A0] =	vst v3;
	v3 =	vld [tilespmem:s29+$0x6510]  }
0x30: {  	v6 =	vmul.f32 $8.000000000e+00, v6;
	[tilespmem:s29+$0x64B0] =	vst v4;
	v4 =	vld [tilespmem:s29+$0x6520]  }
0x31: {  	[tilespmem:s29+$0x64C0] =	vst v5;
	v5 =	vld [tilespmem:s29+$0x6530];
	v0 =	vmul.f32 $8.000000000e+00, v0  }
0x32: {  	[tilespmem:s29+$0x64D0] =	vst v6;
	v6 =	vld [tilespmem:s29+$0x6540]  }
0x33: {  	v1 =	vmul.f32 $8.000000000e+00, v1;
	[tilespmem:s29+$0x64E0] =	vst v0;
	v0 =	vld [tilespmem:s29+$0x6550]  }
0x34: {  	v2 =	vmul.f32 $8.000000000e+00, v2  }
0x35: {  	[tilespmem:s29+$0x64F0] =	vst v1;
	v1 =	vmul.f32 $8.000000000e+00, v3;
	v3 =	vld [tilespmem:s29+$0x6570]  }
0x36: {  	v7 =	vld [tilespmem:s29+$0x6560];
	[tilespmem:s29+$0x6500] =	vst v2;
	v2 =	vmul.f32 $8.000000000e+00, v4  }
0x37: {  	v4 =	vld [tilespmem:s29+$0x6580];
	[tilespmem:s29+$0x6510] =	vst v1;
	v1 =	vmul.f32 $8.000000000e+00, v5  }
0x38: {  	[tilespmem:s29+$0x6520] =	vst v2;
	v5 =	vld [tilespmem:s29+$0x6590];
	v2 =	vmul.f32 $8.000000000e+00, v6;
	v6 =	vmul.f32 $8.000000000e+00, v0  }
0x39: {  	[tilespmem:s29+$0x6530] =	vst v1;
	v1 =	vld [tilespmem:s29+$0x65A0]  }
0x3a: {  	v0 =	vld [tilespmem:s29+$0x65B0];
	[tilespmem:s29+$0x6550] =	vst v6;
	v6 =	vmul.f32 $8.000000000e+00, v3  }
0x3b: {  	v7 =	vmul.f32 $8.000000000e+00, v7;
	[tilespmem:s29+$0x6540] =	vst v2;
	v2 =	vld [tilespmem:s29+$0x65C0]  }
0x3c: {  	v3 =	vld [tilespmem:s29+$0x65D0];
	[tilespmem:s29+$0x6570] =	vst v6;
	v6 =	vmul.f32 $8.000000000e+00, v4  }
0x3d: {  	s28 =	simm.s32 $0x800;
	[tilespmem:s29+$0x6560] =	vst v7;
	v5 =	vmul.f32 $8.000000000e+00, v5;
	v4 =	vld [tilespmem:s29+$0x65E0]  }
.LBB2_3:
0x3e: {  	s30 =	sshra.s32 s28, $0x2;
	p1 =	sne.s32 s28, $0x18800;
	[tilespmem:s29+$0x6580] =	vst v6;
	v1 =	vmul.f32 $8.000000000e+00, v1;
	v6 =	vld [tilespmem:s29+$0x65F0]  }
0x3f: {  	v7 =	vld [tilespmem:s30+$0x6400];
	[tilespmem:s29+$0x6590] =	vst v5;
	v0 =	vmul.f32 $8.000000000e+00, v0  }
0x40: {  	v5 =	vld [tilespmem:s30+$0x6410];
	[tilespmem:s29+$0x65A0] =	vst v1;
	v1 =	vmul.f32 $8.000000000e+00, v2  }
0x41: {  	v2 =	vld [tilespmem:s30+$0x6420];
	[tilespmem:s29+$0x65B0] =	vst v0;
	v0 =	vmul.f32 $8.000000000e+00, v3  }
0x42: {  	v3 =	vld [tilespmem:s30+$0x6430];
	[tilespmem:s29+$0x65C0] =	vst v1;
	v1 =	vmul.f32 $8.000000000e+00, v4  }
0x43: {  	v4 =	vld [tilespmem:s30+$0x6440];
	[tilespmem:s29+$0x65D0] =	vst v0;
	v0 =	vmul.f32 $8.000000000e+00, v6  }
0x44: {  	v6 =	vmul.f32 $8.000000000e+00, v7;
	v7 =	vld [tilespmem:s30+$0x6450];
	[tilespmem:s29+$0x65E0] =	vst v1  }
0x45: {  	v1 =	vmul.f32 $8.000000000e+00, v5;
	v5 =	vld [tilespmem:s30+$0x6460];
	[tilespmem:s29+$0x65F0] =	vst v0;
	s29 =	smov.u32 s30  }
0x46: {  	[tilespmem:s29+$0x6400] =	vst v6;
	v0 =	vmul.f32 $8.000000000e+00, v2;
	v2 =	vld [tilespmem:s29+$0x6470]  }
0x47: {  	[tilespmem:s29+$0x6410] =	vst v1;
	v1 =	vmul.f32 $8.000000000e+00, v3;
	v3 =	vld [tilespmem:s29+$0x6480]  }
0x48: {  	[tilespmem:s29+$0x6420] =	vst v0;
	v0 =	vmul.f32 $8.000000000e+00, v4;
	v4 =	vld [tilespmem:s29+$0x6490]  }
0x49: {  	[tilespmem:s29+$0x6430] =	vst v1;
	v1 =	vmul.f32 $8.000000000e+00, v7;
	v6 =	vld [tilespmem:s29+$0x64A0]  }
0x4a: {  	[tilespmem:s29+$0x6440] =	vst v0;
	v0 =	vmul.f32 $8.000000000e+00, v5;
	v5 =	vld [tilespmem:s29+$0x64B0]  }
0x4b: {  	[tilespmem:s29+$0x6450] =	vst v1;
	v1 =	vmul.f32 $8.000000000e+00, v2;
	v2 =	vld [tilespmem:s29+$0x64C0]  }
0x4c: {  	[tilespmem:s29+$0x6460] =	vst v0;
	v0 =	vmul.f32 $8.000000000e+00, v3;
	v3 =	vld [tilespmem:s29+$0x64D0]  }
0x4d: {  	[tilespmem:s29+$0x6470] =	vst v1;
	v1 =	vmul.f32 $8.000000000e+00, v4;
	v4 =	vld [tilespmem:s29+$0x64E0]  }
0x4e: {  	[tilespmem:s29+$0x6480] =	vst v0;
	v0 =	vmul.f32 $8.000000000e+00, v6;
	v6 =	vld [tilespmem:s29+$0x64F0]  }
0x4f: {  	[tilespmem:s29+$0x6490] =	vst v1;
	v1 =	vmul.f32 $8.000000000e+00, v5;
	v5 =	vld [tilespmem:s29+$0x6500]  }
0x50: {  	[tilespmem:s29+$0x64A0] =	vst v0;
	v0 =	vmul.f32 $8.000000000e+00, v2;
	v2 =	vld [tilespmem:s29+$0x6510]  }
0x51: {  	[tilespmem:s29+$0x64B0] =	vst v1;
	v1 =	vmul.f32 $8.000000000e+00, v3;
	v3 =	vld [tilespmem:s29+$0x6520]  }
0x52: {  	[tilespmem:s29+$0x64C0] =	vst v0;
	v0 =	vmul.f32 $8.000000000e+00, v4;
	v4 =	vld [tilespmem:s29+$0x6530]  }
0x53: {  	[tilespmem:s29+$0x64D0] =	vst v1;
	v1 =	vmul.f32 $8.000000000e+00, v6;
	v6 =	vld [tilespmem:s29+$0x6540]  }
0x54: {  	[tilespmem:s29+$0x64E0] =	vst v0;
	v0 =	vmul.f32 $8.000000000e+00, v5;
	v5 =	vld [tilespmem:s29+$0x6550]  }
0x55: {  	[tilespmem:s29+$0x64F0] =	vst v1;
	v1 =	vmul.f32 $8.000000000e+00, v2;
	v2 =	vld [tilespmem:s29+$0x6560]  }
0x56: {  	[tilespmem:s29+$0x6500] =	vst v0;
	v0 =	vmul.f32 $8.000000000e+00, v3;
	v3 =	vld [tilespmem:s29+$0x6570]  }
0x57: {  	[tilespmem:s29+$0x6510] =	vst v1;
	v1 =	vmul.f32 $8.000000000e+00, v4;
	v4 =	vld [tilespmem:s29+$0x6580]  }
0x58: {  	[tilespmem:s29+$0x6520] =	vst v0;
	v0 =	vmul.f32 $8.000000000e+00, v6;
	v7 =	vld [tilespmem:s29+$0x6590]  }
.Ltmp0:
0x59: {  	[tilespmem:s29+$0x6530] =	vst v1;
	v5 =	vmul.f32 $8.000000000e+00, v5;
	v1 =	vld [tilespmem:s29+$0x65A0];
	(pc) =	sbr.rel @p1 .LBB2_3-.Ltmp0, $4  }
0x5a: {  	[tilespmem:s29+$0x6540] =	vst v0;
	v6 =	vmul.f32 $8.000000000e+00, v2;
	v0 =	vld [tilespmem:s29+$0x65B0]  }
0x5b: {  	[tilespmem:s29+$0x6550] =	vst v5;
	v5 =	vmul.f32 $8.000000000e+00, v3;
	v2 =	vld [tilespmem:s29+$0x65C0]  }
0x5c: {  	[tilespmem:s29+$0x6560] =	vst v6;
	v6 =	vmul.f32 $8.000000000e+00, v4;
	v3 =	vld [tilespmem:s29+$0x65D0]  }
0x5d: {  	s28 =	sadd.s32 $0x800, s28;
	[tilespmem:s29+$0x6570] =	vst v5;
	v5 =	vmul.f32 $8.000000000e+00, v7;
	v4 =	vld [tilespmem:s29+$0x65E0]  }
0x5e: {  	[tilespmem:s29+$0x6580] =	vst v6;
	v1 =	vmul.f32 $8.000000000e+00, v1;
	v6 =	vld [tilespmem:s29+$0x65F0]  }
0x5f: {  	[tilespmem:s29+$0x6590] =	vst v5;
	v0 =	vmul.f32 $8.000000000e+00, v0  }
0x60: {  	[tilespmem:s29+$0x65A0] =	vst v1;
	v1 =	vmul.f32 $8.000000000e+00, v2  }
0x61: {  	s28 =	smul.u32 $0x640, s24;
	[tilespmem:s29+$0x65B0] =	vst v0;
	v0 =	vmul.f32 $8.000000000e+00, v3  }
0x62: {  	[tilespmem:s29+$0x65C0] =	vst v1;
	v1 =	vmul.f32 $8.000000000e+00, v4  }
0x63: {  	s30 =	sadd.s32 s4, s28;
	[tilespmem:s29+$0x65D0] =	vst v0;
	v0 =	vmul.f32 $8.000000000e+00, v6  }
0x64: {  	s30 =	sshll.u32 s30, $0x3;
	[tilespmem:s29+$0x65E0] =	vst v1  }
0x65: {  	[tilespmem:s29+$0x65F0] =	vst v0;
	s29 =	sadd.s32 s2, s30  }
0x66: {  	[hbm4b:s29+s3] =	stream.linear.scatter [tilespmem:s11], [sflag:$0x5], $0x6400, $0x38;
	[tilespmem:$0x1F400] =	vst v63  }
0x67: {  	s26 =	sor.u32 $0x3, s26;
	s29 =	simm.s32 @!p0 $0x8  }
0x68: {  	s30 =	smul.u32 $0x640, s26;
	_ =	swait.ge @!p0 [sflag:s29], $0x6400  }
0x69: {  	[sflag:s29] =	ssyncset.done @!p0 $0x0  }
0x6a: {  	[sflag:s29] =	ssyncadd.s32 @!p0 $0xFFFF9C00;
	s29 =	sshra.s32 s30, $0x2  }
0x6b: {  	[tilespmem:s15], [sflag:$0x4] =	stream.indirect.gather [hbm4b:s5+s10], $0x40, s29, s10, $0xb8;
	[tilespmem:$0x1F400] =	vst v63  }
0x6c: {  	_ =	swait.ge [sflag:s16], $0x6400  }
0x6d: {  	[sflag:s16] =	ssyncset.done $0x0  }
0x6e: {  	s29 =	simm.s32 $0x0;
	[sflag:s16] =	ssyncadd.s32 $0xFFFF9C00  }
0x6f: {  	v0 =	vld [tilespmem:s29+$0xC800]  }
0x70: {  	v1 =	vld [tilespmem:s29+$0xC810]  }
0x71: {  	v2 =	vld [tilespmem:s29+$0xC820]  }
0x72: {  	v3 =	vld [tilespmem:s29+$0xC830]  }
0x73: {  	v4 =	vld [tilespmem:s29+$0xC840]  }
0x74: {  	v5 =	vld [tilespmem:s29+$0xC850];
	v0 =	vmul.f32 $8.000000000e+00, v0  }
0x75: {  	v6 =	vld [tilespmem:s29+$0xC860];
	v1 =	vmul.f32 $8.000000000e+00, v1  }
0x76: {  	v2 =	vmul.f32 $8.000000000e+00, v2;
	[tilespmem:s29+$0xC800] =	vst v0;
	v0 =	vld [tilespmem:s29+$0xC870]  }
0x77: {  	v3 =	vmul.f32 $8.000000000e+00, v3;
	[tilespmem:s29+$0xC810] =	vst v1;
	v1 =	vld [tilespmem:s29+$0xC880]  }
0x78: {  	v4 =	vmul.f32 $8.000000000e+00, v4;
	[tilespmem:s29+$0xC820] =	vst v2;
	v2 =	vld [tilespmem:s29+$0xC890]  }
0x79: {  	v5 =	vmul.f32 $8.000000000e+00, v5;
	[tilespmem:s29+$0xC830] =	vst v3;
	v3 =	vld [tilespmem:s29+$0xC8A0]  }
0x7a: {  	v6 =	vmul.f32 $8.000000000e+00, v6;
	[tilespmem:s29+$0xC840] =	vst v4;
	v4 =	vld [tilespmem:s29+$0xC8B0]  }
0x7b: {  	[tilespmem:s29+$0xC850] =	vst v5;
	v5 =	vld [tilespmem:s29+$0xC8C0];
	v0 =	vmul.f32 $8.000000000e+00, v0  }
0x7c: {  	[tilespmem:s29+$0xC860] =	vst v6;
	v6 =	vld [tilespmem:s29+$0xC8D0];
	v1 =	vmul.f32 $8.000000000e+00, v1  }
0x7d: {  	v2 =	vmul.f32 $8.000000000e+00, v2;
	[tilespmem:s29+$0xC870] =	vst v0;
	v0 =	vld [tilespmem:s29+$0xC8E0]  }
0x7e: {  	v3 =	vmul.f32 $8.000000000e+00, v3;
	[tilespmem:s29+$0xC880] =	vst v1;
	v1 =	vld [tilespmem:s29+$0xC8F0]  }
0x7f: {  	v4 =	vmul.f32 $8.000000000e+00, v4;
	[tilespmem:s29+$0xC890] =	vst v2;
	v2 =	vld [tilespmem:s29+$0xC900]  }
0x80: {  	v5 =	vmul.f32 $8.000000000e+00, v5;
	[tilespmem:s29+$0xC8A0] =	vst v3;
	v3 =	vld [tilespmem:s29+$0xC910]  }
0x81: {  	v6 =	vmul.f32 $8.000000000e+00, v6;
	[tilespmem:s29+$0xC8B0] =	vst v4;
	v4 =	vld [tilespmem:s29+$0xC920]  }
0x82: {  	[tilespmem:s29+$0xC8C0] =	vst v5;
	v5 =	vld [tilespmem:s29+$0xC930];
	v0 =	vmul.f32 $8.000000000e+00, v0  }
0x83: {  	[tilespmem:s29+$0xC8D0] =	vst v6;
	v6 =	vld [tilespmem:s29+$0xC940]  }
0x84: {  	v1 =	vmul.f32 $8.000000000e+00, v1;
	[tilespmem:s29+$0xC8E0] =	vst v0;
	v0 =	vld [tilespmem:s29+$0xC950]  }
0x85: {  	v2 =	vmul.f32 $8.000000000e+00, v2  }
0x86: {  	[tilespmem:s29+$0xC8F0] =	vst v1;
	v1 =	vmul.f32 $8.000000000e+00, v3;
	v3 =	vld [tilespmem:s29+$0xC970]  }
0x87: {  	v7 =	vld [tilespmem:s29+$0xC960];
	[tilespmem:s29+$0xC900] =	vst v2;
	v2 =	vmul.f32 $8.000000000e+00, v4  }
0x88: {  	v4 =	vld [tilespmem:s29+$0xC980];
	[tilespmem:s29+$0xC910] =	vst v1;
	v1 =	vmul.f32 $8.000000000e+00, v5  }
0x89: {  	[tilespmem:s29+$0xC920] =	vst v2;
	v5 =	vld [tilespmem:s29+$0xC990];
	v2 =	vmul.f32 $8.000000000e+00, v6;
	v6 =	vmul.f32 $8.000000000e+00, v0  }
0x8a: {  	[tilespmem:s29+$0xC930] =	vst v1;
	v1 =	vld [tilespmem:s29+$0xC9A0]  }
0x8b: {  	v0 =	vld [tilespmem:s29+$0xC9B0];
	[tilespmem:s29+$0xC950] =	vst v6;
	v6 =	vmul.f32 $8.000000000e+00, v3  }
0x8c: {  	v7 =	vmul.f32 $8.000000000e+00, v7;
	[tilespmem:s29+$0xC940] =	vst v2;
	v2 =	vld [tilespmem:s29+$0xC9C0]  }
0x8d: {  	v3 =	vld [tilespmem:s29+$0xC9D0];
	[tilespmem:s29+$0xC970] =	vst v6;
	v6 =	vmul.f32 $8.000000000e+00, v4  }
0x8e: {  	s30 =	simm.s32 $0x800;
	[tilespmem:s29+$0xC960] =	vst v7;
	v5 =	vmul.f32 $8.000000000e+00, v5;
	v4 =	vld [tilespmem:s29+$0xC9E0]  }
.LBB2_5:
0x8f: {  	s31 =	sshra.s32 s30, $0x2;
	p0 =	sne.s32 s30, $0x18800;
	[tilespmem:s29+$0xC980] =	vst v6;
	v1 =	vmul.f32 $8.000000000e+00, v1;
	v6 =	vld [tilespmem:s29+$0xC9F0]  }
0x90: {  	v7 =	vld [tilespmem:s31+$0xC800];
	[tilespmem:s29+$0xC990] =	vst v5;
	v0 =	vmul.f32 $8.000000000e+00, v0  }
0x91: {  	v5 =	vld [tilespmem:s31+$0xC810];
	[tilespmem:s29+$0xC9A0] =	vst v1;
	v1 =	vmul.f32 $8.000000000e+00, v2  }
0x92: {  	v2 =	vld [tilespmem:s31+$0xC820];
	[tilespmem:s29+$0xC9B0] =	vst v0;
	v0 =	vmul.f32 $8.000000000e+00, v3  }
0x93: {  	v3 =	vld [tilespmem:s31+$0xC830];
	[tilespmem:s29+$0xC9C0] =	vst v1;
	v1 =	vmul.f32 $8.000000000e+00, v4  }
0x94: {  	v4 =	vld [tilespmem:s31+$0xC840];
	[tilespmem:s29+$0xC9D0] =	vst v0;
	v0 =	vmul.f32 $8.000000000e+00, v6  }
0x95: {  	v6 =	vmul.f32 $8.000000000e+00, v7;
	v7 =	vld [tilespmem:s31+$0xC850];
	[tilespmem:s29+$0xC9E0] =	vst v1  }
0x96: {  	v1 =	vmul.f32 $8.000000000e+00, v5;
	v5 =	vld [tilespmem:s31+$0xC860];
	[tilespmem:s29+$0xC9F0] =	vst v0;
	s29 =	smov.u32 s31  }
0x97: {  	[tilespmem:s29+$0xC800] =	vst v6;
	v0 =	vmul.f32 $8.000000000e+00, v2;
	v2 =	vld [tilespmem:s29+$0xC870]  }
0x98: {  	[tilespmem:s29+$0xC810] =	vst v1;
	v1 =	vmul.f32 $8.000000000e+00, v3;
	v3 =	vld [tilespmem:s29+$0xC880]  }
0x99: {  	[tilespmem:s29+$0xC820] =	vst v0;
	v0 =	vmul.f32 $8.000000000e+00, v4;
	v4 =	vld [tilespmem:s29+$0xC890]  }
0x9a: {  	[tilespmem:s29+$0xC830] =	vst v1;
	v1 =	vmul.f32 $8.000000000e+00, v7;
	v6 =	vld [tilespmem:s29+$0xC8A0]  }
0x9b: {  	[tilespmem:s29+$0xC840] =	vst v0;
	v0 =	vmul.f32 $8.000000000e+00, v5;
	v5 =	vld [tilespmem:s29+$0xC8B0]  }
0x9c: {  	[tilespmem:s29+$0xC850] =	vst v1;
	v1 =	vmul.f32 $8.000000000e+00, v2;
	v2 =	vld [tilespmem:s29+$0xC8C0]  }
0x9d: {  	[tilespmem:s29+$0xC860] =	vst v0;
	v0 =	vmul.f32 $8.000000000e+00, v3;
	v3 =	vld [tilespmem:s29+$0xC8D0]  }
0x9e: {  	[tilespmem:s29+$0xC870] =	vst v1;
	v1 =	vmul.f32 $8.000000000e+00, v4;
	v4 =	vld [tilespmem:s29+$0xC8E0]  }
0x9f: {  	[tilespmem:s29+$0xC880] =	vst v0;
	v0 =	vmul.f32 $8.000000000e+00, v6;
	v6 =	vld [tilespmem:s29+$0xC8F0]  }
0xa0: {  	[tilespmem:s29+$0xC890] =	vst v1;
	v1 =	vmul.f32 $8.000000000e+00, v5;
	v5 =	vld [tilespmem:s29+$0xC900]  }
0xa1: {  	[tilespmem:s29+$0xC8A0] =	vst v0;
	v0 =	vmul.f32 $8.000000000e+00, v2;
	v2 =	vld [tilespmem:s29+$0xC910]  }
0xa2: {  	[tilespmem:s29+$0xC8B0] =	vst v1;
	v1 =	vmul.f32 $8.000000000e+00, v3;
	v3 =	vld [tilespmem:s29+$0xC920]  }
0xa3: {  	[tilespmem:s29+$0xC8C0] =	vst v0;
	v0 =	vmul.f32 $8.000000000e+00, v4;
	v4 =	vld [tilespmem:s29+$0xC930]  }
0xa4: {  	[tilespmem:s29+$0xC8D0] =	vst v1;
	v1 =	vmul.f32 $8.000000000e+00, v6;
	v6 =	vld [tilespmem:s29+$0xC940]  }
0xa5: {  	[tilespmem:s29+$0xC8E0] =	vst v0;
	v0 =	vmul.f32 $8.000000000e+00, v5;
	v5 =	vld [tilespmem:s29+$0xC950]  }
0xa6: {  	[tilespmem:s29+$0xC8F0] =	vst v1;
	v1 =	vmul.f32 $8.000000000e+00, v2;
	v2 =	vld [tilespmem:s29+$0xC960]  }
0xa7: {  	[tilespmem:s29+$0xC900] =	vst v0;
	v0 =	vmul.f32 $8.000000000e+00, v3;
	v3 =	vld [tilespmem:s29+$0xC970]  }
0xa8: {  	[tilespmem:s29+$0xC910] =	vst v1;
	v1 =	vmul.f32 $8.000000000e+00, v4;
	v4 =	vld [tilespmem:s29+$0xC980]  }
0xa9: {  	[tilespmem:s29+$0xC920] =	vst v0;
	v0 =	vmul.f32 $8.000000000e+00, v6;
	v7 =	vld [tilespmem:s29+$0xC990]  }
.Ltmp1:
0xaa: {  	[tilespmem:s29+$0xC930] =	vst v1;
	v5 =	vmul.f32 $8.000000000e+00, v5;
	v1 =	vld [tilespmem:s29+$0xC9A0];
	(pc) =	sbr.rel @p0 .LBB2_5-.Ltmp1, $4  }
0xab: {  	[tilespmem:s29+$0xC940] =	vst v0;
	v6 =	vmul.f32 $8.000000000e+00, v2;
	v0 =	vld [tilespmem:s29+$0xC9B0]  }
0xac: {  	[tilespmem:s29+$0xC950] =	vst v5;
	v5 =	vmul.f32 $8.000000000e+00, v3;
	v2 =	vld [tilespmem:s29+$0xC9C0]  }
0xad: {  	[tilespmem:s29+$0xC960] =	vst v6;
	v6 =	vmul.f32 $8.000000000e+00, v4;
	v3 =	vld [tilespmem:s29+$0xC9D0]  }
0xae: {  	s30 =	sadd.s32 $0x800, s30;
	[tilespmem:s29+$0xC970] =	vst v5;
	v5 =	vmul.f32 $8.000000000e+00, v7;
	v4 =	vld [tilespmem:s29+$0xC9E0]  }
0xaf: {  	[tilespmem:s29+$0xC980] =	vst v6;
	v1 =	vmul.f32 $8.000000000e+00, v1;
	v6 =	vld [tilespmem:s29+$0xC9F0]  }
0xb0: {  	[tilespmem:s29+$0xC990] =	vst v5;
	v0 =	vmul.f32 $8.000000000e+00, v0  }
0xb1: {  	[tilespmem:s29+$0xC9A0] =	vst v1;
	v1 =	vmul.f32 $8.000000000e+00, v2  }
0xb2: {  	[tilespmem:s29+$0xC9B0] =	vst v0;
	v0 =	vmul.f32 $8.000000000e+00, v3  }
0xb3: {  	s28 =	sadd.s32 s28, s7;
	[tilespmem:s29+$0xC9C0] =	vst v1;
	v1 =	vmul.f32 $8.000000000e+00, v4  }
0xb4: {  	s28 =	sshll.u32 s28, $0x3;
	[tilespmem:s29+$0xC9D0] =	vst v0;
	v0 =	vmul.f32 $8.000000000e+00, v6  }
0xb5: {  	s28 =	sand.u32 $0x1FFFFE80, s28;
	[tilespmem:s29+$0xC9E0] =	vst v1  }
0xb6: {  	p0 =	seq.s32 s24, $0xF;
	s28 =	sadd.s32 s2, s28;
	[tilespmem:s29+$0xC9F0] =	vst v0  }
0xb7: {  	[hbm4b:s28+s3] =	stream.linear.scatter [tilespmem:s12], [sflag:$0x6], $0x6400, $0x38;
	[tilespmem:$0x1F400] =	vst v63  }
0xb8: {  	s28 =	smul.u32 @!p0 $0x1900, s24  }
0xb9: {  	_ =	swait.ge [sflag:s17], $0x6400  }
0xba: {  	s30 =	simm.s32 @!p0 $0x190;
	[sflag:s17] =	ssyncset.done $0x0;
	s28 =	sshra.s32 @!p0 s28, $0x2  }
0xbb: {  	s31 =	simm.s32 @!p0 $0x6400;
	[sflag:s17] =	ssyncadd.s32 $0xFFFF9C00;
	s29 =	sadd.s32 @!p0 $0x640, s28  }
0xbc: {  	[tilespmem:s31], [sflag:$0x1] =	stream.indirect.gather @!p0 [hbm4b:s5+s30], $0x40, s29, s30, $0xb8;
	[tilespmem:$0x1F400] =	vst v63  }
0xbd: {  	_ =	swait.ge [sflag:s18], $0x6400  }
0xbe: {  	[sflag:s18] =	ssyncset.done $0x0  }
0xbf: {  	s29 =	simm.s32 $0x0;
	[sflag:s18] =	ssyncadd.s32 $0xFFFF9C00  }
0xc0: {  	v0 =	vld [tilespmem:s29+$0x12C00]  }
0xc1: {  	v1 =	vld [tilespmem:s29+$0x12C10]  }
0xc2: {  	v2 =	vld [tilespmem:s29+$0x12C20]  }
0xc3: {  	v3 =	vld [tilespmem:s29+$0x12C30]  }
0xc4: {  	v4 =	vld [tilespmem:s29+$0x12C40]  }
0xc5: {  	v5 =	vld [tilespmem:s29+$0x12C50];
	v0 =	vmul.f32 $8.000000000e+00, v0  }
0xc6: {  	v6 =	vld [tilespmem:s29+$0x12C60];
	v1 =	vmul.f32 $8.000000000e+00, v1  }
0xc7: {  	v2 =	vmul.f32 $8.000000000e+00, v2;
	[tilespmem:s29+$0x12C00] =	vst v0;
	v0 =	vld [tilespmem:s29+$0x12C70]  }
0xc8: {  	v3 =	vmul.f32 $8.000000000e+00, v3;
	[tilespmem:s29+$0x12C10] =	vst v1;
	v1 =	vld [tilespmem:s29+$0x12C80]  }
0xc9: {  	v4 =	vmul.f32 $8.000000000e+00, v4;
	[tilespmem:s29+$0x12C20] =	vst v2;
	v2 =	vld [tilespmem:s29+$0x12C90]  }
0xca: {  	v5 =	vmul.f32 $8.000000000e+00, v5;
	[tilespmem:s29+$0x12C30] =	vst v3;
	v3 =	vld [tilespmem:s29+$0x12CA0]  }
0xcb: {  	v6 =	vmul.f32 $8.000000000e+00, v6;
	[tilespmem:s29+$0x12C40] =	vst v4;
	v4 =	vld [tilespmem:s29+$0x12CB0]  }
0xcc: {  	[tilespmem:s29+$0x12C50] =	vst v5;
	v5 =	vld [tilespmem:s29+$0x12CC0];
	v0 =	vmul.f32 $8.000000000e+00, v0  }
0xcd: {  	[tilespmem:s29+$0x12C60] =	vst v6;
	v6 =	vld [tilespmem:s29+$0x12CD0];
	v1 =	vmul.f32 $8.000000000e+00, v1  }
0xce: {  	v2 =	vmul.f32 $8.000000000e+00, v2;
	[tilespmem:s29+$0x12C70] =	vst v0;
	v0 =	vld [tilespmem:s29+$0x12CE0]  }
0xcf: {  	v3 =	vmul.f32 $8.000000000e+00, v3;
	[tilespmem:s29+$0x12C80] =	vst v1;
	v1 =	vld [tilespmem:s29+$0x12CF0]  }
0xd0: {  	v4 =	vmul.f32 $8.000000000e+00, v4;
	[tilespmem:s29+$0x12C90] =	vst v2;
	v2 =	vld [tilespmem:s29+$0x12D00]  }
0xd1: {  	v5 =	vmul.f32 $8.000000000e+00, v5;
	[tilespmem:s29+$0x12CA0] =	vst v3;
	v3 =	vld [tilespmem:s29+$0x12D10]  }
0xd2: {  	v6 =	vmul.f32 $8.000000000e+00, v6;
	[tilespmem:s29+$0x12CB0] =	vst v4;
	v4 =	vld [tilespmem:s29+$0x12D20]  }
0xd3: {  	[tilespmem:s29+$0x12CC0] =	vst v5;
	v5 =	vld [tilespmem:s29+$0x12D30];
	v0 =	vmul.f32 $8.000000000e+00, v0  }
0xd4: {  	[tilespmem:s29+$0x12CD0] =	vst v6;
	v6 =	vld [tilespmem:s29+$0x12D40]  }
0xd5: {  	v1 =	vmul.f32 $8.000000000e+00, v1;
	[tilespmem:s29+$0x12CE0] =	vst v0;
	v0 =	vld [tilespmem:s29+$0x12D50]  }
0xd6: {  	v2 =	vmul.f32 $8.000000000e+00, v2  }
0xd7: {  	[tilespmem:s29+$0x12CF0] =	vst v1;
	v1 =	vmul.f32 $8.000000000e+00, v3;
	v3 =	vld [tilespmem:s29+$0x12D70]  }
0xd8: {  	v7 =	vld [tilespmem:s29+$0x12D60];
	[tilespmem:s29+$0x12D00] =	vst v2;
	v2 =	vmul.f32 $8.000000000e+00, v4  }
0xd9: {  	v4 =	vld [tilespmem:s29+$0x12D80];
	[tilespmem:s29+$0x12D10] =	vst v1;
	v1 =	vmul.f32 $8.000000000e+00, v5  }
0xda: {  	[tilespmem:s29+$0x12D20] =	vst v2;
	v5 =	vld [tilespmem:s29+$0x12D90];
	v2 =	vmul.f32 $8.000000000e+00, v6;
	v6 =	vmul.f32 $8.000000000e+00, v0  }
0xdb: {  	[tilespmem:s29+$0x12D30] =	vst v1;
	v1 =	vld [tilespmem:s29+$0x12DA0]  }
0xdc: {  	v0 =	vld [tilespmem:s29+$0x12DB0];
	[tilespmem:s29+$0x12D50] =	vst v6;
	v6 =	vmul.f32 $8.000000000e+00, v3  }
0xdd: {  	v7 =	vmul.f32 $8.000000000e+00, v7;
	[tilespmem:s29+$0x12D40] =	vst v2;
	v2 =	vld [tilespmem:s29+$0x12DC0]  }
0xde: {  	v3 =	vld [tilespmem:s29+$0x12DD0];
	[tilespmem:s29+$0x12D70] =	vst v6;
	v6 =	vmul.f32 $8.000000000e+00, v4  }
0xdf: {  	s30 =	simm.s32 $0x800;
	[tilespmem:s29+$0x12D60] =	vst v7;
	v5 =	vmul.f32 $8.000000000e+00, v5;
	v4 =	vld [tilespmem:s29+$0x12DE0]  }
.LBB2_7:
0xe0: {  	s31 =	sshra.s32 s30, $0x2;
	p1 =	sne.s32 s30, $0x18800;
	[tilespmem:s29+$0x12D80] =	vst v6;
	v1 =	vmul.f32 $8.000000000e+00, v1;
	v6 =	vld [tilespmem:s29+$0x12DF0]  }
0xe1: {  	v7 =	vld [tilespmem:s31+$0x12C00];
	[tilespmem:s29+$0x12D90] =	vst v5;
	v0 =	vmul.f32 $8.000000000e+00, v0  }
0xe2: {  	v5 =	vld [tilespmem:s31+$0x12C10];
	[tilespmem:s29+$0x12DA0] =	vst v1;
	v1 =	vmul.f32 $8.000000000e+00, v2  }
0xe3: {  	v2 =	vld [tilespmem:s31+$0x12C20];
	[tilespmem:s29+$0x12DB0] =	vst v0;
	v0 =	vmul.f32 $8.000000000e+00, v3  }
0xe4: {  	v3 =	vld [tilespmem:s31+$0x12C30];
	[tilespmem:s29+$0x12DC0] =	vst v1;
	v1 =	vmul.f32 $8.000000000e+00, v4  }
0xe5: {  	v4 =	vld [tilespmem:s31+$0x12C40];
	[tilespmem:s29+$0x12DD0] =	vst v0;
	v0 =	vmul.f32 $8.000000000e+00, v6  }
0xe6: {  	v6 =	vmul.f32 $8.000000000e+00, v7;
	v7 =	vld [tilespmem:s31+$0x12C50];
	[tilespmem:s29+$0x12DE0] =	vst v1  }
0xe7: {  	v1 =	vmul.f32 $8.000000000e+00, v5;
	v5 =	vld [tilespmem:s31+$0x12C60];
	[tilespmem:s29+$0x12DF0] =	vst v0;
	s29 =	smov.u32 s31  }
0xe8: {  	[tilespmem:s29+$0x12C00] =	vst v6;
	v0 =	vmul.f32 $8.000000000e+00, v2;
	v2 =	vld [tilespmem:s29+$0x12C70]  }
0xe9: {  	[tilespmem:s29+$0x12C10] =	vst v1;
	v1 =	vmul.f32 $8.000000000e+00, v3;
	v3 =	vld [tilespmem:s29+$0x12C80]  }
0xea: {  	[tilespmem:s29+$0x12C20] =	vst v0;
	v0 =	vmul.f32 $8.000000000e+00, v4;
	v4 =	vld [tilespmem:s29+$0x12C90]  }
0xeb: {  	[tilespmem:s29+$0x12C30] =	vst v1;
	v1 =	vmul.f32 $8.000000000e+00, v7;
	v6 =	vld [tilespmem:s29+$0x12CA0]  }
0xec: {  	[tilespmem:s29+$0x12C40] =	vst v0;
	v0 =	vmul.f32 $8.000000000e+00, v5;
	v5 =	vld [tilespmem:s29+$0x12CB0]  }
0xed: {  	[tilespmem:s29+$0x12C50] =	vst v1;
	v1 =	vmul.f32 $8.000000000e+00, v2;
	v2 =	vld [tilespmem:s29+$0x12CC0]  }
0xee: {  	[tilespmem:s29+$0x12C60] =	vst v0;
	v0 =	vmul.f32 $8.000000000e+00, v3;
	v3 =	vld [tilespmem:s29+$0x12CD0]  }
0xef: {  	[tilespmem:s29+$0x12C70] =	vst v1;
	v1 =	vmul.f32 $8.000000000e+00, v4;
	v4 =	vld [tilespmem:s29+$0x12CE0]  }
0xf0: {  	[tilespmem:s29+$0x12C80] =	vst v0;
	v0 =	vmul.f32 $8.000000000e+00, v6;
	v6 =	vld [tilespmem:s29+$0x12CF0]  }
0xf1: {  	[tilespmem:s29+$0x12C90] =	vst v1;
	v1 =	vmul.f32 $8.000000000e+00, v5;
	v5 =	vld [tilespmem:s29+$0x12D00]  }
0xf2: {  	[tilespmem:s29+$0x12CA0] =	vst v0;
	v0 =	vmul.f32 $8.000000000e+00, v2;
	v2 =	vld [tilespmem:s29+$0x12D10]  }
0xf3: {  	[tilespmem:s29+$0x12CB0] =	vst v1;
	v1 =	vmul.f32 $8.000000000e+00, v3;
	v3 =	vld [tilespmem:s29+$0x12D20]  }
0xf4: {  	[tilespmem:s29+$0x12CC0] =	vst v0;
	v0 =	vmul.f32 $8.000000000e+00, v4;
	v4 =	vld [tilespmem:s29+$0x12D30]  }
0xf5: {  	[tilespmem:s29+$0x12CD0] =	vst v1;
	v1 =	vmul.f32 $8.000000000e+00, v6;
	v6 =	vld [tilespmem:s29+$0x12D40]  }
0xf6: {  	[tilespmem:s29+$0x12CE0] =	vst v0;
	v0 =	vmul.f32 $8.000000000e+00, v5;
	v5 =	vld [tilespmem:s29+$0x12D50]  }
0xf7: {  	[tilespmem:s29+$0x12CF0] =	vst v1;
	v1 =	vmul.f32 $8.000000000e+00, v2;
	v2 =	vld [tilespmem:s29+$0x12D60]  }
0xf8: {  	[tilespmem:s29+$0x12D00] =	vst v0;
	v0 =	vmul.f32 $8.000000000e+00, v3;
	v3 =	vld [tilespmem:s29+$0x12D70]  }
0xf9: {  	[tilespmem:s29+$0x12D10] =	vst v1;
	v1 =	vmul.f32 $8.000000000e+00, v4;
	v4 =	vld [tilespmem:s29+$0x12D80]  }
0xfa: {  	[tilespmem:s29+$0x12D20] =	vst v0;
	v0 =	vmul.f32 $8.000000000e+00, v6;
	v7 =	vld [tilespmem:s29+$0x12D90]  }
.Ltmp2:
0xfb: {  	[tilespmem:s29+$0x12D30] =	vst v1;
	v5 =	vmul.f32 $8.000000000e+00, v5;
	v1 =	vld [tilespmem:s29+$0x12DA0];
	(pc) =	sbr.rel @p1 .LBB2_7-.Ltmp2, $4  }
0xfc: {  	[tilespmem:s29+$0x12D40] =	vst v0;
	v6 =	vmul.f32 $8.000000000e+00, v2;
	v0 =	vld [tilespmem:s29+$0x12DB0]  }
0xfd: {  	[tilespmem:s29+$0x12D50] =	vst v5;
	v5 =	vmul.f32 $8.000000000e+00, v3;
	v2 =	vld [tilespmem:s29+$0x12DC0]  }
0xfe: {  	[tilespmem:s29+$0x12D60] =	vst v6;
	v6 =	vmul.f32 $8.000000000e+00, v4;
	v3 =	vld [tilespmem:s29+$0x12DD0]  }
0xff: {  	s30 =	sadd.s32 $0x800, s30;
	[tilespmem:s29+$0x12D70] =	vst v5;
	v5 =	vmul.f32 $8.000000000e+00, v7;
	v4 =	vld [tilespmem:s29+$0x12DE0]  }
0x100: {  	[tilespmem:s29+$0x12D80] =	vst v6;
	v1 =	vmul.f32 $8.000000000e+00, v1;
	v6 =	vld [tilespmem:s29+$0x12DF0]  }
0x101: {  	[tilespmem:s29+$0x12D90] =	vst v5;
	v0 =	vmul.f32 $8.000000000e+00, v0  }
0x102: {  	s25 =	smul.u32 $0x190, s25;
	[tilespmem:s29+$0x12DA0] =	vst v1;
	v1 =	vmul.f32 $8.000000000e+00, v2  }
0x103: {  	[tilespmem:s29+$0x12DB0] =	vst v0;
	v0 =	vmul.f32 $8.000000000e+00, v3  }
0x104: {  	s25 =	sadd.s32 s4, s25;
	[tilespmem:s29+$0x12DC0] =	vst v1;
	v1 =	vmul.f32 $8.000000000e+00, v4  }
0x105: {  	s25 =	sshll.u32 s25, $0x3;
	[tilespmem:s29+$0x12DD0] =	vst v0;
	v0 =	vmul.f32 $8.000000000e+00, v6  }
0x106: {  	s25 =	sand.u32 $0x1FFFFF00, s25;
	[tilespmem:s29+$0x12DE0] =	vst v1  }
0x107: {  	s25 =	sadd.s32 s2, s25;
	[tilespmem:s29+$0x12DF0] =	vst v0  }
0x108: {  	[hbm4b:s25+s3] =	stream.linear.scatter [tilespmem:s13], [sflag:$0x7], $0x6400, $0x38;
	[tilespmem:$0x1F400] =	vst v63  }
0x109: {  	_ =	swait.ge [sflag:s19], $0x6400  }
0x10a: {  	s29 =	simm.s32 @!p0 $0xC800;
	[sflag:s19] =	ssyncset.done $0x0  }
0x10b: {  	s25 =	sadd.s32 @!p0 $0x7D0, s28;
	s28 =	simm.s32 @!p0 $0x190;
	[sflag:s19] =	ssyncadd.s32 $0xFFFF9C00  }
0x10c: {  	[tilespmem:s29], [sflag:$0x2] =	stream.indirect.gather @!p0 [hbm4b:s5+s28], $0x40, s25, s28, $0xb8;
	[tilespmem:$0x1F400] =	vst v63  }
0x10d: {  	_ =	swait.ge [sflag:s20], $0x6400  }
0x10e: {  	[sflag:s20] =	ssyncset.done $0x0  }
0x10f: {  	s25 =	simm.s32 $0x0;
	[sflag:s20] =	ssyncadd.s32 $0xFFFF9C00  }
0x110: {  	v0 =	vld [tilespmem:s25+$0x19000]  }
0x111: {  	v1 =	vld [tilespmem:s25+$0x19010]  }
0x112: {  	v2 =	vld [tilespmem:s25+$0x19020]  }
0x113: {  	v3 =	vld [tilespmem:s25+$0x19030]  }
0x114: {  	v4 =	vld [tilespmem:s25+$0x19040]  }
0x115: {  	v5 =	vld [tilespmem:s25+$0x19050];
	v0 =	vmul.f32 $8.000000000e+00, v0  }
0x116: {  	v6 =	vld [tilespmem:s25+$0x19060];
	v1 =	vmul.f32 $8.000000000e+00, v1  }
0x117: {  	v2 =	vmul.f32 $8.000000000e+00, v2;
	[tilespmem:s25+$0x19000] =	vst v0;
	v0 =	vld [tilespmem:s25+$0x19070]  }
0x118: {  	v3 =	vmul.f32 $8.000000000e+00, v3;
	[tilespmem:s25+$0x19010] =	vst v1;
	v1 =	vld [tilespmem:s25+$0x19080]  }
0x119: {  	v4 =	vmul.f32 $8.000000000e+00, v4;
	[tilespmem:s25+$0x19020] =	vst v2;
	v2 =	vld [tilespmem:s25+$0x19090]  }
0x11a: {  	v5 =	vmul.f32 $8.000000000e+00, v5;
	[tilespmem:s25+$0x19030] =	vst v3;
	v3 =	vld [tilespmem:s25+$0x190A0]  }
0x11b: {  	v6 =	vmul.f32 $8.000000000e+00, v6;
	[tilespmem:s25+$0x19040] =	vst v4;
	v4 =	vld [tilespmem:s25+$0x190B0]  }
0x11c: {  	[tilespmem:s25+$0x19050] =	vst v5;
	v5 =	vld [tilespmem:s25+$0x190C0];
	v0 =	vmul.f32 $8.000000000e+00, v0  }
0x11d: {  	[tilespmem:s25+$0x19060] =	vst v6;
	v6 =	vld [tilespmem:s25+$0x190D0];
	v1 =	vmul.f32 $8.000000000e+00, v1  }
0x11e: {  	v2 =	vmul.f32 $8.000000000e+00, v2;
	[tilespmem:s25+$0x19070] =	vst v0;
	v0 =	vld [tilespmem:s25+$0x190E0]  }
0x11f: {  	v3 =	vmul.f32 $8.000000000e+00, v3;
	[tilespmem:s25+$0x19080] =	vst v1;
	v1 =	vld [tilespmem:s25+$0x190F0]  }
0x120: {  	v4 =	vmul.f32 $8.000000000e+00, v4;
	[tilespmem:s25+$0x19090] =	vst v2;
	v2 =	vld [tilespmem:s25+$0x19100]  }
0x121: {  	v5 =	vmul.f32 $8.000000000e+00, v5;
	[tilespmem:s25+$0x190A0] =	vst v3;
	v3 =	vld [tilespmem:s25+$0x19110]  }
0x122: {  	v6 =	vmul.f32 $8.000000000e+00, v6;
	[tilespmem:s25+$0x190B0] =	vst v4;
	v4 =	vld [tilespmem:s25+$0x19120]  }
0x123: {  	[tilespmem:s25+$0x190C0] =	vst v5;
	v5 =	vld [tilespmem:s25+$0x19130];
	v0 =	vmul.f32 $8.000000000e+00, v0  }
0x124: {  	[tilespmem:s25+$0x190D0] =	vst v6;
	v6 =	vld [tilespmem:s25+$0x19140]  }
0x125: {  	v1 =	vmul.f32 $8.000000000e+00, v1;
	[tilespmem:s25+$0x190E0] =	vst v0;
	v0 =	vld [tilespmem:s25+$0x19150]  }
0x126: {  	v2 =	vmul.f32 $8.000000000e+00, v2  }
0x127: {  	[tilespmem:s25+$0x190F0] =	vst v1;
	v1 =	vmul.f32 $8.000000000e+00, v3;
	v3 =	vld [tilespmem:s25+$0x19170]  }
0x128: {  	v7 =	vld [tilespmem:s25+$0x19160];
	[tilespmem:s25+$0x19100] =	vst v2;
	v2 =	vmul.f32 $8.000000000e+00, v4  }
0x129: {  	v4 =	vld [tilespmem:s25+$0x19180];
	[tilespmem:s25+$0x19110] =	vst v1;
	v1 =	vmul.f32 $8.000000000e+00, v5  }
0x12a: {  	[tilespmem:s25+$0x19120] =	vst v2;
	v5 =	vld [tilespmem:s25+$0x19190];
	v2 =	vmul.f32 $8.000000000e+00, v6;
	v6 =	vmul.f32 $8.000000000e+00, v0  }
0x12b: {  	[tilespmem:s25+$0x19130] =	vst v1;
	v1 =	vld [tilespmem:s25+$0x191A0]  }
0x12c: {  	v0 =	vld [tilespmem:s25+$0x191B0];
	[tilespmem:s25+$0x19150] =	vst v6;
	v6 =	vmul.f32 $8.000000000e+00, v3  }
0x12d: {  	v7 =	vmul.f32 $8.000000000e+00, v7;
	[tilespmem:s25+$0x19140] =	vst v2;
	v2 =	vld [tilespmem:s25+$0x191C0]  }
0x12e: {  	v3 =	vld [tilespmem:s25+$0x191D0];
	[tilespmem:s25+$0x19170] =	vst v6;
	v6 =	vmul.f32 $8.000000000e+00, v4  }
0x12f: {  	s28 =	simm.s32 $0x800;
	[tilespmem:s25+$0x19160] =	vst v7;
	v5 =	vmul.f32 $8.000000000e+00, v5;
	v4 =	vld [tilespmem:s25+$0x191E0]  }
.LBB2_9:
0x130: {  	s29 =	sshra.s32 s28, $0x2;
	p0 =	sne.s32 s28, $0x18800;
	[tilespmem:s25+$0x19180] =	vst v6;
	v1 =	vmul.f32 $8.000000000e+00, v1;
	v6 =	vld [tilespmem:s25+$0x191F0]  }
0x131: {  	v7 =	vld [tilespmem:s29+$0x19000];
	[tilespmem:s25+$0x19190] =	vst v5;
	v0 =	vmul.f32 $8.000000000e+00, v0  }
0x132: {  	v5 =	vld [tilespmem:s29+$0x19010];
	[tilespmem:s25+$0x191A0] =	vst v1;
	v1 =	vmul.f32 $8.000000000e+00, v2  }
0x133: {  	v2 =	vld [tilespmem:s29+$0x19020];
	[tilespmem:s25+$0x191B0] =	vst v0;
	v0 =	vmul.f32 $8.000000000e+00, v3  }
0x134: {  	v3 =	vld [tilespmem:s29+$0x19030];
	[tilespmem:s25+$0x191C0] =	vst v1;
	v1 =	vmul.f32 $8.000000000e+00, v4  }
0x135: {  	v4 =	vld [tilespmem:s29+$0x19040];
	[tilespmem:s25+$0x191D0] =	vst v0;
	v0 =	vmul.f32 $8.000000000e+00, v6  }
0x136: {  	v6 =	vmul.f32 $8.000000000e+00, v7;
	v7 =	vld [tilespmem:s29+$0x19050];
	[tilespmem:s25+$0x191E0] =	vst v1  }
0x137: {  	v1 =	vmul.f32 $8.000000000e+00, v5;
	v5 =	vld [tilespmem:s29+$0x19060];
	[tilespmem:s25+$0x191F0] =	vst v0;
	s25 =	smov.u32 s29  }
0x138: {  	[tilespmem:s25+$0x19000] =	vst v6;
	v0 =	vmul.f32 $8.000000000e+00, v2;
	v2 =	vld [tilespmem:s25+$0x19070]  }
0x139: {  	[tilespmem:s25+$0x19010] =	vst v1;
	v1 =	vmul.f32 $8.000000000e+00, v3;
	v3 =	vld [tilespmem:s25+$0x19080]  }
0x13a: {  	[tilespmem:s25+$0x19020] =	vst v0;
	v0 =	vmul.f32 $8.000000000e+00, v4;
	v4 =	vld [tilespmem:s25+$0x19090]  }
0x13b: {  	[tilespmem:s25+$0x19030] =	vst v1;
	v1 =	vmul.f32 $8.000000000e+00, v7;
	v6 =	vld [tilespmem:s25+$0x190A0]  }
0x13c: {  	[tilespmem:s25+$0x19040] =	vst v0;
	v0 =	vmul.f32 $8.000000000e+00, v5;
	v5 =	vld [tilespmem:s25+$0x190B0]  }
0x13d: {  	[tilespmem:s25+$0x19050] =	vst v1;
	v1 =	vmul.f32 $8.000000000e+00, v2;
	v2 =	vld [tilespmem:s25+$0x190C0]  }
0x13e: {  	[tilespmem:s25+$0x19060] =	vst v0;
	v0 =	vmul.f32 $8.000000000e+00, v3;
	v3 =	vld [tilespmem:s25+$0x190D0]  }
0x13f: {  	[tilespmem:s25+$0x19070] =	vst v1;
	v1 =	vmul.f32 $8.000000000e+00, v4;
	v4 =	vld [tilespmem:s25+$0x190E0]  }
0x140: {  	[tilespmem:s25+$0x19080] =	vst v0;
	v0 =	vmul.f32 $8.000000000e+00, v6;
	v6 =	vld [tilespmem:s25+$0x190F0]  }
0x141: {  	[tilespmem:s25+$0x19090] =	vst v1;
	v1 =	vmul.f32 $8.000000000e+00, v5;
	v5 =	vld [tilespmem:s25+$0x19100]  }
0x142: {  	[tilespmem:s25+$0x190A0] =	vst v0;
	v0 =	vmul.f32 $8.000000000e+00, v2;
	v2 =	vld [tilespmem:s25+$0x19110]  }
0x143: {  	[tilespmem:s25+$0x190B0] =	vst v1;
	v1 =	vmul.f32 $8.000000000e+00, v3;
	v3 =	vld [tilespmem:s25+$0x19120]  }
0x144: {  	[tilespmem:s25+$0x190C0] =	vst v0;
	v0 =	vmul.f32 $8.000000000e+00, v4;
	v4 =	vld [tilespmem:s25+$0x19130]  }
0x145: {  	[tilespmem:s25+$0x190D0] =	vst v1;
	v1 =	vmul.f32 $8.000000000e+00, v6;
	v6 =	vld [tilespmem:s25+$0x19140]  }
0x146: {  	[tilespmem:s25+$0x190E0] =	vst v0;
	v0 =	vmul.f32 $8.000000000e+00, v5;
	v5 =	vld [tilespmem:s25+$0x19150]  }
0x147: {  	[tilespmem:s25+$0x190F0] =	vst v1;
	v1 =	vmul.f32 $8.000000000e+00, v2;
	v2 =	vld [tilespmem:s25+$0x19160]  }
0x148: {  	[tilespmem:s25+$0x19100] =	vst v0;
	v0 =	vmul.f32 $8.000000000e+00, v3;
	v3 =	vld [tilespmem:s25+$0x19170]  }
0x149: {  	[tilespmem:s25+$0x19110] =	vst v1;
	v1 =	vmul.f32 $8.000000000e+00, v4;
	v4 =	vld [tilespmem:s25+$0x19180]  }
0x14a: {  	[tilespmem:s25+$0x19120] =	vst v0;
	v0 =	vmul.f32 $8.000000000e+00, v6;
	v7 =	vld [tilespmem:s25+$0x19190]  }
.Ltmp3:
0x14b: {  	[tilespmem:s25+$0x19130] =	vst v1;
	v5 =	vmul.f32 $8.000000000e+00, v5;
	v1 =	vld [tilespmem:s25+$0x191A0];
	(pc) =	sbr.rel @p0 .LBB2_9-.Ltmp3, $4  }
0x14c: {  	[tilespmem:s25+$0x19140] =	vst v0;
	v6 =	vmul.f32 $8.000000000e+00, v2;
	v0 =	vld [tilespmem:s25+$0x191B0]  }
0x14d: {  	[tilespmem:s25+$0x19150] =	vst v5;
	v5 =	vmul.f32 $8.000000000e+00, v3;
	v2 =	vld [tilespmem:s25+$0x191C0]  }
0x14e: {  	[tilespmem:s25+$0x19160] =	vst v6;
	v6 =	vmul.f32 $8.000000000e+00, v4;
	v3 =	vld [tilespmem:s25+$0x191D0]  }
0x14f: {  	s28 =	sadd.s32 $0x800, s28;
	[tilespmem:s25+$0x19170] =	vst v5;
	v5 =	vmul.f32 $8.000000000e+00, v7;
	v4 =	vld [tilespmem:s25+$0x191E0]  }
0x150: {  	[tilespmem:s25+$0x19180] =	vst v6;
	v1 =	vmul.f32 $8.000000000e+00, v1;
	v59 =	vld [tilespmem:s25+$0x191F0]  }
0x151: {  	[tilespmem:s25+$0x19190] =	vst v5;
	v0 =	vmul.f32 $8.000000000e+00, v0  }
0x152: {  	s26 =	smul.u32 $0x190, s26;
	s24 =	sadd.s32 $0x1, s24;
	[tilespmem:s25+$0x191A0] =	vst v1;
	v60 =	vmul.f32 $8.000000000e+00, v2  }
0x153: {  	p0 =	sne.s32 s24, $0x10;
	[tilespmem:s25+$0x191B0] =	vst v0;
	v61 =	vmul.f32 $8.000000000e+00, v3  }
.Ltmp4:
0x154: {  	s26 =	sadd.s32 s4, s26;
	[tilespmem:s25+$0x191C0] =	vst v60;
	v62 =	vmul.f32 $8.000000000e+00, v4;
	(pc) =	sbr.rel @p0 .LBB2_2-.Ltmp4, $4  }
0x155: {  	s26 =	sshll.u32 s26, $0x3;
	[tilespmem:s25+$0x191D0] =	vst v61;
	v63 =	vmul.f32 $8.000000000e+00, v59  }
0x156: {  	s26 =	sand.u32 $0x1FFFFF80, s26;
	[tilespmem:s25+$0x191E0] =	vst v62  }
0x157: {  	s31 =	sadd.s32 s2, s26;
	[tilespmem:s25+$0x191F0] =	vst v63  }
0x158: {  	[hbm4b:s31+s3] =	stream.linear.scatter [tilespmem:s15], [sflag:$0x8], $0x6400, $0x38;
	[tilespmem:$0x1F400] =	vst v63  }
0x159: {  	s23 =	sadd.s32 $0x1, s23  }
0x15a: {  	_ =	swait.ge [sflag:s21], $0x6400;
	p0 =	sne.s32 s23, s8  }
.Ltmp5:
0x15b: {  	[sflag:s21] =	ssyncset.done $0x0;
	(pc) =	sbr.rel @p0 .LBB2_1-.Ltmp5, $4  }
0x15c: {  	[sflag:s21] =	ssyncadd.s32 $0xFFFF9C00  }
0x15d: {  	_ =	swait.ge [sflag:s22], $0x6400  }
0x15e: {  	[sflag:s22] =	ssyncset.done $0x0  }
0x15f: {  	[sflag:s22] =	ssyncadd.s32 $0xFFFF9C00  }
0x160: {  	_ =	sfence.sel $0x180000  }
0x161: {  	[bflag:$0x0] =	sbarrier.arrive $0xFFFF  }
0x162: {  	p0 =	sne.s32 s0, $0x0;
	_ =	strace $0x90000047  }
0x163: {  	s0 =	sadd.s32 @!p0 $0x100000, s1;
	[bflag:$0x2] =	sbarrier.arrive $0xFFFF  }
0x164: {  	[sflag:s0] =	ssyncadd.tile.s32 @!p0 $0x1;
	_ =	shalt  }
.Lfunc_end2:
_tile_overlayer_lowered:
.L_overlay_start_2:
0x165: {  	(tag) =	ssettag $0x2  }
0x166: {  	s0 =	rddreg [dreg:$0x0];
	s2 =	stileid.u32  }
0x167: {  	s1 =	rddreg [dreg:$0x1];
	p0 =	sne.s32 s2, $0x0  }
0x168: {  	s3 =	rddreg [dreg:$0x2];
	[bflag:$0x3] =	sbarrier.arrive $0xFFFF;
	s2 =	simm.s32 @!p0 $0x1C09  }
0x169: {  	[timem:s3], [sflag:s2] =	dma.local @!p0 [hbm:s0], s1  }
0x16a: {  	s0 =	simm.s32 @!p0 $0x9  }
0x16b: {  	_ =	swait.ge @!p0 [sflag:s0], s1  }
0x16c: {  	s1 =	ssub.s32 @!p0 $0x0, s1;
	[sflag:s0] =	ssyncset.done @!p0 $0x0  }
0x16d: {  	[sflag:s0] =	ssyncadd.s32 @!p0 s1  }
0x16e: {  	[bflag:$0x3] =	sbarrier.arrive $0xFFFF  }
0x16f: {  	_ =	shalt  }

// kernel: sparse-core-data-format-call.cloned.1.call-start
scs
called_computation_lowered:
.L_overlay_start_0:
0x0: {  	s2 =	sld [smem:$0x3FD9]  }
0x1: {  	s3 =	sld [smem:$0x3FFE];
	_ =	sdelay $0x1  }
0x2: {  	s1 =	srdreg.scid  }
0x3: {  	s0 =	sand.u32 $0x1, s1  }
0x4: {  	s18 =	sshll.u32 s0, $0xA;
	s2 =	sadd.s32 s3, s2  }
0x5: {  	s2 =	sadd.s32 s2, s18  }
0x6: {  	[smem:$0x3FC6] =	sst s2  }
0x7: {  	_ = 	snop  }
0x8: {  	s2 =	sld [smem:$0x3FD0];
	(tm) =	ssettm $0x1  }
0x9: {  	s19 =	sld [smem:$0x3FFB];
	_ =	sdelay $0x3  }
0xa: {  	_ =	strace s19  }
0xb: {  	s3 =	sld [smem:$0x3FFC];
	_ =	sdelay $0x3  }
0xc: {  	_ =	strace s3  }
0xd: {  	s3 =	sld [smem:$0x3FFD];
	_ =	sdelay $0x3  }
0xe: {  	_ =	strace s3  }
0xf: {  	_ =	strace $0x8FFFFFFF  }
0x10: {  	s20 =	sld [smem:$0x3FDB];
	_ =	sdelay $0x1  }
0x11: {  	s4 =	simm.s32 $_scs_section_size  }
0x12: {  	s5 =	simm.s32 $_size__tile_overlayer_lowered;
	s6 =	simm.s32 $_tile_overlayer_lowered  }
0x13: {  	s23 =	simm.s32 $0x1BFF;
	s22 =	sshll.u32 s6, $0x1;
	s3 =	sadd.s32 s4, s20  }
0x14: {  	s7 =	simm.s32 $0x0;
	s21 =	sshll.u32 s5, $0x1;
	s5 =	sadd.s32 s22, s3  }
0x15: {  	[timem:s7], [sflag:s23] =	dma.local [hbm:s5], s21  }
0x16: {  	_ =	swait.ge [sflag:s23], s21  }
0x17: {  	s4 =	ssub.s32 $0x0, s21;
	[sflag:s23] =	ssyncset.done $0x0  }
0x18: {  	[sflag:s23] =	ssyncadd.s32 s4;
	_ =	sdelay $0x1  }
0x19: {  	s24 =	simm.s32 $0x1B8B  }
0x1a: {  	_ =	swait.ge [sflag:s24], $0x1  }
0x1b: {  	[sflag:s24] =	ssyncset.done $0x0  }
0x1c: {  	s26 =	simm.s32 $0x1B8E;
	s25 =	sld [smem:$0x3FFE];
	[sflag:s24] =	ssyncadd.s32 $0xFFFFFFFF  }
0x1d: {  	s27 =	simm.s32 $execute0_lowered;
	[smem:$0x3FD2] =	sst s26  }
0x1e: {  	s5 =	sshll.u32 s27, $0x1;
	_ =	strace $0x80000049;
	[dreg:$0x1] =	wrdreg $0xFFFFFFFF  }
0x1f: {  	s28 =	simm.s32 $_size_execute0_lowered;
	s3 =	sadd.s32 s3, s5;
	[dreg:$0x0] =	wrdreg $0x0  }
0x20: {  	s5 =	sshll.u32 s28, $0x1;
	[dreg:$0x2] =	wrdreg s3  }
0x21: {  	[dreg:$0x3] =	wrdreg s5  }
0x22: {  	[dreg:$0x4] =	wrdreg $0xC0  }
0x23: {  	_ =	task [dreg:s7], $0x5FFFF  }
0x24: {  	[dreg:$0x1] =	wrdreg $0xFFFFFFFF  }
0x25: {  	[dreg:$0x0] =	wrdreg $0x60  }
0x26: {  	[dreg:$0x2] =	wrdreg s25  }
0x27: {  	[dreg:$0x3] =	wrdreg s2  }
0x28: {  	[dreg:$0x4] =	wrdreg $0x9  }
0x29: {  	_ =	task.clear_ibuf [dreg:s7], $0x5FFFF;
	_ =	strace $0x90000049  }
0x2a: {  	s29 =	simm.s32 $0x9;
	_ =	strace $0x8000004B  }
0x2b: {  	_ =	swait.ge [sflag:s29], $0x1  }
0x2c: {  	[sflag:s29] =	ssyncadd.s32 $0xFFFFFFFF  }
0x2d: {  	_ =	strace $0x9000004B  }
0x2e: {  	_ =	sfence  }
0x2f: {  	s30 =	sld [smem:$0x0];
	_ =	sdelay $0x2  }
0x30: {  	s31 =	sshll.u32 s1, $0xD;
	s1 =	sshrl.u32 s1, $0x2  }
0x31: {  	s3 =	sand.u32 $0x4000, s31;
	s1 =	sadd.s32 s1, s30  }
0x32: {  	s0 =	sor.u32 s3, s0;
	s1 =	sshll.u32 s1, $0x11  }
0x33: {  	s0 =	sor.u32 s1, s0  }
0x34: {  	s0 =	sadd.s32 $0x8F2B, s0  }
0x35: {  	[sflag:s0] =	ssyncadd.remote.s32 $0x1  }
0x36: {  	_ =	sfence.sel $0xFFFF  }
0x37: {  	[dreg:$0x0] =	wrdreg $0xFFFFFFFF;
	(pc) =	sbr.abs _section_cstart, $3  }
0x38: {  	[dreg:$0x1] =	wrdreg $0xFFFFFFFF  }
0x39: {  	_ =	task.clear_ibuf [dreg:s7], $0x2FFFF;
	_ =	strace $0x9FFFFFFF  }
0x3a: {  	(tm) =	ssettm $0x7FFFFFFF  }
0x3b: {  	_ =	shalt  }
tec
execute0_lowered:
.L_overlay_start_1:
0x0: {  	(tag) =	ssettag $0x1  }
0x1: {  	s0 =	srdreg.scid  }
0x2: {  	s1 =	sshll.u32 s0, $0x4  }
0x3: {  	s0 =	stileid.u32;
	s1 =	sand.u32 $0x10, s1  }
0x4: {  	s1 =	sor.u32 s0, s1  }
0x5: {  	s6 =	rddreg [dreg:$0x0];
	s4 =	simm.s32 $0x1;
	s2 =	sshll.u32 s1, $0x7  }
0x6: {  	s7 =	simm.s32 $0x2;
	s12 =	simm.s32 $0x0;
	s1 =	ssub.s32 $0x1000, s2  }
0x7: {  	s8 =	simm.s32 $0x8000;
	s13 =	simm.s32 $0x0;
	s3 =	sand.u32 $0xF80, s1  }
0x8: {  	s9 =	simm.s32 $0x0;
	s5 =	sshrl.u32 s1, $0xC;
	p0 =	sne.s32 s3, $0x0  }
.Ltmp0:
0x9: {  	s1 =	rddreg [dreg:$0x2];
	s4 =	simm.s32 @!p0 $0x0;
	(pc) =	sbr.rel .LBB1_1-.Ltmp0, $4  }
0xa: {  	s11 =	simm.s32 $0x0;
	s3 =	rddreg [dreg:$0x1];
	s5 =	sadd.s32 s4, s5  }
0xb: {  	_ =	strace $0x8000004A;
	s4 =	simm.s32 $0x1;
	s5 =	smul.u32 $0xC8, s5  }
0xc: {  	s6 =	sadd.s32 $0xA00, s6;
	s10 =	smov.u32 s2;
	[sflag:s4] =	ssyncpa.u1 $0x0  }
0xd: {  	p0 =	por $0x0, $0x0;
	[sflag:s7] =	ssyncpa.u1 $0x0;
	s7 =	sor.u32 $0x1, s5  }
.LBB1_4:
0xe: {  	s16 =	sshll.u32 s13, $0x3;
	s17 =	sand.u32 $0x78, s13  }
0xf: {  	s30 =	sand.u32 $0x7E00, s13;
	s12 =	sshll.u32 s12, $0xF;
	s16 =	sand.u32 $0xC00, s16  }
0x10: {  	[tilespmem:s15+$0x810 ss:$0x81] =	vst.msk $0xffff, v2;
	s31 =	sand.u32 $0x7, s13;
	s16 =	sor.u32 s17, s16;
	s17 =	sadd.s32 s3, s30  }
0x11: {  	[tilespmem:s15+$0x1020 ss:$0x81] =	vst.msk $0xffff, v0;
	s13 =	sshll.u32 s31, $0x12;
	s12 =	sadd.s32 s12, s17;
	s16 =	sshrl.u32 s16, $0x3  }
0x12: {  	[tilespmem:s15+$0x0 ss:$0x81] =	vst.msk $0xffff, v1;
	s13 =	sor.u32 $0x400, s13;
	s12 =	sadd.s32 s16, s12  }
0x13: {  	[hbm4b:s12+s13] =	stream.strided.scatter [tilespmem:s14], [sflag:$0x2], $0x2000, s8, s13, $0x20;
	[tilespmem:$0x8080] =	vst v63  }
.LBB1_5:
0x14: {  	s14 =	sadd.s32 $0x1, s9  }
0x15: {  	s12 =	sadd.s32 $0x1000, s10;
	s16 =	smov.u32 s10;
	p2 =	sgt.s32 s14, $0xC7  }
0x16: {  	s16 =	smov.u32 @p2 s12  }
0x17: {  	s14 =	simm.s32 @p2 $0x0;
	p2 =	sgt.s32 s16, $0xFFF  }
0x18: {  	s16 =	smov.u32 @p2 s2;
	p2 =	sne.s32 s11, s7  }
.Ltmp1:
0x19: {  	p1 =	slt.u32 s11, $0x2;
	(pc) =	sbr.rel @!p2 .LBB1_6-.Ltmp1, $4  }
0x1a: {  	s15 =	simm.s32 @!p1 $0x2  }
0x1b: {  	s13 =	smov.u32 s10;
	p0 =	por !p0, !p0;
	_ =	swait.ge @!p1 [sflag:s15], $0x2000  }
0x1c: {  	s12 =	smov.u32 s9;
	[sflag:s15] =	ssyncset.done @!p1 $0x0;
	s9 =	smov.u32 s14  }
0x1d: {  	s11 =	sadd.s32 $0x1, s11;
	[sflag:s15] =	ssyncadd.s32 @!p1 $0xFFFFE000;
	s10 =	smov.u32 s16  }
.LBB1_1:
0x1e: {  	p1 =	sge.u32 s11, s5  }
0x1f: {  	s14 =	sand.u32 @!p1 $0x1FFFFFF, s9  }
0x20: {  	s15 =	smulhi.u32 @!p1 $0x147AE15, s14;
	_ =	sdelay $0x1  }
0x21: {  	s15 =	smul.u32 @!p1 $0xC8, s15  }
0x22: {  	s16 =	sxor.u32 @!p1 $0xFFFFFFFF, s11;
	s17 =	smul.u32 @!p1 $0xC80, s10  }
0x23: {  	s31 =	sadd.s32 $0xFFFFFFFF, s11;
	s16 =	sshll.u32 @!p1 s16, $0xD;
	s14 =	ssub.s32 @!p1 s14, s15  }
0x24: {  	s15 =	sand.u32 @!p1 $0x2000, s16;
	s16 =	sadd.s32 @!p1 s6, s17;
	s14 =	sshll.u32 @!p1 s14, $0x4  }
0x25: {  	s17 =	simm.s32 @!p1 $0x6400;
	s14 =	sadd.s32 @!p1 s14, s16;
	s16 =	simm.s32 @!p1 $0x40  }
0x26: {  	[tilespmem:s15], [sflag:$0x1] =	stream.strided.gather @!p1 [hbm4b:s14+s16], $0x2000, s17, s16, $0x38;
	[tilespmem:$0x8080] =	vst v63  }
0x27: {  	p1 =	sge.u32 s31, s5  }
.Ltmp2:
0x28: {  	_ = 	snop;
	(pc) =	sbr.rel @p1 .LBB1_5-.Ltmp2, $1  }
0x29: {  	_ =	sdelay $0x3  }
0x2a: {  	s14 =	simm.s32 $0x1  }
0x2b: {  	_ =	swait.ge [sflag:s4], $0x2000;
	s14 =	simm.s32 @!p0 $0x0  }
0x2c: {  	[sflag:s4] =	ssyncset.done $0x0;
	s15 =	sshll.u32 s14, $0xD  }
0x2d: {  	[sflag:s4] =	ssyncadd.s32 $0xFFFFE000;
	s18 =	sor.u32 $0x20, s15  }
0x2e: {  	s14 =	smul.u32 $0x8100, s14;
	v3 =	vld [tilespmem:s18+$0x10]  }
0x2f: {  	s30 =	sand.u32 $0x1, s11;
	v2 =	vld [tilespmem:s18+$0xFFFFFFF0]  }
0x30: {  	s15 =	smul.u32 $0x8100, s30;
	s14 =	sshrl.u32 s14, $0x2;
	v0 =	vld [tilespmem:s18+$0x0]  }
0x31: {  	v1 =	vld [tilespmem:s18+$0xFFFFFFE0];
	s16 =	sor.u32 $0x4000, s14  }
0x32: {  	s31 =	sshrl.u32 s15, $0x2;
	s15 =	sadd.s32 $0x0, s16  }
0x33: {  	s17 =	simm.s32 $0x4;
	s18 =	sadd.s32 $0x40, s18;
	s14 =	sor.u32 $0x4000, s31;
	[tilespmem:s15+$0x1830 ss:$0x81] =	vst.msk $0xffff, v3  }
.LBB1_3:
0x34: {  	v3 =	vld [tilespmem:s18+$0x10];
	p1 =	sne.s32 s17, $0x1FC;
	[tilespmem:s15+$0x810 ss:$0x81] =	vst.msk $0xffff, v2;
	s19 =	smov.u32 s17;
	s17 =	sadd.s32 $0x4, s17  }
.Ltmp3:
0x35: {  	v2 =	vld [tilespmem:s18+$0xFFFFFFF0];
	[tilespmem:s15+$0x1020 ss:$0x81] =	vst.msk $0xffff, v0;
	(pc) =	sbr.rel @p1 .LBB1_3-.Ltmp3, $4  }
0x36: {  	v0 =	vld [tilespmem:s18+$0x0];
	[tilespmem:s15+$0x0 ss:$0x81] =	vst.msk $0xffff, v1  }
0x37: {  	s15 =	sshra.s32 s19, $0x2;
	v1 =	vld [tilespmem:s18+$0xFFFFFFE0]  }
0x38: {  	s15 =	sadd.s32 s15, s16  }
0x39: {  	s18 =	sadd.s32 $0x40, s18;
	[tilespmem:s15+$0x1830 ss:$0x81] =	vst.msk $0xffff, v3  }
.Ltmp4:
0x3a: {  	_ = 	snop;
	(pc) =	sbr.rel .LBB1_4-.Ltmp4, $1  }
0x3b: {  	_ =	sdelay $0x3  }
.LBB1_6:
0x3c: {  	_ =	sfence.sel $0x180000  }
0x3d: {  	s2 =	simm.s32 $0x1;
	[bflag:$0x0] =	sbarrier.arrive $0xFFFF  }
0x3e: {  	s31 =	simm.s32 $0x2;
	[sflag:s2] =	ssyncpa.u1 $0x1  }
0x3f: {  	[sflag:s31] =	ssyncpa.u1 $0x1  }
0x40: {  	p0 =	sne.s32 s0, $0x0;
	_ =	strace $0x9000004A  }
0x41: {  	s0 =	sadd.s32 @!p0 $0x100000, s1;
	[bflag:$0x2] =	sbarrier.arrive $0xFFFF  }
0x42: {  	[sflag:s0] =	ssyncadd.tile.s32 @!p0 $0x1;
	_ =	shalt  }
.Lfunc_end1:
_tile_overlayer_lowered:
.L_overlay_start_2:
0x43: {  	(tag) =	ssettag $0x2  }
0x44: {  	s0 =	rddreg [dreg:$0x0];
	s2 =	stileid.u32  }
0x45: {  	s1 =	rddreg [dreg:$0x1];
	p0 =	sne.s32 s2, $0x0  }
0x46: {  	s3 =	rddreg [dreg:$0x2];
	[bflag:$0x3] =	sbarrier.arrive $0xFFFF;
	s2 =	simm.s32 @!p0 $0x1C01  }
0x47: {  	[timem:s3], [sflag:s2] =	dma.local @!p0 [hbm:s0], s1  }
0x48: {  	s0 =	simm.s32 @!p0 $0x1  }
0x49: {  	_ =	swait.ge @!p0 [sflag:s0], s1  }
0x4a: {  	s1 =	ssub.s32 @!p0 $0x0, s1;
	[sflag:s0] =	ssyncset.done @!p0 $0x0  }
0x4b: {  	[sflag:s0] =	ssyncadd.s32 @!p0 s1  }
0x4c: {  	[bflag:$0x3] =	sbarrier.arrive $0xFFFF  }
0x4d: {  	_ =	shalt  }

</sc_bundles>
